<compile_context>
chip_gen: v7x
topology: tpu7x:2x2x1
jax: 0.10.2.dev20260603
libtpu: 0.0.44.dev20260713+nightly
codegen_flags: <defaults>
</compile_context>

<pallas_src>
import functools

import jax
import jax.numpy as jnp
from jax import lax
from jax.experimental import pallas as pl
from jax.experimental.pallas import tpu as pltpu
from jax.experimental.pallas import tpu_sc as plsc

B = 16384
FACTOR = 32
MLP_DIM = 64
UN = 1000000
IT = 100000
NC = 2
NS = 16
NW = NC * NS
BPW = B // NW
CMAXU = (UN - 1) // 128
CMAXI = (IT - 1) // 128
TAILU = UN - CMAXU * 128
TAILI = IT - CMAXI * 128
NB = 6


def _phase(t2m, t2g, tlm_hbm, tlg_hbm, sidx_hbm, perm_hbm, out_flat,
           sj, pj, runs, vtmp, vtmp2, bufm, bufg, stage, tailm, tailg,
           semm, semg, semw, *, cmax, tail, base):
    pltpu.sync_copy(tlm_hbm, tailm.at[pl.ds(0, tail * MLP_DIM)])
    pltpu.sync_copy(tlg_hbm, tailg.at[pl.ds(0, tail * FACTOR)])

    pltpu.sync_copy(sidx_hbm.at[pl.ds(base, BPW)], vtmp)
    pltpu.sync_copy(perm_hbm.at[pl.ds(base, BPW)], vtmp2)

    def smem_fill(k, carry):
        vs = vtmp[pl.ds(k * 16, 16)]
        vp = vtmp2[pl.ds(k * 16, 16)]
        for t in range(16):
            sj[k * 16 + t] = vs[t]
            pj[k * 16 + t] = vp[t]
        return carry

    lax.fori_loop(0, BPW // 16, smem_fill, 0)

    def col_of(k):
        return lax.shift_right_logical(sj[k], 7)

    runs[0] = 0

    def scan_body(j, st):
        r, c = st
        cj = col_of(j)
        is_new = cj != c

        @pl.when(is_new)
        def _():
            runs[r] = j

        return r + jnp.where(is_new, 1, 0), cj

    nrun, _ = lax.fori_loop(1, BPW, scan_body, (jnp.int32(1), col_of(0)))
    runs[nrun] = BPW

    def dmas(c, p):
        lanes = pl.ds(c * 128, 128)
        return (
            pltpu.make_async_copy(
                t2m.at[:, lanes], bufm.at[pl.ds(p * MLP_DIM, MLP_DIM)], semm),
            pltpu.make_async_copy(
                t2g.at[:, lanes], bufg.at[pl.ds(p * FACTOR, FACTOR)], semg),
        )

    def fire(r):
        c = col_of(runs[r])

        @pl.when(c != cmax)
        def _():
            for cp in dmas(c, lax.rem(r, NB)):
                cp.start()

    def drain(c, p):
        @pl.when(c != cmax)
        def _():
            for cp in dmas(c, p):
                cp.wait()

    iota16 = lax.iota(jnp.int32, 16)

    def extract(j, p):
        lvec = jnp.full((16,), lax.rem(sj[j], 128), jnp.int32)
        pvec = jnp.full((16,), p, jnp.int32)
        c = col_of(j)

        @pl.when(c != cmax)
        def _():
            for q in range(MLP_DIM // 16):
                f = iota16 + (16 * q)
                row = plsc.load_gather(bufm, [pvec * MLP_DIM + f, lvec])
                stage[pl.ds(j * 96 + 16 * q, 16)] = row
            for q in range(FACTOR // 16):
                f = iota16 + (16 * q)
                row = plsc.load_gather(bufg, [pvec * FACTOR + f, lvec])
                stage[pl.ds(j * 96 + MLP_DIM + 16 * q, 16)] = row

        @pl.when(c == cmax)
        def _():
            for q in range(MLP_DIM // 16):
                f = iota16 + (16 * q)
                row = plsc.load_gather(tailm, [lvec * MLP_DIM + f])
                stage[pl.ds(j * 96 + 16 * q, 16)] = row
            for q in range(FACTOR // 16):
                f = iota16 + (16 * q)
                row = plsc.load_gather(tailg, [lvec * FACTOR + f])
                stage[pl.ds(j * 96 + MLP_DIM + 16 * q, 16)] = row

    lax.fori_loop(0, jnp.minimum(NB - 1, nrun), lambda r, c: (fire(r), c)[1], 0)

    def run_body(r, carry):
        p = lax.rem(r, NB)
        drain(col_of(runs[r]), p)

        @pl.when(r + NB - 1 < nrun)
        def _():
            fire(r + NB - 1)

        def ext(k, c2):
            extract(k, p)
            return c2

        lax.fori_loop(runs[r], runs[r + 1], ext, 0)
        return carry

    lax.fori_loop(0, nrun, run_body, 0)

    def flush(k, carry):
        handles = []
        for t in range(16):
            j = k * 16 + t
            cp = pltpu.make_async_copy(
                stage.at[pl.ds(j * 96, 96)],
                out_flat.at[pl.ds(pj[j] * 128, 96)], semw)
            cp.start()
            handles.append(cp)
        for cp in handles:
            cp.wait()
        return carry

    lax.fori_loop(0, BPW // 16, flush, 0)


def _make_sc_body(cmax, tail):
    def _sc_body(sidx, perm, t2m, t2g, tlm, tlg, out_flat,
                 sj, pj, runs, vtmp, vtmp2, bufm, bufg, stage,
                 tailm, tailg, semm, semg, semw):
        wid = lax.axis_index("s") * NC + lax.axis_index("c")
        base = wid * BPW
        _phase(t2m, t2g, tlm, tlg, sidx, perm, out_flat,
               sj, pj, runs, vtmp, vtmp2, bufm, bufg, stage, tailm,
               tailg, semm, semg, semw, cmax=cmax, tail=tail, base=base)

    return _sc_body


@functools.cache
def _sc_gather(cmax, tail):
    return pl.kernel(
        _make_sc_body(cmax, tail),
        out_type=jax.ShapeDtypeStruct((B * 128,), jnp.float32),
        mesh=plsc.VectorSubcoreMesh(core_axis_name="c", subcore_axis_name="s",
                                    num_cores=NC, num_subcores=NS),
        compiler_params=pltpu.CompilerParams(needs_layout_passes=False),
        scratch_types=[
            pltpu.SMEM((BPW,), jnp.int32),
            pltpu.SMEM((BPW,), jnp.int32),
            pltpu.SMEM((BPW + 2,), jnp.int32),
            pltpu.VMEM((BPW,), jnp.int32),
            pltpu.VMEM((BPW,), jnp.int32),
            pltpu.VMEM((NB * MLP_DIM, 128), jnp.float32),
            pltpu.VMEM((NB * FACTOR, 128), jnp.float32),
            pltpu.VMEM((BPW * 96,), jnp.float32),
            pltpu.VMEM((TAILU * MLP_DIM,), jnp.float32),
            pltpu.VMEM((TAILU * FACTOR,), jnp.float32),
            pltpu.SemaphoreType.DMA,
            pltpu.SemaphoreType.DMA,
            pltpu.SemaphoreType.DMA,
        ],
    )


BLK = 2048


def _dense_body(u_ref, i_ref, w0a_ref, w0b_ref, b0_ref,
                w1_ref, b1_ref, wpa_ref, wpb_ref, bp_ref, out_ref):
    ub = u_ref[...]
    ib = i_ref[...]
    um = ub[:, :MLP_DIM]
    ug = ub[:, MLP_DIM:MLP_DIM + FACTOR]
    im = ib[:, :MLP_DIM]
    ig = ib[:, MLP_DIM:MLP_DIM + FACTOR]
    h = jnp.dot(um, w0a_ref[...], preferred_element_type=jnp.float32)
    h += jnp.dot(im, w0b_ref[...], preferred_element_type=jnp.float32)
    h = jnp.maximum(h + b0_ref[...], 0.0)
    m = jnp.maximum(
        jnp.dot(h, w1_ref[...], preferred_element_type=jnp.float32)
        + b1_ref[...], 0.0)
    g = ug * ig
    out_ref[...] = (jnp.sum(m * wpb_ref[...], axis=1)
                    + jnp.sum(g * wpa_ref[...], axis=1) + bp_ref[...][0, 0])


def _dense(u, i, w0a, w0b, b0, w1, b1, wpa, wpb, bp):
    full = lambda r, c_: pl.BlockSpec((r, c_), lambda k: (0, 0))
    return pl.pallas_call(
        _dense_body,
        grid=(B // BLK,),
        in_specs=[
            pl.BlockSpec((BLK, 128), lambda k: (k, 0)),
            pl.BlockSpec((BLK, 128), lambda k: (k, 0)),
            full(MLP_DIM, MLP_DIM),
            full(MLP_DIM, MLP_DIM),
            full(1, MLP_DIM),
            full(MLP_DIM, FACTOR),
            full(1, FACTOR),
            full(1, FACTOR),
            full(1, FACTOR),
            full(1, 1),
        ],
        out_specs=pl.BlockSpec((BLK,), lambda k: (k,)),
        out_shape=jax.ShapeDtypeStruct((B,), jnp.float32),
    )(u, i, w0a, w0b, b0, w1, b1, wpa, wpb, bp)


def kernel(user, item, emb_user_gmf, emb_item_gmf, emb_user_mlp, emb_item_mlp,
           W0, b0, W1, b1, Wp, bp):
    pos = lax.iota(jnp.int32, B)
    su, pu = lax.sort_key_val(user, pos)
    si, pi = lax.sort_key_val(item, pos)
    ou = _sc_gather(CMAXU, TAILU)(
        su, pu, emb_user_mlp.T, emb_user_gmf.T,
        emb_user_mlp[UN - TAILU:].reshape(-1),
        emb_user_gmf[UN - TAILU:].reshape(-1))
    oi = _sc_gather(CMAXI, TAILI)(
        si, pi, emb_item_mlp.T, emb_item_gmf.T,
        emb_item_mlp[IT - TAILI:].reshape(-1),
        emb_item_gmf[IT - TAILI:].reshape(-1))
    u2 = ou.reshape(B, 128)
    i2 = oi.reshape(B, 128)
    return _dense(u2, i2, W0[:MLP_DIM], W0[MLP_DIM:], b0.reshape(1, MLP_DIM),
                  W1, b1.reshape(1, FACTOR), Wp[:FACTOR].reshape(1, FACTOR),
                  Wp[FACTOR:].reshape(1, FACTOR), bp.reshape(1, 1))

# --- scband reference (transcript-rebuilt; emitter-appended) ---
"""Pipeline reference for scband-ncf-70798240907479 (READ-ONLY COPY).

The authoritative reference and input builder live on the scoring server;
editing this copy changes nothing except your own understanding.
"""

import jax, jax.numpy as jnp
import numpy as np

USER_NUM = 1000000
ITEM_NUM = 100000
FACTOR = 32
MLP_DIM = 64  # 2**(layer_num-1) * factor_num, layer_num=2
B = 16384


def setup_inputs(seed: int = 0) -> dict:
    key = jax.random.key(seed)
    ks = jax.random.split(key, 14)
    user = jax.random.randint(ks[0], (B,), 0, USER_NUM, dtype=jnp.int32)
    item = jax.random.randint(ks[1], (B,), 0, ITEM_NUM, dtype=jnp.int32)
    emb_user_gmf = jax.random.normal(ks[2], (USER_NUM, FACTOR), jnp.float32) * 0.1
    emb_item_gmf = jax.random.normal(ks[3], (ITEM_NUM, FACTOR), jnp.float32) * 0.1
    emb_user_mlp = jax.random.normal(ks[4], (USER_NUM, MLP_DIM), jnp.float32) * 0.1
    emb_item_mlp = jax.random.normal(ks[5], (ITEM_NUM, MLP_DIM), jnp.float32) * 0.1
    # MLP layers: layer 0: 128 -> 64, layer 1: 64 -> 32 (torch Linear, stored as (in, out) here)
    W0 = jax.random.normal(ks[6], (2 * MLP_DIM, MLP_DIM), jnp.float32) * (1.0 / np.sqrt(2 * MLP_DIM))
    b0 = jnp.zeros((MLP_DIM,), jnp.float32)
    W1 = jax.random.normal(ks[7], (MLP_DIM, MLP_DIM // 2), jnp.float32) * (1.0 / np.sqrt(MLP_DIM))
    b1 = jnp.zeros((MLP_DIM // 2,), jnp.float32)
    # predict layer: 2*factor_num -> 1
    Wp = jax.random.normal(ks[8], (2 * FACTOR, 1), jnp.float32) * (1.0 / np.sqrt(2 * FACTOR))
    bp = jnp.zeros((1,), jnp.float32)
    return {
        "user": user,
        "item": item,
        "emb_user_gmf": emb_user_gmf,
        "emb_item_gmf": emb_item_gmf,
        "emb_user_mlp": emb_user_mlp,
        "emb_item_mlp": emb_item_mlp,
        "W0": W0,
        "b0": b0,
        "W1": W1,
        "b1": b1,
        "Wp": Wp,
        "bp": bp,
    }


def reference(user, item, emb_user_gmf, emb_item_gmf, emb_user_mlp, emb_item_mlp, W0, b0, W1, b1, Wp, bp):
    # NeuMF-end forward (eval mode; dropout p=0.0 is identity)
    # MLP branch
    eu_mlp = jnp.take(emb_user_mlp, user, axis=0)
    ei_mlp = jnp.take(emb_item_mlp, item, axis=0)
    interaction = jnp.concatenate([eu_mlp, ei_mlp], axis=-1)  # [B, 128]
    h = jnp.maximum(interaction @ W0 + b0, 0.0)  # [B, 64]
    output_mlp = jnp.maximum(h @ W1 + b1, 0.0)   # [B, 32]
    # GMF branch
    eu_gmf = jnp.take(emb_user_gmf, user, axis=0)
    ei_gmf = jnp.take(emb_item_gmf, item, axis=0)
    output_gmf = eu_gmf * ei_gmf                  # [B, 32]
    concat = jnp.concatenate([output_gmf, output_mlp], axis=-1)  # [B, 64]
    prediction = concat @ Wp + bp                 # [B, 1]
    return prediction.reshape(-1)

if __name__ == "__main__":
    import jax
    _d = setup_inputs()
    print(jax.jit(kernel)(*tuple(_d.values())))

</pallas_src>

<mosaic_0001>
#map = affine_map<(d0, d1) -> (0)>
#map1 = affine_map<(d0, d1) -> (0, 0)>
module attributes {stable_mosaic.version = 14 : i64} {
  func.func @_sc_body(%arg0: i32, %arg1: i32, %arg2: memref<16384xi32, #tpu.memory_space<hbm>>, %arg3: memref<16384xi32, #tpu.memory_space<hbm>>, %arg4: memref<64x100000xf32, #tpu.memory_space<hbm>>, %arg5: memref<32x100000xf32, #tpu.memory_space<hbm>>, %arg6: memref<2048xf32, #tpu.memory_space<hbm>>, %arg7: memref<1024xf32, #tpu.memory_space<hbm>>, %arg8: memref<2097152xf32, #tpu.memory_space<hbm>>, %arg9: memref<512xi32, #tpu.memory_space<smem>>, %arg10: memref<512xi32, #tpu.memory_space<smem>>, %arg11: memref<514xi32, #tpu.memory_space<smem>>, %arg12: memref<512xi32, #tpu.memory_space<vmem>>, %arg13: memref<512xi32, #tpu.memory_space<vmem>>, %arg14: memref<384x128xf32, #tpu.memory_space<vmem>>, %arg15: memref<192x128xf32, #tpu.memory_space<vmem>>, %arg16: memref<49152xf32, #tpu.memory_space<vmem>>, %arg17: memref<4096xf32, #tpu.memory_space<vmem>>, %arg18: memref<2048xf32, #tpu.memory_space<vmem>>, %arg19: memref<!tpu.dma_semaphore, #tpu.memory_space<semaphore_mem>>, %arg20: memref<!tpu.dma_semaphore, #tpu.memory_space<semaphore_mem>>, %arg21: memref<!tpu.dma_semaphore, #tpu.memory_space<semaphore_mem>>) attributes {dimension_semantics = [#tpu.dimension_semantics<core_parallel>, #tpu.dimension_semantics<subcore_parallel>], iteration_bounds = array<i64: 2, 16>, scalar_prefetch = 0 : i64, scratch_operands = 13 : i64, tpu.core_type = #tpu.core_type<sc_vector_subcore>, window_params = [{transform_indices = #map}, {transform_indices = #map}, {transform_indices = #map1}, {transform_indices = #map1}, {transform_indices = #map}, {transform_indices = #map}, {transform_indices = #map}]} {
    %mul3A = arith.constant 2 : i32
    %mul3A_0 = arith.muli %arg1, %mul3A : i32
    %add3A = arith.addi %mul3A_0, %arg0 : i32
    %mul3A_1 = arith.constant 512 : i32
    %mul3A_2 = arith.muli %add3A, %mul3A_1 : i32
    "tpu.region"() ({
      %run_scoped3A = tpu.sem_alloc : memref<!tpu.dma_semaphore, #tpu.memory_space<semaphore_mem>>
      %dma_start3A = arith.constant 0 : i32
      %dma_start3A_50 = tpu.memref_slice %arg17[%dma_start3A] : memref<4096xf32, #tpu.memory_space<vmem>> -> memref<2048xf32, #tpu.memory_space<vmem>>
      %dma_start3A_51 = arith.constant 0 : i32
      %dma_start3A_52 = tpu.memref_slice %arg17[%dma_start3A_51] : memref<4096xf32, #tpu.memory_space<vmem>> -> memref<2048xf32, #tpu.memory_space<vmem>>
      tpu.enqueue_dma source(%arg6 : memref<2048xf32, #tpu.memory_space<hbm>>) target(%dma_start3A_52 : memref<2048xf32, #tpu.memory_space<vmem>>) target_semaphore(%run_scoped3A : memref<!tpu.dma_semaphore, #tpu.memory_space<semaphore_mem>>)
      %dma_wait3A = arith.constant 0 : i32
      %dma_wait3A_53 = tpu.memref_slice %arg17[%dma_wait3A] : memref<4096xf32, #tpu.memory_space<vmem>> -> memref<2048xf32, #tpu.memory_space<vmem>>
      %dma_wait3A_54 = arith.constant 0 : i32
      %dma_wait3A_55 = tpu.memref_slice %arg17[%dma_wait3A_54] : memref<4096xf32, #tpu.memory_space<vmem>> -> memref<2048xf32, #tpu.memory_space<vmem>>
      tpu.wait_dma2 semaphore(%run_scoped3A : memref<!tpu.dma_semaphore, #tpu.memory_space<semaphore_mem>>) src(%arg6 : memref<2048xf32, #tpu.memory_space<hbm>>) dst(%dma_wait3A_55 : memref<2048xf32, #tpu.memory_space<vmem>>)
      tpu.yield
    }) : () -> ()
    "tpu.region"() ({
      %run_scoped3A = tpu.sem_alloc : memref<!tpu.dma_semaphore, #tpu.memory_space<semaphore_mem>>
      %dma_start3A = arith.constant 0 : i32
      %dma_start3A_50 = tpu.memref_slice %arg18[%dma_start3A] : memref<2048xf32, #tpu.memory_space<vmem>> -> memref<1024xf32, #tpu.memory_space<vmem>>
      %dma_start3A_51 = arith.constant 0 : i32
      %dma_start3A_52 = tpu.memref_slice %arg18[%dma_start3A_51] : memref<2048xf32, #tpu.memory_space<vmem>> -> memref<1024xf32, #tpu.memory_space<vmem>>
      tpu.enqueue_dma source(%arg7 : memref<1024xf32, #tpu.memory_space<hbm>>) target(%dma_start3A_52 : memref<1024xf32, #tpu.memory_space<vmem>>) target_semaphore(%run_scoped3A : memref<!tpu.dma_semaphore, #tpu.memory_space<semaphore_mem>>)
      %dma_wait3A = arith.constant 0 : i32
      %dma_wait3A_53 = tpu.memref_slice %arg18[%dma_wait3A] : memref<2048xf32, #tpu.memory_space<vmem>> -> memref<1024xf32, #tpu.memory_space<vmem>>
      %dma_wait3A_54 = arith.constant 0 : i32
      %dma_wait3A_55 = tpu.memref_slice %arg18[%dma_wait3A_54] : memref<2048xf32, #tpu.memory_space<vmem>> -> memref<1024xf32, #tpu.memory_space<vmem>>
      tpu.wait_dma2 semaphore(%run_scoped3A : memref<!tpu.dma_semaphore, #tpu.memory_space<semaphore_mem>>) src(%arg7 : memref<1024xf32, #tpu.memory_space<hbm>>) dst(%dma_wait3A_55 : memref<1024xf32, #tpu.memory_space<vmem>>)
      tpu.yield
    }) : () -> ()
    "tpu.region"() ({
      %run_scoped3A = tpu.sem_alloc : memref<!tpu.dma_semaphore, #tpu.memory_space<semaphore_mem>>
      %dma_start3A = tpu.memref_slice %arg2[%mul3A_2] : memref<16384xi32, #tpu.memory_space<hbm>> -> memref<512xi32, #tpu.memory_space<hbm>>
      %dma_start3A_50 = tpu.memref_slice %arg2[%mul3A_2] : memref<16384xi32, #tpu.memory_space<hbm>> -> memref<512xi32, #tpu.memory_space<hbm>>
      tpu.enqueue_dma source(%dma_start3A_50 : memref<512xi32, #tpu.memory_space<hbm>>) target(%arg12 : memref<512xi32, #tpu.memory_space<vmem>>) target_semaphore(%run_scoped3A : memref<!tpu.dma_semaphore, #tpu.memory_space<semaphore_mem>>)
      %dma_wait3A = tpu.memref_slice %arg2[%mul3A_2] : memref<16384xi32, #tpu.memory_space<hbm>> -> memref<512xi32, #tpu.memory_space<hbm>>
      %dma_wait3A_51 = tpu.memref_slice %arg2[%mul3A_2] : memref<16384xi32, #tpu.memory_space<hbm>> -> memref<512xi32, #tpu.memory_space<hbm>>
      tpu.wait_dma2 semaphore(%run_scoped3A : memref<!tpu.dma_semaphore, #tpu.memory_space<semaphore_mem>>) src(%dma_wait3A_51 : memref<512xi32, #tpu.memory_space<hbm>>) dst(%arg12 : memref<512xi32, #tpu.memory_space<vmem>>)
      tpu.yield
    }) : () -> ()
    "tpu.region"() ({
      %run_scoped3A = tpu.sem_alloc : memref<!tpu.dma_semaphore, #tpu.memory_space<semaphore_mem>>
      %dma_start3A = tpu.memref_slice %arg3[%mul3A_2] : memref<16384xi32, #tpu.memory_space<hbm>> -> memref<512xi32, #tpu.memory_space<hbm>>
      %dma_start3A_50 = tpu.memref_slice %arg3[%mul3A_2] : memref<16384xi32, #tpu.memory_space<hbm>> -> memref<512xi32, #tpu.memory_space<hbm>>
      tpu.enqueue_dma source(%dma_start3A_50 : memref<512xi32, #tpu.memory_space<hbm>>) target(%arg13 : memref<512xi32, #tpu.memory_space<vmem>>) target_semaphore(%run_scoped3A : memref<!tpu.dma_semaphore, #tpu.memory_space<semaphore_mem>>)
      %dma_wait3A = tpu.memref_slice %arg3[%mul3A_2] : memref<16384xi32, #tpu.memory_space<hbm>> -> memref<512xi32, #tpu.memory_space<hbm>>
      %dma_wait3A_51 = tpu.memref_slice %arg3[%mul3A_2] : memref<16384xi32, #tpu.memory_space<hbm>> -> memref<512xi32, #tpu.memory_space<hbm>>
      tpu.wait_dma2 semaphore(%run_scoped3A : memref<!tpu.dma_semaphore, #tpu.memory_space<semaphore_mem>>) src(%dma_wait3A_51 : memref<512xi32, #tpu.memory_space<hbm>>) dst(%arg13 : memref<512xi32, #tpu.memory_space<vmem>>)
      tpu.yield
    }) : () -> ()
    %scan3A = arith.constant 0 : i32
    %scan3A_3 = arith.constant 0 : i32
    %scan3A_4 = arith.constant 32 : i32
    %scan3A_5 = arith.addi %scan3A_3, %scan3A_4 : i32
    %scan3A_6 = arith.constant 1 : i32
    scf.for %scan3A_50 = %scan3A_3 to %scan3A_5 step %scan3A_6  : i32 {
      %mul3A_51 = arith.constant 16 : i32
      %mul3A_52 = arith.muli %scan3A_50, %mul3A_51 : i32
      %get3A_53 = arith.index_cast %mul3A_52 : i32 to index
      %get3A_54 = tpu.vector_load %arg12[%get3A_53] {strides = array<i32>} : memref<512xi32, #tpu.memory_space<vmem>>, vector<16xi32>,
      %mul3A_55 = arith.constant 16 : i32
      %mul3A_56 = arith.muli %scan3A_50, %mul3A_55 : i32
      %get3A_57 = arith.index_cast %mul3A_56 : i32 to index
      %get3A_58 = tpu.vector_load %arg13[%get3A_57] {strides = array<i32>} : memref<512xi32, #tpu.memory_space<vmem>>, vector<16xi32>,
      %slice3A = vector.extract_strided_slice %get3A_54 {offsets = [0], sizes = [1], strides = [1]} : vector<16xi32> to vector<1xi32>
      %squeeze3A = vector.extract %slice3A[0] : i32 from vector<1xi32>
      %mul3A_59 = arith.constant 16 : i32
      %mul3A_60 = arith.muli %scan3A_50, %mul3A_59 : i32
      %add3A_61 = arith.constant 0 : i32
      %add3A_62 = arith.addi %mul3A_60, %add3A_61 : i32
      %swap3A_63 = arith.index_cast %add3A_62 : i32 to index
      %swap3A_64 = memref.load %arg9[%swap3A_63] : memref<512xi32, #tpu.memory_space<smem>>
      memref.store %squeeze3A, %arg9[%swap3A_63] : memref<512xi32, #tpu.memory_space<smem>>
      %slice3A_65 = vector.extract_strided_slice %get3A_58 {offsets = [0], sizes = [1], strides = [1]} : vector<16xi32> to vector<1xi32>
      %squeeze3A_66 = vector.extract %slice3A_65[0] : i32 from vector<1xi32>
      %mul3A_67 = arith.constant 16 : i32
      %mul3A_68 = arith.muli %scan3A_50, %mul3A_67 : i32
      %add3A_69 = arith.constant 0 : i32
      %add3A_70 = arith.addi %mul3A_68, %add3A_69 : i32
      %swap3A_71 = arith.index_cast %add3A_70 : i32 to index
      %swap3A_72 = memref.load %arg10[%swap3A_71] : memref<512xi32, #tpu.memory_space<smem>>
      memref.store %squeeze3A_66, %arg10[%swap3A_71] : memref<512xi32, #tpu.memory_space<smem>>
      %slice3A_73 = vector.extract_strided_slice %get3A_54 {offsets = [1], sizes = [1], strides = [1]} : vector<16xi32> to vector<1xi32>
      %squeeze3A_74 = vector.extract %slice3A_73[0] : i32 from vector<1xi32>
      %mul3A_75 = arith.constant 16 : i32
      %mul3A_76 = arith.muli %scan3A_50, %mul3A_75 : i32
      %add3A_77 = arith.constant 1 : i32
      %add3A_78 = arith.addi %mul3A_76, %add3A_77 : i32
      %swap3A_79 = arith.index_cast %add3A_78 : i32 to index
      %swap3A_80 = memref.load %arg9[%swap3A_79] : memref<512xi32, #tpu.memory_space<smem>>
      memref.store %squeeze3A_74, %arg9[%swap3A_79] : memref<512xi32, #tpu.memory_space<smem>>
      %slice3A_81 = vector.extract_strided_slice %get3A_58 {offsets = [1], sizes = [1], strides = [1]} : vector<16xi32> to vector<1xi32>
      %squeeze3A_82 = vector.extract %slice3A_81[0] : i32 from vector<1xi32>
      %mul3A_83 = arith.constant 16 : i32
      %mul3A_84 = arith.muli %scan3A_50, %mul3A_83 : i32
      %add3A_85 = arith.constant 1 : i32
      %add3A_86 = arith.addi %mul3A_84, %add3A_85 : i32
      %swap3A_87 = arith.index_cast %add3A_86 : i32 to index
      %swap3A_88 = memref.load %arg10[%swap3A_87] : memref<512xi32, #tpu.memory_space<smem>>
      memref.store %squeeze3A_82, %arg10[%swap3A_87] : memref<512xi32, #tpu.memory_space<smem>>
      %slice3A_89 = vector.extract_strided_slice %get3A_54 {offsets = [2], sizes = [1], strides = [1]} : vector<16xi32> to vector<1xi32>
      %squeeze3A_90 = vector.extract %slice3A_89[0] : i32 from vector<1xi32>
      %mul3A_91 = arith.constant 16 : i32
      %mul3A_92 = arith.muli %scan3A_50, %mul3A_91 : i32
      %add3A_93 = arith.constant 2 : i32
      %add3A_94 = arith.addi %mul3A_92, %add3A_93 : i32
      %swap3A_95 = arith.index_cast %add3A_94 : i32 to index
      %swap3A_96 = memref.load %arg9[%swap3A_95] : memref<512xi32, #tpu.memory_space<smem>>
      memref.store %squeeze3A_90, %arg9[%swap3A_95] : memref<512xi32, #tpu.memory_space<smem>>
      %slice3A_97 = vector.extract_strided_slice %get3A_58 {offsets = [2], sizes = [1], strides = [1]} : vector<16xi32> to vector<1xi32>
      %squeeze3A_98 = vector.extract %slice3A_97[0] : i32 from vector<1xi32>
      %mul3A_99 = arith.constant 16 : i32
      %mul3A_100 = arith.muli %scan3A_50, %mul3A_99 : i32
      %add3A_101 = arith.constant 2 : i32
      %add3A_102 = arith.addi %mul3A_100, %add3A_101 : i32
      %swap3A_103 = arith.index_cast %add3A_102 : i32 to index
      %swap3A_104 = memref.load %arg10[%swap3A_103] : memref<512xi32, #tpu.memory_space<smem>>
      memref.store %squeeze3A_98, %arg10[%swap3A_103] : memref<512xi32, #tpu.memory_space<smem>>
      %slice3A_105 = vector.extract_strided_slice %get3A_54 {offsets = [3], sizes = [1], strides = [1]} : vector<16xi32> to vector<1xi32>
      %squeeze3A_106 = vector.extract %slice3A_105[0] : i32 from vector<1xi32>
      %mul3A_107 = arith.constant 16 : i32
      %mul3A_108 = arith.muli %scan3A_50, %mul3A_107 : i32
      %add3A_109 = arith.constant 3 : i32
      %add3A_110 = arith.addi %mul3A_108, %add3A_109 : i32
      %swap3A_111 = arith.index_cast %add3A_110 : i32 to index
      %swap3A_112 = memref.load %arg9[%swap3A_111] : memref<512xi32, #tpu.memory_space<smem>>
      memref.store %squeeze3A_106, %arg9[%swap3A_111] : memref<512xi32, #tpu.memory_space<smem>>
      %slice3A_113 = vector.extract_strided_slice %get3A_58 {offsets = [3], sizes = [1], strides = [1]} : vector<16xi32> to vector<1xi32>
      %squeeze3A_114 = vector.extract %slice3A_113[0] : i32 from vector<1xi32>
      %mul3A_115 = arith.constant 16 : i32
      %mul3A_116 = arith.muli %scan3A_50, %mul3A_115 : i32
      %add3A_117 = arith.constant 3 : i32
      %add3A_118 = arith.addi %mul3A_116, %add3A_117 : i32
      %swap3A_119 = arith.index_cast %add3A_118 : i32 to index
      %swap3A_120 = memref.load %arg10[%swap3A_119] : memref<512xi32, #tpu.memory_space<smem>>
      memref.store %squeeze3A_114, %arg10[%swap3A_119] : memref<512xi32, #tpu.memory_space<smem>>
      %slice3A_121 = vector.extract_strided_slice %get3A_54 {offsets = [4], sizes = [1], strides = [1]} : vector<16xi32> to vector<1xi32>
      %squeeze3A_122 = vector.extract %slice3A_121[0] : i32 from vector<1xi32>
      %mul3A_123 = arith.constant 16 : i32
      %mul3A_124 = arith.muli %scan3A_50, %mul3A_123 : i32
      %add3A_125 = arith.constant 4 : i32
      %add3A_126 = arith.addi %mul3A_124, %add3A_125 : i32
      %swap3A_127 = arith.index_cast %add3A_126 : i32 to index
      %swap3A_128 = memref.load %arg9[%swap3A_127] : memref<512xi32, #tpu.memory_space<smem>>
      memref.store %squeeze3A_122, %arg9[%swap3A_127] : memref<512xi32, #tpu.memory_space<smem>>
      %slice3A_129 = vector.extract_strided_slice %get3A_58 {offsets = [4], sizes = [1], strides = [1]} : vector<16xi32> to vector<1xi32>
      %squeeze3A_130 = vector.extract %slice3A_129[0] : i32 from vector<1xi32>
      %mul3A_131 = arith.constant 16 : i32
      %mul3A_132 = arith.muli %scan3A_50, %mul3A_131 : i32
      %add3A_133 = arith.constant 4 : i32
      %add3A_134 = arith.addi %mul3A_132, %add3A_133 : i32
      %swap3A_135 = arith.index_cast %add3A_134 : i32 to index
      %swap3A_136 = memref.load %arg10[%swap3A_135] : memref<512xi32, #tpu.memory_space<smem>>
      memref.store %squeeze3A_130, %arg10[%swap3A_135] : memref<512xi32, #tpu.memory_space<smem>>
      %slice3A_137 = vector.extract_strided_slice %get3A_54 {offsets = [5], sizes = [1], strides = [1]} : vector<16xi32> to vector<1xi32>
      %squeeze3A_138 = vector.extract %slice3A_137[0] : i32 from vector<1xi32>
      %mul3A_139 = arith.constant 16 : i32
      %mul3A_140 = arith.muli %scan3A_50, %mul3A_139 : i32
      %add3A_141 = arith.constant 5 : i32
      %add3A_142 = arith.addi %mul3A_140, %add3A_141 : i32
      %swap3A_143 = arith.index_cast %add3A_142 : i32 to index
      %swap3A_144 = memref.load %arg9[%swap3A_143] : memref<512xi32, #tpu.memory_space<smem>>
      memref.store %squeeze3A_138, %arg9[%swap3A_143] : memref<512xi32, #tpu.memory_space<smem>>
      %slice3A_145 = vector.extract_strided_slice %get3A_58 {offsets = [5], sizes = [1], strides = [1]} : vector<16xi32> to vector<1xi32>
      %squeeze3A_146 = vector.extract %slice3A_145[0] : i32 from vector<1xi32>
      %mul3A_147 = arith.constant 16 : i32
      %mul3A_148 = arith.muli %scan3A_50, %mul3A_147 : i32
      %add3A_149 = arith.constant 5 : i32
      %add3A_150 = arith.addi %mul3A_148, %add3A_149 : i32
      %swap3A_151 = arith.index_cast %add3A_150 : i32 to index
      %swap3A_152 = memref.load %arg10[%swap3A_151] : memref<512xi32, #tpu.memory_space<smem>>
      memref.store %squeeze3A_146, %arg10[%swap3A_151] : memref<512xi32, #tpu.memory_space<smem>>
      %slice3A_153 = vector.extract_strided_slice %get3A_54 {offsets = [6], sizes = [1], strides = [1]} : vector<16xi32> to vector<1xi32>
      %squeeze3A_154 = vector.extract %slice3A_153[0] : i32 from vector<1xi32>
      %mul3A_155 = arith.constant 16 : i32
      %mul3A_156 = arith.muli %scan3A_50, %mul3A_155 : i32
      %add3A_157 = arith.constant 6 : i32
      %add3A_158 = arith.addi %mul3A_156, %add3A_157 : i32
      %swap3A_159 = arith.index_cast %add3A_158 : i32 to index
      %swap3A_160 = memref.load %arg9[%swap3A_159] : memref<512xi32, #tpu.memory_space<smem>>
      memref.store %squeeze3A_154, %arg9[%swap3A_159] : memref<512xi32, #tpu.memory_space<smem>>
      %slice3A_161 = vector.extract_strided_slice %get3A_58 {offsets = [6], sizes = [1], strides = [1]} : vector<16xi32> to vector<1xi32>
      %squeeze3A_162 = vector.extract %slice3A_161[0] : i32 from vector<1xi32>
      %mul3A_163 = arith.constant 16 : i32
      %mul3A_164 = arith.muli %scan3A_50, %mul3A_163 : i32
      %add3A_165 = arith.constant 6 : i32
      %add3A_166 = arith.addi %mul3A_164, %add3A_165 : i32
      %swap3A_167 = arith.index_cast %add3A_166 : i32 to index
      %swap3A_168 = memref.load %arg10[%swap3A_167] : memref<512xi32, #tpu.memory_space<smem>>
      memref.store %squeeze3A_162, %arg10[%swap3A_167] : memref<512xi32, #tpu.memory_space<smem>>
      %slice3A_169 = vector.extract_strided_slice %get3A_54 {offsets = [7], sizes = [1], strides = [1]} : vector<16xi32> to vector<1xi32>
      %squeeze3A_170 = vector.extract %slice3A_169[0] : i32 from vector<1xi32>
      %mul3A_171 = arith.constant 16 : i32
      %mul3A_172 = arith.muli %scan3A_50, %mul3A_171 : i32
      %add3A_173 = arith.constant 7 : i32
      %add3A_174 = arith.addi %mul3A_172, %add3A_173 : i32
      %swap3A_175 = arith.index_cast %add3A_174 : i32 to index
      %swap3A_176 = memref.load %arg9[%swap3A_175] : memref<512xi32, #tpu.memory_space<smem>>
      memref.store %squeeze3A_170, %arg9[%swap3A_175] : memref<512xi32, #tpu.memory_space<smem>>
      %slice3A_177 = vector.extract_strided_slice %get3A_58 {offsets = [7], sizes = [1], strides = [1]} : vector<16xi32> to vector<1xi32>
      %squeeze3A_178 = vector.extract %slice3A_177[0] : i32 from vector<1xi32>
      %mul3A_179 = arith.constant 16 : i32
      %mul3A_180 = arith.muli %scan3A_50, %mul3A_179 : i32
      %add3A_181 = arith.constant 7 : i32
      %add3A_182 = arith.addi %mul3A_180, %add3A_181 : i32
      %swap3A_183 = arith.index_cast %add3A_182 : i32 to index
      %swap3A_184 = memref.load %arg10[%swap3A_183] : memref<512xi32, #tpu.memory_space<smem>>
      memref.store %squeeze3A_178, %arg10[%swap3A_183] : memref<512xi32, #tpu.memory_space<smem>>
      %slice3A_185 = vector.extract_strided_slice %get3A_54 {offsets = [8], sizes = [1], strides = [1]} : vector<16xi32> to vector<1xi32>
      %squeeze3A_186 = vector.extract %slice3A_185[0] : i32 from vector<1xi32>
      %mul3A_187 = arith.constant 16 : i32
      %mul3A_188 = arith.muli %scan3A_50, %mul3A_187 : i32
      %add3A_189 = arith.constant 8 : i32
      %add3A_190 = arith.addi %mul3A_188, %add3A_189 : i32
      %swap3A_191 = arith.index_cast %add3A_190 : i32 to index
      %swap3A_192 = memref.load %arg9[%swap3A_191] : memref<512xi32, #tpu.memory_space<smem>>
      memref.store %squeeze3A_186, %arg9[%swap3A_191] : memref<512xi32, #tpu.memory_space<smem>>
      %slice3A_193 = vector.extract_strided_slice %get3A_58 {offsets = [8], sizes = [1], strides = [1]} : vector<16xi32> to vector<1xi32>
      %squeeze3A_194 = vector.extract %slice3A_193[0] : i32 from vector<1xi32>
      %mul3A_195 = arith.constant 16 : i32
      %mul3A_196 = arith.muli %scan3A_50, %mul3A_195 : i32
      %add3A_197 = arith.constant 8 : i32
      %add3A_198 = arith.addi %mul3A_196, %add3A_197 : i32
      %swap3A_199 = arith.index_cast %add3A_198 : i32 to index
      %swap3A_200 = memref.load %arg10[%swap3A_199] : memref<512xi32, #tpu.memory_space<smem>>
      memref.store %squeeze3A_194, %arg10[%swap3A_199] : memref<512xi32, #tpu.memory_space<smem>>
      %slice3A_201 = vector.extract_strided_slice %get3A_54 {offsets = [9], sizes = [1], strides = [1]} : vector<16xi32> to vector<1xi32>
      %squeeze3A_202 = vector.extract %slice3A_201[0] : i32 from vector<1xi32>
      %mul3A_203 = arith.constant 16 : i32
      %mul3A_204 = arith.muli %scan3A_50, %mul3A_203 : i32
      %add3A_205 = arith.constant 9 : i32
      %add3A_206 = arith.addi %mul3A_204, %add3A_205 : i32
      %swap3A_207 = arith.index_cast %add3A_206 : i32 to index
      %swap3A_208 = memref.load %arg9[%swap3A_207] : memref<512xi32, #tpu.memory_space<smem>>
      memref.store %squeeze3A_202, %arg9[%swap3A_207] : memref<512xi32, #tpu.memory_space<smem>>
      %slice3A_209 = vector.extract_strided_slice %get3A_58 {offsets = [9], sizes = [1], strides = [1]} : vector<16xi32> to vector<1xi32>
      %squeeze3A_210 = vector.extract %slice3A_209[0] : i32 from vector<1xi32>
      %mul3A_211 = arith.constant 16 : i32
      %mul3A_212 = arith.muli %scan3A_50, %mul3A_211 : i32
      %add3A_213 = arith.constant 9 : i32
      %add3A_214 = arith.addi %mul3A_212, %add3A_213 : i32
      %swap3A_215 = arith.index_cast %add3A_214 : i32 to index
      %swap3A_216 = memref.load %arg10[%swap3A_215] : memref<512xi32, #tpu.memory_space<smem>>
      memref.store %squeeze3A_210, %arg10[%swap3A_215] : memref<512xi32, #tpu.memory_space<smem>>
      %slice3A_217 = vector.extract_strided_slice %get3A_54 {offsets = [10], sizes = [1], strides = [1]} : vector<16xi32> to vector<1xi32>
      %squeeze3A_218 = vector.extract %slice3A_217[0] : i32 from vector<1xi32>
      %mul3A_219 = arith.constant 16 : i32
      %mul3A_220 = arith.muli %scan3A_50, %mul3A_219 : i32
      %add3A_221 = arith.constant 10 : i32
      %add3A_222 = arith.addi %mul3A_220, %add3A_221 : i32
      %swap3A_223 = arith.index_cast %add3A_222 : i32 to index
      %swap3A_224 = memref.load %arg9[%swap3A_223] : memref<512xi32, #tpu.memory_space<smem>>
      memref.store %squeeze3A_218, %arg9[%swap3A_223] : memref<512xi32, #tpu.memory_space<smem>>
      %slice3A_225 = vector.extract_strided_slice %get3A_58 {offsets = [10], sizes = [1], strides = [1]} : vector<16xi32> to vector<1xi32>
      %squeeze3A_226 = vector.extract %slice3A_225[0] : i32 from vector<1xi32>
      %mul3A_227 = arith.constant 16 : i32
      %mul3A_228 = arith.muli %scan3A_50, %mul3A_227 : i32
      %add3A_229 = arith.constant 10 : i32
      %add3A_230 = arith.addi %mul3A_228, %add3A_229 : i32
      %swap3A_231 = arith.index_cast %add3A_230 : i32 to index
      %swap3A_232 = memref.load %arg10[%swap3A_231] : memref<512xi32, #tpu.memory_space<smem>>
      memref.store %squeeze3A_226, %arg10[%swap3A_231] : memref<512xi32, #tpu.memory_space<smem>>
      %slice3A_233 = vector.extract_strided_slice %get3A_54 {offsets = [11], sizes = [1], strides = [1]} : vector<16xi32> to vector<1xi32>
      %squeeze3A_234 = vector.extract %slice3A_233[0] : i32 from vector<1xi32>
      %mul3A_235 = arith.constant 16 : i32
      %mul3A_236 = arith.muli %scan3A_50, %mul3A_235 : i32
      %add3A_237 = arith.constant 11 : i32
      %add3A_238 = arith.addi %mul3A_236, %add3A_237 : i32
      %swap3A_239 = arith.index_cast %add3A_238 : i32 to index
      %swap3A_240 = memref.load %arg9[%swap3A_239] : memref<512xi32, #tpu.memory_space<smem>>
      memref.store %squeeze3A_234, %arg9[%swap3A_239] : memref<512xi32, #tpu.memory_space<smem>>
      %slice3A_241 = vector.extract_strided_slice %get3A_58 {offsets = [11], sizes = [1], strides = [1]} : vector<16xi32> to vector<1xi32>
      %squeeze3A_242 = vector.extract %slice3A_241[0] : i32 from vector<1xi32>
      %mul3A_243 = arith.constant 16 : i32
      %mul3A_244 = arith.muli %scan3A_50, %mul3A_243 : i32
      %add3A_245 = arith.constant 11 : i32
      %add3A_246 = arith.addi %mul3A_244, %add3A_245 : i32
      %swap3A_247 = arith.index_cast %add3A_246 : i32 to index
      %swap3A_248 = memref.load %arg10[%swap3A_247] : memref<512xi32, #tpu.memory_space<smem>>
      memref.store %squeeze3A_242, %arg10[%swap3A_247] : memref<512xi32, #tpu.memory_space<smem>>
      %slice3A_249 = vector.extract_strided_slice %get3A_54 {offsets = [12], sizes = [1], strides = [1]} : vector<16xi32> to vector<1xi32>
      %squeeze3A_250 = vector.extract %slice3A_249[0] : i32 from vector<1xi32>
      %mul3A_251 = arith.constant 16 : i32
      %mul3A_252 = arith.muli %scan3A_50, %mul3A_251 : i32
      %add3A_253 = arith.constant 12 : i32
      %add3A_254 = arith.addi %mul3A_252, %add3A_253 : i32
      %swap3A_255 = arith.index_cast %add3A_254 : i32 to index
      %swap3A_256 = memref.load %arg9[%swap3A_255] : memref<512xi32, #tpu.memory_space<smem>>
      memref.store %squeeze3A_250, %arg9[%swap3A_255] : memref<512xi32, #tpu.memory_space<smem>>
      %slice3A_257 = vector.extract_strided_slice %get3A_58 {offsets = [12], sizes = [1], strides = [1]} : vector<16xi32> to vector<1xi32>
      %squeeze3A_258 = vector.extract %slice3A_257[0] : i32 from vector<1xi32>
      %mul3A_259 = arith.constant 16 : i32
      %mul3A_260 = arith.muli %scan3A_50, %mul3A_259 : i32
      %add3A_261 = arith.constant 12 : i32
      %add3A_262 = arith.addi %mul3A_260, %add3A_261 : i32
      %swap3A_263 = arith.index_cast %add3A_262 : i32 to index
      %swap3A_264 = memref.load %arg10[%swap3A_263] : memref<512xi32, #tpu.memory_space<smem>>
      memref.store %squeeze3A_258, %arg10[%swap3A_263] : memref<512xi32, #tpu.memory_space<smem>>
      %slice3A_265 = vector.extract_strided_slice %get3A_54 {offsets = [13], sizes = [1], strides = [1]} : vector<16xi32> to vector<1xi32>
      %squeeze3A_266 = vector.extract %slice3A_265[0] : i32 from vector<1xi32>
      %mul3A_267 = arith.constant 16 : i32
      %mul3A_268 = arith.muli %scan3A_50, %mul3A_267 : i32
      %add3A_269 = arith.constant 13 : i32
      %add3A_270 = arith.addi %mul3A_268, %add3A_269 : i32
      %swap3A_271 = arith.index_cast %add3A_270 : i32 to index
      %swap3A_272 = memref.load %arg9[%swap3A_271] : memref<512xi32, #tpu.memory_space<smem>>
      memref.store %squeeze3A_266, %arg9[%swap3A_271] : memref<512xi32, #tpu.memory_space<smem>>
      %slice3A_273 = vector.extract_strided_slice %get3A_58 {offsets = [13], sizes = [1], strides = [1]} : vector<16xi32> to vector<1xi32>
      %squeeze3A_274 = vector.extract %slice3A_273[0] : i32 from vector<1xi32>
      %mul3A_275 = arith.constant 16 : i32
      %mul3A_276 = arith.muli %scan3A_50, %mul3A_275 : i32
      %add3A_277 = arith.constant 13 : i32
      %add3A_278 = arith.addi %mul3A_276, %add3A_277 : i32
      %swap3A_279 = arith.index_cast %add3A_278 : i32 to index
      %swap3A_280 = memref.load %arg10[%swap3A_279] : memref<512xi32, #tpu.memory_space<smem>>
      memref.store %squeeze3A_274, %arg10[%swap3A_279] : memref<512xi32, #tpu.memory_space<smem>>
      %slice3A_281 = vector.extract_strided_slice %get3A_54 {offsets = [14], sizes = [1], strides = [1]} : vector<16xi32> to vector<1xi32>
      %squeeze3A_282 = vector.extract %slice3A_281[0] : i32 from vector<1xi32>
      %mul3A_283 = arith.constant 16 : i32
      %mul3A_284 = arith.muli %scan3A_50, %mul3A_283 : i32
      %add3A_285 = arith.constant 14 : i32
      %add3A_286 = arith.addi %mul3A_284, %add3A_285 : i32
      %swap3A_287 = arith.index_cast %add3A_286 : i32 to index
      %swap3A_288 = memref.load %arg9[%swap3A_287] : memref<512xi32, #tpu.memory_space<smem>>
      memref.store %squeeze3A_282, %arg9[%swap3A_287] : memref<512xi32, #tpu.memory_space<smem>>
      %slice3A_289 = vector.extract_strided_slice %get3A_58 {offsets = [14], sizes = [1], strides = [1]} : vector<16xi32> to vector<1xi32>
      %squeeze3A_290 = vector.extract %slice3A_289[0] : i32 from vector<1xi32>
      %mul3A_291 = arith.constant 16 : i32
      %mul3A_292 = arith.muli %scan3A_50, %mul3A_291 : i32
      %add3A_293 = arith.constant 14 : i32
      %add3A_294 = arith.addi %mul3A_292, %add3A_293 : i32
      %swap3A_295 = arith.index_cast %add3A_294 : i32 to index
      %swap3A_296 = memref.load %arg10[%swap3A_295] : memref<512xi32, #tpu.memory_space<smem>>
      memref.store %squeeze3A_290, %arg10[%swap3A_295] : memref<512xi32, #tpu.memory_space<smem>>
      %slice3A_297 = vector.extract_strided_slice %get3A_54 {offsets = [15], sizes = [1], strides = [1]} : vector<16xi32> to vector<1xi32>
      %squeeze3A_298 = vector.extract %slice3A_297[0] : i32 from vector<1xi32>
      %mul3A_299 = arith.constant 16 : i32
      %mul3A_300 = arith.muli %scan3A_50, %mul3A_299 : i32
      %add3A_301 = arith.constant 15 : i32
      %add3A_302 = arith.addi %mul3A_300, %add3A_301 : i32
      %swap3A_303 = arith.index_cast %add3A_302 : i32 to index
      %swap3A_304 = memref.load %arg9[%swap3A_303] : memref<512xi32, #tpu.memory_space<smem>>
      memref.store %squeeze3A_298, %arg9[%swap3A_303] : memref<512xi32, #tpu.memory_space<smem>>
      %slice3A_305 = vector.extract_strided_slice %get3A_58 {offsets = [15], sizes = [1], strides = [1]} : vector<16xi32> to vector<1xi32>
      %squeeze3A_306 = vector.extract %slice3A_305[0] : i32 from vector<1xi32>
      %mul3A_307 = arith.constant 16 : i32
      %mul3A_308 = arith.muli %scan3A_50, %mul3A_307 : i32
      %add3A_309 = arith.constant 15 : i32
      %add3A_310 = arith.addi %mul3A_308, %add3A_309 : i32
      %swap3A_311 = arith.index_cast %add3A_310 : i32 to index
      %swap3A_312 = memref.load %arg10[%swap3A_311] : memref<512xi32, #tpu.memory_space<smem>>
      memref.store %squeeze3A_306, %arg10[%swap3A_311] : memref<512xi32, #tpu.memory_space<smem>>
    }
    %scan3A_7 = arith.constant 32 : i32
    %swap3A = arith.constant 0 : i32
    %swap3A_8 = arith.constant 0 : i32
    %swap3A_9 = arith.index_cast %swap3A_8 : i32 to index
    %swap3A_10 = memref.load %arg11[%swap3A_9] : memref<514xi32, #tpu.memory_space<smem>>
    memref.store %swap3A, %arg11[%swap3A_9] : memref<514xi32, #tpu.memory_space<smem>>
    %get3A = arith.constant 0 : i32
    %get3A_11 = arith.index_cast %get3A : i32 to index
    %get3A_12 = memref.load %arg9[%get3A_11] : memref<512xi32, #tpu.memory_space<smem>>
    %shift_right_logical3A = arith.constant 7 : i32
    %shift_right_logical3A_13 = arith.shrui %get3A_12, %shift_right_logical3A : i32
    %scan3A_14 = arith.constant 1 : i32
    %scan3A_15 = arith.constant 1 : i32
    %scan3A_16 = arith.constant 511 : i32
    %scan3A_17 = arith.addi %scan3A_15, %scan3A_16 : i32
    %scan3A_18 = arith.constant 1 : i32
    %scan3A_19:2 = scf.for %scan3A_50 = %scan3A_15 to %scan3A_17 step %scan3A_18 iter_args(%scan3A_51 = %scan3A_14, %scan3A_52 = %shift_right_logical3A_13) -> (i32, i32)  : i32 {
      %get3A_53 = arith.index_cast %scan3A_50 : i32 to index
      %get3A_54 = memref.load %arg9[%get3A_53] : memref<512xi32, #tpu.memory_space<smem>>
      %shift_right_logical3A_55 = arith.constant 7 : i32
      %shift_right_logical3A_56 = arith.shrui %get3A_54, %shift_right_logical3A_55 : i32
      %ne3A = arith.cmpi ne, %shift_right_logical3A_56, %scan3A_52 : i32
      %convert_element_type3A = arith.extui %ne3A : i1 to i32
      %cond3A = arith.constant 0 : i32
      %cond3A_57 = arith.cmpi ne, %convert_element_type3A, %cond3A : i32
      scf.if %cond3A_57 {
        %swap3A_60 = arith.index_cast %scan3A_51 : i32 to index
        %swap3A_61 = memref.load %arg11[%swap3A_60] : memref<514xi32, #tpu.memory_space<smem>>
        memref.store %scan3A_50, %arg11[%swap3A_60] : memref<514xi32, #tpu.memory_space<smem>>
      } else {
      }
      %jit3A = arith.constant 1 : i32
      %jit3A_58 = arith.constant 0 : i32
      %select_n3A = arith.select %ne3A, %jit3A, %jit3A_58 : i32
      %add3A_59 = arith.addi %scan3A_51, %select_n3A : i32
      scf.yield %add3A_59, %shift_right_logical3A_56 : i32, i32
    }
    %scan3A_20 = arith.constant 511 : i32
    %swap3A_21 = arith.constant 512 : i32
    %swap3A_22 = arith.index_cast %scan3A_19#0 : i32 to index
    %swap3A_23 = memref.load %arg11[%swap3A_22] : memref<514xi32, #tpu.memory_space<smem>>
    memref.store %swap3A_21, %arg11[%swap3A_22] : memref<514xi32, #tpu.memory_space<smem>>
    %iota3A = tpu.iota {dimensions = array<i32: 0>} : vector<16xi32>
    %min3A = arith.constant 5 : i32
    %min3A_24 = arith.minsi %min3A, %scan3A_19#0 : i32
    %while3A = arith.constant 0 : i32
    %while3A_25 = arith.constant 0 : i32
    %while3A_26 = arith.subi %min3A_24, %while3A_25 : i32
    %while3A_27 = arith.addi %while3A_25, %while3A_26 : i32
    %while3A_28 = arith.constant 1 : i32
    %while3A_29 = arith.divsi %while3A_26, %while3A_28 : i32
    %while3A_30 = arith.muli %while3A_29, %while3A_28 : i32
    %while3A_31 = arith.addi %while3A_25, %while3A_30 : i32
    %while3A_32 = arith.constant 1 : i32
    scf.for %while3A_50 = %while3A_25 to %while3A_31 step %while3A_32  : i32 {
      %get3A_51 = arith.index_cast %while3A_50 : i32 to index
      %get3A_52 = memref.load %arg11[%get3A_51] : memref<514xi32, #tpu.memory_space<smem>>
      %get3A_53 = arith.index_cast %get3A_52 : i32 to index
      %get3A_54 = memref.load %arg9[%get3A_53] : memref<512xi32, #tpu.memory_space<smem>>
      %shift_right_logical3A_55 = arith.constant 7 : i32
      %shift_right_logical3A_56 = arith.shrui %get3A_54, %shift_right_logical3A_55 : i32
      %ne3A = arith.constant 781 : i32
      %ne3A_57 = arith.cmpi ne, %shift_right_logical3A_56, %ne3A : i32
      %convert_element_type3A = arith.extui %ne3A_57 : i1 to i32
      %cond3A = arith.constant 0 : i32
      %cond3A_58 = arith.cmpi ne, %convert_element_type3A, %cond3A : i32
      scf.if %cond3A_58 {
        %rem3A = arith.constant 6 : i32
        %rem3A_59 = arith.remsi %while3A_50, %rem3A : i32
        %mul3A_60 = arith.constant 128 : i32
        %mul3A_61 = arith.muli %shift_right_logical3A_56, %mul3A_60 : i32
        %mul3A_62 = arith.constant 64 : i32
        %mul3A_63 = arith.muli %rem3A_59, %mul3A_62 : i32
        %mul3A_64 = arith.constant 32 : i32
        %mul3A_65 = arith.muli %rem3A_59, %mul3A_64 : i32
        %dma_start3A = arith.constant 0 : i32
        %dma_start3A_66 = tpu.memref_slice %arg14[%mul3A_63, %dma_start3A] : memref<384x128xf32, #tpu.memory_space<vmem>> -> memref<64x128xf32, #tpu.memory_space<vmem>>
        %dma_start3A_67 = arith.constant 0 : i32
        %dma_start3A_68 = tpu.memref_slice %arg4[%dma_start3A_67, %mul3A_61] : memref<64x100000xf32, #tpu.memory_space<hbm>> -> memref<64x128xf32, #tpu.memory_space<hbm>>
        %dma_start3A_69 = arith.constant 0 : i32
        %dma_start3A_70 = tpu.memref_slice %arg14[%mul3A_63, %dma_start3A_69] : memref<384x128xf32, #tpu.memory_space<vmem>> -> memref<64x128xf32, #tpu.memory_space<vmem>>
        %dma_start3A_71 = arith.constant 0 : i32
        %dma_start3A_72 = tpu.memref_slice %arg4[%dma_start3A_71, %mul3A_61] : memref<64x100000xf32, #tpu.memory_space<hbm>> -> memref<64x128xf32, #tpu.memory_space<hbm>>
        tpu.enqueue_dma source(%dma_start3A_72 : memref<64x128xf32, #tpu.memory_space<hbm>>) target(%dma_start3A_70 : memref<64x128xf32, #tpu.memory_space<vmem>>) target_semaphore(%arg19 : memref<!tpu.dma_semaphore, #tpu.memory_space<semaphore_mem>>)
        %dma_start3A_73 = arith.constant 0 : i32
        %dma_start3A_74 = tpu.memref_slice %arg15[%mul3A_65, %dma_start3A_73] : memref<192x128xf32, #tpu.memory_space<vmem>> -> memref<32x128xf32, #tpu.memory_space<vmem>>
        %dma_start3A_75 = arith.constant 0 : i32
        %dma_start3A_76 = tpu.memref_slice %arg5[%dma_start3A_75, %mul3A_61] : memref<32x100000xf32, #tpu.memory_space<hbm>> -> memref<32x128xf32, #tpu.memory_space<hbm>>
        %dma_start3A_77 = arith.constant 0 : i32
        %dma_start3A_78 = tpu.memref_slice %arg15[%mul3A_65, %dma_start3A_77] : memref<192x128xf32, #tpu.memory_space<vmem>> -> memref<32x128xf32, #tpu.memory_space<vmem>>
        %dma_start3A_79 = arith.constant 0 : i32
        %dma_start3A_80 = tpu.memref_slice %arg5[%dma_start3A_79, %mul3A_61] : memref<32x100000xf32, #tpu.memory_space<hbm>> -> memref<32x128xf32, #tpu.memory_space<hbm>>
        tpu.enqueue_dma source(%dma_start3A_80 : memref<32x128xf32, #tpu.memory_space<hbm>>) target(%dma_start3A_78 : memref<32x128xf32, #tpu.memory_space<vmem>>) target_semaphore(%arg20 : memref<!tpu.dma_semaphore, #tpu.memory_space<semaphore_mem>>)
      } else {
      }
    }
    %while3A_33 = arith.constant 1 : i32
    scf.for %while3A_50 = %while3A_31 to %while3A_27 step %while3A_33  : i32 {
      %get3A_51 = arith.index_cast %while3A_50 : i32 to index
      %get3A_52 = memref.load %arg11[%get3A_51] : memref<514xi32, #tpu.memory_space<smem>>
      %get3A_53 = arith.index_cast %get3A_52 : i32 to index
      %get3A_54 = memref.load %arg9[%get3A_53] : memref<512xi32, #tpu.memory_space<smem>>
      %shift_right_logical3A_55 = arith.constant 7 : i32
      %shift_right_logical3A_56 = arith.shrui %get3A_54, %shift_right_logical3A_55 : i32
      %ne3A = arith.constant 781 : i32
      %ne3A_57 = arith.cmpi ne, %shift_right_logical3A_56, %ne3A : i32
      %convert_element_type3A = arith.extui %ne3A_57 : i1 to i32
      %cond3A = arith.constant 0 : i32
      %cond3A_58 = arith.cmpi ne, %convert_element_type3A, %cond3A : i32
      scf.if %cond3A_58 {
        %rem3A = arith.constant 6 : i32
        %rem3A_59 = arith.remsi %while3A_50, %rem3A : i32
        %mul3A_60 = arith.constant 128 : i32
        %mul3A_61 = arith.muli %shift_right_logical3A_56, %mul3A_60 : i32
        %mul3A_62 = arith.constant 64 : i32
        %mul3A_63 = arith.muli %rem3A_59, %mul3A_62 : i32
        %mul3A_64 = arith.constant 32 : i32
        %mul3A_65 = arith.muli %rem3A_59, %mul3A_64 : i32
        %dma_start3A = arith.constant 0 : i32
        %dma_start3A_66 = tpu.memref_slice %arg14[%mul3A_63, %dma_start3A] : memref<384x128xf32, #tpu.memory_space<vmem>> -> memref<64x128xf32, #tpu.memory_space<vmem>>
        %dma_start3A_67 = arith.constant 0 : i32
        %dma_start3A_68 = tpu.memref_slice %arg4[%dma_start3A_67, %mul3A_61] : memref<64x100000xf32, #tpu.memory_space<hbm>> -> memref<64x128xf32, #tpu.memory_space<hbm>>
        %dma_start3A_69 = arith.constant 0 : i32
        %dma_start3A_70 = tpu.memref_slice %arg14[%mul3A_63, %dma_start3A_69] : memref<384x128xf32, #tpu.memory_space<vmem>> -> memref<64x128xf32, #tpu.memory_space<vmem>>
        %dma_start3A_71 = arith.constant 0 : i32
        %dma_start3A_72 = tpu.memref_slice %arg4[%dma_start3A_71, %mul3A_61] : memref<64x100000xf32, #tpu.memory_space<hbm>> -> memref<64x128xf32, #tpu.memory_space<hbm>>
        tpu.enqueue_dma source(%dma_start3A_72 : memref<64x128xf32, #tpu.memory_space<hbm>>) target(%dma_start3A_70 : memref<64x128xf32, #tpu.memory_space<vmem>>) target_semaphore(%arg19 : memref<!tpu.dma_semaphore, #tpu.memory_space<semaphore_mem>>)
        %dma_start3A_73 = arith.constant 0 : i32
        %dma_start3A_74 = tpu.memref_slice %arg15[%mul3A_65, %dma_start3A_73] : memref<192x128xf32, #tpu.memory_space<vmem>> -> memref<32x128xf32, #tpu.memory_space<vmem>>
        %dma_start3A_75 = arith.constant 0 : i32
        %dma_start3A_76 = tpu.memref_slice %arg5[%dma_start3A_75, %mul3A_61] : memref<32x100000xf32, #tpu.memory_space<hbm>> -> memref<32x128xf32, #tpu.memory_space<hbm>>
        %dma_start3A_77 = arith.constant 0 : i32
        %dma_start3A_78 = tpu.memref_slice %arg15[%mul3A_65, %dma_start3A_77] : memref<192x128xf32, #tpu.memory_space<vmem>> -> memref<32x128xf32, #tpu.memory_space<vmem>>
        %dma_start3A_79 = arith.constant 0 : i32
        %dma_start3A_80 = tpu.memref_slice %arg5[%dma_start3A_79, %mul3A_61] : memref<32x100000xf32, #tpu.memory_space<hbm>> -> memref<32x128xf32, #tpu.memory_space<hbm>>
        tpu.enqueue_dma source(%dma_start3A_80 : memref<32x128xf32, #tpu.memory_space<hbm>>) target(%dma_start3A_78 : memref<32x128xf32, #tpu.memory_space<vmem>>) target_semaphore(%arg20 : memref<!tpu.dma_semaphore, #tpu.memory_space<semaphore_mem>>)
      } else {
      }
    }
    %while3A_34 = arith.constant 0 : i32
    %while3A_35 = arith.constant 0 : i32
    %while3A_36 = arith.subi %scan3A_19#0, %while3A_35 : i32
    %while3A_37 = arith.addi %while3A_35, %while3A_36 : i32
    %while3A_38 = arith.constant 1 : i32
    %while3A_39 = arith.divsi %while3A_36, %while3A_38 : i32
    %while3A_40 = arith.muli %while3A_39, %while3A_38 : i32
    %while3A_41 = arith.addi %while3A_35, %while3A_40 : i32
    %while3A_42 = arith.constant 1 : i32
    scf.for %while3A_50 = %while3A_35 to %while3A_41 step %while3A_42  : i32 {
      %rem3A = arith.constant 6 : i32
      %rem3A_51 = arith.remsi %while3A_50, %rem3A : i32
      %get3A_52 = arith.index_cast %while3A_50 : i32 to index
      %get3A_53 = memref.load %arg11[%get3A_52] : memref<514xi32, #tpu.memory_space<smem>>
      %get3A_54 = arith.index_cast %get3A_53 : i32 to index
      %get3A_55 = memref.load %arg9[%get3A_54] : memref<512xi32, #tpu.memory_space<smem>>
      %shift_right_logical3A_56 = arith.constant 7 : i32
      %shift_right_logical3A_57 = arith.shrui %get3A_55, %shift_right_logical3A_56 : i32
      %ne3A = arith.constant 781 : i32
      %ne3A_58 = arith.cmpi ne, %shift_right_logical3A_57, %ne3A : i32
      %convert_element_type3A = arith.extui %ne3A_58 : i1 to i32
      %cond3A = arith.constant 0 : i32
      %cond3A_59 = arith.cmpi ne, %convert_element_type3A, %cond3A : i32
      scf.if %cond3A_59 {
        %mul3A_81 = arith.constant 128 : i32
        %mul3A_82 = arith.muli %shift_right_logical3A_57, %mul3A_81 : i32
        %mul3A_83 = arith.constant 64 : i32
        %mul3A_84 = arith.muli %rem3A_51, %mul3A_83 : i32
        %mul3A_85 = arith.constant 32 : i32
        %mul3A_86 = arith.muli %rem3A_51, %mul3A_85 : i32
        %dma_wait3A = arith.constant 0 : i32
        %dma_wait3A_87 = tpu.memref_slice %arg14[%mul3A_84, %dma_wait3A] : memref<384x128xf32, #tpu.memory_space<vmem>> -> memref<64x128xf32, #tpu.memory_space<vmem>>
        %dma_wait3A_88 = arith.constant 0 : i32
        %dma_wait3A_89 = tpu.memref_slice %arg4[%dma_wait3A_88, %mul3A_82] : memref<64x100000xf32, #tpu.memory_space<hbm>> -> memref<64x128xf32, #tpu.memory_space<hbm>>
        %dma_wait3A_90 = arith.constant 0 : i32
        %dma_wait3A_91 = tpu.memref_slice %arg14[%mul3A_84, %dma_wait3A_90] : memref<384x128xf32, #tpu.memory_space<vmem>> -> memref<64x128xf32, #tpu.memory_space<vmem>>
        %dma_wait3A_92 = arith.constant 0 : i32
        %dma_wait3A_93 = tpu.memref_slice %arg4[%dma_wait3A_92, %mul3A_82] : memref<64x100000xf32, #tpu.memory_space<hbm>> -> memref<64x128xf32, #tpu.memory_space<hbm>>
        tpu.wait_dma2 semaphore(%arg19 : memref<!tpu.dma_semaphore, #tpu.memory_space<semaphore_mem>>) src(%dma_wait3A_93 : memref<64x128xf32, #tpu.memory_space<hbm>>) dst(%dma_wait3A_91 : memref<64x128xf32, #tpu.memory_space<vmem>>)
        %dma_wait3A_94 = arith.constant 0 : i32
        %dma_wait3A_95 = tpu.memref_slice %arg15[%mul3A_86, %dma_wait3A_94] : memref<192x128xf32, #tpu.memory_space<vmem>> -> memref<32x128xf32, #tpu.memory_space<vmem>>
        %dma_wait3A_96 = arith.constant 0 : i32
        %dma_wait3A_97 = tpu.memref_slice %arg5[%dma_wait3A_96, %mul3A_82] : memref<32x100000xf32, #tpu.memory_space<hbm>> -> memref<32x128xf32, #tpu.memory_space<hbm>>
        %dma_wait3A_98 = arith.constant 0 : i32
        %dma_wait3A_99 = tpu.memref_slice %arg15[%mul3A_86, %dma_wait3A_98] : memref<192x128xf32, #tpu.memory_space<vmem>> -> memref<32x128xf32, #tpu.memory_space<vmem>>
        %dma_wait3A_100 = arith.constant 0 : i32
        %dma_wait3A_101 = tpu.memref_slice %arg5[%dma_wait3A_100, %mul3A_82] : memref<32x100000xf32, #tpu.memory_space<hbm>> -> memref<32x128xf32, #tpu.memory_space<hbm>>
        tpu.wait_dma2 semaphore(%arg20 : memref<!tpu.dma_semaphore, #tpu.memory_space<semaphore_mem>>) src(%dma_wait3A_101 : memref<32x128xf32, #tpu.memory_space<hbm>>) dst(%dma_wait3A_99 : memref<32x128xf32, #tpu.memory_space<vmem>>)
      } else {
      }
      %add3A_60 = arith.constant 6 : i32
      %add3A_61 = arith.addi %while3A_50, %add3A_60 : i32
      %sub3A = arith.constant 1 : i32
      %sub3A_62 = arith.subi %add3A_61, %sub3A : i32
      %lt3A = arith.cmpi slt, %sub3A_62, %scan3A_19#0 : i32
      %convert_element_type3A_63 = arith.extui %lt3A : i1 to i32
      %cond3A_64 = arith.constant 0 : i32
      %cond3A_65 = arith.cmpi ne, %convert_element_type3A_63, %cond3A_64 : i32
      scf.if %cond3A_65 {
        %add3A_81 = arith.constant 6 : i32
        %add3A_82 = arith.addi %while3A_50, %add3A_81 : i32
        %sub3A_83 = arith.constant 1 : i32
        %sub3A_84 = arith.subi %add3A_82, %sub3A_83 : i32
        %get3A_85 = arith.index_cast %sub3A_84 : i32 to index
        %get3A_86 = memref.load %arg11[%get3A_85] : memref<514xi32, #tpu.memory_space<smem>>
        %get3A_87 = arith.index_cast %get3A_86 : i32 to index
        %get3A_88 = memref.load %arg9[%get3A_87] : memref<512xi32, #tpu.memory_space<smem>>
        %shift_right_logical3A_89 = arith.constant 7 : i32
        %shift_right_logical3A_90 = arith.shrui %get3A_88, %shift_right_logical3A_89 : i32
        %ne3A_91 = arith.constant 781 : i32
        %ne3A_92 = arith.cmpi ne, %shift_right_logical3A_90, %ne3A_91 : i32
        %convert_element_type3A_93 = arith.extui %ne3A_92 : i1 to i32
        %cond3A_94 = arith.constant 0 : i32
        %cond3A_95 = arith.cmpi ne, %convert_element_type3A_93, %cond3A_94 : i32
        scf.if %cond3A_95 {
          %rem3A_96 = arith.constant 6 : i32
          %rem3A_97 = arith.remsi %sub3A_84, %rem3A_96 : i32
          %mul3A_98 = arith.constant 128 : i32
          %mul3A_99 = arith.muli %shift_right_logical3A_90, %mul3A_98 : i32
          %mul3A_100 = arith.constant 64 : i32
          %mul3A_101 = arith.muli %rem3A_97, %mul3A_100 : i32
          %mul3A_102 = arith.constant 32 : i32
          %mul3A_103 = arith.muli %rem3A_97, %mul3A_102 : i32
          %dma_start3A = arith.constant 0 : i32
          %dma_start3A_104 = tpu.memref_slice %arg14[%mul3A_101, %dma_start3A] : memref<384x128xf32, #tpu.memory_space<vmem>> -> memref<64x128xf32, #tpu.memory_space<vmem>>
          %dma_start3A_105 = arith.constant 0 : i32
          %dma_start3A_106 = tpu.memref_slice %arg4[%dma_start3A_105, %mul3A_99] : memref<64x100000xf32, #tpu.memory_space<hbm>> -> memref<64x128xf32, #tpu.memory_space<hbm>>
          %dma_start3A_107 = arith.constant 0 : i32
          %dma_start3A_108 = tpu.memref_slice %arg14[%mul3A_101, %dma_start3A_107] : memref<384x128xf32, #tpu.memory_space<vmem>> -> memref<64x128xf32, #tpu.memory_space<vmem>>
          %dma_start3A_109 = arith.constant 0 : i32
          %dma_start3A_110 = tpu.memref_slice %arg4[%dma_start3A_109, %mul3A_99] : memref<64x100000xf32, #tpu.memory_space<hbm>> -> memref<64x128xf32, #tpu.memory_space<hbm>>
          tpu.enqueue_dma source(%dma_start3A_110 : memref<64x128xf32, #tpu.memory_space<hbm>>) target(%dma_start3A_108 : memref<64x128xf32, #tpu.memory_space<vmem>>) target_semaphore(%arg19 : memref<!tpu.dma_semaphore, #tpu.memory_space<semaphore_mem>>)
          %dma_start3A_111 = arith.constant 0 : i32
          %dma_start3A_112 = tpu.memref_slice %arg15[%mul3A_103, %dma_start3A_111] : memref<192x128xf32, #tpu.memory_space<vmem>> -> memref<32x128xf32, #tpu.memory_space<vmem>>
          %dma_start3A_113 = arith.constant 0 : i32
          %dma_start3A_114 = tpu.memref_slice %arg5[%dma_start3A_113, %mul3A_99] : memref<32x100000xf32, #tpu.memory_space<hbm>> -> memref<32x128xf32, #tpu.memory_space<hbm>>
          %dma_start3A_115 = arith.constant 0 : i32
          %dma_start3A_116 = tpu.memref_slice %arg15[%mul3A_103, %dma_start3A_115] : memref<192x128xf32, #tpu.memory_space<vmem>> -> memref<32x128xf32, #tpu.memory_space<vmem>>
          %dma_start3A_117 = arith.constant 0 : i32
          %dma_start3A_118 = tpu.memref_slice %arg5[%dma_start3A_117, %mul3A_99] : memref<32x100000xf32, #tpu.memory_space<hbm>> -> memref<32x128xf32, #tpu.memory_space<hbm>>
          tpu.enqueue_dma source(%dma_start3A_118 : memref<32x128xf32, #tpu.memory_space<hbm>>) target(%dma_start3A_116 : memref<32x128xf32, #tpu.memory_space<vmem>>) target_semaphore(%arg20 : memref<!tpu.dma_semaphore, #tpu.memory_space<semaphore_mem>>)
        } else {
        }
      } else {
      }
      %get3A_66 = arith.index_cast %while3A_50 : i32 to index
      %get3A_67 = memref.load %arg11[%get3A_66] : memref<514xi32, #tpu.memory_space<smem>>
      %add3A_68 = arith.constant 1 : i32
      %add3A_69 = arith.addi %while3A_50, %add3A_68 : i32
      %get3A_70 = arith.index_cast %add3A_69 : i32 to index
      %get3A_71 = memref.load %arg11[%get3A_70] : memref<514xi32, #tpu.memory_space<smem>>
      %while3A_72 = arith.constant 0 : i32
      %while3A_73 = arith.subi %get3A_71, %get3A_67 : i32
      %while3A_74 = arith.addi %get3A_67, %while3A_73 : i32
      %while3A_75 = arith.constant 1 : i32
      %while3A_76 = arith.divsi %while3A_73, %while3A_75 : i32
      %while3A_77 = arith.muli %while3A_76, %while3A_75 : i32
      %while3A_78 = arith.addi %get3A_67, %while3A_77 : i32
      %while3A_79 = arith.constant 1 : i32
      scf.for %while3A_81 = %get3A_67 to %while3A_78 step %while3A_79  : i32 {
        %get3A_82 = arith.index_cast %while3A_81 : i32 to index
        %get3A_83 = memref.load %arg9[%get3A_82] : memref<512xi32, #tpu.memory_space<smem>>
        %rem3A_84 = arith.constant 128 : i32
        %rem3A_85 = arith.remsi %get3A_83, %rem3A_84 : i32
        %broadcast_in_dim3A = vector.broadcast %rem3A_85 : i32 to vector<16xi32>
        %broadcast_in_dim3A_86 = vector.broadcast %rem3A_51 : i32 to vector<16xi32>
        %get3A_87 = arith.index_cast %while3A_81 : i32 to index
        %get3A_88 = memref.load %arg9[%get3A_87] : memref<512xi32, #tpu.memory_space<smem>>
        %shift_right_logical3A_89 = arith.constant 7 : i32
        %shift_right_logical3A_90 = arith.shrui %get3A_88, %shift_right_logical3A_89 : i32
        %ne3A_91 = arith.constant 781 : i32
        %ne3A_92 = arith.cmpi ne, %shift_right_logical3A_90, %ne3A_91 : i32
        %convert_element_type3A_93 = arith.extui %ne3A_92 : i1 to i32
        %cond3A_94 = arith.constant 0 : i32
        %cond3A_95 = arith.cmpi ne, %convert_element_type3A_93, %cond3A_94 : i32
        scf.if %cond3A_95 {
          %add3A_100 = arith.constant 0 : i32
          %add3A_101 = vector.broadcast %add3A_100 : i32 to vector<16xi32>
          %add3A_102 = arith.addi %iota3A, %add3A_101 : vector<16xi32>
          %mul3A_103 = arith.constant 64 : i32
          %mul3A_104 = vector.broadcast %mul3A_103 : i32 to vector<16xi32>
          %mul3A_105 = arith.muli %broadcast_in_dim3A_86, %mul3A_104 : vector<16xi32>
          %add3A_106 = arith.addi %mul3A_105, %add3A_102 : vector<16xi32>
          %gather3A = tpu.vector_load_idx %arg14[%add3A_106, %broadcast_in_dim3A] : memref<384x128xf32, #tpu.memory_space<vmem>>[vector<16xi32>, vector<16xi32>], vector<16xf32>,
          %mul3A_107 = arith.constant 96 : i32
          %mul3A_108 = arith.muli %while3A_81, %mul3A_107 : i32
          %add3A_109 = arith.constant 0 : i32
          %add3A_110 = arith.addi %mul3A_108, %add3A_109 : i32
          %swap3A_111 = arith.index_cast %add3A_110 : i32 to index
          %swap3A_112 = tpu.vector_load %arg16[%swap3A_111] {strides = array<i32>} : memref<49152xf32, #tpu.memory_space<vmem>>, vector<16xf32>,
          tpu.vector_store %arg16[%swap3A_111], %gather3A {strides = array<i32>} : memref<49152xf32, #tpu.memory_space<vmem>>, vector<16xf32>,
          %add3A_113 = arith.constant 16 : i32
          %add3A_114 = vector.broadcast %add3A_113 : i32 to vector<16xi32>
          %add3A_115 = arith.addi %iota3A, %add3A_114 : vector<16xi32>
          %mul3A_116 = arith.constant 64 : i32
          %mul3A_117 = vector.broadcast %mul3A_116 : i32 to vector<16xi32>
          %mul3A_118 = arith.muli %broadcast_in_dim3A_86, %mul3A_117 : vector<16xi32>
          %add3A_119 = arith.addi %mul3A_118, %add3A_115 : vector<16xi32>
          %gather3A_120 = tpu.vector_load_idx %arg14[%add3A_119, %broadcast_in_dim3A] : memref<384x128xf32, #tpu.memory_space<vmem>>[vector<16xi32>, vector<16xi32>], vector<16xf32>,
          %mul3A_121 = arith.constant 96 : i32
          %mul3A_122 = arith.muli %while3A_81, %mul3A_121 : i32
          %add3A_123 = arith.constant 16 : i32
          %add3A_124 = arith.addi %mul3A_122, %add3A_123 : i32
          %swap3A_125 = arith.index_cast %add3A_124 : i32 to index
          %swap3A_126 = tpu.vector_load %arg16[%swap3A_125] {strides = array<i32>} : memref<49152xf32, #tpu.memory_space<vmem>>, vector<16xf32>,
          tpu.vector_store %arg16[%swap3A_125], %gather3A_120 {strides = array<i32>} : memref<49152xf32, #tpu.memory_space<vmem>>, vector<16xf32>,
          %add3A_127 = arith.constant 32 : i32
          %add3A_128 = vector.broadcast %add3A_127 : i32 to vector<16xi32>
          %add3A_129 = arith.addi %iota3A, %add3A_128 : vector<16xi32>
          %mul3A_130 = arith.constant 64 : i32
          %mul3A_131 = vector.broadcast %mul3A_130 : i32 to vector<16xi32>
          %mul3A_132 = arith.muli %broadcast_in_dim3A_86, %mul3A_131 : vector<16xi32>
          %add3A_133 = arith.addi %mul3A_132, %add3A_129 : vector<16xi32>
          %gather3A_134 = tpu.vector_load_idx %arg14[%add3A_133, %broadcast_in_dim3A] : memref<384x128xf32, #tpu.memory_space<vmem>>[vector<16xi32>, vector<16xi32>], vector<16xf32>,
          %mul3A_135 = arith.constant 96 : i32
          %mul3A_136 = arith.muli %while3A_81, %mul3A_135 : i32
          %add3A_137 = arith.constant 32 : i32
          %add3A_138 = arith.addi %mul3A_136, %add3A_137 : i32
          %swap3A_139 = arith.index_cast %add3A_138 : i32 to index
          %swap3A_140 = tpu.vector_load %arg16[%swap3A_139] {strides = array<i32>} : memref<49152xf32, #tpu.memory_space<vmem>>, vector<16xf32>,
          tpu.vector_store %arg16[%swap3A_139], %gather3A_134 {strides = array<i32>} : memref<49152xf32, #tpu.memory_space<vmem>>, vector<16xf32>,
          %add3A_141 = arith.constant 48 : i32
          %add3A_142 = vector.broadcast %add3A_141 : i32 to vector<16xi32>
          %add3A_143 = arith.addi %iota3A, %add3A_142 : vector<16xi32>
          %mul3A_144 = arith.constant 64 : i32
          %mul3A_145 = vector.broadcast %mul3A_144 : i32 to vector<16xi32>
          %mul3A_146 = arith.muli %broadcast_in_dim3A_86, %mul3A_145 : vector<16xi32>
          %add3A_147 = arith.addi %mul3A_146, %add3A_143 : vector<16xi32>
          %gather3A_148 = tpu.vector_load_idx %arg14[%add3A_147, %broadcast_in_dim3A] : memref<384x128xf32, #tpu.memory_space<vmem>>[vector<16xi32>, vector<16xi32>], vector<16xf32>,
          %mul3A_149 = arith.constant 96 : i32
          %mul3A_150 = arith.muli %while3A_81, %mul3A_149 : i32
          %add3A_151 = arith.constant 48 : i32
          %add3A_152 = arith.addi %mul3A_150, %add3A_151 : i32
          %swap3A_153 = arith.index_cast %add3A_152 : i32 to index
          %swap3A_154 = tpu.vector_load %arg16[%swap3A_153] {strides = array<i32>} : memref<49152xf32, #tpu.memory_space<vmem>>, vector<16xf32>,
          tpu.vector_store %arg16[%swap3A_153], %gather3A_148 {strides = array<i32>} : memref<49152xf32, #tpu.memory_space<vmem>>, vector<16xf32>,
          %add3A_155 = arith.constant 0 : i32
          %add3A_156 = vector.broadcast %add3A_155 : i32 to vector<16xi32>
          %add3A_157 = arith.addi %iota3A, %add3A_156 : vector<16xi32>
          %mul3A_158 = arith.constant 32 : i32
          %mul3A_159 = vector.broadcast %mul3A_158 : i32 to vector<16xi32>
          %mul3A_160 = arith.muli %broadcast_in_dim3A_86, %mul3A_159 : vector<16xi32>
          %add3A_161 = arith.addi %mul3A_160, %add3A_157 : vector<16xi32>
          %gather3A_162 = tpu.vector_load_idx %arg15[%add3A_161, %broadcast_in_dim3A] : memref<192x128xf32, #tpu.memory_space<vmem>>[vector<16xi32>, vector<16xi32>], vector<16xf32>,
          %mul3A_163 = arith.constant 96 : i32
          %mul3A_164 = arith.muli %while3A_81, %mul3A_163 : i32
          %add3A_165 = arith.constant 64 : i32
          %add3A_166 = arith.addi %mul3A_164, %add3A_165 : i32
          %add3A_167 = arith.constant 0 : i32
          %add3A_168 = arith.addi %add3A_166, %add3A_167 : i32
          %swap3A_169 = arith.index_cast %add3A_168 : i32 to index
          %swap3A_170 = tpu.vector_load %arg16[%swap3A_169] {strides = array<i32>} : memref<49152xf32, #tpu.memory_space<vmem>>, vector<16xf32>,
          tpu.vector_store %arg16[%swap3A_169], %gather3A_162 {strides = array<i32>} : memref<49152xf32, #tpu.memory_space<vmem>>, vector<16xf32>,
          %add3A_171 = arith.constant 16 : i32
          %add3A_172 = vector.broadcast %add3A_171 : i32 to vector<16xi32>
          %add3A_173 = arith.addi %iota3A, %add3A_172 : vector<16xi32>
          %mul3A_174 = arith.constant 32 : i32
          %mul3A_175 = vector.broadcast %mul3A_174 : i32 to vector<16xi32>
          %mul3A_176 = arith.muli %broadcast_in_dim3A_86, %mul3A_175 : vector<16xi32>
          %add3A_177 = arith.addi %mul3A_176, %add3A_173 : vector<16xi32>
          %gather3A_178 = tpu.vector_load_idx %arg15[%add3A_177, %broadcast_in_dim3A] : memref<192x128xf32, #tpu.memory_space<vmem>>[vector<16xi32>, vector<16xi32>], vector<16xf32>,
          %mul3A_179 = arith.constant 96 : i32
          %mul3A_180 = arith.muli %while3A_81, %mul3A_179 : i32
          %add3A_181 = arith.constant 64 : i32
          %add3A_182 = arith.addi %mul3A_180, %add3A_181 : i32
          %add3A_183 = arith.constant 16 : i32
          %add3A_184 = arith.addi %add3A_182, %add3A_183 : i32
          %swap3A_185 = arith.index_cast %add3A_184 : i32 to index
          %swap3A_186 = tpu.vector_load %arg16[%swap3A_185] {strides = array<i32>} : memref<49152xf32, #tpu.memory_space<vmem>>, vector<16xf32>,
          tpu.vector_store %arg16[%swap3A_185], %gather3A_178 {strides = array<i32>} : memref<49152xf32, #tpu.memory_space<vmem>>, vector<16xf32>,
        } else {
        }
        %eq3A = arith.constant 781 : i32
        %eq3A_96 = arith.cmpi eq, %shift_right_logical3A_90, %eq3A : i32
        %convert_element_type3A_97 = arith.extui %eq3A_96 : i1 to i32
        %cond3A_98 = arith.constant 0 : i32
        %cond3A_99 = arith.cmpi ne, %convert_element_type3A_97, %cond3A_98 : i32
        scf.if %cond3A_99 {
          %add3A_100 = arith.constant 0 : i32
          %add3A_101 = vector.broadcast %add3A_100 : i32 to vector<16xi32>
          %add3A_102 = arith.addi %iota3A, %add3A_101 : vector<16xi32>
          %mul3A_103 = arith.constant 64 : i32
          %mul3A_104 = vector.broadcast %mul3A_103 : i32 to vector<16xi32>
          %mul3A_105 = arith.muli %broadcast_in_dim3A, %mul3A_104 : vector<16xi32>
          %add3A_106 = arith.addi %mul3A_105, %add3A_102 : vector<16xi32>
          %gather3A = tpu.vector_load_idx %arg17[%add3A_106] : memref<4096xf32, #tpu.memory_space<vmem>>[vector<16xi32>], vector<16xf32>,
          %mul3A_107 = arith.constant 96 : i32
          %mul3A_108 = arith.muli %while3A_81, %mul3A_107 : i32
          %add3A_109 = arith.constant 0 : i32
          %add3A_110 = arith.addi %mul3A_108, %add3A_109 : i32
          %swap3A_111 = arith.index_cast %add3A_110 : i32 to index
          %swap3A_112 = tpu.vector_load %arg16[%swap3A_111] {strides = array<i32>} : memref<49152xf32, #tpu.memory_space<vmem>>, vector<16xf32>,
          tpu.vector_store %arg16[%swap3A_111], %gather3A {strides = array<i32>} : memref<49152xf32, #tpu.memory_space<vmem>>, vector<16xf32>,
          %add3A_113 = arith.constant 16 : i32
          %add3A_114 = vector.broadcast %add3A_113 : i32 to vector<16xi32>
          %add3A_115 = arith.addi %iota3A, %add3A_114 : vector<16xi32>
          %mul3A_116 = arith.constant 64 : i32
          %mul3A_117 = vector.broadcast %mul3A_116 : i32 to vector<16xi32>
          %mul3A_118 = arith.muli %broadcast_in_dim3A, %mul3A_117 : vector<16xi32>
          %add3A_119 = arith.addi %mul3A_118, %add3A_115 : vector<16xi32>
          %gather3A_120 = tpu.vector_load_idx %arg17[%add3A_119] : memref<4096xf32, #tpu.memory_space<vmem>>[vector<16xi32>], vector<16xf32>,
          %mul3A_121 = arith.constant 96 : i32
          %mul3A_122 = arith.muli %while3A_81, %mul3A_121 : i32
          %add3A_123 = arith.constant 16 : i32
          %add3A_124 = arith.addi %mul3A_122, %add3A_123 : i32
          %swap3A_125 = arith.index_cast %add3A_124 : i32 to index
          %swap3A_126 = tpu.vector_load %arg16[%swap3A_125] {strides = array<i32>} : memref<49152xf32, #tpu.memory_space<vmem>>, vector<16xf32>,
          tpu.vector_store %arg16[%swap3A_125], %gather3A_120 {strides = array<i32>} : memref<49152xf32, #tpu.memory_space<vmem>>, vector<16xf32>,
          %add3A_127 = arith.constant 32 : i32
          %add3A_128 = vector.broadcast %add3A_127 : i32 to vector<16xi32>
          %add3A_129 = arith.addi %iota3A, %add3A_128 : vector<16xi32>
          %mul3A_130 = arith.constant 64 : i32
          %mul3A_131 = vector.broadcast %mul3A_130 : i32 to vector<16xi32>
          %mul3A_132 = arith.muli %broadcast_in_dim3A, %mul3A_131 : vector<16xi32>
          %add3A_133 = arith.addi %mul3A_132, %add3A_129 : vector<16xi32>
          %gather3A_134 = tpu.vector_load_idx %arg17[%add3A_133] : memref<4096xf32, #tpu.memory_space<vmem>>[vector<16xi32>], vector<16xf32>,
          %mul3A_135 = arith.constant 96 : i32
          %mul3A_136 = arith.muli %while3A_81, %mul3A_135 : i32
          %add3A_137 = arith.constant 32 : i32
          %add3A_138 = arith.addi %mul3A_136, %add3A_137 : i32
          %swap3A_139 = arith.index_cast %add3A_138 : i32 to index
          %swap3A_140 = tpu.vector_load %arg16[%swap3A_139] {strides = array<i32>} : memref<49152xf32, #tpu.memory_space<vmem>>, vector<16xf32>,
          tpu.vector_store %arg16[%swap3A_139], %gather3A_134 {strides = array<i32>} : memref<49152xf32, #tpu.memory_space<vmem>>, vector<16xf32>,
          %add3A_141 = arith.constant 48 : i32
          %add3A_142 = vector.broadcast %add3A_141 : i32 to vector<16xi32>
          %add3A_143 = arith.addi %iota3A, %add3A_142 : vector<16xi32>
          %mul3A_144 = arith.constant 64 : i32
          %mul3A_145 = vector.broadcast %mul3A_144 : i32 to vector<16xi32>
          %mul3A_146 = arith.muli %broadcast_in_dim3A, %mul3A_145 : vector<16xi32>
          %add3A_147 = arith.addi %mul3A_146, %add3A_143 : vector<16xi32>
          %gather3A_148 = tpu.vector_load_idx %arg17[%add3A_147] : memref<4096xf32, #tpu.memory_space<vmem>>[vector<16xi32>], vector<16xf32>,
          %mul3A_149 = arith.constant 96 : i32
          %mul3A_150 = arith.muli %while3A_81, %mul3A_149 : i32
          %add3A_151 = arith.constant 48 : i32
          %add3A_152 = arith.addi %mul3A_150, %add3A_151 : i32
          %swap3A_153 = arith.index_cast %add3A_152 : i32 to index
          %swap3A_154 = tpu.vector_load %arg16[%swap3A_153] {strides = array<i32>} : memref<49152xf32, #tpu.memory_space<vmem>>, vector<16xf32>,
          tpu.vector_store %arg16[%swap3A_153], %gather3A_148 {strides = array<i32>} : memref<49152xf32, #tpu.memory_space<vmem>>, vector<16xf32>,
          %add3A_155 = arith.constant 0 : i32
          %add3A_156 = vector.broadcast %add3A_155 : i32 to vector<16xi32>
          %add3A_157 = arith.addi %iota3A, %add3A_156 : vector<16xi32>
          %mul3A_158 = arith.constant 32 : i32
          %mul3A_159 = vector.broadcast %mul3A_158 : i32 to vector<16xi32>
          %mul3A_160 = arith.muli %broadcast_in_dim3A, %mul3A_159 : vector<16xi32>
          %add3A_161 = arith.addi %mul3A_160, %add3A_157 : vector<16xi32>
          %gather3A_162 = tpu.vector_load_idx %arg18[%add3A_161] : memref<2048xf32, #tpu.memory_space<vmem>>[vector<16xi32>], vector<16xf32>,
          %mul3A_163 = arith.constant 96 : i32
          %mul3A_164 = arith.muli %while3A_81, %mul3A_163 : i32
          %add3A_165 = arith.constant 64 : i32
          %add3A_166 = arith.addi %mul3A_164, %add3A_165 : i32
          %add3A_167 = arith.constant 0 : i32
          %add3A_168 = arith.addi %add3A_166, %add3A_167 : i32
          %swap3A_169 = arith.index_cast %add3A_168 : i32 to index
          %swap3A_170 = tpu.vector_load %arg16[%swap3A_169] {strides = array<i32>} : memref<49152xf32, #tpu.memory_space<vmem>>, vector<16xf32>,
          tpu.vector_store %arg16[%swap3A_169], %gather3A_162 {strides = array<i32>} : memref<49152xf32, #tpu.memory_space<vmem>>, vector<16xf32>,
          %add3A_171 = arith.constant 16 : i32
          %add3A_172 = vector.broadcast %add3A_171 : i32 to vector<16xi32>
          %add3A_173 = arith.addi %iota3A, %add3A_172 : vector<16xi32>
          %mul3A_174 = arith.constant 32 : i32
          %mul3A_175 = vector.broadcast %mul3A_174 : i32 to vector<16xi32>
          %mul3A_176 = arith.muli %broadcast_in_dim3A, %mul3A_175 : vector<16xi32>
          %add3A_177 = arith.addi %mul3A_176, %add3A_173 : vector<16xi32>
          %gather3A_178 = tpu.vector_load_idx %arg18[%add3A_177] : memref<2048xf32, #tpu.memory_space<vmem>>[vector<16xi32>], vector<16xf32>,
          %mul3A_179 = arith.constant 96 : i32
          %mul3A_180 = arith.muli %while3A_81, %mul3A_179 : i32
          %add3A_181 = arith.constant 64 : i32
          %add3A_182 = arith.addi %mul3A_180, %add3A_181 : i32
          %add3A_183 = arith.constant 16 : i32
          %add3A_184 = arith.addi %add3A_182, %add3A_183 : i32
          %swap3A_185 = arith.index_cast %add3A_184 : i32 to index
          %swap3A_186 = tpu.vector_load %arg16[%swap3A_185] {strides = array<i32>} : memref<49152xf32, #tpu.memory_space<vmem>>, vector<16xf32>,
          tpu.vector_store %arg16[%swap3A_185], %gather3A_178 {strides = array<i32>} : memref<49152xf32, #tpu.memory_space<vmem>>, vector<16xf32>,
        } else {
        }
      }
      %while3A_80 = arith.constant 1 : i32
      scf.for %while3A_81 = %while3A_78 to %while3A_74 step %while3A_80  : i32 {
        %get3A_82 = arith.index_cast %while3A_81 : i32 to index
        %get3A_83 = memref.load %arg9[%get3A_82] : memref<512xi32, #tpu.memory_space<smem>>
        %rem3A_84 = arith.constant 128 : i32
        %rem3A_85 = arith.remsi %get3A_83, %rem3A_84 : i32
        %broadcast_in_dim3A = vector.broadcast %rem3A_85 : i32 to vector<16xi32>
        %broadcast_in_dim3A_86 = vector.broadcast %rem3A_51 : i32 to vector<16xi32>
        %get3A_87 = arith.index_cast %while3A_81 : i32 to index
        %get3A_88 = memref.load %arg9[%get3A_87] : memref<512xi32, #tpu.memory_space<smem>>
        %shift_right_logical3A_89 = arith.constant 7 : i32
        %shift_right_logical3A_90 = arith.shrui %get3A_88, %shift_right_logical3A_89 : i32
        %ne3A_91 = arith.constant 781 : i32
        %ne3A_92 = arith.cmpi ne, %shift_right_logical3A_90, %ne3A_91 : i32
        %convert_element_type3A_93 = arith.extui %ne3A_92 : i1 to i32
        %cond3A_94 = arith.constant 0 : i32
        %cond3A_95 = arith.cmpi ne, %convert_element_type3A_93, %cond3A_94 : i32
        scf.if %cond3A_95 {
          %add3A_100 = arith.constant 0 : i32
          %add3A_101 = vector.broadcast %add3A_100 : i32 to vector<16xi32>
          %add3A_102 = arith.addi %iota3A, %add3A_101 : vector<16xi32>
          %mul3A_103 = arith.constant 64 : i32
          %mul3A_104 = vector.broadcast %mul3A_103 : i32 to vector<16xi32>
          %mul3A_105 = arith.muli %broadcast_in_dim3A_86, %mul3A_104 : vector<16xi32>
          %add3A_106 = arith.addi %mul3A_105, %add3A_102 : vector<16xi32>
          %gather3A = tpu.vector_load_idx %arg14[%add3A_106, %broadcast_in_dim3A] : memref<384x128xf32, #tpu.memory_space<vmem>>[vector<16xi32>, vector<16xi32>], vector<16xf32>,
          %mul3A_107 = arith.constant 96 : i32
          %mul3A_108 = arith.muli %while3A_81, %mul3A_107 : i32
          %add3A_109 = arith.constant 0 : i32
          %add3A_110 = arith.addi %mul3A_108, %add3A_109 : i32
          %swap3A_111 = arith.index_cast %add3A_110 : i32 to index
          %swap3A_112 = tpu.vector_load %arg16[%swap3A_111] {strides = array<i32>} : memref<49152xf32, #tpu.memory_space<vmem>>, vector<16xf32>,
          tpu.vector_store %arg16[%swap3A_111], %gather3A {strides = array<i32>} : memref<49152xf32, #tpu.memory_space<vmem>>, vector<16xf32>,
          %add3A_113 = arith.constant 16 : i32
          %add3A_114 = vector.broadcast %add3A_113 : i32 to vector<16xi32>
          %add3A_115 = arith.addi %iota3A, %add3A_114 : vector<16xi32>
          %mul3A_116 = arith.constant 64 : i32
          %mul3A_117 = vector.broadcast %mul3A_116 : i32 to vector<16xi32>
          %mul3A_118 = arith.muli %broadcast_in_dim3A_86, %mul3A_117 : vector<16xi32>
          %add3A_119 = arith.addi %mul3A_118, %add3A_115 : vector<16xi32>
          %gather3A_120 = tpu.vector_load_idx %arg14[%add3A_119, %broadcast_in_dim3A] : memref<384x128xf32, #tpu.memory_space<vmem>>[vector<16xi32>, vector<16xi32>], vector<16xf32>,
          %mul3A_121 = arith.constant 96 : i32
          %mul3A_122 = arith.muli %while3A_81, %mul3A_121 : i32
          %add3A_123 = arith.constant 16 : i32
          %add3A_124 = arith.addi %mul3A_122, %add3A_123 : i32
          %swap3A_125 = arith.index_cast %add3A_124 : i32 to index
          %swap3A_126 = tpu.vector_load %arg16[%swap3A_125] {strides = array<i32>} : memref<49152xf32, #tpu.memory_space<vmem>>, vector<16xf32>,
          tpu.vector_store %arg16[%swap3A_125], %gather3A_120 {strides = array<i32>} : memref<49152xf32, #tpu.memory_space<vmem>>, vector<16xf32>,
          %add3A_127 = arith.constant 32 : i32
          %add3A_128 = vector.broadcast %add3A_127 : i32 to vector<16xi32>
          %add3A_129 = arith.addi %iota3A, %add3A_128 : vector<16xi32>
          %mul3A_130 = arith.constant 64 : i32
          %mul3A_131 = vector.broadcast %mul3A_130 : i32 to vector<16xi32>
          %mul3A_132 = arith.muli %broadcast_in_dim3A_86, %mul3A_131 : vector<16xi32>
          %add3A_133 = arith.addi %mul3A_132, %add3A_129 : vector<16xi32>
          %gather3A_134 = tpu.vector_load_idx %arg14[%add3A_133, %broadcast_in_dim3A] : memref<384x128xf32, #tpu.memory_space<vmem>>[vector<16xi32>, vector<16xi32>], vector<16xf32>,
          %mul3A_135 = arith.constant 96 : i32
          %mul3A_136 = arith.muli %while3A_81, %mul3A_135 : i32
          %add3A_137 = arith.constant 32 : i32
          %add3A_138 = arith.addi %mul3A_136, %add3A_137 : i32
          %swap3A_139 = arith.index_cast %add3A_138 : i32 to index
          %swap3A_140 = tpu.vector_load %arg16[%swap3A_139] {strides = array<i32>} : memref<49152xf32, #tpu.memory_space<vmem>>, vector<16xf32>,
          tpu.vector_store %arg16[%swap3A_139], %gather3A_134 {strides = array<i32>} : memref<49152xf32, #tpu.memory_space<vmem>>, vector<16xf32>,
          %add3A_141 = arith.constant 48 : i32
          %add3A_142 = vector.broadcast %add3A_141 : i32 to vector<16xi32>
          %add3A_143 = arith.addi %iota3A, %add3A_142 : vector<16xi32>
          %mul3A_144 = arith.constant 64 : i32
          %mul3A_145 = vector.broadcast %mul3A_144 : i32 to vector<16xi32>
          %mul3A_146 = arith.muli %broadcast_in_dim3A_86, %mul3A_145 : vector<16xi32>
          %add3A_147 = arith.addi %mul3A_146, %add3A_143 : vector<16xi32>
          %gather3A_148 = tpu.vector_load_idx %arg14[%add3A_147, %broadcast_in_dim3A] : memref<384x128xf32, #tpu.memory_space<vmem>>[vector<16xi32>, vector<16xi32>], vector<16xf32>,
          %mul3A_149 = arith.constant 96 : i32
          %mul3A_150 = arith.muli %while3A_81, %mul3A_149 : i32
          %add3A_151 = arith.constant 48 : i32
          %add3A_152 = arith.addi %mul3A_150, %add3A_151 : i32
          %swap3A_153 = arith.index_cast %add3A_152 : i32 to index
          %swap3A_154 = tpu.vector_load %arg16[%swap3A_153] {strides = array<i32>} : memref<49152xf32, #tpu.memory_space<vmem>>, vector<16xf32>,
          tpu.vector_store %arg16[%swap3A_153], %gather3A_148 {strides = array<i32>} : memref<49152xf32, #tpu.memory_space<vmem>>, vector<16xf32>,
          %add3A_155 = arith.constant 0 : i32
          %add3A_156 = vector.broadcast %add3A_155 : i32 to vector<16xi32>
          %add3A_157 = arith.addi %iota3A, %add3A_156 : vector<16xi32>
          %mul3A_158 = arith.constant 32 : i32
          %mul3A_159 = vector.broadcast %mul3A_158 : i32 to vector<16xi32>
          %mul3A_160 = arith.muli %broadcast_in_dim3A_86, %mul3A_159 : vector<16xi32>
          %add3A_161 = arith.addi %mul3A_160, %add3A_157 : vector<16xi32>
          %gather3A_162 = tpu.vector_load_idx %arg15[%add3A_161, %broadcast_in_dim3A] : memref<192x128xf32, #tpu.memory_space<vmem>>[vector<16xi32>, vector<16xi32>], vector<16xf32>,
          %mul3A_163 = arith.constant 96 : i32
          %mul3A_164 = arith.muli %while3A_81, %mul3A_163 : i32
          %add3A_165 = arith.constant 64 : i32
          %add3A_166 = arith.addi %mul3A_164, %add3A_165 : i32
          %add3A_167 = arith.constant 0 : i32
          %add3A_168 = arith.addi %add3A_166, %add3A_167 : i32
          %swap3A_169 = arith.index_cast %add3A_168 : i32 to index
          %swap3A_170 = tpu.vector_load %arg16[%swap3A_169] {strides = array<i32>} : memref<49152xf32, #tpu.memory_space<vmem>>, vector<16xf32>,
          tpu.vector_store %arg16[%swap3A_169], %gather3A_162 {strides = array<i32>} : memref<49152xf32, #tpu.memory_space<vmem>>, vector<16xf32>,
          %add3A_171 = arith.constant 16 : i32
          %add3A_172 = vector.broadcast %add3A_171 : i32 to vector<16xi32>
          %add3A_173 = arith.addi %iota3A, %add3A_172 : vector<16xi32>
          %mul3A_174 = arith.constant 32 : i32
          %mul3A_175 = vector.broadcast %mul3A_174 : i32 to vector<16xi32>
          %mul3A_176 = arith.muli %broadcast_in_dim3A_86, %mul3A_175 : vector<16xi32>
          %add3A_177 = arith.addi %mul3A_176, %add3A_173 : vector<16xi32>
          %gather3A_178 = tpu.vector_load_idx %arg15[%add3A_177, %broadcast_in_dim3A] : memref<192x128xf32, #tpu.memory_space<vmem>>[vector<16xi32>, vector<16xi32>], vector<16xf32>,
          %mul3A_179 = arith.constant 96 : i32
          %mul3A_180 = arith.muli %while3A_81, %mul3A_179 : i32
          %add3A_181 = arith.constant 64 : i32
          %add3A_182 = arith.addi %mul3A_180, %add3A_181 : i32
          %add3A_183 = arith.constant 16 : i32
          %add3A_184 = arith.addi %add3A_182, %add3A_183 : i32
          %swap3A_185 = arith.index_cast %add3A_184 : i32 to index
          %swap3A_186 = tpu.vector_load %arg16[%swap3A_185] {strides = array<i32>} : memref<49152xf32, #tpu.memory_space<vmem>>, vector<16xf32>,
          tpu.vector_store %arg16[%swap3A_185], %gather3A_178 {strides = array<i32>} : memref<49152xf32, #tpu.memory_space<vmem>>, vector<16xf32>,
        } else {
        }
        %eq3A = arith.constant 781 : i32
        %eq3A_96 = arith.cmpi eq, %shift_right_logical3A_90, %eq3A : i32
        %convert_element_type3A_97 = arith.extui %eq3A_96 : i1 to i32
        %cond3A_98 = arith.constant 0 : i32
        %cond3A_99 = arith.cmpi ne, %convert_element_type3A_97, %cond3A_98 : i32
        scf.if %cond3A_99 {
          %add3A_100 = arith.constant 0 : i32
          %add3A_101 = vector.broadcast %add3A_100 : i32 to vector<16xi32>
          %add3A_102 = arith.addi %iota3A, %add3A_101 : vector<16xi32>
          %mul3A_103 = arith.constant 64 : i32
          %mul3A_104 = vector.broadcast %mul3A_103 : i32 to vector<16xi32>
          %mul3A_105 = arith.muli %broadcast_in_dim3A, %mul3A_104 : vector<16xi32>
          %add3A_106 = arith.addi %mul3A_105, %add3A_102 : vector<16xi32>
          %gather3A = tpu.vector_load_idx %arg17[%add3A_106] : memref<4096xf32, #tpu.memory_space<vmem>>[vector<16xi32>], vector<16xf32>,
          %mul3A_107 = arith.constant 96 : i32
          %mul3A_108 = arith.muli %while3A_81, %mul3A_107 : i32
          %add3A_109 = arith.constant 0 : i32
          %add3A_110 = arith.addi %mul3A_108, %add3A_109 : i32
          %swap3A_111 = arith.index_cast %add3A_110 : i32 to index
          %swap3A_112 = tpu.vector_load %arg16[%swap3A_111] {strides = array<i32>} : memref<49152xf32, #tpu.memory_space<vmem>>, vector<16xf32>,
          tpu.vector_store %arg16[%swap3A_111], %gather3A {strides = array<i32>} : memref<49152xf32, #tpu.memory_space<vmem>>, vector<16xf32>,
          %add3A_113 = arith.constant 16 : i32
          %add3A_114 = vector.broadcast %add3A_113 : i32 to vector<16xi32>
          %add3A_115 = arith.addi %iota3A, %add3A_114 : vector<16xi32>
          %mul3A_116 = arith.constant 64 : i32
          %mul3A_117 = vector.broadcast %mul3A_116 : i32 to vector<16xi32>
          %mul3A_118 = arith.muli %broadcast_in_dim3A, %mul3A_117 : vector<16xi32>
          %add3A_119 = arith.addi %mul3A_118, %add3A_115 : vector<16xi32>
          %gather3A_120 = tpu.vector_load_idx %arg17[%add3A_119] : memref<4096xf32, #tpu.memory_space<vmem>>[vector<16xi32>], vector<16xf32>,
          %mul3A_121 = arith.constant 96 : i32
          %mul3A_122 = arith.muli %while3A_81, %mul3A_121 : i32
          %add3A_123 = arith.constant 16 : i32
          %add3A_124 = arith.addi %mul3A_122, %add3A_123 : i32
          %swap3A_125 = arith.index_cast %add3A_124 : i32 to index
          %swap3A_126 = tpu.vector_load %arg16[%swap3A_125] {strides = array<i32>} : memref<49152xf32, #tpu.memory_space<vmem>>, vector<16xf32>,
          tpu.vector_store %arg16[%swap3A_125], %gather3A_120 {strides = array<i32>} : memref<49152xf32, #tpu.memory_space<vmem>>, vector<16xf32>,
          %add3A_127 = arith.constant 32 : i32
          %add3A_128 = vector.broadcast %add3A_127 : i32 to vector<16xi32>
          %add3A_129 = arith.addi %iota3A, %add3A_128 : vector<16xi32>
          %mul3A_130 = arith.constant 64 : i32
          %mul3A_131 = vector.broadcast %mul3A_130 : i32 to vector<16xi32>
          %mul3A_132 = arith.muli %broadcast_in_dim3A, %mul3A_131 : vector<16xi32>
          %add3A_133 = arith.addi %mul3A_132, %add3A_129 : vector<16xi32>
          %gather3A_134 = tpu.vector_load_idx %arg17[%add3A_133] : memref<4096xf32, #tpu.memory_space<vmem>>[vector<16xi32>], vector<16xf32>,
          %mul3A_135 = arith.constant 96 : i32
          %mul3A_136 = arith.muli %while3A_81, %mul3A_135 : i32
          %add3A_137 = arith.constant 32 : i32
          %add3A_138 = arith.addi %mul3A_136, %add3A_137 : i32
          %swap3A_139 = arith.index_cast %add3A_138 : i32 to index
          %swap3A_140 = tpu.vector_load %arg16[%swap3A_139] {strides = array<i32>} : memref<49152xf32, #tpu.memory_space<vmem>>, vector<16xf32>,
          tpu.vector_store %arg16[%swap3A_139], %gather3A_134 {strides = array<i32>} : memref<49152xf32, #tpu.memory_space<vmem>>, vector<16xf32>,
          %add3A_141 = arith.constant 48 : i32
          %add3A_142 = vector.broadcast %add3A_141 : i32 to vector<16xi32>
          %add3A_143 = arith.addi %iota3A, %add3A_142 : vector<16xi32>
          %mul3A_144 = arith.constant 64 : i32
          %mul3A_145 = vector.broadcast %mul3A_144 : i32 to vector<16xi32>
          %mul3A_146 = arith.muli %broadcast_in_dim3A, %mul3A_145 : vector<16xi32>
          %add3A_147 = arith.addi %mul3A_146, %add3A_143 : vector<16xi32>
          %gather3A_148 = tpu.vector_load_idx %arg17[%add3A_147] : memref<4096xf32, #tpu.memory_space<vmem>>[vector<16xi32>], vector<16xf32>,
          %mul3A_149 = arith.constant 96 : i32
          %mul3A_150 = arith.muli %while3A_81, %mul3A_149 : i32
          %add3A_151 = arith.constant 48 : i32
          %add3A_152 = arith.addi %mul3A_150, %add3A_151 : i32
          %swap3A_153 = arith.index_cast %add3A_152 : i32 to index
          %swap3A_154 = tpu.vector_load %arg16[%swap3A_153] {strides = array<i32>} : memref<49152xf32, #tpu.memory_space<vmem>>, vector<16xf32>,
          tpu.vector_store %arg16[%swap3A_153], %gather3A_148 {strides = array<i32>} : memref<49152xf32, #tpu.memory_space<vmem>>, vector<16xf32>,
          %add3A_155 = arith.constant 0 : i32
          %add3A_156 = vector.broadcast %add3A_155 : i32 to vector<16xi32>
          %add3A_157 = arith.addi %iota3A, %add3A_156 : vector<16xi32>
          %mul3A_158 = arith.constant 32 : i32
          %mul3A_159 = vector.broadcast %mul3A_158 : i32 to vector<16xi32>
          %mul3A_160 = arith.muli %broadcast_in_dim3A, %mul3A_159 : vector<16xi32>
          %add3A_161 = arith.addi %mul3A_160, %add3A_157 : vector<16xi32>
          %gather3A_162 = tpu.vector_load_idx %arg18[%add3A_161] : memref<2048xf32, #tpu.memory_space<vmem>>[vector<16xi32>], vector<16xf32>,
          %mul3A_163 = arith.constant 96 : i32
          %mul3A_164 = arith.muli %while3A_81, %mul3A_163 : i32
          %add3A_165 = arith.constant 64 : i32
          %add3A_166 = arith.addi %mul3A_164, %add3A_165 : i32
          %add3A_167 = arith.constant 0 : i32
          %add3A_168 = arith.addi %add3A_166, %add3A_167 : i32
          %swap3A_169 = arith.index_cast %add3A_168 : i32 to index
          %swap3A_170 = tpu.vector_load %arg16[%swap3A_169] {strides = array<i32>} : memref<49152xf32, #tpu.memory_space<vmem>>, vector<16xf32>,
          tpu.vector_store %arg16[%swap3A_169], %gather3A_162 {strides = array<i32>} : memref<49152xf32, #tpu.memory_space<vmem>>, vector<16xf32>,
          %add3A_171 = arith.constant 16 : i32
          %add3A_172 = vector.broadcast %add3A_171 : i32 to vector<16xi32>
          %add3A_173 = arith.addi %iota3A, %add3A_172 : vector<16xi32>
          %mul3A_174 = arith.constant 32 : i32
          %mul3A_175 = vector.broadcast %mul3A_174 : i32 to vector<16xi32>
          %mul3A_176 = arith.muli %broadcast_in_dim3A, %mul3A_175 : vector<16xi32>
          %add3A_177 = arith.addi %mul3A_176, %add3A_173 : vector<16xi32>
          %gather3A_178 = tpu.vector_load_idx %arg18[%add3A_177] : memref<2048xf32, #tpu.memory_space<vmem>>[vector<16xi32>], vector<16xf32>,
          %mul3A_179 = arith.constant 96 : i32
          %mul3A_180 = arith.muli %while3A_81, %mul3A_179 : i32
          %add3A_181 = arith.constant 64 : i32
          %add3A_182 = arith.addi %mul3A_180, %add3A_181 : i32
          %add3A_183 = arith.constant 16 : i32
          %add3A_184 = arith.addi %add3A_182, %add3A_183 : i32
          %swap3A_185 = arith.index_cast %add3A_184 : i32 to index
          %swap3A_186 = tpu.vector_load %arg16[%swap3A_185] {strides = array<i32>} : memref<49152xf32, #tpu.memory_space<vmem>>, vector<16xf32>,
          tpu.vector_store %arg16[%swap3A_185], %gather3A_178 {strides = array<i32>} : memref<49152xf32, #tpu.memory_space<vmem>>, vector<16xf32>,
        } else {
        }
      }
    }
    %while3A_43 = arith.constant 1 : i32
    scf.for %while3A_50 = %while3A_41 to %while3A_37 step %while3A_43  : i32 {
      %rem3A = arith.constant 6 : i32
      %rem3A_51 = arith.remsi %while3A_50, %rem3A : i32
      %get3A_52 = arith.index_cast %while3A_50 : i32 to index
      %get3A_53 = memref.load %arg11[%get3A_52] : memref<514xi32, #tpu.memory_space<smem>>
      %get3A_54 = arith.index_cast %get3A_53 : i32 to index
      %get3A_55 = memref.load %arg9[%get3A_54] : memref<512xi32, #tpu.memory_space<smem>>
      %shift_right_logical3A_56 = arith.constant 7 : i32
      %shift_right_logical3A_57 = arith.shrui %get3A_55, %shift_right_logical3A_56 : i32
      %ne3A = arith.constant 781 : i32
      %ne3A_58 = arith.cmpi ne, %shift_right_logical3A_57, %ne3A : i32
      %convert_element_type3A = arith.extui %ne3A_58 : i1 to i32
      %cond3A = arith.constant 0 : i32
      %cond3A_59 = arith.cmpi ne, %convert_element_type3A, %cond3A : i32
      scf.if %cond3A_59 {
        %mul3A_81 = arith.constant 128 : i32
        %mul3A_82 = arith.muli %shift_right_logical3A_57, %mul3A_81 : i32
        %mul3A_83 = arith.constant 64 : i32
        %mul3A_84 = arith.muli %rem3A_51, %mul3A_83 : i32
        %mul3A_85 = arith.constant 32 : i32
        %mul3A_86 = arith.muli %rem3A_51, %mul3A_85 : i32
        %dma_wait3A = arith.constant 0 : i32
        %dma_wait3A_87 = tpu.memref_slice %arg14[%mul3A_84, %dma_wait3A] : memref<384x128xf32, #tpu.memory_space<vmem>> -> memref<64x128xf32, #tpu.memory_space<vmem>>
        %dma_wait3A_88 = arith.constant 0 : i32
        %dma_wait3A_89 = tpu.memref_slice %arg4[%dma_wait3A_88, %mul3A_82] : memref<64x100000xf32, #tpu.memory_space<hbm>> -> memref<64x128xf32, #tpu.memory_space<hbm>>
        %dma_wait3A_90 = arith.constant 0 : i32
        %dma_wait3A_91 = tpu.memref_slice %arg14[%mul3A_84, %dma_wait3A_90] : memref<384x128xf32, #tpu.memory_space<vmem>> -> memref<64x128xf32, #tpu.memory_space<vmem>>
        %dma_wait3A_92 = arith.constant 0 : i32
        %dma_wait3A_93 = tpu.memref_slice %arg4[%dma_wait3A_92, %mul3A_82] : memref<64x100000xf32, #tpu.memory_space<hbm>> -> memref<64x128xf32, #tpu.memory_space<hbm>>
        tpu.wait_dma2 semaphore(%arg19 : memref<!tpu.dma_semaphore, #tpu.memory_space<semaphore_mem>>) src(%dma_wait3A_93 : memref<64x128xf32, #tpu.memory_space<hbm>>) dst(%dma_wait3A_91 : memref<64x128xf32, #tpu.memory_space<vmem>>)
        %dma_wait3A_94 = arith.constant 0 : i32
        %dma_wait3A_95 = tpu.memref_slice %arg15[%mul3A_86, %dma_wait3A_94] : memref<192x128xf32, #tpu.memory_space<vmem>> -> memref<32x128xf32, #tpu.memory_space<vmem>>
        %dma_wait3A_96 = arith.constant 0 : i32
        %dma_wait3A_97 = tpu.memref_slice %arg5[%dma_wait3A_96, %mul3A_82] : memref<32x100000xf32, #tpu.memory_space<hbm>> -> memref<32x128xf32, #tpu.memory_space<hbm>>
        %dma_wait3A_98 = arith.constant 0 : i32
        %dma_wait3A_99 = tpu.memref_slice %arg15[%mul3A_86, %dma_wait3A_98] : memref<192x128xf32, #tpu.memory_space<vmem>> -> memref<32x128xf32, #tpu.memory_space<vmem>>
        %dma_wait3A_100 = arith.constant 0 : i32
        %dma_wait3A_101 = tpu.memref_slice %arg5[%dma_wait3A_100, %mul3A_82] : memref<32x100000xf32, #tpu.memory_space<hbm>> -> memref<32x128xf32, #tpu.memory_space<hbm>>
        tpu.wait_dma2 semaphore(%arg20 : memref<!tpu.dma_semaphore, #tpu.memory_space<semaphore_mem>>) src(%dma_wait3A_101 : memref<32x128xf32, #tpu.memory_space<hbm>>) dst(%dma_wait3A_99 : memref<32x128xf32, #tpu.memory_space<vmem>>)
      } else {
      }
      %add3A_60 = arith.constant 6 : i32
      %add3A_61 = arith.addi %while3A_50, %add3A_60 : i32
      %sub3A = arith.constant 1 : i32
      %sub3A_62 = arith.subi %add3A_61, %sub3A : i32
      %lt3A = arith.cmpi slt, %sub3A_62, %scan3A_19#0 : i32
      %convert_element_type3A_63 = arith.extui %lt3A : i1 to i32
      %cond3A_64 = arith.constant 0 : i32
      %cond3A_65 = arith.cmpi ne, %convert_element_type3A_63, %cond3A_64 : i32
      scf.if %cond3A_65 {
        %add3A_81 = arith.constant 6 : i32
        %add3A_82 = arith.addi %while3A_50, %add3A_81 : i32
        %sub3A_83 = arith.constant 1 : i32
        %sub3A_84 = arith.subi %add3A_82, %sub3A_83 : i32
        %get3A_85 = arith.index_cast %sub3A_84 : i32 to index
        %get3A_86 = memref.load %arg11[%get3A_85] : memref<514xi32, #tpu.memory_space<smem>>
        %get3A_87 = arith.index_cast %get3A_86 : i32 to index
        %get3A_88 = memref.load %arg9[%get3A_87] : memref<512xi32, #tpu.memory_space<smem>>
        %shift_right_logical3A_89 = arith.constant 7 : i32
        %shift_right_logical3A_90 = arith.shrui %get3A_88, %shift_right_logical3A_89 : i32
        %ne3A_91 = arith.constant 781 : i32
        %ne3A_92 = arith.cmpi ne, %shift_right_logical3A_90, %ne3A_91 : i32
        %convert_element_type3A_93 = arith.extui %ne3A_92 : i1 to i32
        %cond3A_94 = arith.constant 0 : i32
        %cond3A_95 = arith.cmpi ne, %convert_element_type3A_93, %cond3A_94 : i32
        scf.if %cond3A_95 {
          %rem3A_96 = arith.constant 6 : i32
          %rem3A_97 = arith.remsi %sub3A_84, %rem3A_96 : i32
          %mul3A_98 = arith.constant 128 : i32
          %mul3A_99 = arith.muli %shift_right_logical3A_90, %mul3A_98 : i32
          %mul3A_100 = arith.constant 64 : i32
          %mul3A_101 = arith.muli %rem3A_97, %mul3A_100 : i32
          %mul3A_102 = arith.constant 32 : i32
          %mul3A_103 = arith.muli %rem3A_97, %mul3A_102 : i32
          %dma_start3A = arith.constant 0 : i32
          %dma_start3A_104 = tpu.memref_slice %arg14[%mul3A_101, %dma_start3A] : memref<384x128xf32, #tpu.memory_space<vmem>> -> memref<64x128xf32, #tpu.memory_space<vmem>>
          %dma_start3A_105 = arith.constant 0 : i32
          %dma_start3A_106 = tpu.memref_slice %arg4[%dma_start3A_105, %mul3A_99] : memref<64x100000xf32, #tpu.memory_space<hbm>> -> memref<64x128xf32, #tpu.memory_space<hbm>>
          %dma_start3A_107 = arith.constant 0 : i32
          %dma_start3A_108 = tpu.memref_slice %arg14[%mul3A_101, %dma_start3A_107] : memref<384x128xf32, #tpu.memory_space<vmem>> -> memref<64x128xf32, #tpu.memory_space<vmem>>
          %dma_start3A_109 = arith.constant 0 : i32
          %dma_start3A_110 = tpu.memref_slice %arg4[%dma_start3A_109, %mul3A_99] : memref<64x100000xf32, #tpu.memory_space<hbm>> -> memref<64x128xf32, #tpu.memory_space<hbm>>
          tpu.enqueue_dma source(%dma_start3A_110 : memref<64x128xf32, #tpu.memory_space<hbm>>) target(%dma_start3A_108 : memref<64x128xf32, #tpu.memory_space<vmem>>) target_semaphore(%arg19 : memref<!tpu.dma_semaphore, #tpu.memory_space<semaphore_mem>>)
          %dma_start3A_111 = arith.constant 0 : i32
          %dma_start3A_112 = tpu.memref_slice %arg15[%mul3A_103, %dma_start3A_111] : memref<192x128xf32, #tpu.memory_space<vmem>> -> memref<32x128xf32, #tpu.memory_space<vmem>>
          %dma_start3A_113 = arith.constant 0 : i32
          %dma_start3A_114 = tpu.memref_slice %arg5[%dma_start3A_113, %mul3A_99] : memref<32x100000xf32, #tpu.memory_space<hbm>> -> memref<32x128xf32, #tpu.memory_space<hbm>>
          %dma_start3A_115 = arith.constant 0 : i32
          %dma_start3A_116 = tpu.memref_slice %arg15[%mul3A_103, %dma_start3A_115] : memref<192x128xf32, #tpu.memory_space<vmem>> -> memref<32x128xf32, #tpu.memory_space<vmem>>
          %dma_start3A_117 = arith.constant 0 : i32
          %dma_start3A_118 = tpu.memref_slice %arg5[%dma_start3A_117, %mul3A_99] : memref<32x100000xf32, #tpu.memory_space<hbm>> -> memref<32x128xf32, #tpu.memory_space<hbm>>
          tpu.enqueue_dma source(%dma_start3A_118 : memref<32x128xf32, #tpu.memory_space<hbm>>) target(%dma_start3A_116 : memref<32x128xf32, #tpu.memory_space<vmem>>) target_semaphore(%arg20 : memref<!tpu.dma_semaphore, #tpu.memory_space<semaphore_mem>>)
        } else {
        }
      } else {
      }
      %get3A_66 = arith.index_cast %while3A_50 : i32 to index
      %get3A_67 = memref.load %arg11[%get3A_66] : memref<514xi32, #tpu.memory_space<smem>>
      %add3A_68 = arith.constant 1 : i32
      %add3A_69 = arith.addi %while3A_50, %add3A_68 : i32
      %get3A_70 = arith.index_cast %add3A_69 : i32 to index
      %get3A_71 = memref.load %arg11[%get3A_70] : memref<514xi32, #tpu.memory_space<smem>>
      %while3A_72 = arith.constant 0 : i32
      %while3A_73 = arith.subi %get3A_71, %get3A_67 : i32
      %while3A_74 = arith.addi %get3A_67, %while3A_73 : i32
      %while3A_75 = arith.constant 1 : i32
      %while3A_76 = arith.divsi %while3A_73, %while3A_75 : i32
      %while3A_77 = arith.muli %while3A_76, %while3A_75 : i32
      %while3A_78 = arith.addi %get3A_67, %while3A_77 : i32
      %while3A_79 = arith.constant 1 : i32
      scf.for %while3A_81 = %get3A_67 to %while3A_78 step %while3A_79  : i32 {
        %get3A_82 = arith.index_cast %while3A_81 : i32 to index
        %get3A_83 = memref.load %arg9[%get3A_82] : memref<512xi32, #tpu.memory_space<smem>>
        %rem3A_84 = arith.constant 128 : i32
        %rem3A_85 = arith.remsi %get3A_83, %rem3A_84 : i32
        %broadcast_in_dim3A = vector.broadcast %rem3A_85 : i32 to vector<16xi32>
        %broadcast_in_dim3A_86 = vector.broadcast %rem3A_51 : i32 to vector<16xi32>
        %get3A_87 = arith.index_cast %while3A_81 : i32 to index
        %get3A_88 = memref.load %arg9[%get3A_87] : memref<512xi32, #tpu.memory_space<smem>>
        %shift_right_logical3A_89 = arith.constant 7 : i32
        %shift_right_logical3A_90 = arith.shrui %get3A_88, %shift_right_logical3A_89 : i32
        %ne3A_91 = arith.constant 781 : i32
        %ne3A_92 = arith.cmpi ne, %shift_right_logical3A_90, %ne3A_91 : i32
        %convert_element_type3A_93 = arith.extui %ne3A_92 : i1 to i32
        %cond3A_94 = arith.constant 0 : i32
        %cond3A_95 = arith.cmpi ne, %convert_element_type3A_93, %cond3A_94 : i32
        scf.if %cond3A_95 {
          %add3A_100 = arith.constant 0 : i32
          %add3A_101 = vector.broadcast %add3A_100 : i32 to vector<16xi32>
          %add3A_102 = arith.addi %iota3A, %add3A_101 : vector<16xi32>
          %mul3A_103 = arith.constant 64 : i32
          %mul3A_104 = vector.broadcast %mul3A_103 : i32 to vector<16xi32>
          %mul3A_105 = arith.muli %broadcast_in_dim3A_86, %mul3A_104 : vector<16xi32>
          %add3A_106 = arith.addi %mul3A_105, %add3A_102 : vector<16xi32>
          %gather3A = tpu.vector_load_idx %arg14[%add3A_106, %broadcast_in_dim3A] : memref<384x128xf32, #tpu.memory_space<vmem>>[vector<16xi32>, vector<16xi32>], vector<16xf32>,
          %mul3A_107 = arith.constant 96 : i32
          %mul3A_108 = arith.muli %while3A_81, %mul3A_107 : i32
          %add3A_109 = arith.constant 0 : i32
          %add3A_110 = arith.addi %mul3A_108, %add3A_109 : i32
          %swap3A_111 = arith.index_cast %add3A_110 : i32 to index
          %swap3A_112 = tpu.vector_load %arg16[%swap3A_111] {strides = array<i32>} : memref<49152xf32, #tpu.memory_space<vmem>>, vector<16xf32>,
          tpu.vector_store %arg16[%swap3A_111], %gather3A {strides = array<i32>} : memref<49152xf32, #tpu.memory_space<vmem>>, vector<16xf32>,
          %add3A_113 = arith.constant 16 : i32
          %add3A_114 = vector.broadcast %add3A_113 : i32 to vector<16xi32>
          %add3A_115 = arith.addi %iota3A, %add3A_114 : vector<16xi32>
          %mul3A_116 = arith.constant 64 : i32
          %mul3A_117 = vector.broadcast %mul3A_116 : i32 to vector<16xi32>
          %mul3A_118 = arith.muli %broadcast_in_dim3A_86, %mul3A_117 : vector<16xi32>
          %add3A_119 = arith.addi %mul3A_118, %add3A_115 : vector<16xi32>
          %gather3A_120 = tpu.vector_load_idx %arg14[%add3A_119, %broadcast_in_dim3A] : memref<384x128xf32, #tpu.memory_space<vmem>>[vector<16xi32>, vector<16xi32>], vector<16xf32>,
          %mul3A_121 = arith.constant 96 : i32
          %mul3A_122 = arith.muli %while3A_81, %mul3A_121 : i32
          %add3A_123 = arith.constant 16 : i32
          %add3A_124 = arith.addi %mul3A_122, %add3A_123 : i32
          %swap3A_125 = arith.index_cast %add3A_124 : i32 to index
          %swap3A_126 = tpu.vector_load %arg16[%swap3A_125] {strides = array<i32>} : memref<49152xf32, #tpu.memory_space<vmem>>, vector<16xf32>,
          tpu.vector_store %arg16[%swap3A_125], %gather3A_120 {strides = array<i32>} : memref<49152xf32, #tpu.memory_space<vmem>>, vector<16xf32>,
          %add3A_127 = arith.constant 32 : i32
          %add3A_128 = vector.broadcast %add3A_127 : i32 to vector<16xi32>
          %add3A_129 = arith.addi %iota3A, %add3A_128 : vector<16xi32>
          %mul3A_130 = arith.constant 64 : i32
          %mul3A_131 = vector.broadcast %mul3A_130 : i32 to vector<16xi32>
          %mul3A_132 = arith.muli %broadcast_in_dim3A_86, %mul3A_131 : vector<16xi32>
          %add3A_133 = arith.addi %mul3A_132, %add3A_129 : vector<16xi32>
          %gather3A_134 = tpu.vector_load_idx %arg14[%add3A_133, %broadcast_in_dim3A] : memref<384x128xf32, #tpu.memory_space<vmem>>[vector<16xi32>, vector<16xi32>], vector<16xf32>,
          %mul3A_135 = arith.constant 96 : i32
          %mul3A_136 = arith.muli %while3A_81, %mul3A_135 : i32
          %add3A_137 = arith.constant 32 : i32
          %add3A_138 = arith.addi %mul3A_136, %add3A_137 : i32
          %swap3A_139 = arith.index_cast %add3A_138 : i32 to index
          %swap3A_140 = tpu.vector_load %arg16[%swap3A_139] {strides = array<i32>} : memref<49152xf32, #tpu.memory_space<vmem>>, vector<16xf32>,
          tpu.vector_store %arg16[%swap3A_139], %gather3A_134 {strides = array<i32>} : memref<49152xf32, #tpu.memory_space<vmem>>, vector<16xf32>,
          %add3A_141 = arith.constant 48 : i32
          %add3A_142 = vector.broadcast %add3A_141 : i32 to vector<16xi32>
          %add3A_143 = arith.addi %iota3A, %add3A_142 : vector<16xi32>
          %mul3A_144 = arith.constant 64 : i32
          %mul3A_145 = vector.broadcast %mul3A_144 : i32 to vector<16xi32>
          %mul3A_146 = arith.muli %broadcast_in_dim3A_86, %mul3A_145 : vector<16xi32>
          %add3A_147 = arith.addi %mul3A_146, %add3A_143 : vector<16xi32>
          %gather3A_148 = tpu.vector_load_idx %arg14[%add3A_147, %broadcast_in_dim3A] : memref<384x128xf32, #tpu.memory_space<vmem>>[vector<16xi32>, vector<16xi32>], vector<16xf32>,
          %mul3A_149 = arith.constant 96 : i32
          %mul3A_150 = arith.muli %while3A_81, %mul3A_149 : i32
          %add3A_151 = arith.constant 48 : i32
          %add3A_152 = arith.addi %mul3A_150, %add3A_151 : i32
          %swap3A_153 = arith.index_cast %add3A_152 : i32 to index
          %swap3A_154 = tpu.vector_load %arg16[%swap3A_153] {strides = array<i32>} : memref<49152xf32, #tpu.memory_space<vmem>>, vector<16xf32>,
          tpu.vector_store %arg16[%swap3A_153], %gather3A_148 {strides = array<i32>} : memref<49152xf32, #tpu.memory_space<vmem>>, vector<16xf32>,
          %add3A_155 = arith.constant 0 : i32
          %add3A_156 = vector.broadcast %add3A_155 : i32 to vector<16xi32>
          %add3A_157 = arith.addi %iota3A, %add3A_156 : vector<16xi32>
          %mul3A_158 = arith.constant 32 : i32
          %mul3A_159 = vector.broadcast %mul3A_158 : i32 to vector<16xi32>
          %mul3A_160 = arith.muli %broadcast_in_dim3A_86, %mul3A_159 : vector<16xi32>
          %add3A_161 = arith.addi %mul3A_160, %add3A_157 : vector<16xi32>
          %gather3A_162 = tpu.vector_load_idx %arg15[%add3A_161, %broadcast_in_dim3A] : memref<192x128xf32, #tpu.memory_space<vmem>>[vector<16xi32>, vector<16xi32>], vector<16xf32>,
          %mul3A_163 = arith.constant 96 : i32
          %mul3A_164 = arith.muli %while3A_81, %mul3A_163 : i32
          %add3A_165 = arith.constant 64 : i32
          %add3A_166 = arith.addi %mul3A_164, %add3A_165 : i32
          %add3A_167 = arith.constant 0 : i32
          %add3A_168 = arith.addi %add3A_166, %add3A_167 : i32
          %swap3A_169 = arith.index_cast %add3A_168 : i32 to index
          %swap3A_170 = tpu.vector_load %arg16[%swap3A_169] {strides = array<i32>} : memref<49152xf32, #tpu.memory_space<vmem>>, vector<16xf32>,
          tpu.vector_store %arg16[%swap3A_169], %gather3A_162 {strides = array<i32>} : memref<49152xf32, #tpu.memory_space<vmem>>, vector<16xf32>,
          %add3A_171 = arith.constant 16 : i32
          %add3A_172 = vector.broadcast %add3A_171 : i32 to vector<16xi32>
          %add3A_173 = arith.addi %iota3A, %add3A_172 : vector<16xi32>
          %mul3A_174 = arith.constant 32 : i32
          %mul3A_175 = vector.broadcast %mul3A_174 : i32 to vector<16xi32>
          %mul3A_176 = arith.muli %broadcast_in_dim3A_86, %mul3A_175 : vector<16xi32>
          %add3A_177 = arith.addi %mul3A_176, %add3A_173 : vector<16xi32>
          %gather3A_178 = tpu.vector_load_idx %arg15[%add3A_177, %broadcast_in_dim3A] : memref<192x128xf32, #tpu.memory_space<vmem>>[vector<16xi32>, vector<16xi32>], vector<16xf32>,
          %mul3A_179 = arith.constant 96 : i32
          %mul3A_180 = arith.muli %while3A_81, %mul3A_179 : i32
          %add3A_181 = arith.constant 64 : i32
          %add3A_182 = arith.addi %mul3A_180, %add3A_181 : i32
          %add3A_183 = arith.constant 16 : i32
          %add3A_184 = arith.addi %add3A_182, %add3A_183 : i32
          %swap3A_185 = arith.index_cast %add3A_184 : i32 to index
          %swap3A_186 = tpu.vector_load %arg16[%swap3A_185] {strides = array<i32>} : memref<49152xf32, #tpu.memory_space<vmem>>, vector<16xf32>,
          tpu.vector_store %arg16[%swap3A_185], %gather3A_178 {strides = array<i32>} : memref<49152xf32, #tpu.memory_space<vmem>>, vector<16xf32>,
        } else {
        }
        %eq3A = arith.constant 781 : i32
        %eq3A_96 = arith.cmpi eq, %shift_right_logical3A_90, %eq3A : i32
        %convert_element_type3A_97 = arith.extui %eq3A_96 : i1 to i32
        %cond3A_98 = arith.constant 0 : i32
        %cond3A_99 = arith.cmpi ne, %convert_element_type3A_97, %cond3A_98 : i32
        scf.if %cond3A_99 {
          %add3A_100 = arith.constant 0 : i32
          %add3A_101 = vector.broadcast %add3A_100 : i32 to vector<16xi32>
          %add3A_102 = arith.addi %iota3A, %add3A_101 : vector<16xi32>
          %mul3A_103 = arith.constant 64 : i32
          %mul3A_104 = vector.broadcast %mul3A_103 : i32 to vector<16xi32>
          %mul3A_105 = arith.muli %broadcast_in_dim3A, %mul3A_104 : vector<16xi32>
          %add3A_106 = arith.addi %mul3A_105, %add3A_102 : vector<16xi32>
          %gather3A = tpu.vector_load_idx %arg17[%add3A_106] : memref<4096xf32, #tpu.memory_space<vmem>>[vector<16xi32>], vector<16xf32>,
          %mul3A_107 = arith.constant 96 : i32
          %mul3A_108 = arith.muli %while3A_81, %mul3A_107 : i32
          %add3A_109 = arith.constant 0 : i32
          %add3A_110 = arith.addi %mul3A_108, %add3A_109 : i32
          %swap3A_111 = arith.index_cast %add3A_110 : i32 to index
          %swap3A_112 = tpu.vector_load %arg16[%swap3A_111] {strides = array<i32>} : memref<49152xf32, #tpu.memory_space<vmem>>, vector<16xf32>,
          tpu.vector_store %arg16[%swap3A_111], %gather3A {strides = array<i32>} : memref<49152xf32, #tpu.memory_space<vmem>>, vector<16xf32>,
          %add3A_113 = arith.constant 16 : i32
          %add3A_114 = vector.broadcast %add3A_113 : i32 to vector<16xi32>
          %add3A_115 = arith.addi %iota3A, %add3A_114 : vector<16xi32>
          %mul3A_116 = arith.constant 64 : i32
          %mul3A_117 = vector.broadcast %mul3A_116 : i32 to vector<16xi32>
          %mul3A_118 = arith.muli %broadcast_in_dim3A, %mul3A_117 : vector<16xi32>
          %add3A_119 = arith.addi %mul3A_118, %add3A_115 : vector<16xi32>
          %gather3A_120 = tpu.vector_load_idx %arg17[%add3A_119] : memref<4096xf32, #tpu.memory_space<vmem>>[vector<16xi32>], vector<16xf32>,
          %mul3A_121 = arith.constant 96 : i32
          %mul3A_122 = arith.muli %while3A_81, %mul3A_121 : i32
          %add3A_123 = arith.constant 16 : i32
          %add3A_124 = arith.addi %mul3A_122, %add3A_123 : i32
          %swap3A_125 = arith.index_cast %add3A_124 : i32 to index
          %swap3A_126 = tpu.vector_load %arg16[%swap3A_125] {strides = array<i32>} : memref<49152xf32, #tpu.memory_space<vmem>>, vector<16xf32>,
          tpu.vector_store %arg16[%swap3A_125], %gather3A_120 {strides = array<i32>} : memref<49152xf32, #tpu.memory_space<vmem>>, vector<16xf32>,
          %add3A_127 = arith.constant 32 : i32
          %add3A_128 = vector.broadcast %add3A_127 : i32 to vector<16xi32>
          %add3A_129 = arith.addi %iota3A, %add3A_128 : vector<16xi32>
          %mul3A_130 = arith.constant 64 : i32
          %mul3A_131 = vector.broadcast %mul3A_130 : i32 to vector<16xi32>
          %mul3A_132 = arith.muli %broadcast_in_dim3A, %mul3A_131 : vector<16xi32>
          %add3A_133 = arith.addi %mul3A_132, %add3A_129 : vector<16xi32>
          %gather3A_134 = tpu.vector_load_idx %arg17[%add3A_133] : memref<4096xf32, #tpu.memory_space<vmem>>[vector<16xi32>], vector<16xf32>,
          %mul3A_135 = arith.constant 96 : i32
          %mul3A_136 = arith.muli %while3A_81, %mul3A_135 : i32
          %add3A_137 = arith.constant 32 : i32
          %add3A_138 = arith.addi %mul3A_136, %add3A_137 : i32
          %swap3A_139 = arith.index_cast %add3A_138 : i32 to index
          %swap3A_140 = tpu.vector_load %arg16[%swap3A_139] {strides = array<i32>} : memref<49152xf32, #tpu.memory_space<vmem>>, vector<16xf32>,
          tpu.vector_store %arg16[%swap3A_139], %gather3A_134 {strides = array<i32>} : memref<49152xf32, #tpu.memory_space<vmem>>, vector<16xf32>,
          %add3A_141 = arith.constant 48 : i32
          %add3A_142 = vector.broadcast %add3A_141 : i32 to vector<16xi32>
          %add3A_143 = arith.addi %iota3A, %add3A_142 : vector<16xi32>
          %mul3A_144 = arith.constant 64 : i32
          %mul3A_145 = vector.broadcast %mul3A_144 : i32 to vector<16xi32>
          %mul3A_146 = arith.muli %broadcast_in_dim3A, %mul3A_145 : vector<16xi32>
          %add3A_147 = arith.addi %mul3A_146, %add3A_143 : vector<16xi32>
          %gather3A_148 = tpu.vector_load_idx %arg17[%add3A_147] : memref<4096xf32, #tpu.memory_space<vmem>>[vector<16xi32>], vector<16xf32>,
          %mul3A_149 = arith.constant 96 : i32
          %mul3A_150 = arith.muli %while3A_81, %mul3A_149 : i32
          %add3A_151 = arith.constant 48 : i32
          %add3A_152 = arith.addi %mul3A_150, %add3A_151 : i32
          %swap3A_153 = arith.index_cast %add3A_152 : i32 to index
          %swap3A_154 = tpu.vector_load %arg16[%swap3A_153] {strides = array<i32>} : memref<49152xf32, #tpu.memory_space<vmem>>, vector<16xf32>,
          tpu.vector_store %arg16[%swap3A_153], %gather3A_148 {strides = array<i32>} : memref<49152xf32, #tpu.memory_space<vmem>>, vector<16xf32>,
          %add3A_155 = arith.constant 0 : i32
          %add3A_156 = vector.broadcast %add3A_155 : i32 to vector<16xi32>
          %add3A_157 = arith.addi %iota3A, %add3A_156 : vector<16xi32>
          %mul3A_158 = arith.constant 32 : i32
          %mul3A_159 = vector.broadcast %mul3A_158 : i32 to vector<16xi32>
          %mul3A_160 = arith.muli %broadcast_in_dim3A, %mul3A_159 : vector<16xi32>
          %add3A_161 = arith.addi %mul3A_160, %add3A_157 : vector<16xi32>
          %gather3A_162 = tpu.vector_load_idx %arg18[%add3A_161] : memref<2048xf32, #tpu.memory_space<vmem>>[vector<16xi32>], vector<16xf32>,
          %mul3A_163 = arith.constant 96 : i32
          %mul3A_164 = arith.muli %while3A_81, %mul3A_163 : i32
          %add3A_165 = arith.constant 64 : i32
          %add3A_166 = arith.addi %mul3A_164, %add3A_165 : i32
          %add3A_167 = arith.constant 0 : i32
          %add3A_168 = arith.addi %add3A_166, %add3A_167 : i32
          %swap3A_169 = arith.index_cast %add3A_168 : i32 to index
          %swap3A_170 = tpu.vector_load %arg16[%swap3A_169] {strides = array<i32>} : memref<49152xf32, #tpu.memory_space<vmem>>, vector<16xf32>,
          tpu.vector_store %arg16[%swap3A_169], %gather3A_162 {strides = array<i32>} : memref<49152xf32, #tpu.memory_space<vmem>>, vector<16xf32>,
          %add3A_171 = arith.constant 16 : i32
          %add3A_172 = vector.broadcast %add3A_171 : i32 to vector<16xi32>
          %add3A_173 = arith.addi %iota3A, %add3A_172 : vector<16xi32>
          %mul3A_174 = arith.constant 32 : i32
          %mul3A_175 = vector.broadcast %mul3A_174 : i32 to vector<16xi32>
          %mul3A_176 = arith.muli %broadcast_in_dim3A, %mul3A_175 : vector<16xi32>
          %add3A_177 = arith.addi %mul3A_176, %add3A_173 : vector<16xi32>
          %gather3A_178 = tpu.vector_load_idx %arg18[%add3A_177] : memref<2048xf32, #tpu.memory_space<vmem>>[vector<16xi32>], vector<16xf32>,
          %mul3A_179 = arith.constant 96 : i32
          %mul3A_180 = arith.muli %while3A_81, %mul3A_179 : i32
          %add3A_181 = arith.constant 64 : i32
          %add3A_182 = arith.addi %mul3A_180, %add3A_181 : i32
          %add3A_183 = arith.constant 16 : i32
          %add3A_184 = arith.addi %add3A_182, %add3A_183 : i32
          %swap3A_185 = arith.index_cast %add3A_184 : i32 to index
          %swap3A_186 = tpu.vector_load %arg16[%swap3A_185] {strides = array<i32>} : memref<49152xf32, #tpu.memory_space<vmem>>, vector<16xf32>,
          tpu.vector_store %arg16[%swap3A_185], %gather3A_178 {strides = array<i32>} : memref<49152xf32, #tpu.memory_space<vmem>>, vector<16xf32>,
        } else {
        }
      }
      %while3A_80 = arith.constant 1 : i32
      scf.for %while3A_81 = %while3A_78 to %while3A_74 step %while3A_80  : i32 {
        %get3A_82 = arith.index_cast %while3A_81 : i32 to index
        %get3A_83 = memref.load %arg9[%get3A_82] : memref<512xi32, #tpu.memory_space<smem>>
        %rem3A_84 = arith.constant 128 : i32
        %rem3A_85 = arith.remsi %get3A_83, %rem3A_84 : i32
        %broadcast_in_dim3A = vector.broadcast %rem3A_85 : i32 to vector<16xi32>
        %broadcast_in_dim3A_86 = vector.broadcast %rem3A_51 : i32 to vector<16xi32>
        %get3A_87 = arith.index_cast %while3A_81 : i32 to index
        %get3A_88 = memref.load %arg9[%get3A_87] : memref<512xi32, #tpu.memory_space<smem>>
        %shift_right_logical3A_89 = arith.constant 7 : i32
        %shift_right_logical3A_90 = arith.shrui %get3A_88, %shift_right_logical3A_89 : i32
        %ne3A_91 = arith.constant 781 : i32
        %ne3A_92 = arith.cmpi ne, %shift_right_logical3A_90, %ne3A_91 : i32
        %convert_element_type3A_93 = arith.extui %ne3A_92 : i1 to i32
        %cond3A_94 = arith.constant 0 : i32
        %cond3A_95 = arith.cmpi ne, %convert_element_type3A_93, %cond3A_94 : i32
        scf.if %cond3A_95 {
          %add3A_100 = arith.constant 0 : i32
          %add3A_101 = vector.broadcast %add3A_100 : i32 to vector<16xi32>
          %add3A_102 = arith.addi %iota3A, %add3A_101 : vector<16xi32>
          %mul3A_103 = arith.constant 64 : i32
          %mul3A_104 = vector.broadcast %mul3A_103 : i32 to vector<16xi32>
          %mul3A_105 = arith.muli %broadcast_in_dim3A_86, %mul3A_104 : vector<16xi32>
          %add3A_106 = arith.addi %mul3A_105, %add3A_102 : vector<16xi32>
          %gather3A = tpu.vector_load_idx %arg14[%add3A_106, %broadcast_in_dim3A] : memref<384x128xf32, #tpu.memory_space<vmem>>[vector<16xi32>, vector<16xi32>], vector<16xf32>,
          %mul3A_107 = arith.constant 96 : i32
          %mul3A_108 = arith.muli %while3A_81, %mul3A_107 : i32
          %add3A_109 = arith.constant 0 : i32
          %add3A_110 = arith.addi %mul3A_108, %add3A_109 : i32
          %swap3A_111 = arith.index_cast %add3A_110 : i32 to index
          %swap3A_112 = tpu.vector_load %arg16[%swap3A_111] {strides = array<i32>} : memref<49152xf32, #tpu.memory_space<vmem>>, vector<16xf32>,
          tpu.vector_store %arg16[%swap3A_111], %gather3A {strides = array<i32>} : memref<49152xf32, #tpu.memory_space<vmem>>, vector<16xf32>,
          %add3A_113 = arith.constant 16 : i32
          %add3A_114 = vector.broadcast %add3A_113 : i32 to vector<16xi32>
          %add3A_115 = arith.addi %iota3A, %add3A_114 : vector<16xi32>
          %mul3A_116 = arith.constant 64 : i32
          %mul3A_117 = vector.broadcast %mul3A_116 : i32 to vector<16xi32>
          %mul3A_118 = arith.muli %broadcast_in_dim3A_86, %mul3A_117 : vector<16xi32>
          %add3A_119 = arith.addi %mul3A_118, %add3A_115 : vector<16xi32>
          %gather3A_120 = tpu.vector_load_idx %arg14[%add3A_119, %broadcast_in_dim3A] : memref<384x128xf32, #tpu.memory_space<vmem>>[vector<16xi32>, vector<16xi32>], vector<16xf32>,
          %mul3A_121 = arith.constant 96 : i32
          %mul3A_122 = arith.muli %while3A_81, %mul3A_121 : i32
          %add3A_123 = arith.constant 16 : i32
          %add3A_124 = arith.addi %mul3A_122, %add3A_123 : i32
          %swap3A_125 = arith.index_cast %add3A_124 : i32 to index
          %swap3A_126 = tpu.vector_load %arg16[%swap3A_125] {strides = array<i32>} : memref<49152xf32, #tpu.memory_space<vmem>>, vector<16xf32>,
          tpu.vector_store %arg16[%swap3A_125], %gather3A_120 {strides = array<i32>} : memref<49152xf32, #tpu.memory_space<vmem>>, vector<16xf32>,
          %add3A_127 = arith.constant 32 : i32
          %add3A_128 = vector.broadcast %add3A_127 : i32 to vector<16xi32>
          %add3A_129 = arith.addi %iota3A, %add3A_128 : vector<16xi32>
          %mul3A_130 = arith.constant 64 : i32
          %mul3A_131 = vector.broadcast %mul3A_130 : i32 to vector<16xi32>
          %mul3A_132 = arith.muli %broadcast_in_dim3A_86, %mul3A_131 : vector<16xi32>
          %add3A_133 = arith.addi %mul3A_132, %add3A_129 : vector<16xi32>
          %gather3A_134 = tpu.vector_load_idx %arg14[%add3A_133, %broadcast_in_dim3A] : memref<384x128xf32, #tpu.memory_space<vmem>>[vector<16xi32>, vector<16xi32>], vector<16xf32>,
          %mul3A_135 = arith.constant 96 : i32
          %mul3A_136 = arith.muli %while3A_81, %mul3A_135 : i32
          %add3A_137 = arith.constant 32 : i32
          %add3A_138 = arith.addi %mul3A_136, %add3A_137 : i32
          %swap3A_139 = arith.index_cast %add3A_138 : i32 to index
          %swap3A_140 = tpu.vector_load %arg16[%swap3A_139] {strides = array<i32>} : memref<49152xf32, #tpu.memory_space<vmem>>, vector<16xf32>,
          tpu.vector_store %arg16[%swap3A_139], %gather3A_134 {strides = array<i32>} : memref<49152xf32, #tpu.memory_space<vmem>>, vector<16xf32>,
          %add3A_141 = arith.constant 48 : i32
          %add3A_142 = vector.broadcast %add3A_141 : i32 to vector<16xi32>
          %add3A_143 = arith.addi %iota3A, %add3A_142 : vector<16xi32>
          %mul3A_144 = arith.constant 64 : i32
          %mul3A_145 = vector.broadcast %mul3A_144 : i32 to vector<16xi32>
          %mul3A_146 = arith.muli %broadcast_in_dim3A_86, %mul3A_145 : vector<16xi32>
          %add3A_147 = arith.addi %mul3A_146, %add3A_143 : vector<16xi32>
          %gather3A_148 = tpu.vector_load_idx %arg14[%add3A_147, %broadcast_in_dim3A] : memref<384x128xf32, #tpu.memory_space<vmem>>[vector<16xi32>, vector<16xi32>], vector<16xf32>,
          %mul3A_149 = arith.constant 96 : i32
          %mul3A_150 = arith.muli %while3A_81, %mul3A_149 : i32
          %add3A_151 = arith.constant 48 : i32
          %add3A_152 = arith.addi %mul3A_150, %add3A_151 : i32
          %swap3A_153 = arith.index_cast %add3A_152 : i32 to index
          %swap3A_154 = tpu.vector_load %arg16[%swap3A_153] {strides = array<i32>} : memref<49152xf32, #tpu.memory_space<vmem>>, vector<16xf32>,
          tpu.vector_store %arg16[%swap3A_153], %gather3A_148 {strides = array<i32>} : memref<49152xf32, #tpu.memory_space<vmem>>, vector<16xf32>,
          %add3A_155 = arith.constant 0 : i32
          %add3A_156 = vector.broadcast %add3A_155 : i32 to vector<16xi32>
          %add3A_157 = arith.addi %iota3A, %add3A_156 : vector<16xi32>
          %mul3A_158 = arith.constant 32 : i32
          %mul3A_159 = vector.broadcast %mul3A_158 : i32 to vector<16xi32>
          %mul3A_160 = arith.muli %broadcast_in_dim3A_86, %mul3A_159 : vector<16xi32>
          %add3A_161 = arith.addi %mul3A_160, %add3A_157 : vector<16xi32>
          %gather3A_162 = tpu.vector_load_idx %arg15[%add3A_161, %broadcast_in_dim3A] : memref<192x128xf32, #tpu.memory_space<vmem>>[vector<16xi32>, vector<16xi32>], vector<16xf32>,
          %mul3A_163 = arith.constant 96 : i32
          %mul3A_164 = arith.muli %while3A_81, %mul3A_163 : i32
          %add3A_165 = arith.constant 64 : i32
          %add3A_166 = arith.addi %mul3A_164, %add3A_165 : i32
          %add3A_167 = arith.constant 0 : i32
          %add3A_168 = arith.addi %add3A_166, %add3A_167 : i32
          %swap3A_169 = arith.index_cast %add3A_168 : i32 to index
          %swap3A_170 = tpu.vector_load %arg16[%swap3A_169] {strides = array<i32>} : memref<49152xf32, #tpu.memory_space<vmem>>, vector<16xf32>,
          tpu.vector_store %arg16[%swap3A_169], %gather3A_162 {strides = array<i32>} : memref<49152xf32, #tpu.memory_space<vmem>>, vector<16xf32>,
          %add3A_171 = arith.constant 16 : i32
          %add3A_172 = vector.broadcast %add3A_171 : i32 to vector<16xi32>
          %add3A_173 = arith.addi %iota3A, %add3A_172 : vector<16xi32>
          %mul3A_174 = arith.constant 32 : i32
          %mul3A_175 = vector.broadcast %mul3A_174 : i32 to vector<16xi32>
          %mul3A_176 = arith.muli %broadcast_in_dim3A_86, %mul3A_175 : vector<16xi32>
          %add3A_177 = arith.addi %mul3A_176, %add3A_173 : vector<16xi32>
          %gather3A_178 = tpu.vector_load_idx %arg15[%add3A_177, %broadcast_in_dim3A] : memref<192x128xf32, #tpu.memory_space<vmem>>[vector<16xi32>, vector<16xi32>], vector<16xf32>,
          %mul3A_179 = arith.constant 96 : i32
          %mul3A_180 = arith.muli %while3A_81, %mul3A_179 : i32
          %add3A_181 = arith.constant 64 : i32
          %add3A_182 = arith.addi %mul3A_180, %add3A_181 : i32
          %add3A_183 = arith.constant 16 : i32
          %add3A_184 = arith.addi %add3A_182, %add3A_183 : i32
          %swap3A_185 = arith.index_cast %add3A_184 : i32 to index
          %swap3A_186 = tpu.vector_load %arg16[%swap3A_185] {strides = array<i32>} : memref<49152xf32, #tpu.memory_space<vmem>>, vector<16xf32>,
          tpu.vector_store %arg16[%swap3A_185], %gather3A_178 {strides = array<i32>} : memref<49152xf32, #tpu.memory_space<vmem>>, vector<16xf32>,
        } else {
        }
        %eq3A = arith.constant 781 : i32
        %eq3A_96 = arith.cmpi eq, %shift_right_logical3A_90, %eq3A : i32
        %convert_element_type3A_97 = arith.extui %eq3A_96 : i1 to i32
        %cond3A_98 = arith.constant 0 : i32
        %cond3A_99 = arith.cmpi ne, %convert_element_type3A_97, %cond3A_98 : i32
        scf.if %cond3A_99 {
          %add3A_100 = arith.constant 0 : i32
          %add3A_101 = vector.broadcast %add3A_100 : i32 to vector<16xi32>
          %add3A_102 = arith.addi %iota3A, %add3A_101 : vector<16xi32>
          %mul3A_103 = arith.constant 64 : i32
          %mul3A_104 = vector.broadcast %mul3A_103 : i32 to vector<16xi32>
          %mul3A_105 = arith.muli %broadcast_in_dim3A, %mul3A_104 : vector<16xi32>
          %add3A_106 = arith.addi %mul3A_105, %add3A_102 : vector<16xi32>
          %gather3A = tpu.vector_load_idx %arg17[%add3A_106] : memref<4096xf32, #tpu.memory_space<vmem>>[vector<16xi32>], vector<16xf32>,
          %mul3A_107 = arith.constant 96 : i32
          %mul3A_108 = arith.muli %while3A_81, %mul3A_107 : i32
          %add3A_109 = arith.constant 0 : i32
          %add3A_110 = arith.addi %mul3A_108, %add3A_109 : i32
          %swap3A_111 = arith.index_cast %add3A_110 : i32 to index
          %swap3A_112 = tpu.vector_load %arg16[%swap3A_111] {strides = array<i32>} : memref<49152xf32, #tpu.memory_space<vmem>>, vector<16xf32>,
          tpu.vector_store %arg16[%swap3A_111], %gather3A {strides = array<i32>} : memref<49152xf32, #tpu.memory_space<vmem>>, vector<16xf32>,
          %add3A_113 = arith.constant 16 : i32
          %add3A_114 = vector.broadcast %add3A_113 : i32 to vector<16xi32>
          %add3A_115 = arith.addi %iota3A, %add3A_114 : vector<16xi32>
          %mul3A_116 = arith.constant 64 : i32
          %mul3A_117 = vector.broadcast %mul3A_116 : i32 to vector<16xi32>
          %mul3A_118 = arith.muli %broadcast_in_dim3A, %mul3A_117 : vector<16xi32>
          %add3A_119 = arith.addi %mul3A_118, %add3A_115 : vector<16xi32>
          %gather3A_120 = tpu.vector_load_idx %arg17[%add3A_119] : memref<4096xf32, #tpu.memory_space<vmem>>[vector<16xi32>], vector<16xf32>,
          %mul3A_121 = arith.constant 96 : i32
          %mul3A_122 = arith.muli %while3A_81, %mul3A_121 : i32
          %add3A_123 = arith.constant 16 : i32
          %add3A_124 = arith.addi %mul3A_122, %add3A_123 : i32
          %swap3A_125 = arith.index_cast %add3A_124 : i32 to index
          %swap3A_126 = tpu.vector_load %arg16[%swap3A_125] {strides = array<i32>} : memref<49152xf32, #tpu.memory_space<vmem>>, vector<16xf32>,
          tpu.vector_store %arg16[%swap3A_125], %gather3A_120 {strides = array<i32>} : memref<49152xf32, #tpu.memory_space<vmem>>, vector<16xf32>,
          %add3A_127 = arith.constant 32 : i32
          %add3A_128 = vector.broadcast %add3A_127 : i32 to vector<16xi32>
          %add3A_129 = arith.addi %iota3A, %add3A_128 : vector<16xi32>
          %mul3A_130 = arith.constant 64 : i32
          %mul3A_131 = vector.broadcast %mul3A_130 : i32 to vector<16xi32>
          %mul3A_132 = arith.muli %broadcast_in_dim3A, %mul3A_131 : vector<16xi32>
          %add3A_133 = arith.addi %mul3A_132, %add3A_129 : vector<16xi32>
          %gather3A_134 = tpu.vector_load_idx %arg17[%add3A_133] : memref<4096xf32, #tpu.memory_space<vmem>>[vector<16xi32>], vector<16xf32>,
          %mul3A_135 = arith.constant 96 : i32
          %mul3A_136 = arith.muli %while3A_81, %mul3A_135 : i32
          %add3A_137 = arith.constant 32 : i32
          %add3A_138 = arith.addi %mul3A_136, %add3A_137 : i32
          %swap3A_139 = arith.index_cast %add3A_138 : i32 to index
          %swap3A_140 = tpu.vector_load %arg16[%swap3A_139] {strides = array<i32>} : memref<49152xf32, #tpu.memory_space<vmem>>, vector<16xf32>,
          tpu.vector_store %arg16[%swap3A_139], %gather3A_134 {strides = array<i32>} : memref<49152xf32, #tpu.memory_space<vmem>>, vector<16xf32>,
          %add3A_141 = arith.constant 48 : i32
          %add3A_142 = vector.broadcast %add3A_141 : i32 to vector<16xi32>
          %add3A_143 = arith.addi %iota3A, %add3A_142 : vector<16xi32>
          %mul3A_144 = arith.constant 64 : i32
          %mul3A_145 = vector.broadcast %mul3A_144 : i32 to vector<16xi32>
          %mul3A_146 = arith.muli %broadcast_in_dim3A, %mul3A_145 : vector<16xi32>
          %add3A_147 = arith.addi %mul3A_146, %add3A_143 : vector<16xi32>
          %gather3A_148 = tpu.vector_load_idx %arg17[%add3A_147] : memref<4096xf32, #tpu.memory_space<vmem>>[vector<16xi32>], vector<16xf32>,
          %mul3A_149 = arith.constant 96 : i32
          %mul3A_150 = arith.muli %while3A_81, %mul3A_149 : i32
          %add3A_151 = arith.constant 48 : i32
          %add3A_152 = arith.addi %mul3A_150, %add3A_151 : i32
          %swap3A_153 = arith.index_cast %add3A_152 : i32 to index
          %swap3A_154 = tpu.vector_load %arg16[%swap3A_153] {strides = array<i32>} : memref<49152xf32, #tpu.memory_space<vmem>>, vector<16xf32>,
          tpu.vector_store %arg16[%swap3A_153], %gather3A_148 {strides = array<i32>} : memref<49152xf32, #tpu.memory_space<vmem>>, vector<16xf32>,
          %add3A_155 = arith.constant 0 : i32
          %add3A_156 = vector.broadcast %add3A_155 : i32 to vector<16xi32>
          %add3A_157 = arith.addi %iota3A, %add3A_156 : vector<16xi32>
          %mul3A_158 = arith.constant 32 : i32
          %mul3A_159 = vector.broadcast %mul3A_158 : i32 to vector<16xi32>
          %mul3A_160 = arith.muli %broadcast_in_dim3A, %mul3A_159 : vector<16xi32>
          %add3A_161 = arith.addi %mul3A_160, %add3A_157 : vector<16xi32>
          %gather3A_162 = tpu.vector_load_idx %arg18[%add3A_161] : memref<2048xf32, #tpu.memory_space<vmem>>[vector<16xi32>], vector<16xf32>,
          %mul3A_163 = arith.constant 96 : i32
          %mul3A_164 = arith.muli %while3A_81, %mul3A_163 : i32
          %add3A_165 = arith.constant 64 : i32
          %add3A_166 = arith.addi %mul3A_164, %add3A_165 : i32
          %add3A_167 = arith.constant 0 : i32
          %add3A_168 = arith.addi %add3A_166, %add3A_167 : i32
          %swap3A_169 = arith.index_cast %add3A_168 : i32 to index
          %swap3A_170 = tpu.vector_load %arg16[%swap3A_169] {strides = array<i32>} : memref<49152xf32, #tpu.memory_space<vmem>>, vector<16xf32>,
          tpu.vector_store %arg16[%swap3A_169], %gather3A_162 {strides = array<i32>} : memref<49152xf32, #tpu.memory_space<vmem>>, vector<16xf32>,
          %add3A_171 = arith.constant 16 : i32
          %add3A_172 = vector.broadcast %add3A_171 : i32 to vector<16xi32>
          %add3A_173 = arith.addi %iota3A, %add3A_172 : vector<16xi32>
          %mul3A_174 = arith.constant 32 : i32
          %mul3A_175 = vector.broadcast %mul3A_174 : i32 to vector<16xi32>
          %mul3A_176 = arith.muli %broadcast_in_dim3A, %mul3A_175 : vector<16xi32>
          %add3A_177 = arith.addi %mul3A_176, %add3A_173 : vector<16xi32>
          %gather3A_178 = tpu.vector_load_idx %arg18[%add3A_177] : memref<2048xf32, #tpu.memory_space<vmem>>[vector<16xi32>], vector<16xf32>,
          %mul3A_179 = arith.constant 96 : i32
          %mul3A_180 = arith.muli %while3A_81, %mul3A_179 : i32
          %add3A_181 = arith.constant 64 : i32
          %add3A_182 = arith.addi %mul3A_180, %add3A_181 : i32
          %add3A_183 = arith.constant 16 : i32
          %add3A_184 = arith.addi %add3A_182, %add3A_183 : i32
          %swap3A_185 = arith.index_cast %add3A_184 : i32 to index
          %swap3A_186 = tpu.vector_load %arg16[%swap3A_185] {strides = array<i32>} : memref<49152xf32, #tpu.memory_space<vmem>>, vector<16xf32>,
          tpu.vector_store %arg16[%swap3A_185], %gather3A_178 {strides = array<i32>} : memref<49152xf32, #tpu.memory_space<vmem>>, vector<16xf32>,
        } else {
        }
      }
    }
    %scan3A_44 = arith.constant 0 : i32
    %scan3A_45 = arith.constant 0 : i32
    %scan3A_46 = arith.constant 32 : i32
    %scan3A_47 = arith.addi %scan3A_45, %scan3A_46 : i32
    %scan3A_48 = arith.constant 1 : i32
    scf.for %scan3A_50 = %scan3A_45 to %scan3A_47 step %scan3A_48  : i32 {
      %mul3A_51 = arith.constant 16 : i32
      %mul3A_52 = arith.muli %scan3A_50, %mul3A_51 : i32
      %add3A_53 = arith.constant 0 : i32
      %add3A_54 = arith.addi %mul3A_52, %add3A_53 : i32
      %mul3A_55 = arith.constant 96 : i32
      %mul3A_56 = arith.muli %add3A_54, %mul3A_55 : i32
      %get3A_57 = arith.index_cast %add3A_54 : i32 to index
      %get3A_58 = memref.load %arg10[%get3A_57] : memref<512xi32, #tpu.memory_space<smem>>
      %mul3A_59 = arith.constant 128 : i32
      %mul3A_60 = arith.muli %get3A_58, %mul3A_59 : i32
      %dma_start3A = tpu.memref_slice %arg16[%mul3A_56] : memref<49152xf32, #tpu.memory_space<vmem>> -> memref<96xf32, #tpu.memory_space<vmem>>
      %dma_start3A_61 = tpu.memref_slice %arg8[%mul3A_60] : memref<2097152xf32, #tpu.memory_space<hbm>> -> memref<96xf32, #tpu.memory_space<hbm>>
      %dma_start3A_62 = tpu.memref_slice %arg8[%mul3A_60] : memref<2097152xf32, #tpu.memory_space<hbm>> -> memref<96xf32, #tpu.memory_space<hbm>>
      %dma_start3A_63 = tpu.memref_slice %arg16[%mul3A_56] : memref<49152xf32, #tpu.memory_space<vmem>> -> memref<96xf32, #tpu.memory_space<vmem>>
      tpu.enqueue_dma source(%dma_start3A_63 : memref<96xf32, #tpu.memory_space<vmem>>) target(%dma_start3A_62 : memref<96xf32, #tpu.memory_space<hbm>>) target_semaphore(%arg21 : memref<!tpu.dma_semaphore, #tpu.memory_space<semaphore_mem>>)
      %mul3A_64 = arith.constant 16 : i32
      %mul3A_65 = arith.muli %scan3A_50, %mul3A_64 : i32
      %add3A_66 = arith.constant 1 : i32
      %add3A_67 = arith.addi %mul3A_65, %add3A_66 : i32
      %mul3A_68 = arith.constant 96 : i32
      %mul3A_69 = arith.muli %add3A_67, %mul3A_68 : i32
      %get3A_70 = arith.index_cast %add3A_67 : i32 to index
      %get3A_71 = memref.load %arg10[%get3A_70] : memref<512xi32, #tpu.memory_space<smem>>
      %mul3A_72 = arith.constant 128 : i32
      %mul3A_73 = arith.muli %get3A_71, %mul3A_72 : i32
      %dma_start3A_74 = tpu.memref_slice %arg16[%mul3A_69] : memref<49152xf32, #tpu.memory_space<vmem>> -> memref<96xf32, #tpu.memory_space<vmem>>
      %dma_start3A_75 = tpu.memref_slice %arg8[%mul3A_73] : memref<2097152xf32, #tpu.memory_space<hbm>> -> memref<96xf32, #tpu.memory_space<hbm>>
      %dma_start3A_76 = tpu.memref_slice %arg8[%mul3A_73] : memref<2097152xf32, #tpu.memory_space<hbm>> -> memref<96xf32, #tpu.memory_space<hbm>>
      %dma_start3A_77 = tpu.memref_slice %arg16[%mul3A_69] : memref<49152xf32, #tpu.memory_space<vmem>> -> memref<96xf32, #tpu.memory_space<vmem>>
      tpu.enqueue_dma source(%dma_start3A_77 : memref<96xf32, #tpu.memory_space<vmem>>) target(%dma_start3A_76 : memref<96xf32, #tpu.memory_space<hbm>>) target_semaphore(%arg21 : memref<!tpu.dma_semaphore, #tpu.memory_space<semaphore_mem>>)
      %mul3A_78 = arith.constant 16 : i32
      %mul3A_79 = arith.muli %scan3A_50, %mul3A_78 : i32
      %add3A_80 = arith.constant 2 : i32
      %add3A_81 = arith.addi %mul3A_79, %add3A_80 : i32
      %mul3A_82 = arith.constant 96 : i32
      %mul3A_83 = arith.muli %add3A_81, %mul3A_82 : i32
      %get3A_84 = arith.index_cast %add3A_81 : i32 to index
      %get3A_85 = memref.load %arg10[%get3A_84] : memref<512xi32, #tpu.memory_space<smem>>
      %mul3A_86 = arith.constant 128 : i32
      %mul3A_87 = arith.muli %get3A_85, %mul3A_86 : i32
      %dma_start3A_88 = tpu.memref_slice %arg16[%mul3A_83] : memref<49152xf32, #tpu.memory_space<vmem>> -> memref<96xf32, #tpu.memory_space<vmem>>
      %dma_start3A_89 = tpu.memref_slice %arg8[%mul3A_87] : memref<2097152xf32, #tpu.memory_space<hbm>> -> memref<96xf32, #tpu.memory_space<hbm>>
      %dma_start3A_90 = tpu.memref_slice %arg8[%mul3A_87] : memref<2097152xf32, #tpu.memory_space<hbm>> -> memref<96xf32, #tpu.memory_space<hbm>>
      %dma_start3A_91 = tpu.memref_slice %arg16[%mul3A_83] : memref<49152xf32, #tpu.memory_space<vmem>> -> memref<96xf32, #tpu.memory_space<vmem>>
      tpu.enqueue_dma source(%dma_start3A_91 : memref<96xf32, #tpu.memory_space<vmem>>) target(%dma_start3A_90 : memref<96xf32, #tpu.memory_space<hbm>>) target_semaphore(%arg21 : memref<!tpu.dma_semaphore, #tpu.memory_space<semaphore_mem>>)
      %mul3A_92 = arith.constant 16 : i32
      %mul3A_93 = arith.muli %scan3A_50, %mul3A_92 : i32
      %add3A_94 = arith.constant 3 : i32
      %add3A_95 = arith.addi %mul3A_93, %add3A_94 : i32
      %mul3A_96 = arith.constant 96 : i32
      %mul3A_97 = arith.muli %add3A_95, %mul3A_96 : i32
      %get3A_98 = arith.index_cast %add3A_95 : i32 to index
      %get3A_99 = memref.load %arg10[%get3A_98] : memref<512xi32, #tpu.memory_space<smem>>
      %mul3A_100 = arith.constant 128 : i32
      %mul3A_101 = arith.muli %get3A_99, %mul3A_100 : i32
      %dma_start3A_102 = tpu.memref_slice %arg16[%mul3A_97] : memref<49152xf32, #tpu.memory_space<vmem>> -> memref<96xf32, #tpu.memory_space<vmem>>
      %dma_start3A_103 = tpu.memref_slice %arg8[%mul3A_101] : memref<2097152xf32, #tpu.memory_space<hbm>> -> memref<96xf32, #tpu.memory_space<hbm>>
      %dma_start3A_104 = tpu.memref_slice %arg8[%mul3A_101] : memref<2097152xf32, #tpu.memory_space<hbm>> -> memref<96xf32, #tpu.memory_space<hbm>>
      %dma_start3A_105 = tpu.memref_slice %arg16[%mul3A_97] : memref<49152xf32, #tpu.memory_space<vmem>> -> memref<96xf32, #tpu.memory_space<vmem>>
      tpu.enqueue_dma source(%dma_start3A_105 : memref<96xf32, #tpu.memory_space<vmem>>) target(%dma_start3A_104 : memref<96xf32, #tpu.memory_space<hbm>>) target_semaphore(%arg21 : memref<!tpu.dma_semaphore, #tpu.memory_space<semaphore_mem>>)
      %mul3A_106 = arith.constant 16 : i32
      %mul3A_107 = arith.muli %scan3A_50, %mul3A_106 : i32
      %add3A_108 = arith.constant 4 : i32
      %add3A_109 = arith.addi %mul3A_107, %add3A_108 : i32
      %mul3A_110 = arith.constant 96 : i32
      %mul3A_111 = arith.muli %add3A_109, %mul3A_110 : i32
      %get3A_112 = arith.index_cast %add3A_109 : i32 to index
      %get3A_113 = memref.load %arg10[%get3A_112] : memref<512xi32, #tpu.memory_space<smem>>
      %mul3A_114 = arith.constant 128 : i32
      %mul3A_115 = arith.muli %get3A_113, %mul3A_114 : i32
      %dma_start3A_116 = tpu.memref_slice %arg16[%mul3A_111] : memref<49152xf32, #tpu.memory_space<vmem>> -> memref<96xf32, #tpu.memory_space<vmem>>
      %dma_start3A_117 = tpu.memref_slice %arg8[%mul3A_115] : memref<2097152xf32, #tpu.memory_space<hbm>> -> memref<96xf32, #tpu.memory_space<hbm>>
      %dma_start3A_118 = tpu.memref_slice %arg8[%mul3A_115] : memref<2097152xf32, #tpu.memory_space<hbm>> -> memref<96xf32, #tpu.memory_space<hbm>>
      %dma_start3A_119 = tpu.memref_slice %arg16[%mul3A_111] : memref<49152xf32, #tpu.memory_space<vmem>> -> memref<96xf32, #tpu.memory_space<vmem>>
      tpu.enqueue_dma source(%dma_start3A_119 : memref<96xf32, #tpu.memory_space<vmem>>) target(%dma_start3A_118 : memref<96xf32, #tpu.memory_space<hbm>>) target_semaphore(%arg21 : memref<!tpu.dma_semaphore, #tpu.memory_space<semaphore_mem>>)
      %mul3A_120 = arith.constant 16 : i32
      %mul3A_121 = arith.muli %scan3A_50, %mul3A_120 : i32
      %add3A_122 = arith.constant 5 : i32
      %add3A_123 = arith.addi %mul3A_121, %add3A_122 : i32
      %mul3A_124 = arith.constant 96 : i32
      %mul3A_125 = arith.muli %add3A_123, %mul3A_124 : i32
      %get3A_126 = arith.index_cast %add3A_123 : i32 to index
      %get3A_127 = memref.load %arg10[%get3A_126] : memref<512xi32, #tpu.memory_space<smem>>
      %mul3A_128 = arith.constant 128 : i32
      %mul3A_129 = arith.muli %get3A_127, %mul3A_128 : i32
      %dma_start3A_130 = tpu.memref_slice %arg16[%mul3A_125] : memref<49152xf32, #tpu.memory_space<vmem>> -> memref<96xf32, #tpu.memory_space<vmem>>
      %dma_start3A_131 = tpu.memref_slice %arg8[%mul3A_129] : memref<2097152xf32, #tpu.memory_space<hbm>> -> memref<96xf32, #tpu.memory_space<hbm>>
      %dma_start3A_132 = tpu.memref_slice %arg8[%mul3A_129] : memref<2097152xf32, #tpu.memory_space<hbm>> -> memref<96xf32, #tpu.memory_space<hbm>>
      %dma_start3A_133 = tpu.memref_slice %arg16[%mul3A_125] : memref<49152xf32, #tpu.memory_space<vmem>> -> memref<96xf32, #tpu.memory_space<vmem>>
      tpu.enqueue_dma source(%dma_start3A_133 : memref<96xf32, #tpu.memory_space<vmem>>) target(%dma_start3A_132 : memref<96xf32, #tpu.memory_space<hbm>>) target_semaphore(%arg21 : memref<!tpu.dma_semaphore, #tpu.memory_space<semaphore_mem>>)
      %mul3A_134 = arith.constant 16 : i32
      %mul3A_135 = arith.muli %scan3A_50, %mul3A_134 : i32
      %add3A_136 = arith.constant 6 : i32
      %add3A_137 = arith.addi %mul3A_135, %add3A_136 : i32
      %mul3A_138 = arith.constant 96 : i32
      %mul3A_139 = arith.muli %add3A_137, %mul3A_138 : i32
      %get3A_140 = arith.index_cast %add3A_137 : i32 to index
      %get3A_141 = memref.load %arg10[%get3A_140] : memref<512xi32, #tpu.memory_space<smem>>
      %mul3A_142 = arith.constant 128 : i32
      %mul3A_143 = arith.muli %get3A_141, %mul3A_142 : i32
      %dma_start3A_144 = tpu.memref_slice %arg16[%mul3A_139] : memref<49152xf32, #tpu.memory_space<vmem>> -> memref<96xf32, #tpu.memory_space<vmem>>
      %dma_start3A_145 = tpu.memref_slice %arg8[%mul3A_143] : memref<2097152xf32, #tpu.memory_space<hbm>> -> memref<96xf32, #tpu.memory_space<hbm>>
      %dma_start3A_146 = tpu.memref_slice %arg8[%mul3A_143] : memref<2097152xf32, #tpu.memory_space<hbm>> -> memref<96xf32, #tpu.memory_space<hbm>>
      %dma_start3A_147 = tpu.memref_slice %arg16[%mul3A_139] : memref<49152xf32, #tpu.memory_space<vmem>> -> memref<96xf32, #tpu.memory_space<vmem>>
      tpu.enqueue_dma source(%dma_start3A_147 : memref<96xf32, #tpu.memory_space<vmem>>) target(%dma_start3A_146 : memref<96xf32, #tpu.memory_space<hbm>>) target_semaphore(%arg21 : memref<!tpu.dma_semaphore, #tpu.memory_space<semaphore_mem>>)
      %mul3A_148 = arith.constant 16 : i32
      %mul3A_149 = arith.muli %scan3A_50, %mul3A_148 : i32
      %add3A_150 = arith.constant 7 : i32
      %add3A_151 = arith.addi %mul3A_149, %add3A_150 : i32
      %mul3A_152 = arith.constant 96 : i32
      %mul3A_153 = arith.muli %add3A_151, %mul3A_152 : i32
      %get3A_154 = arith.index_cast %add3A_151 : i32 to index
      %get3A_155 = memref.load %arg10[%get3A_154] : memref<512xi32, #tpu.memory_space<smem>>
      %mul3A_156 = arith.constant 128 : i32
      %mul3A_157 = arith.muli %get3A_155, %mul3A_156 : i32
      %dma_start3A_158 = tpu.memref_slice %arg16[%mul3A_153] : memref<49152xf32, #tpu.memory_space<vmem>> -> memref<96xf32, #tpu.memory_space<vmem>>
      %dma_start3A_159 = tpu.memref_slice %arg8[%mul3A_157] : memref<2097152xf32, #tpu.memory_space<hbm>> -> memref<96xf32, #tpu.memory_space<hbm>>
      %dma_start3A_160 = tpu.memref_slice %arg8[%mul3A_157] : memref<2097152xf32, #tpu.memory_space<hbm>> -> memref<96xf32, #tpu.memory_space<hbm>>
      %dma_start3A_161 = tpu.memref_slice %arg16[%mul3A_153] : memref<49152xf32, #tpu.memory_space<vmem>> -> memref<96xf32, #tpu.memory_space<vmem>>
      tpu.enqueue_dma source(%dma_start3A_161 : memref<96xf32, #tpu.memory_space<vmem>>) target(%dma_start3A_160 : memref<96xf32, #tpu.memory_space<hbm>>) target_semaphore(%arg21 : memref<!tpu.dma_semaphore, #tpu.memory_space<semaphore_mem>>)
      %mul3A_162 = arith.constant 16 : i32
      %mul3A_163 = arith.muli %scan3A_50, %mul3A_162 : i32
      %add3A_164 = arith.constant 8 : i32
      %add3A_165 = arith.addi %mul3A_163, %add3A_164 : i32
      %mul3A_166 = arith.constant 96 : i32
      %mul3A_167 = arith.muli %add3A_165, %mul3A_166 : i32
      %get3A_168 = arith.index_cast %add3A_165 : i32 to index
      %get3A_169 = memref.load %arg10[%get3A_168] : memref<512xi32, #tpu.memory_space<smem>>
      %mul3A_170 = arith.constant 128 : i32
      %mul3A_171 = arith.muli %get3A_169, %mul3A_170 : i32
      %dma_start3A_172 = tpu.memref_slice %arg16[%mul3A_167] : memref<49152xf32, #tpu.memory_space<vmem>> -> memref<96xf32, #tpu.memory_space<vmem>>
      %dma_start3A_173 = tpu.memref_slice %arg8[%mul3A_171] : memref<2097152xf32, #tpu.memory_space<hbm>> -> memref<96xf32, #tpu.memory_space<hbm>>
      %dma_start3A_174 = tpu.memref_slice %arg8[%mul3A_171] : memref<2097152xf32, #tpu.memory_space<hbm>> -> memref<96xf32, #tpu.memory_space<hbm>>
      %dma_start3A_175 = tpu.memref_slice %arg16[%mul3A_167] : memref<49152xf32, #tpu.memory_space<vmem>> -> memref<96xf32, #tpu.memory_space<vmem>>
      tpu.enqueue_dma source(%dma_start3A_175 : memref<96xf32, #tpu.memory_space<vmem>>) target(%dma_start3A_174 : memref<96xf32, #tpu.memory_space<hbm>>) target_semaphore(%arg21 : memref<!tpu.dma_semaphore, #tpu.memory_space<semaphore_mem>>)
      %mul3A_176 = arith.constant 16 : i32
      %mul3A_177 = arith.muli %scan3A_50, %mul3A_176 : i32
      %add3A_178 = arith.constant 9 : i32
      %add3A_179 = arith.addi %mul3A_177, %add3A_178 : i32
      %mul3A_180 = arith.constant 96 : i32
      %mul3A_181 = arith.muli %add3A_179, %mul3A_180 : i32
      %get3A_182 = arith.index_cast %add3A_179 : i32 to index
      %get3A_183 = memref.load %arg10[%get3A_182] : memref<512xi32, #tpu.memory_space<smem>>
      %mul3A_184 = arith.constant 128 : i32
      %mul3A_185 = arith.muli %get3A_183, %mul3A_184 : i32
      %dma_start3A_186 = tpu.memref_slice %arg16[%mul3A_181] : memref<49152xf32, #tpu.memory_space<vmem>> -> memref<96xf32, #tpu.memory_space<vmem>>
      %dma_start3A_187 = tpu.memref_slice %arg8[%mul3A_185] : memref<2097152xf32, #tpu.memory_space<hbm>> -> memref<96xf32, #tpu.memory_space<hbm>>
      %dma_start3A_188 = tpu.memref_slice %arg8[%mul3A_185] : memref<2097152xf32, #tpu.memory_space<hbm>> -> memref<96xf32, #tpu.memory_space<hbm>>
      %dma_start3A_189 = tpu.memref_slice %arg16[%mul3A_181] : memref<49152xf32, #tpu.memory_space<vmem>> -> memref<96xf32, #tpu.memory_space<vmem>>
      tpu.enqueue_dma source(%dma_start3A_189 : memref<96xf32, #tpu.memory_space<vmem>>) target(%dma_start3A_188 : memref<96xf32, #tpu.memory_space<hbm>>) target_semaphore(%arg21 : memref<!tpu.dma_semaphore, #tpu.memory_space<semaphore_mem>>)
      %mul3A_190 = arith.constant 16 : i32
      %mul3A_191 = arith.muli %scan3A_50, %mul3A_190 : i32
      %add3A_192 = arith.constant 10 : i32
      %add3A_193 = arith.addi %mul3A_191, %add3A_192 : i32
      %mul3A_194 = arith.constant 96 : i32
      %mul3A_195 = arith.muli %add3A_193, %mul3A_194 : i32
      %get3A_196 = arith.index_cast %add3A_193 : i32 to index
      %get3A_197 = memref.load %arg10[%get3A_196] : memref<512xi32, #tpu.memory_space<smem>>
      %mul3A_198 = arith.constant 128 : i32
      %mul3A_199 = arith.muli %get3A_197, %mul3A_198 : i32
      %dma_start3A_200 = tpu.memref_slice %arg16[%mul3A_195] : memref<49152xf32, #tpu.memory_space<vmem>> -> memref<96xf32, #tpu.memory_space<vmem>>
      %dma_start3A_201 = tpu.memref_slice %arg8[%mul3A_199] : memref<2097152xf32, #tpu.memory_space<hbm>> -> memref<96xf32, #tpu.memory_space<hbm>>
      %dma_start3A_202 = tpu.memref_slice %arg8[%mul3A_199] : memref<2097152xf32, #tpu.memory_space<hbm>> -> memref<96xf32, #tpu.memory_space<hbm>>
      %dma_start3A_203 = tpu.memref_slice %arg16[%mul3A_195] : memref<49152xf32, #tpu.memory_space<vmem>> -> memref<96xf32, #tpu.memory_space<vmem>>
      tpu.enqueue_dma source(%dma_start3A_203 : memref<96xf32, #tpu.memory_space<vmem>>) target(%dma_start3A_202 : memref<96xf32, #tpu.memory_space<hbm>>) target_semaphore(%arg21 : memref<!tpu.dma_semaphore, #tpu.memory_space<semaphore_mem>>)
      %mul3A_204 = arith.constant 16 : i32
      %mul3A_205 = arith.muli %scan3A_50, %mul3A_204 : i32
      %add3A_206 = arith.constant 11 : i32
      %add3A_207 = arith.addi %mul3A_205, %add3A_206 : i32
      %mul3A_208 = arith.constant 96 : i32
      %mul3A_209 = arith.muli %add3A_207, %mul3A_208 : i32
      %get3A_210 = arith.index_cast %add3A_207 : i32 to index
      %get3A_211 = memref.load %arg10[%get3A_210] : memref<512xi32, #tpu.memory_space<smem>>
      %mul3A_212 = arith.constant 128 : i32
      %mul3A_213 = arith.muli %get3A_211, %mul3A_212 : i32
      %dma_start3A_214 = tpu.memref_slice %arg16[%mul3A_209] : memref<49152xf32, #tpu.memory_space<vmem>> -> memref<96xf32, #tpu.memory_space<vmem>>
      %dma_start3A_215 = tpu.memref_slice %arg8[%mul3A_213] : memref<2097152xf32, #tpu.memory_space<hbm>> -> memref<96xf32, #tpu.memory_space<hbm>>
      %dma_start3A_216 = tpu.memref_slice %arg8[%mul3A_213] : memref<2097152xf32, #tpu.memory_space<hbm>> -> memref<96xf32, #tpu.memory_space<hbm>>
      %dma_start3A_217 = tpu.memref_slice %arg16[%mul3A_209] : memref<49152xf32, #tpu.memory_space<vmem>> -> memref<96xf32, #tpu.memory_space<vmem>>
      tpu.enqueue_dma source(%dma_start3A_217 : memref<96xf32, #tpu.memory_space<vmem>>) target(%dma_start3A_216 : memref<96xf32, #tpu.memory_space<hbm>>) target_semaphore(%arg21 : memref<!tpu.dma_semaphore, #tpu.memory_space<semaphore_mem>>)
      %mul3A_218 = arith.constant 16 : i32
      %mul3A_219 = arith.muli %scan3A_50, %mul3A_218 : i32
      %add3A_220 = arith.constant 12 : i32
      %add3A_221 = arith.addi %mul3A_219, %add3A_220 : i32
      %mul3A_222 = arith.constant 96 : i32
      %mul3A_223 = arith.muli %add3A_221, %mul3A_222 : i32
      %get3A_224 = arith.index_cast %add3A_221 : i32 to index
      %get3A_225 = memref.load %arg10[%get3A_224] : memref<512xi32, #tpu.memory_space<smem>>
      %mul3A_226 = arith.constant 128 : i32
      %mul3A_227 = arith.muli %get3A_225, %mul3A_226 : i32
      %dma_start3A_228 = tpu.memref_slice %arg16[%mul3A_223] : memref<49152xf32, #tpu.memory_space<vmem>> -> memref<96xf32, #tpu.memory_space<vmem>>
      %dma_start3A_229 = tpu.memref_slice %arg8[%mul3A_227] : memref<2097152xf32, #tpu.memory_space<hbm>> -> memref<96xf32, #tpu.memory_space<hbm>>
      %dma_start3A_230 = tpu.memref_slice %arg8[%mul3A_227] : memref<2097152xf32, #tpu.memory_space<hbm>> -> memref<96xf32, #tpu.memory_space<hbm>>
      %dma_start3A_231 = tpu.memref_slice %arg16[%mul3A_223] : memref<49152xf32, #tpu.memory_space<vmem>> -> memref<96xf32, #tpu.memory_space<vmem>>
      tpu.enqueue_dma source(%dma_start3A_231 : memref<96xf32, #tpu.memory_space<vmem>>) target(%dma_start3A_230 : memref<96xf32, #tpu.memory_space<hbm>>) target_semaphore(%arg21 : memref<!tpu.dma_semaphore, #tpu.memory_space<semaphore_mem>>)
      %mul3A_232 = arith.constant 16 : i32
      %mul3A_233 = arith.muli %scan3A_50, %mul3A_232 : i32
      %add3A_234 = arith.constant 13 : i32
      %add3A_235 = arith.addi %mul3A_233, %add3A_234 : i32
      %mul3A_236 = arith.constant 96 : i32
      %mul3A_237 = arith.muli %add3A_235, %mul3A_236 : i32
      %get3A_238 = arith.index_cast %add3A_235 : i32 to index
      %get3A_239 = memref.load %arg10[%get3A_238] : memref<512xi32, #tpu.memory_space<smem>>
      %mul3A_240 = arith.constant 128 : i32
      %mul3A_241 = arith.muli %get3A_239, %mul3A_240 : i32
      %dma_start3A_242 = tpu.memref_slice %arg16[%mul3A_237] : memref<49152xf32, #tpu.memory_space<vmem>> -> memref<96xf32, #tpu.memory_space<vmem>>
      %dma_start3A_243 = tpu.memref_slice %arg8[%mul3A_241] : memref<2097152xf32, #tpu.memory_space<hbm>> -> memref<96xf32, #tpu.memory_space<hbm>>
      %dma_start3A_244 = tpu.memref_slice %arg8[%mul3A_241] : memref<2097152xf32, #tpu.memory_space<hbm>> -> memref<96xf32, #tpu.memory_space<hbm>>
      %dma_start3A_245 = tpu.memref_slice %arg16[%mul3A_237] : memref<49152xf32, #tpu.memory_space<vmem>> -> memref<96xf32, #tpu.memory_space<vmem>>
      tpu.enqueue_dma source(%dma_start3A_245 : memref<96xf32, #tpu.memory_space<vmem>>) target(%dma_start3A_244 : memref<96xf32, #tpu.memory_space<hbm>>) target_semaphore(%arg21 : memref<!tpu.dma_semaphore, #tpu.memory_space<semaphore_mem>>)
      %mul3A_246 = arith.constant 16 : i32
      %mul3A_247 = arith.muli %scan3A_50, %mul3A_246 : i32
      %add3A_248 = arith.constant 14 : i32
      %add3A_249 = arith.addi %mul3A_247, %add3A_248 : i32
      %mul3A_250 = arith.constant 96 : i32
      %mul3A_251 = arith.muli %add3A_249, %mul3A_250 : i32
      %get3A_252 = arith.index_cast %add3A_249 : i32 to index
      %get3A_253 = memref.load %arg10[%get3A_252] : memref<512xi32, #tpu.memory_space<smem>>
      %mul3A_254 = arith.constant 128 : i32
      %mul3A_255 = arith.muli %get3A_253, %mul3A_254 : i32
      %dma_start3A_256 = tpu.memref_slice %arg16[%mul3A_251] : memref<49152xf32, #tpu.memory_space<vmem>> -> memref<96xf32, #tpu.memory_space<vmem>>
      %dma_start3A_257 = tpu.memref_slice %arg8[%mul3A_255] : memref<2097152xf32, #tpu.memory_space<hbm>> -> memref<96xf32, #tpu.memory_space<hbm>>
      %dma_start3A_258 = tpu.memref_slice %arg8[%mul3A_255] : memref<2097152xf32, #tpu.memory_space<hbm>> -> memref<96xf32, #tpu.memory_space<hbm>>
      %dma_start3A_259 = tpu.memref_slice %arg16[%mul3A_251] : memref<49152xf32, #tpu.memory_space<vmem>> -> memref<96xf32, #tpu.memory_space<vmem>>
      tpu.enqueue_dma source(%dma_start3A_259 : memref<96xf32, #tpu.memory_space<vmem>>) target(%dma_start3A_258 : memref<96xf32, #tpu.memory_space<hbm>>) target_semaphore(%arg21 : memref<!tpu.dma_semaphore, #tpu.memory_space<semaphore_mem>>)
      %mul3A_260 = arith.constant 16 : i32
      %mul3A_261 = arith.muli %scan3A_50, %mul3A_260 : i32
      %add3A_262 = arith.constant 15 : i32
      %add3A_263 = arith.addi %mul3A_261, %add3A_262 : i32
      %mul3A_264 = arith.constant 96 : i32
      %mul3A_265 = arith.muli %add3A_263, %mul3A_264 : i32
      %get3A_266 = arith.index_cast %add3A_263 : i32 to index
      %get3A_267 = memref.load %arg10[%get3A_266] : memref<512xi32, #tpu.memory_space<smem>>
      %mul3A_268 = arith.constant 128 : i32
      %mul3A_269 = arith.muli %get3A_267, %mul3A_268 : i32
      %dma_start3A_270 = tpu.memref_slice %arg16[%mul3A_265] : memref<49152xf32, #tpu.memory_space<vmem>> -> memref<96xf32, #tpu.memory_space<vmem>>
      %dma_start3A_271 = tpu.memref_slice %arg8[%mul3A_269] : memref<2097152xf32, #tpu.memory_space<hbm>> -> memref<96xf32, #tpu.memory_space<hbm>>
      %dma_start3A_272 = tpu.memref_slice %arg8[%mul3A_269] : memref<2097152xf32, #tpu.memory_space<hbm>> -> memref<96xf32, #tpu.memory_space<hbm>>
      %dma_start3A_273 = tpu.memref_slice %arg16[%mul3A_265] : memref<49152xf32, #tpu.memory_space<vmem>> -> memref<96xf32, #tpu.memory_space<vmem>>
      tpu.enqueue_dma source(%dma_start3A_273 : memref<96xf32, #tpu.memory_space<vmem>>) target(%dma_start3A_272 : memref<96xf32, #tpu.memory_space<hbm>>) target_semaphore(%arg21 : memref<!tpu.dma_semaphore, #tpu.memory_space<semaphore_mem>>)
      %dma_wait3A = tpu.memref_slice %arg16[%mul3A_56] : memref<49152xf32, #tpu.memory_space<vmem>> -> memref<96xf32, #tpu.memory_space<vmem>>
      %dma_wait3A_274 = tpu.memref_slice %arg8[%mul3A_60] : memref<2097152xf32, #tpu.memory_space<hbm>> -> memref<96xf32, #tpu.memory_space<hbm>>
      %dma_wait3A_275 = tpu.memref_slice %arg8[%mul3A_60] : memref<2097152xf32, #tpu.memory_space<hbm>> -> memref<96xf32, #tpu.memory_space<hbm>>
      %dma_wait3A_276 = tpu.memref_slice %arg16[%mul3A_56] : memref<49152xf32, #tpu.memory_space<vmem>> -> memref<96xf32, #tpu.memory_space<vmem>>
      tpu.wait_dma2 semaphore(%arg21 : memref<!tpu.dma_semaphore, #tpu.memory_space<semaphore_mem>>) src(%dma_wait3A_276 : memref<96xf32, #tpu.memory_space<vmem>>) dst(%dma_wait3A_275 : memref<96xf32, #tpu.memory_space<hbm>>)
      %dma_wait3A_277 = tpu.memref_slice %arg16[%mul3A_69] : memref<49152xf32, #tpu.memory_space<vmem>> -> memref<96xf32, #tpu.memory_space<vmem>>
      %dma_wait3A_278 = tpu.memref_slice %arg8[%mul3A_73] : memref<2097152xf32, #tpu.memory_space<hbm>> -> memref<96xf32, #tpu.memory_space<hbm>>
      %dma_wait3A_279 = tpu.memref_slice %arg8[%mul3A_73] : memref<2097152xf32, #tpu.memory_space<hbm>> -> memref<96xf32, #tpu.memory_space<hbm>>
      %dma_wait3A_280 = tpu.memref_slice %arg16[%mul3A_69] : memref<49152xf32, #tpu.memory_space<vmem>> -> memref<96xf32, #tpu.memory_space<vmem>>
      tpu.wait_dma2 semaphore(%arg21 : memref<!tpu.dma_semaphore, #tpu.memory_space<semaphore_mem>>) src(%dma_wait3A_280 : memref<96xf32, #tpu.memory_space<vmem>>) dst(%dma_wait3A_279 : memref<96xf32, #tpu.memory_space<hbm>>)
      %dma_wait3A_281 = tpu.memref_slice %arg16[%mul3A_83] : memref<49152xf32, #tpu.memory_space<vmem>> -> memref<96xf32, #tpu.memory_space<vmem>>
      %dma_wait3A_282 = tpu.memref_slice %arg8[%mul3A_87] : memref<2097152xf32, #tpu.memory_space<hbm>> -> memref<96xf32, #tpu.memory_space<hbm>>
      %dma_wait3A_283 = tpu.memref_slice %arg8[%mul3A_87] : memref<2097152xf32, #tpu.memory_space<hbm>> -> memref<96xf32, #tpu.memory_space<hbm>>
      %dma_wait3A_284 = tpu.memref_slice %arg16[%mul3A_83] : memref<49152xf32, #tpu.memory_space<vmem>> -> memref<96xf32, #tpu.memory_space<vmem>>
      tpu.wait_dma2 semaphore(%arg21 : memref<!tpu.dma_semaphore, #tpu.memory_space<semaphore_mem>>) src(%dma_wait3A_284 : memref<96xf32, #tpu.memory_space<vmem>>) dst(%dma_wait3A_283 : memref<96xf32, #tpu.memory_space<hbm>>)
      %dma_wait3A_285 = tpu.memref_slice %arg16[%mul3A_97] : memref<49152xf32, #tpu.memory_space<vmem>> -> memref<96xf32, #tpu.memory_space<vmem>>
      %dma_wait3A_286 = tpu.memref_slice %arg8[%mul3A_101] : memref<2097152xf32, #tpu.memory_space<hbm>> -> memref<96xf32, #tpu.memory_space<hbm>>
      %dma_wait3A_287 = tpu.memref_slice %arg8[%mul3A_101] : memref<2097152xf32, #tpu.memory_space<hbm>> -> memref<96xf32, #tpu.memory_space<hbm>>
      %dma_wait3A_288 = tpu.memref_slice %arg16[%mul3A_97] : memref<49152xf32, #tpu.memory_space<vmem>> -> memref<96xf32, #tpu.memory_space<vmem>>
      tpu.wait_dma2 semaphore(%arg21 : memref<!tpu.dma_semaphore, #tpu.memory_space<semaphore_mem>>) src(%dma_wait3A_288 : memref<96xf32, #tpu.memory_space<vmem>>) dst(%dma_wait3A_287 : memref<96xf32, #tpu.memory_space<hbm>>)
      %dma_wait3A_289 = tpu.memref_slice %arg16[%mul3A_111] : memref<49152xf32, #tpu.memory_space<vmem>> -> memref<96xf32, #tpu.memory_space<vmem>>
      %dma_wait3A_290 = tpu.memref_slice %arg8[%mul3A_115] : memref<2097152xf32, #tpu.memory_space<hbm>> -> memref<96xf32, #tpu.memory_space<hbm>>
      %dma_wait3A_291 = tpu.memref_slice %arg8[%mul3A_115] : memref<2097152xf32, #tpu.memory_space<hbm>> -> memref<96xf32, #tpu.memory_space<hbm>>
      %dma_wait3A_292 = tpu.memref_slice %arg16[%mul3A_111] : memref<49152xf32, #tpu.memory_space<vmem>> -> memref<96xf32, #tpu.memory_space<vmem>>
      tpu.wait_dma2 semaphore(%arg21 : memref<!tpu.dma_semaphore, #tpu.memory_space<semaphore_mem>>) src(%dma_wait3A_292 : memref<96xf32, #tpu.memory_space<vmem>>) dst(%dma_wait3A_291 : memref<96xf32, #tpu.memory_space<hbm>>)
      %dma_wait3A_293 = tpu.memref_slice %arg16[%mul3A_125] : memref<49152xf32, #tpu.memory_space<vmem>> -> memref<96xf32, #tpu.memory_space<vmem>>
      %dma_wait3A_294 = tpu.memref_slice %arg8[%mul3A_129] : memref<2097152xf32, #tpu.memory_space<hbm>> -> memref<96xf32, #tpu.memory_space<hbm>>
      %dma_wait3A_295 = tpu.memref_slice %arg8[%mul3A_129] : memref<2097152xf32, #tpu.memory_space<hbm>> -> memref<96xf32, #tpu.memory_space<hbm>>
      %dma_wait3A_296 = tpu.memref_slice %arg16[%mul3A_125] : memref<49152xf32, #tpu.memory_space<vmem>> -> memref<96xf32, #tpu.memory_space<vmem>>
      tpu.wait_dma2 semaphore(%arg21 : memref<!tpu.dma_semaphore, #tpu.memory_space<semaphore_mem>>) src(%dma_wait3A_296 : memref<96xf32, #tpu.memory_space<vmem>>) dst(%dma_wait3A_295 : memref<96xf32, #tpu.memory_space<hbm>>)
      %dma_wait3A_297 = tpu.memref_slice %arg16[%mul3A_139] : memref<49152xf32, #tpu.memory_space<vmem>> -> memref<96xf32, #tpu.memory_space<vmem>>
      %dma_wait3A_298 = tpu.memref_slice %arg8[%mul3A_143] : memref<2097152xf32, #tpu.memory_space<hbm>> -> memref<96xf32, #tpu.memory_space<hbm>>
      %dma_wait3A_299 = tpu.memref_slice %arg8[%mul3A_143] : memref<2097152xf32, #tpu.memory_space<hbm>> -> memref<96xf32, #tpu.memory_space<hbm>>
      %dma_wait3A_300 = tpu.memref_slice %arg16[%mul3A_139] : memref<49152xf32, #tpu.memory_space<vmem>> -> memref<96xf32, #tpu.memory_space<vmem>>
      tpu.wait_dma2 semaphore(%arg21 : memref<!tpu.dma_semaphore, #tpu.memory_space<semaphore_mem>>) src(%dma_wait3A_300 : memref<96xf32, #tpu.memory_space<vmem>>) dst(%dma_wait3A_299 : memref<96xf32, #tpu.memory_space<hbm>>)
      %dma_wait3A_301 = tpu.memref_slice %arg16[%mul3A_153] : memref<49152xf32, #tpu.memory_space<vmem>> -> memref<96xf32, #tpu.memory_space<vmem>>
      %dma_wait3A_302 = tpu.memref_slice %arg8[%mul3A_157] : memref<2097152xf32, #tpu.memory_space<hbm>> -> memref<96xf32, #tpu.memory_space<hbm>>
      %dma_wait3A_303 = tpu.memref_slice %arg8[%mul3A_157] : memref<2097152xf32, #tpu.memory_space<hbm>> -> memref<96xf32, #tpu.memory_space<hbm>>
      %dma_wait3A_304 = tpu.memref_slice %arg16[%mul3A_153] : memref<49152xf32, #tpu.memory_space<vmem>> -> memref<96xf32, #tpu.memory_space<vmem>>
      tpu.wait_dma2 semaphore(%arg21 : memref<!tpu.dma_semaphore, #tpu.memory_space<semaphore_mem>>) src(%dma_wait3A_304 : memref<96xf32, #tpu.memory_space<vmem>>) dst(%dma_wait3A_303 : memref<96xf32, #tpu.memory_space<hbm>>)
      %dma_wait3A_305 = tpu.memref_slice %arg16[%mul3A_167] : memref<49152xf32, #tpu.memory_space<vmem>> -> memref<96xf32, #tpu.memory_space<vmem>>
      %dma_wait3A_306 = tpu.memref_slice %arg8[%mul3A_171] : memref<2097152xf32, #tpu.memory_space<hbm>> -> memref<96xf32, #tpu.memory_space<hbm>>
      %dma_wait3A_307 = tpu.memref_slice %arg8[%mul3A_171] : memref<2097152xf32, #tpu.memory_space<hbm>> -> memref<96xf32, #tpu.memory_space<hbm>>
      %dma_wait3A_308 = tpu.memref_slice %arg16[%mul3A_167] : memref<49152xf32, #tpu.memory_space<vmem>> -> memref<96xf32, #tpu.memory_space<vmem>>
      tpu.wait_dma2 semaphore(%arg21 : memref<!tpu.dma_semaphore, #tpu.memory_space<semaphore_mem>>) src(%dma_wait3A_308 : memref<96xf32, #tpu.memory_space<vmem>>) dst(%dma_wait3A_307 : memref<96xf32, #tpu.memory_space<hbm>>)
      %dma_wait3A_309 = tpu.memref_slice %arg16[%mul3A_181] : memref<49152xf32, #tpu.memory_space<vmem>> -> memref<96xf32, #tpu.memory_space<vmem>>
      %dma_wait3A_310 = tpu.memref_slice %arg8[%mul3A_185] : memref<2097152xf32, #tpu.memory_space<hbm>> -> memref<96xf32, #tpu.memory_space<hbm>>
      %dma_wait3A_311 = tpu.memref_slice %arg8[%mul3A_185] : memref<2097152xf32, #tpu.memory_space<hbm>> -> memref<96xf32, #tpu.memory_space<hbm>>
      %dma_wait3A_312 = tpu.memref_slice %arg16[%mul3A_181] : memref<49152xf32, #tpu.memory_space<vmem>> -> memref<96xf32, #tpu.memory_space<vmem>>
      tpu.wait_dma2 semaphore(%arg21 : memref<!tpu.dma_semaphore, #tpu.memory_space<semaphore_mem>>) src(%dma_wait3A_312 : memref<96xf32, #tpu.memory_space<vmem>>) dst(%dma_wait3A_311 : memref<96xf32, #tpu.memory_space<hbm>>)
      %dma_wait3A_313 = tpu.memref_slice %arg16[%mul3A_195] : memref<49152xf32, #tpu.memory_space<vmem>> -> memref<96xf32, #tpu.memory_space<vmem>>
      %dma_wait3A_314 = tpu.memref_slice %arg8[%mul3A_199] : memref<2097152xf32, #tpu.memory_space<hbm>> -> memref<96xf32, #tpu.memory_space<hbm>>
      %dma_wait3A_315 = tpu.memref_slice %arg8[%mul3A_199] : memref<2097152xf32, #tpu.memory_space<hbm>> -> memref<96xf32, #tpu.memory_space<hbm>>
      %dma_wait3A_316 = tpu.memref_slice %arg16[%mul3A_195] : memref<49152xf32, #tpu.memory_space<vmem>> -> memref<96xf32, #tpu.memory_space<vmem>>
      tpu.wait_dma2 semaphore(%arg21 : memref<!tpu.dma_semaphore, #tpu.memory_space<semaphore_mem>>) src(%dma_wait3A_316 : memref<96xf32, #tpu.memory_space<vmem>>) dst(%dma_wait3A_315 : memref<96xf32, #tpu.memory_space<hbm>>)
      %dma_wait3A_317 = tpu.memref_slice %arg16[%mul3A_209] : memref<49152xf32, #tpu.memory_space<vmem>> -> memref<96xf32, #tpu.memory_space<vmem>>
      %dma_wait3A_318 = tpu.memref_slice %arg8[%mul3A_213] : memref<2097152xf32, #tpu.memory_space<hbm>> -> memref<96xf32, #tpu.memory_space<hbm>>
      %dma_wait3A_319 = tpu.memref_slice %arg8[%mul3A_213] : memref<2097152xf32, #tpu.memory_space<hbm>> -> memref<96xf32, #tpu.memory_space<hbm>>
      %dma_wait3A_320 = tpu.memref_slice %arg16[%mul3A_209] : memref<49152xf32, #tpu.memory_space<vmem>> -> memref<96xf32, #tpu.memory_space<vmem>>
      tpu.wait_dma2 semaphore(%arg21 : memref<!tpu.dma_semaphore, #tpu.memory_space<semaphore_mem>>) src(%dma_wait3A_320 : memref<96xf32, #tpu.memory_space<vmem>>) dst(%dma_wait3A_319 : memref<96xf32, #tpu.memory_space<hbm>>)
      %dma_wait3A_321 = tpu.memref_slice %arg16[%mul3A_223] : memref<49152xf32, #tpu.memory_space<vmem>> -> memref<96xf32, #tpu.memory_space<vmem>>
      %dma_wait3A_322 = tpu.memref_slice %arg8[%mul3A_227] : memref<2097152xf32, #tpu.memory_space<hbm>> -> memref<96xf32, #tpu.memory_space<hbm>>
      %dma_wait3A_323 = tpu.memref_slice %arg8[%mul3A_227] : memref<2097152xf32, #tpu.memory_space<hbm>> -> memref<96xf32, #tpu.memory_space<hbm>>
      %dma_wait3A_324 = tpu.memref_slice %arg16[%mul3A_223] : memref<49152xf32, #tpu.memory_space<vmem>> -> memref<96xf32, #tpu.memory_space<vmem>>
      tpu.wait_dma2 semaphore(%arg21 : memref<!tpu.dma_semaphore, #tpu.memory_space<semaphore_mem>>) src(%dma_wait3A_324 : memref<96xf32, #tpu.memory_space<vmem>>) dst(%dma_wait3A_323 : memref<96xf32, #tpu.memory_space<hbm>>)
      %dma_wait3A_325 = tpu.memref_slice %arg16[%mul3A_237] : memref<49152xf32, #tpu.memory_space<vmem>> -> memref<96xf32, #tpu.memory_space<vmem>>
      %dma_wait3A_326 = tpu.memref_slice %arg8[%mul3A_241] : memref<2097152xf32, #tpu.memory_space<hbm>> -> memref<96xf32, #tpu.memory_space<hbm>>
      %dma_wait3A_327 = tpu.memref_slice %arg8[%mul3A_241] : memref<2097152xf32, #tpu.memory_space<hbm>> -> memref<96xf32, #tpu.memory_space<hbm>>
      %dma_wait3A_328 = tpu.memref_slice %arg16[%mul3A_237] : memref<49152xf32, #tpu.memory_space<vmem>> -> memref<96xf32, #tpu.memory_space<vmem>>
      tpu.wait_dma2 semaphore(%arg21 : memref<!tpu.dma_semaphore, #tpu.memory_space<semaphore_mem>>) src(%dma_wait3A_328 : memref<96xf32, #tpu.memory_space<vmem>>) dst(%dma_wait3A_327 : memref<96xf32, #tpu.memory_space<hbm>>)
      %dma_wait3A_329 = tpu.memref_slice %arg16[%mul3A_251] : memref<49152xf32, #tpu.memory_space<vmem>> -> memref<96xf32, #tpu.memory_space<vmem>>
      %dma_wait3A_330 = tpu.memref_slice %arg8[%mul3A_255] : memref<2097152xf32, #tpu.memory_space<hbm>> -> memref<96xf32, #tpu.memory_space<hbm>>
      %dma_wait3A_331 = tpu.memref_slice %arg8[%mul3A_255] : memref<2097152xf32, #tpu.memory_space<hbm>> -> memref<96xf32, #tpu.memory_space<hbm>>
      %dma_wait3A_332 = tpu.memref_slice %arg16[%mul3A_251] : memref<49152xf32, #tpu.memory_space<vmem>> -> memref<96xf32, #tpu.memory_space<vmem>>
      tpu.wait_dma2 semaphore(%arg21 : memref<!tpu.dma_semaphore, #tpu.memory_space<semaphore_mem>>) src(%dma_wait3A_332 : memref<96xf32, #tpu.memory_space<vmem>>) dst(%dma_wait3A_331 : memref<96xf32, #tpu.memory_space<hbm>>)
      %dma_wait3A_333 = tpu.memref_slice %arg16[%mul3A_265] : memref<49152xf32, #tpu.memory_space<vmem>> -> memref<96xf32, #tpu.memory_space<vmem>>
      %dma_wait3A_334 = tpu.memref_slice %arg8[%mul3A_269] : memref<2097152xf32, #tpu.memory_space<hbm>> -> memref<96xf32, #tpu.memory_space<hbm>>
      %dma_wait3A_335 = tpu.memref_slice %arg8[%mul3A_269] : memref<2097152xf32, #tpu.memory_space<hbm>> -> memref<96xf32, #tpu.memory_space<hbm>>
      %dma_wait3A_336 = tpu.memref_slice %arg16[%mul3A_265] : memref<49152xf32, #tpu.memory_space<vmem>> -> memref<96xf32, #tpu.memory_space<vmem>>
      tpu.wait_dma2 semaphore(%arg21 : memref<!tpu.dma_semaphore, #tpu.memory_space<semaphore_mem>>) src(%dma_wait3A_336 : memref<96xf32, #tpu.memory_space<vmem>>) dst(%dma_wait3A_335 : memref<96xf32, #tpu.memory_space<hbm>>)
    }
    %scan3A_49 = arith.constant 32 : i32
    return
  }
}

#map = affine_map<(d0, d1) -> (0)>
#map1 = affine_map<(d0, d1) -> (0, 0)>
module attributes {stable_mosaic.version = 14 : i64} {
  func.func @_sc_body(%arg0: i32, %arg1: i32, %arg2: memref<16384xi32, #tpu.memory_space<hbm>>, %arg3: memref<16384xi32, #tpu.memory_space<hbm>>, %arg4: memref<64x1000000xf32, #tpu.memory_space<hbm>>, %arg5: memref<32x1000000xf32, #tpu.memory_space<hbm>>, %arg6: memref<4096xf32, #tpu.memory_space<hbm>>, %arg7: memref<2048xf32, #tpu.memory_space<hbm>>, %arg8: memref<2097152xf32, #tpu.memory_space<hbm>>, %arg9: memref<512xi32, #tpu.memory_space<smem>>, %arg10: memref<512xi32, #tpu.memory_space<smem>>, %arg11: memref<514xi32, #tpu.memory_space<smem>>, %arg12: memref<512xi32, #tpu.memory_space<vmem>>, %arg13: memref<512xi32, #tpu.memory_space<vmem>>, %arg14: memref<384x128xf32, #tpu.memory_space<vmem>>, %arg15: memref<192x128xf32, #tpu.memory_space<vmem>>, %arg16: memref<49152xf32, #tpu.memory_space<vmem>>, %arg17: memref<4096xf32, #tpu.memory_space<vmem>>, %arg18: memref<2048xf32, #tpu.memory_space<vmem>>, %arg19: memref<!tpu.dma_semaphore, #tpu.memory_space<semaphore_mem>>, %arg20: memref<!tpu.dma_semaphore, #tpu.memory_space<semaphore_mem>>, %arg21: memref<!tpu.dma_semaphore, #tpu.memory_space<semaphore_mem>>) attributes {dimension_semantics = [#tpu.dimension_semantics<core_parallel>, #tpu.dimension_semantics<subcore_parallel>], iteration_bounds = array<i64: 2, 16>, scalar_prefetch = 0 : i64, scratch_operands = 13 : i64, tpu.core_type = #tpu.core_type<sc_vector_subcore>, window_params = [{transform_indices = #map}, {transform_indices = #map}, {transform_indices = #map1}, {transform_indices = #map1}, {transform_indices = #map}, {transform_indices = #map}, {transform_indices = #map}]} {
    %mul3A = arith.constant 2 : i32
    %mul3A_0 = arith.muli %arg1, %mul3A : i32
    %add3A = arith.addi %mul3A_0, %arg0 : i32
    %mul3A_1 = arith.constant 512 : i32
    %mul3A_2 = arith.muli %add3A, %mul3A_1 : i32
    "tpu.region"() ({
      %run_scoped3A = tpu.sem_alloc : memref<!tpu.dma_semaphore, #tpu.memory_space<semaphore_mem>>
      %dma_start3A = arith.constant 0 : i32
      %dma_start3A_50 = tpu.memref_slice %arg17[%dma_start3A] : memref<4096xf32, #tpu.memory_space<vmem>> -> memref<4096xf32, #tpu.memory_space<vmem>>
      %dma_start3A_51 = arith.constant 0 : i32
      %dma_start3A_52 = tpu.memref_slice %arg17[%dma_start3A_51] : memref<4096xf32, #tpu.memory_space<vmem>> -> memref<4096xf32, #tpu.memory_space<vmem>>
      tpu.enqueue_dma source(%arg6 : memref<4096xf32, #tpu.memory_space<hbm>>) target(%dma_start3A_52 : memref<4096xf32, #tpu.memory_space<vmem>>) target_semaphore(%run_scoped3A : memref<!tpu.dma_semaphore, #tpu.memory_space<semaphore_mem>>)
      %dma_wait3A = arith.constant 0 : i32
      %dma_wait3A_53 = tpu.memref_slice %arg17[%dma_wait3A] : memref<4096xf32, #tpu.memory_space<vmem>> -> memref<4096xf32, #tpu.memory_space<vmem>>
      %dma_wait3A_54 = arith.constant 0 : i32
      %dma_wait3A_55 = tpu.memref_slice %arg17[%dma_wait3A_54] : memref<4096xf32, #tpu.memory_space<vmem>> -> memref<4096xf32, #tpu.memory_space<vmem>>
      tpu.wait_dma2 semaphore(%run_scoped3A : memref<!tpu.dma_semaphore, #tpu.memory_space<semaphore_mem>>) src(%arg6 : memref<4096xf32, #tpu.memory_space<hbm>>) dst(%dma_wait3A_55 : memref<4096xf32, #tpu.memory_space<vmem>>)
      tpu.yield
    }) : () -> ()
    "tpu.region"() ({
      %run_scoped3A = tpu.sem_alloc : memref<!tpu.dma_semaphore, #tpu.memory_space<semaphore_mem>>
      %dma_start3A = arith.constant 0 : i32
      %dma_start3A_50 = tpu.memref_slice %arg18[%dma_start3A] : memref<2048xf32, #tpu.memory_space<vmem>> -> memref<2048xf32, #tpu.memory_space<vmem>>
      %dma_start3A_51 = arith.constant 0 : i32
      %dma_start3A_52 = tpu.memref_slice %arg18[%dma_start3A_51] : memref<2048xf32, #tpu.memory_space<vmem>> -> memref<2048xf32, #tpu.memory_space<vmem>>
      tpu.enqueue_dma source(%arg7 : memref<2048xf32, #tpu.memory_space<hbm>>) target(%dma_start3A_52 : memref<2048xf32, #tpu.memory_space<vmem>>) target_semaphore(%run_scoped3A : memref<!tpu.dma_semaphore, #tpu.memory_space<semaphore_mem>>)
      %dma_wait3A = arith.constant 0 : i32
      %dma_wait3A_53 = tpu.memref_slice %arg18[%dma_wait3A] : memref<2048xf32, #tpu.memory_space<vmem>> -> memref<2048xf32, #tpu.memory_space<vmem>>
      %dma_wait3A_54 = arith.constant 0 : i32
      %dma_wait3A_55 = tpu.memref_slice %arg18[%dma_wait3A_54] : memref<2048xf32, #tpu.memory_space<vmem>> -> memref<2048xf32, #tpu.memory_space<vmem>>
      tpu.wait_dma2 semaphore(%run_scoped3A : memref<!tpu.dma_semaphore, #tpu.memory_space<semaphore_mem>>) src(%arg7 : memref<2048xf32, #tpu.memory_space<hbm>>) dst(%dma_wait3A_55 : memref<2048xf32, #tpu.memory_space<vmem>>)
      tpu.yield
    }) : () -> ()
    "tpu.region"() ({
      %run_scoped3A = tpu.sem_alloc : memref<!tpu.dma_semaphore, #tpu.memory_space<semaphore_mem>>
      %dma_start3A = tpu.memref_slice %arg2[%mul3A_2] : memref<16384xi32, #tpu.memory_space<hbm>> -> memref<512xi32, #tpu.memory_space<hbm>>
      %dma_start3A_50 = tpu.memref_slice %arg2[%mul3A_2] : memref<16384xi32, #tpu.memory_space<hbm>> -> memref<512xi32, #tpu.memory_space<hbm>>
      tpu.enqueue_dma source(%dma_start3A_50 : memref<512xi32, #tpu.memory_space<hbm>>) target(%arg12 : memref<512xi32, #tpu.memory_space<vmem>>) target_semaphore(%run_scoped3A : memref<!tpu.dma_semaphore, #tpu.memory_space<semaphore_mem>>)
      %dma_wait3A = tpu.memref_slice %arg2[%mul3A_2] : memref<16384xi32, #tpu.memory_space<hbm>> -> memref<512xi32, #tpu.memory_space<hbm>>
      %dma_wait3A_51 = tpu.memref_slice %arg2[%mul3A_2] : memref<16384xi32, #tpu.memory_space<hbm>> -> memref<512xi32, #tpu.memory_space<hbm>>
      tpu.wait_dma2 semaphore(%run_scoped3A : memref<!tpu.dma_semaphore, #tpu.memory_space<semaphore_mem>>) src(%dma_wait3A_51 : memref<512xi32, #tpu.memory_space<hbm>>) dst(%arg12 : memref<512xi32, #tpu.memory_space<vmem>>)
      tpu.yield
    }) : () -> ()
    "tpu.region"() ({
      %run_scoped3A = tpu.sem_alloc : memref<!tpu.dma_semaphore, #tpu.memory_space<semaphore_mem>>
      %dma_start3A = tpu.memref_slice %arg3[%mul3A_2] : memref<16384xi32, #tpu.memory_space<hbm>> -> memref<512xi32, #tpu.memory_space<hbm>>
      %dma_start3A_50 = tpu.memref_slice %arg3[%mul3A_2] : memref<16384xi32, #tpu.memory_space<hbm>> -> memref<512xi32, #tpu.memory_space<hbm>>
      tpu.enqueue_dma source(%dma_start3A_50 : memref<512xi32, #tpu.memory_space<hbm>>) target(%arg13 : memref<512xi32, #tpu.memory_space<vmem>>) target_semaphore(%run_scoped3A : memref<!tpu.dma_semaphore, #tpu.memory_space<semaphore_mem>>)
      %dma_wait3A = tpu.memref_slice %arg3[%mul3A_2] : memref<16384xi32, #tpu.memory_space<hbm>> -> memref<512xi32, #tpu.memory_space<hbm>>
      %dma_wait3A_51 = tpu.memref_slice %arg3[%mul3A_2] : memref<16384xi32, #tpu.memory_space<hbm>> -> memref<512xi32, #tpu.memory_space<hbm>>
      tpu.wait_dma2 semaphore(%run_scoped3A : memref<!tpu.dma_semaphore, #tpu.memory_space<semaphore_mem>>) src(%dma_wait3A_51 : memref<512xi32, #tpu.memory_space<hbm>>) dst(%arg13 : memref<512xi32, #tpu.memory_space<vmem>>)
      tpu.yield
    }) : () -> ()
    %scan3A = arith.constant 0 : i32
    %scan3A_3 = arith.constant 0 : i32
    %scan3A_4 = arith.constant 32 : i32
    %scan3A_5 = arith.addi %scan3A_3, %scan3A_4 : i32
    %scan3A_6 = arith.constant 1 : i32
    scf.for %scan3A_50 = %scan3A_3 to %scan3A_5 step %scan3A_6  : i32 {
      %mul3A_51 = arith.constant 16 : i32
      %mul3A_52 = arith.muli %scan3A_50, %mul3A_51 : i32
      %get3A_53 = arith.index_cast %mul3A_52 : i32 to index
      %get3A_54 = tpu.vector_load %arg12[%get3A_53] {strides = array<i32>} : memref<512xi32, #tpu.memory_space<vmem>>, vector<16xi32>,
      %mul3A_55 = arith.constant 16 : i32
      %mul3A_56 = arith.muli %scan3A_50, %mul3A_55 : i32
      %get3A_57 = arith.index_cast %mul3A_56 : i32 to index
      %get3A_58 = tpu.vector_load %arg13[%get3A_57] {strides = array<i32>} : memref<512xi32, #tpu.memory_space<vmem>>, vector<16xi32>,
      %slice3A = vector.extract_strided_slice %get3A_54 {offsets = [0], sizes = [1], strides = [1]} : vector<16xi32> to vector<1xi32>
      %squeeze3A = vector.extract %slice3A[0] : i32 from vector<1xi32>
      %mul3A_59 = arith.constant 16 : i32
      %mul3A_60 = arith.muli %scan3A_50, %mul3A_59 : i32
      %add3A_61 = arith.constant 0 : i32
      %add3A_62 = arith.addi %mul3A_60, %add3A_61 : i32
      %swap3A_63 = arith.index_cast %add3A_62 : i32 to index
      %swap3A_64 = memref.load %arg9[%swap3A_63] : memref<512xi32, #tpu.memory_space<smem>>
      memref.store %squeeze3A, %arg9[%swap3A_63] : memref<512xi32, #tpu.memory_space<smem>>
      %slice3A_65 = vector.extract_strided_slice %get3A_58 {offsets = [0], sizes = [1], strides = [1]} : vector<16xi32> to vector<1xi32>
      %squeeze3A_66 = vector.extract %slice3A_65[0] : i32 from vector<1xi32>
      %mul3A_67 = arith.constant 16 : i32
      %mul3A_68 = arith.muli %scan3A_50, %mul3A_67 : i32
      %add3A_69 = arith.constant 0 : i32
      %add3A_70 = arith.addi %mul3A_68, %add3A_69 : i32
      %swap3A_71 = arith.index_cast %add3A_70 : i32 to index
      %swap3A_72 = memref.load %arg10[%swap3A_71] : memref<512xi32, #tpu.memory_space<smem>>
      memref.store %squeeze3A_66, %arg10[%swap3A_71] : memref<512xi32, #tpu.memory_space<smem>>
      %slice3A_73 = vector.extract_strided_slice %get3A_54 {offsets = [1], sizes = [1], strides = [1]} : vector<16xi32> to vector<1xi32>
      %squeeze3A_74 = vector.extract %slice3A_73[0] : i32 from vector<1xi32>
      %mul3A_75 = arith.constant 16 : i32
      %mul3A_76 = arith.muli %scan3A_50, %mul3A_75 : i32
      %add3A_77 = arith.constant 1 : i32
      %add3A_78 = arith.addi %mul3A_76, %add3A_77 : i32
      %swap3A_79 = arith.index_cast %add3A_78 : i32 to index
      %swap3A_80 = memref.load %arg9[%swap3A_79] : memref<512xi32, #tpu.memory_space<smem>>
      memref.store %squeeze3A_74, %arg9[%swap3A_79] : memref<512xi32, #tpu.memory_space<smem>>
      %slice3A_81 = vector.extract_strided_slice %get3A_58 {offsets = [1], sizes = [1], strides = [1]} : vector<16xi32> to vector<1xi32>
      %squeeze3A_82 = vector.extract %slice3A_81[0] : i32 from vector<1xi32>
      %mul3A_83 = arith.constant 16 : i32
      %mul3A_84 = arith.muli %scan3A_50, %mul3A_83 : i32
      %add3A_85 = arith.constant 1 : i32
      %add3A_86 = arith.addi %mul3A_84, %add3A_85 : i32
      %swap3A_87 = arith.index_cast %add3A_86 : i32 to index
      %swap3A_88 = memref.load %arg10[%swap3A_87] : memref<512xi32, #tpu.memory_space<smem>>
      memref.store %squeeze3A_82, %arg10[%swap3A_87] : memref<512xi32, #tpu.memory_space<smem>>
      %slice3A_89 = vector.extract_strided_slice %get3A_54 {offsets = [2], sizes = [1], strides = [1]} : vector<16xi32> to vector<1xi32>
      %squeeze3A_90 = vector.extract %slice3A_89[0] : i32 from vector<1xi32>
      %mul3A_91 = arith.constant 16 : i32
      %mul3A_92 = arith.muli %scan3A_50, %mul3A_91 : i32
      %add3A_93 = arith.constant 2 : i32
      %add3A_94 = arith.addi %mul3A_92, %add3A_93 : i32
      %swap3A_95 = arith.index_cast %add3A_94 : i32 to index
      %swap3A_96 = memref.load %arg9[%swap3A_95] : memref<512xi32, #tpu.memory_space<smem>>
      memref.store %squeeze3A_90, %arg9[%swap3A_95] : memref<512xi32, #tpu.memory_space<smem>>
      %slice3A_97 = vector.extract_strided_slice %get3A_58 {offsets = [2], sizes = [1], strides = [1]} : vector<16xi32> to vector<1xi32>
      %squeeze3A_98 = vector.extract %slice3A_97[0] : i32 from vector<1xi32>
      %mul3A_99 = arith.constant 16 : i32
      %mul3A_100 = arith.muli %scan3A_50, %mul3A_99 : i32
      %add3A_101 = arith.constant 2 : i32
      %add3A_102 = arith.addi %mul3A_100, %add3A_101 : i32
      %swap3A_103 = arith.index_cast %add3A_102 : i32 to index
      %swap3A_104 = memref.load %arg10[%swap3A_103] : memref<512xi32, #tpu.memory_space<smem>>
      memref.store %squeeze3A_98, %arg10[%swap3A_103] : memref<512xi32, #tpu.memory_space<smem>>
      %slice3A_105 = vector.extract_strided_slice %get3A_54 {offsets = [3], sizes = [1], strides = [1]} : vector<16xi32> to vector<1xi32>
      %squeeze3A_106 = vector.extract %slice3A_105[0] : i32 from vector<1xi32>
      %mul3A_107 = arith.constant 16 : i32
      %mul3A_108 = arith.muli %scan3A_50, %mul3A_107 : i32
      %add3A_109 = arith.constant 3 : i32
      %add3A_110 = arith.addi %mul3A_108, %add3A_109 : i32
      %swap3A_111 = arith.index_cast %add3A_110 : i32 to index
      %swap3A_112 = memref.load %arg9[%swap3A_111] : memref<512xi32, #tpu.memory_space<smem>>
      memref.store %squeeze3A_106, %arg9[%swap3A_111] : memref<512xi32, #tpu.memory_space<smem>>
      %slice3A_113 = vector.extract_strided_slice %get3A_58 {offsets = [3], sizes = [1], strides = [1]} : vector<16xi32> to vector<1xi32>
      %squeeze3A_114 = vector.extract %slice3A_113[0] : i32 from vector<1xi32>
      %mul3A_115 = arith.constant 16 : i32
      %mul3A_116 = arith.muli %scan3A_50, %mul3A_115 : i32
      %add3A_117 = arith.constant 3 : i32
      %add3A_118 = arith.addi %mul3A_116, %add3A_117 : i32
      %swap3A_119 = arith.index_cast %add3A_118 : i32 to index
      %swap3A_120 = memref.load %arg10[%swap3A_119] : memref<512xi32, #tpu.memory_space<smem>>
      memref.store %squeeze3A_114, %arg10[%swap3A_119] : memref<512xi32, #tpu.memory_space<smem>>
      %slice3A_121 = vector.extract_strided_slice %get3A_54 {offsets = [4], sizes = [1], strides = [1]} : vector<16xi32> to vector<1xi32>
      %squeeze3A_122 = vector.extract %slice3A_121[0] : i32 from vector<1xi32>
      %mul3A_123 = arith.constant 16 : i32
      %mul3A_124 = arith.muli %scan3A_50, %mul3A_123 : i32
      %add3A_125 = arith.constant 4 : i32
      %add3A_126 = arith.addi %mul3A_124, %add3A_125 : i32
      %swap3A_127 = arith.index_cast %add3A_126 : i32 to index
      %swap3A_128 = memref.load %arg9[%swap3A_127] : memref<512xi32, #tpu.memory_space<smem>>
      memref.store %squeeze3A_122, %arg9[%swap3A_127] : memref<512xi32, #tpu.memory_space<smem>>
      %slice3A_129 = vector.extract_strided_slice %get3A_58 {offsets = [4], sizes = [1], strides = [1]} : vector<16xi32> to vector<1xi32>
      %squeeze3A_130 = vector.extract %slice3A_129[0] : i32 from vector<1xi32>
      %mul3A_131 = arith.constant 16 : i32
      %mul3A_132 = arith.muli %scan3A_50, %mul3A_131 : i32
      %add3A_133 = arith.constant 4 : i32
      %add3A_134 = arith.addi %mul3A_132, %add3A_133 : i32
      %swap3A_135 = arith.index_cast %add3A_134 : i32 to index
      %swap3A_136 = memref.load %arg10[%swap3A_135] : memref<512xi32, #tpu.memory_space<smem>>
      memref.store %squeeze3A_130, %arg10[%swap3A_135] : memref<512xi32, #tpu.memory_space<smem>>
      %slice3A_137 = vector.extract_strided_slice %get3A_54 {offsets = [5], sizes = [1], strides = [1]} : vector<16xi32> to vector<1xi32>
      %squeeze3A_138 = vector.extract %slice3A_137[0] : i32 from vector<1xi32>
      %mul3A_139 = arith.constant 16 : i32
      %mul3A_140 = arith.muli %scan3A_50, %mul3A_139 : i32
      %add3A_141 = arith.constant 5 : i32
      %add3A_142 = arith.addi %mul3A_140, %add3A_141 : i32
      %swap3A_143 = arith.index_cast %add3A_142 : i32 to index
      %swap3A_144 = memref.load %arg9[%swap3A_143] : memref<512xi32, #tpu.memory_space<smem>>
      memref.store %squeeze3A_138, %arg9[%swap3A_143] : memref<512xi32, #tpu.memory_space<smem>>
      %slice3A_145 = vector.extract_strided_slice %get3A_58 {offsets = [5], sizes = [1], strides = [1]} : vector<16xi32> to vector<1xi32>
      %squeeze3A_146 = vector.extract %slice3A_145[0] : i32 from vector<1xi32>
      %mul3A_147 = arith.constant 16 : i32
      %mul3A_148 = arith.muli %scan3A_50, %mul3A_147 : i32
      %add3A_149 = arith.constant 5 : i32
      %add3A_150 = arith.addi %mul3A_148, %add3A_149 : i32
      %swap3A_151 = arith.index_cast %add3A_150 : i32 to index
      %swap3A_152 = memref.load %arg10[%swap3A_151] : memref<512xi32, #tpu.memory_space<smem>>
      memref.store %squeeze3A_146, %arg10[%swap3A_151] : memref<512xi32, #tpu.memory_space<smem>>
      %slice3A_153 = vector.extract_strided_slice %get3A_54 {offsets = [6], sizes = [1], strides = [1]} : vector<16xi32> to vector<1xi32>
      %squeeze3A_154 = vector.extract %slice3A_153[0] : i32 from vector<1xi32>
      %mul3A_155 = arith.constant 16 : i32
      %mul3A_156 = arith.muli %scan3A_50, %mul3A_155 : i32
      %add3A_157 = arith.constant 6 : i32
      %add3A_158 = arith.addi %mul3A_156, %add3A_157 : i32
      %swap3A_159 = arith.index_cast %add3A_158 : i32 to index
      %swap3A_160 = memref.load %arg9[%swap3A_159] : memref<512xi32, #tpu.memory_space<smem>>
      memref.store %squeeze3A_154, %arg9[%swap3A_159] : memref<512xi32, #tpu.memory_space<smem>>
      %slice3A_161 = vector.extract_strided_slice %get3A_58 {offsets = [6], sizes = [1], strides = [1]} : vector<16xi32> to vector<1xi32>
      %squeeze3A_162 = vector.extract %slice3A_161[0] : i32 from vector<1xi32>
      %mul3A_163 = arith.constant 16 : i32
      %mul3A_164 = arith.muli %scan3A_50, %mul3A_163 : i32
      %add3A_165 = arith.constant 6 : i32
      %add3A_166 = arith.addi %mul3A_164, %add3A_165 : i32
      %swap3A_167 = arith.index_cast %add3A_166 : i32 to index
      %swap3A_168 = memref.load %arg10[%swap3A_167] : memref<512xi32, #tpu.memory_space<smem>>
      memref.store %squeeze3A_162, %arg10[%swap3A_167] : memref<512xi32, #tpu.memory_space<smem>>
      %slice3A_169 = vector.extract_strided_slice %get3A_54 {offsets = [7], sizes = [1], strides = [1]} : vector<16xi32> to vector<1xi32>
      %squeeze3A_170 = vector.extract %slice3A_169[0] : i32 from vector<1xi32>
      %mul3A_171 = arith.constant 16 : i32
      %mul3A_172 = arith.muli %scan3A_50, %mul3A_171 : i32
      %add3A_173 = arith.constant 7 : i32
      %add3A_174 = arith.addi %mul3A_172, %add3A_173 : i32
      %swap3A_175 = arith.index_cast %add3A_174 : i32 to index
      %swap3A_176 = memref.load %arg9[%swap3A_175] : memref<512xi32, #tpu.memory_space<smem>>
      memref.store %squeeze3A_170, %arg9[%swap3A_175] : memref<512xi32, #tpu.memory_space<smem>>
      %slice3A_177 = vector.extract_strided_slice %get3A_58 {offsets = [7], sizes = [1], strides = [1]} : vector<16xi32> to vector<1xi32>
      %squeeze3A_178 = vector.extract %slice3A_177[0] : i32 from vector<1xi32>
      %mul3A_179 = arith.constant 16 : i32
      %mul3A_180 = arith.muli %scan3A_50, %mul3A_179 : i32
      %add3A_181 = arith.constant 7 : i32
      %add3A_182 = arith.addi %mul3A_180, %add3A_181 : i32
      %swap3A_183 = arith.index_cast %add3A_182 : i32 to index
      %swap3A_184 = memref.load %arg10[%swap3A_183] : memref<512xi32, #tpu.memory_space<smem>>
      memref.store %squeeze3A_178, %arg10[%swap3A_183] : memref<512xi32, #tpu.memory_space<smem>>
      %slice3A_185 = vector.extract_strided_slice %get3A_54 {offsets = [8], sizes = [1], strides = [1]} : vector<16xi32> to vector<1xi32>
      %squeeze3A_186 = vector.extract %slice3A_185[0] : i32 from vector<1xi32>
      %mul3A_187 = arith.constant 16 : i32
      %mul3A_188 = arith.muli %scan3A_50, %mul3A_187 : i32
      %add3A_189 = arith.constant 8 : i32
      %add3A_190 = arith.addi %mul3A_188, %add3A_189 : i32
      %swap3A_191 = arith.index_cast %add3A_190 : i32 to index
      %swap3A_192 = memref.load %arg9[%swap3A_191] : memref<512xi32, #tpu.memory_space<smem>>
      memref.store %squeeze3A_186, %arg9[%swap3A_191] : memref<512xi32, #tpu.memory_space<smem>>
      %slice3A_193 = vector.extract_strided_slice %get3A_58 {offsets = [8], sizes = [1], strides = [1]} : vector<16xi32> to vector<1xi32>
      %squeeze3A_194 = vector.extract %slice3A_193[0] : i32 from vector<1xi32>
      %mul3A_195 = arith.constant 16 : i32
      %mul3A_196 = arith.muli %scan3A_50, %mul3A_195 : i32
      %add3A_197 = arith.constant 8 : i32
      %add3A_198 = arith.addi %mul3A_196, %add3A_197 : i32
      %swap3A_199 = arith.index_cast %add3A_198 : i32 to index
      %swap3A_200 = memref.load %arg10[%swap3A_199] : memref<512xi32, #tpu.memory_space<smem>>
      memref.store %squeeze3A_194, %arg10[%swap3A_199] : memref<512xi32, #tpu.memory_space<smem>>
      %slice3A_201 = vector.extract_strided_slice %get3A_54 {offsets = [9], sizes = [1], strides = [1]} : vector<16xi32> to vector<1xi32>
      %squeeze3A_202 = vector.extract %slice3A_201[0] : i32 from vector<1xi32>
      %mul3A_203 = arith.constant 16 : i32
      %mul3A_204 = arith.muli %scan3A_50, %mul3A_203 : i32
      %add3A_205 = arith.constant 9 : i32
      %add3A_206 = arith.addi %mul3A_204, %add3A_205 : i32
      %swap3A_207 = arith.index_cast %add3A_206 : i32 to index
      %swap3A_208 = memref.load %arg9[%swap3A_207] : memref<512xi32, #tpu.memory_space<smem>>
      memref.store %squeeze3A_202, %arg9[%swap3A_207] : memref<512xi32, #tpu.memory_space<smem>>
      %slice3A_209 = vector.extract_strided_slice %get3A_58 {offsets = [9], sizes = [1], strides = [1]} : vector<16xi32> to vector<1xi32>
      %squeeze3A_210 = vector.extract %slice3A_209[0] : i32 from vector<1xi32>
      %mul3A_211 = arith.constant 16 : i32
      %mul3A_212 = arith.muli %scan3A_50, %mul3A_211 : i32
      %add3A_213 = arith.constant 9 : i32
      %add3A_214 = arith.addi %mul3A_212, %add3A_213 : i32
      %swap3A_215 = arith.index_cast %add3A_214 : i32 to index
      %swap3A_216 = memref.load %arg10[%swap3A_215] : memref<512xi32, #tpu.memory_space<smem>>
      memref.store %squeeze3A_210, %arg10[%swap3A_215] : memref<512xi32, #tpu.memory_space<smem>>
      %slice3A_217 = vector.extract_strided_slice %get3A_54 {offsets = [10], sizes = [1], strides = [1]} : vector<16xi32> to vector<1xi32>
      %squeeze3A_218 = vector.extract %slice3A_217[0] : i32 from vector<1xi32>
      %mul3A_219 = arith.constant 16 : i32
      %mul3A_220 = arith.muli %scan3A_50, %mul3A_219 : i32
      %add3A_221 = arith.constant 10 : i32
      %add3A_222 = arith.addi %mul3A_220, %add3A_221 : i32
      %swap3A_223 = arith.index_cast %add3A_222 : i32 to index
      %swap3A_224 = memref.load %arg9[%swap3A_223] : memref<512xi32, #tpu.memory_space<smem>>
      memref.store %squeeze3A_218, %arg9[%swap3A_223] : memref<512xi32, #tpu.memory_space<smem>>
      %slice3A_225 = vector.extract_strided_slice %get3A_58 {offsets = [10], sizes = [1], strides = [1]} : vector<16xi32> to vector<1xi32>
      %squeeze3A_226 = vector.extract %slice3A_225[0] : i32 from vector<1xi32>
      %mul3A_227 = arith.constant 16 : i32
      %mul3A_228 = arith.muli %scan3A_50, %mul3A_227 : i32
      %add3A_229 = arith.constant 10 : i32
      %add3A_230 = arith.addi %mul3A_228, %add3A_229 : i32
      %swap3A_231 = arith.index_cast %add3A_230 : i32 to index
      %swap3A_232 = memref.load %arg10[%swap3A_231] : memref<512xi32, #tpu.memory_space<smem>>
      memref.store %squeeze3A_226, %arg10[%swap3A_231] : memref<512xi32, #tpu.memory_space<smem>>
      %slice3A_233 = vector.extract_strided_slice %get3A_54 {offsets = [11], sizes = [1], strides = [1]} : vector<16xi32> to vector<1xi32>
      %squeeze3A_234 = vector.extract %slice3A_233[0] : i32 from vector<1xi32>
      %mul3A_235 = arith.constant 16 : i32
      %mul3A_236 = arith.muli %scan3A_50, %mul3A_235 : i32
      %add3A_237 = arith.constant 11 : i32
      %add3A_238 = arith.addi %mul3A_236, %add3A_237 : i32
      %swap3A_239 = arith.index_cast %add3A_238 : i32 to index
      %swap3A_240 = memref.load %arg9[%swap3A_239] : memref<512xi32, #tpu.memory_space<smem>>
      memref.store %squeeze3A_234, %arg9[%swap3A_239] : memref<512xi32, #tpu.memory_space<smem>>
      %slice3A_241 = vector.extract_strided_slice %get3A_58 {offsets = [11], sizes = [1], strides = [1]} : vector<16xi32> to vector<1xi32>
      %squeeze3A_242 = vector.extract %slice3A_241[0] : i32 from vector<1xi32>
      %mul3A_243 = arith.constant 16 : i32
      %mul3A_244 = arith.muli %scan3A_50, %mul3A_243 : i32
      %add3A_245 = arith.constant 11 : i32
      %add3A_246 = arith.addi %mul3A_244, %add3A_245 : i32
      %swap3A_247 = arith.index_cast %add3A_246 : i32 to index
      %swap3A_248 = memref.load %arg10[%swap3A_247] : memref<512xi32, #tpu.memory_space<smem>>
      memref.store %squeeze3A_242, %arg10[%swap3A_247] : memref<512xi32, #tpu.memory_space<smem>>
      %slice3A_249 = vector.extract_strided_slice %get3A_54 {offsets = [12], sizes = [1], strides = [1]} : vector<16xi32> to vector<1xi32>
      %squeeze3A_250 = vector.extract %slice3A_249[0] : i32 from vector<1xi32>
      %mul3A_251 = arith.constant 16 : i32
      %mul3A_252 = arith.muli %scan3A_50, %mul3A_251 : i32
      %add3A_253 = arith.constant 12 : i32
      %add3A_254 = arith.addi %mul3A_252, %add3A_253 : i32
      %swap3A_255 = arith.index_cast %add3A_254 : i32 to index
      %swap3A_256 = memref.load %arg9[%swap3A_255] : memref<512xi32, #tpu.memory_space<smem>>
      memref.store %squeeze3A_250, %arg9[%swap3A_255] : memref<512xi32, #tpu.memory_space<smem>>
      %slice3A_257 = vector.extract_strided_slice %get3A_58 {offsets = [12], sizes = [1], strides = [1]} : vector<16xi32> to vector<1xi32>
      %squeeze3A_258 = vector.extract %slice3A_257[0] : i32 from vector<1xi32>
      %mul3A_259 = arith.constant 16 : i32
      %mul3A_260 = arith.muli %scan3A_50, %mul3A_259 : i32
      %add3A_261 = arith.constant 12 : i32
      %add3A_262 = arith.addi %mul3A_260, %add3A_261 : i32
      %swap3A_263 = arith.index_cast %add3A_262 : i32 to index
      %swap3A_264 = memref.load %arg10[%swap3A_263] : memref<512xi32, #tpu.memory_space<smem>>
      memref.store %squeeze3A_258, %arg10[%swap3A_263] : memref<512xi32, #tpu.memory_space<smem>>
      %slice3A_265 = vector.extract_strided_slice %get3A_54 {offsets = [13], sizes = [1], strides = [1]} : vector<16xi32> to vector<1xi32>
      %squeeze3A_266 = vector.extract %slice3A_265[0] : i32 from vector<1xi32>
      %mul3A_267 = arith.constant 16 : i32
      %mul3A_268 = arith.muli %scan3A_50, %mul3A_267 : i32
      %add3A_269 = arith.constant 13 : i32
      %add3A_270 = arith.addi %mul3A_268, %add3A_269 : i32
      %swap3A_271 = arith.index_cast %add3A_270 : i32 to index
      %swap3A_272 = memref.load %arg9[%swap3A_271] : memref<512xi32, #tpu.memory_space<smem>>
      memref.store %squeeze3A_266, %arg9[%swap3A_271] : memref<512xi32, #tpu.memory_space<smem>>
      %slice3A_273 = vector.extract_strided_slice %get3A_58 {offsets = [13], sizes = [1], strides = [1]} : vector<16xi32> to vector<1xi32>
      %squeeze3A_274 = vector.extract %slice3A_273[0] : i32 from vector<1xi32>
      %mul3A_275 = arith.constant 16 : i32
      %mul3A_276 = arith.muli %scan3A_50, %mul3A_275 : i32
      %add3A_277 = arith.constant 13 : i32
      %add3A_278 = arith.addi %mul3A_276, %add3A_277 : i32
      %swap3A_279 = arith.index_cast %add3A_278 : i32 to index
      %swap3A_280 = memref.load %arg10[%swap3A_279] : memref<512xi32, #tpu.memory_space<smem>>
      memref.store %squeeze3A_274, %arg10[%swap3A_279] : memref<512xi32, #tpu.memory_space<smem>>
      %slice3A_281 = vector.extract_strided_slice %get3A_54 {offsets = [14], sizes = [1], strides = [1]} : vector<16xi32> to vector<1xi32>
      %squeeze3A_282 = vector.extract %slice3A_281[0] : i32 from vector<1xi32>
      %mul3A_283 = arith.constant 16 : i32
      %mul3A_284 = arith.muli %scan3A_50, %mul3A_283 : i32
      %add3A_285 = arith.constant 14 : i32
      %add3A_286 = arith.addi %mul3A_284, %add3A_285 : i32
      %swap3A_287 = arith.index_cast %add3A_286 : i32 to index
      %swap3A_288 = memref.load %arg9[%swap3A_287] : memref<512xi32, #tpu.memory_space<smem>>
      memref.store %squeeze3A_282, %arg9[%swap3A_287] : memref<512xi32, #tpu.memory_space<smem>>
      %slice3A_289 = vector.extract_strided_slice %get3A_58 {offsets = [14], sizes = [1], strides = [1]} : vector<16xi32> to vector<1xi32>
      %squeeze3A_290 = vector.extract %slice3A_289[0] : i32 from vector<1xi32>
      %mul3A_291 = arith.constant 16 : i32
      %mul3A_292 = arith.muli %scan3A_50, %mul3A_291 : i32
      %add3A_293 = arith.constant 14 : i32
      %add3A_294 = arith.addi %mul3A_292, %add3A_293 : i32
      %swap3A_295 = arith.index_cast %add3A_294 : i32 to index
      %swap3A_296 = memref.load %arg10[%swap3A_295] : memref<512xi32, #tpu.memory_space<smem>>
      memref.store %squeeze3A_290, %arg10[%swap3A_295] : memref<512xi32, #tpu.memory_space<smem>>
      %slice3A_297 = vector.extract_strided_slice %get3A_54 {offsets = [15], sizes = [1], strides = [1]} : vector<16xi32> to vector<1xi32>
      %squeeze3A_298 = vector.extract %slice3A_297[0] : i32 from vector<1xi32>
      %mul3A_299 = arith.constant 16 : i32
      %mul3A_300 = arith.muli %scan3A_50, %mul3A_299 : i32
      %add3A_301 = arith.constant 15 : i32
      %add3A_302 = arith.addi %mul3A_300, %add3A_301 : i32
      %swap3A_303 = arith.index_cast %add3A_302 : i32 to index
      %swap3A_304 = memref.load %arg9[%swap3A_303] : memref<512xi32, #tpu.memory_space<smem>>
      memref.store %squeeze3A_298, %arg9[%swap3A_303] : memref<512xi32, #tpu.memory_space<smem>>
      %slice3A_305 = vector.extract_strided_slice %get3A_58 {offsets = [15], sizes = [1], strides = [1]} : vector<16xi32> to vector<1xi32>
      %squeeze3A_306 = vector.extract %slice3A_305[0] : i32 from vector<1xi32>
      %mul3A_307 = arith.constant 16 : i32
      %mul3A_308 = arith.muli %scan3A_50, %mul3A_307 : i32
      %add3A_309 = arith.constant 15 : i32
      %add3A_310 = arith.addi %mul3A_308, %add3A_309 : i32
      %swap3A_311 = arith.index_cast %add3A_310 : i32 to index
      %swap3A_312 = memref.load %arg10[%swap3A_311] : memref<512xi32, #tpu.memory_space<smem>>
      memref.store %squeeze3A_306, %arg10[%swap3A_311] : memref<512xi32, #tpu.memory_space<smem>>
    }
    %scan3A_7 = arith.constant 32 : i32
    %swap3A = arith.constant 0 : i32
    %swap3A_8 = arith.constant 0 : i32
    %swap3A_9 = arith.index_cast %swap3A_8 : i32 to index
    %swap3A_10 = memref.load %arg11[%swap3A_9] : memref<514xi32, #tpu.memory_space<smem>>
    memref.store %swap3A, %arg11[%swap3A_9] : memref<514xi32, #tpu.memory_space<smem>>
    %get3A = arith.constant 0 : i32
    %get3A_11 = arith.index_cast %get3A : i32 to index
    %get3A_12 = memref.load %arg9[%get3A_11] : memref<512xi32, #tpu.memory_space<smem>>
    %shift_right_logical3A = arith.constant 7 : i32
    %shift_right_logical3A_13 = arith.shrui %get3A_12, %shift_right_logical3A : i32
    %scan3A_14 = arith.constant 1 : i32
    %scan3A_15 = arith.constant 1 : i32
    %scan3A_16 = arith.constant 511 : i32
    %scan3A_17 = arith.addi %scan3A_15, %scan3A_16 : i32
    %scan3A_18 = arith.constant 1 : i32
    %scan3A_19:2 = scf.for %scan3A_50 = %scan3A_15 to %scan3A_17 step %scan3A_18 iter_args(%scan3A_51 = %scan3A_14, %scan3A_52 = %shift_right_logical3A_13) -> (i32, i32)  : i32 {
      %get3A_53 = arith.index_cast %scan3A_50 : i32 to index
      %get3A_54 = memref.load %arg9[%get3A_53] : memref<512xi32, #tpu.memory_space<smem>>
      %shift_right_logical3A_55 = arith.constant 7 : i32
      %shift_right_logical3A_56 = arith.shrui %get3A_54, %shift_right_logical3A_55 : i32
      %ne3A = arith.cmpi ne, %shift_right_logical3A_56, %scan3A_52 : i32
      %convert_element_type3A = arith.extui %ne3A : i1 to i32
      %cond3A = arith.constant 0 : i32
      %cond3A_57 = arith.cmpi ne, %convert_element_type3A, %cond3A : i32
      scf.if %cond3A_57 {
        %swap3A_60 = arith.index_cast %scan3A_51 : i32 to index
        %swap3A_61 = memref.load %arg11[%swap3A_60] : memref<514xi32, #tpu.memory_space<smem>>
        memref.store %scan3A_50, %arg11[%swap3A_60] : memref<514xi32, #tpu.memory_space<smem>>
      } else {
      }
      %jit3A = arith.constant 1 : i32
      %jit3A_58 = arith.constant 0 : i32
      %select_n3A = arith.select %ne3A, %jit3A, %jit3A_58 : i32
      %add3A_59 = arith.addi %scan3A_51, %select_n3A : i32
      scf.yield %add3A_59, %shift_right_logical3A_56 : i32, i32
    }
    %scan3A_20 = arith.constant 511 : i32
    %swap3A_21 = arith.constant 512 : i32
    %swap3A_22 = arith.index_cast %scan3A_19#0 : i32 to index
    %swap3A_23 = memref.load %arg11[%swap3A_22] : memref<514xi32, #tpu.memory_space<smem>>
    memref.store %swap3A_21, %arg11[%swap3A_22] : memref<514xi32, #tpu.memory_space<smem>>
    %iota3A = tpu.iota {dimensions = array<i32: 0>} : vector<16xi32>
    %min3A = arith.constant 5 : i32
    %min3A_24 = arith.minsi %min3A, %scan3A_19#0 : i32
    %while3A = arith.constant 0 : i32
    %while3A_25 = arith.constant 0 : i32
    %while3A_26 = arith.subi %min3A_24, %while3A_25 : i32
    %while3A_27 = arith.addi %while3A_25, %while3A_26 : i32
    %while3A_28 = arith.constant 1 : i32
    %while3A_29 = arith.divsi %while3A_26, %while3A_28 : i32
    %while3A_30 = arith.muli %while3A_29, %while3A_28 : i32
    %while3A_31 = arith.addi %while3A_25, %while3A_30 : i32
    %while3A_32 = arith.constant 1 : i32
    scf.for %while3A_50 = %while3A_25 to %while3A_31 step %while3A_32  : i32 {
      %get3A_51 = arith.index_cast %while3A_50 : i32 to index
      %get3A_52 = memref.load %arg11[%get3A_51] : memref<514xi32, #tpu.memory_space<smem>>
      %get3A_53 = arith.index_cast %get3A_52 : i32 to index
      %get3A_54 = memref.load %arg9[%get3A_53] : memref<512xi32, #tpu.memory_space<smem>>
      %shift_right_logical3A_55 = arith.constant 7 : i32
      %shift_right_logical3A_56 = arith.shrui %get3A_54, %shift_right_logical3A_55 : i32
      %ne3A = arith.constant 7812 : i32
      %ne3A_57 = arith.cmpi ne, %shift_right_logical3A_56, %ne3A : i32
      %convert_element_type3A = arith.extui %ne3A_57 : i1 to i32
      %cond3A = arith.constant 0 : i32
      %cond3A_58 = arith.cmpi ne, %convert_element_type3A, %cond3A : i32
      scf.if %cond3A_58 {
        %rem3A = arith.constant 6 : i32
        %rem3A_59 = arith.remsi %while3A_50, %rem3A : i32
        %mul3A_60 = arith.constant 128 : i32
        %mul3A_61 = arith.muli %shift_right_logical3A_56, %mul3A_60 : i32
        %mul3A_62 = arith.constant 64 : i32
        %mul3A_63 = arith.muli %rem3A_59, %mul3A_62 : i32
        %mul3A_64 = arith.constant 32 : i32
        %mul3A_65 = arith.muli %rem3A_59, %mul3A_64 : i32
        %dma_start3A = arith.constant 0 : i32
        %dma_start3A_66 = tpu.memref_slice %arg14[%mul3A_63, %dma_start3A] : memref<384x128xf32, #tpu.memory_space<vmem>> -> memref<64x128xf32, #tpu.memory_space<vmem>>
        %dma_start3A_67 = arith.constant 0 : i32
        %dma_start3A_68 = tpu.memref_slice %arg4[%dma_start3A_67, %mul3A_61] : memref<64x1000000xf32, #tpu.memory_space<hbm>> -> memref<64x128xf32, #tpu.memory_space<hbm>>
        %dma_start3A_69 = arith.constant 0 : i32
        %dma_start3A_70 = tpu.memref_slice %arg14[%mul3A_63, %dma_start3A_69] : memref<384x128xf32, #tpu.memory_space<vmem>> -> memref<64x128xf32, #tpu.memory_space<vmem>>
        %dma_start3A_71 = arith.constant 0 : i32
        %dma_start3A_72 = tpu.memref_slice %arg4[%dma_start3A_71, %mul3A_61] : memref<64x1000000xf32, #tpu.memory_space<hbm>> -> memref<64x128xf32, #tpu.memory_space<hbm>>
        tpu.enqueue_dma source(%dma_start3A_72 : memref<64x128xf32, #tpu.memory_space<hbm>>) target(%dma_start3A_70 : memref<64x128xf32, #tpu.memory_space<vmem>>) target_semaphore(%arg19 : memref<!tpu.dma_semaphore, #tpu.memory_space<semaphore_mem>>)
        %dma_start3A_73 = arith.constant 0 : i32
        %dma_start3A_74 = tpu.memref_slice %arg15[%mul3A_65, %dma_start3A_73] : memref<192x128xf32, #tpu.memory_space<vmem>> -> memref<32x128xf32, #tpu.memory_space<vmem>>
        %dma_start3A_75 = arith.constant 0 : i32
        %dma_start3A_76 = tpu.memref_slice %arg5[%dma_start3A_75, %mul3A_61] : memref<32x1000000xf32, #tpu.memory_space<hbm>> -> memref<32x128xf32, #tpu.memory_space<hbm>>
        %dma_start3A_77 = arith.constant 0 : i32
        %dma_start3A_78 = tpu.memref_slice %arg15[%mul3A_65, %dma_start3A_77] : memref<192x128xf32, #tpu.memory_space<vmem>> -> memref<32x128xf32, #tpu.memory_space<vmem>>
        %dma_start3A_79 = arith.constant 0 : i32
        %dma_start3A_80 = tpu.memref_slice %arg5[%dma_start3A_79, %mul3A_61] : memref<32x1000000xf32, #tpu.memory_space<hbm>> -> memref<32x128xf32, #tpu.memory_space<hbm>>
        tpu.enqueue_dma source(%dma_start3A_80 : memref<32x128xf32, #tpu.memory_space<hbm>>) target(%dma_start3A_78 : memref<32x128xf32, #tpu.memory_space<vmem>>) target_semaphore(%arg20 : memref<!tpu.dma_semaphore, #tpu.memory_space<semaphore_mem>>)
      } else {
      }
    }
    %while3A_33 = arith.constant 1 : i32
    scf.for %while3A_50 = %while3A_31 to %while3A_27 step %while3A_33  : i32 {
      %get3A_51 = arith.index_cast %while3A_50 : i32 to index
      %get3A_52 = memref.load %arg11[%get3A_51] : memref<514xi32, #tpu.memory_space<smem>>
      %get3A_53 = arith.index_cast %get3A_52 : i32 to index
      %get3A_54 = memref.load %arg9[%get3A_53] : memref<512xi32, #tpu.memory_space<smem>>
      %shift_right_logical3A_55 = arith.constant 7 : i32
      %shift_right_logical3A_56 = arith.shrui %get3A_54, %shift_right_logical3A_55 : i32
      %ne3A = arith.constant 7812 : i32
      %ne3A_57 = arith.cmpi ne, %shift_right_logical3A_56, %ne3A : i32
      %convert_element_type3A = arith.extui %ne3A_57 : i1 to i32
      %cond3A = arith.constant 0 : i32
      %cond3A_58 = arith.cmpi ne, %convert_element_type3A, %cond3A : i32
      scf.if %cond3A_58 {
        %rem3A = arith.constant 6 : i32
        %rem3A_59 = arith.remsi %while3A_50, %rem3A : i32
        %mul3A_60 = arith.constant 128 : i32
        %mul3A_61 = arith.muli %shift_right_logical3A_56, %mul3A_60 : i32
        %mul3A_62 = arith.constant 64 : i32
        %mul3A_63 = arith.muli %rem3A_59, %mul3A_62 : i32
        %mul3A_64 = arith.constant 32 : i32
        %mul3A_65 = arith.muli %rem3A_59, %mul3A_64 : i32
        %dma_start3A = arith.constant 0 : i32
        %dma_start3A_66 = tpu.memref_slice %arg14[%mul3A_63, %dma_start3A] : memref<384x128xf32, #tpu.memory_space<vmem>> -> memref<64x128xf32, #tpu.memory_space<vmem>>
        %dma_start3A_67 = arith.constant 0 : i32
        %dma_start3A_68 = tpu.memref_slice %arg4[%dma_start3A_67, %mul3A_61] : memref<64x1000000xf32, #tpu.memory_space<hbm>> -> memref<64x128xf32, #tpu.memory_space<hbm>>
        %dma_start3A_69 = arith.constant 0 : i32
        %dma_start3A_70 = tpu.memref_slice %arg14[%mul3A_63, %dma_start3A_69] : memref<384x128xf32, #tpu.memory_space<vmem>> -> memref<64x128xf32, #tpu.memory_space<vmem>>
        %dma_start3A_71 = arith.constant 0 : i32
        %dma_start3A_72 = tpu.memref_slice %arg4[%dma_start3A_71, %mul3A_61] : memref<64x1000000xf32, #tpu.memory_space<hbm>> -> memref<64x128xf32, #tpu.memory_space<hbm>>
        tpu.enqueue_dma source(%dma_start3A_72 : memref<64x128xf32, #tpu.memory_space<hbm>>) target(%dma_start3A_70 : memref<64x128xf32, #tpu.memory_space<vmem>>) target_semaphore(%arg19 : memref<!tpu.dma_semaphore, #tpu.memory_space<semaphore_mem>>)
        %dma_start3A_73 = arith.constant 0 : i32
        %dma_start3A_74 = tpu.memref_slice %arg15[%mul3A_65, %dma_start3A_73] : memref<192x128xf32, #tpu.memory_space<vmem>> -> memref<32x128xf32, #tpu.memory_space<vmem>>
        %dma_start3A_75 = arith.constant 0 : i32
        %dma_start3A_76 = tpu.memref_slice %arg5[%dma_start3A_75, %mul3A_61] : memref<32x1000000xf32, #tpu.memory_space<hbm>> -> memref<32x128xf32, #tpu.memory_space<hbm>>
        %dma_start3A_77 = arith.constant 0 : i32
        %dma_start3A_78 = tpu.memref_slice %arg15[%mul3A_65, %dma_start3A_77] : memref<192x128xf32, #tpu.memory_space<vmem>> -> memref<32x128xf32, #tpu.memory_space<vmem>>
        %dma_start3A_79 = arith.constant 0 : i32
        %dma_start3A_80 = tpu.memref_slice %arg5[%dma_start3A_79, %mul3A_61] : memref<32x1000000xf32, #tpu.memory_space<hbm>> -> memref<32x128xf32, #tpu.memory_space<hbm>>
        tpu.enqueue_dma source(%dma_start3A_80 : memref<32x128xf32, #tpu.memory_space<hbm>>) target(%dma_start3A_78 : memref<32x128xf32, #tpu.memory_space<vmem>>) target_semaphore(%arg20 : memref<!tpu.dma_semaphore, #tpu.memory_space<semaphore_mem>>)
      } else {
      }
    }
    %while3A_34 = arith.constant 0 : i32
    %while3A_35 = arith.constant 0 : i32
    %while3A_36 = arith.subi %scan3A_19#0, %while3A_35 : i32
    %while3A_37 = arith.addi %while3A_35, %while3A_36 : i32
    %while3A_38 = arith.constant 1 : i32
    %while3A_39 = arith.divsi %while3A_36, %while3A_38 : i32
    %while3A_40 = arith.muli %while3A_39, %while3A_38 : i32
    %while3A_41 = arith.addi %while3A_35, %while3A_40 : i32
    %while3A_42 = arith.constant 1 : i32
    scf.for %while3A_50 = %while3A_35 to %while3A_41 step %while3A_42  : i32 {
      %rem3A = arith.constant 6 : i32
      %rem3A_51 = arith.remsi %while3A_50, %rem3A : i32
      %get3A_52 = arith.index_cast %while3A_50 : i32 to index
      %get3A_53 = memref.load %arg11[%get3A_52] : memref<514xi32, #tpu.memory_space<smem>>
      %get3A_54 = arith.index_cast %get3A_53 : i32 to index
      %get3A_55 = memref.load %arg9[%get3A_54] : memref<512xi32, #tpu.memory_space<smem>>
      %shift_right_logical3A_56 = arith.constant 7 : i32
      %shift_right_logical3A_57 = arith.shrui %get3A_55, %shift_right_logical3A_56 : i32
      %ne3A = arith.constant 7812 : i32
      %ne3A_58 = arith.cmpi ne, %shift_right_logical3A_57, %ne3A : i32
      %convert_element_type3A = arith.extui %ne3A_58 : i1 to i32
      %cond3A = arith.constant 0 : i32
      %cond3A_59 = arith.cmpi ne, %convert_element_type3A, %cond3A : i32
      scf.if %cond3A_59 {
        %mul3A_81 = arith.constant 128 : i32
        %mul3A_82 = arith.muli %shift_right_logical3A_57, %mul3A_81 : i32
        %mul3A_83 = arith.constant 64 : i32
        %mul3A_84 = arith.muli %rem3A_51, %mul3A_83 : i32
        %mul3A_85 = arith.constant 32 : i32
        %mul3A_86 = arith.muli %rem3A_51, %mul3A_85 : i32
        %dma_wait3A = arith.constant 0 : i32
        %dma_wait3A_87 = tpu.memref_slice %arg14[%mul3A_84, %dma_wait3A] : memref<384x128xf32, #tpu.memory_space<vmem>> -> memref<64x128xf32, #tpu.memory_space<vmem>>
        %dma_wait3A_88 = arith.constant 0 : i32
        %dma_wait3A_89 = tpu.memref_slice %arg4[%dma_wait3A_88, %mul3A_82] : memref<64x1000000xf32, #tpu.memory_space<hbm>> -> memref<64x128xf32, #tpu.memory_space<hbm>>
        %dma_wait3A_90 = arith.constant 0 : i32
        %dma_wait3A_91 = tpu.memref_slice %arg14[%mul3A_84, %dma_wait3A_90] : memref<384x128xf32, #tpu.memory_space<vmem>> -> memref<64x128xf32, #tpu.memory_space<vmem>>
        %dma_wait3A_92 = arith.constant 0 : i32
        %dma_wait3A_93 = tpu.memref_slice %arg4[%dma_wait3A_92, %mul3A_82] : memref<64x1000000xf32, #tpu.memory_space<hbm>> -> memref<64x128xf32, #tpu.memory_space<hbm>>
        tpu.wait_dma2 semaphore(%arg19 : memref<!tpu.dma_semaphore, #tpu.memory_space<semaphore_mem>>) src(%dma_wait3A_93 : memref<64x128xf32, #tpu.memory_space<hbm>>) dst(%dma_wait3A_91 : memref<64x128xf32, #tpu.memory_space<vmem>>)
        %dma_wait3A_94 = arith.constant 0 : i32
        %dma_wait3A_95 = tpu.memref_slice %arg15[%mul3A_86, %dma_wait3A_94] : memref<192x128xf32, #tpu.memory_space<vmem>> -> memref<32x128xf32, #tpu.memory_space<vmem>>
        %dma_wait3A_96 = arith.constant 0 : i32
        %dma_wait3A_97 = tpu.memref_slice %arg5[%dma_wait3A_96, %mul3A_82] : memref<32x1000000xf32, #tpu.memory_space<hbm>> -> memref<32x128xf32, #tpu.memory_space<hbm>>
        %dma_wait3A_98 = arith.constant 0 : i32
        %dma_wait3A_99 = tpu.memref_slice %arg15[%mul3A_86, %dma_wait3A_98] : memref<192x128xf32, #tpu.memory_space<vmem>> -> memref<32x128xf32, #tpu.memory_space<vmem>>
        %dma_wait3A_100 = arith.constant 0 : i32
        %dma_wait3A_101 = tpu.memref_slice %arg5[%dma_wait3A_100, %mul3A_82] : memref<32x1000000xf32, #tpu.memory_space<hbm>> -> memref<32x128xf32, #tpu.memory_space<hbm>>
        tpu.wait_dma2 semaphore(%arg20 : memref<!tpu.dma_semaphore, #tpu.memory_space<semaphore_mem>>) src(%dma_wait3A_101 : memref<32x128xf32, #tpu.memory_space<hbm>>) dst(%dma_wait3A_99 : memref<32x128xf32, #tpu.memory_space<vmem>>)
      } else {
      }
      %add3A_60 = arith.constant 6 : i32
      %add3A_61 = arith.addi %while3A_50, %add3A_60 : i32
      %sub3A = arith.constant 1 : i32
      %sub3A_62 = arith.subi %add3A_61, %sub3A : i32
      %lt3A = arith.cmpi slt, %sub3A_62, %scan3A_19#0 : i32
      %convert_element_type3A_63 = arith.extui %lt3A : i1 to i32
      %cond3A_64 = arith.constant 0 : i32
      %cond3A_65 = arith.cmpi ne, %convert_element_type3A_63, %cond3A_64 : i32
      scf.if %cond3A_65 {
        %add3A_81 = arith.constant 6 : i32
        %add3A_82 = arith.addi %while3A_50, %add3A_81 : i32
        %sub3A_83 = arith.constant 1 : i32
        %sub3A_84 = arith.subi %add3A_82, %sub3A_83 : i32
        %get3A_85 = arith.index_cast %sub3A_84 : i32 to index
        %get3A_86 = memref.load %arg11[%get3A_85] : memref<514xi32, #tpu.memory_space<smem>>
        %get3A_87 = arith.index_cast %get3A_86 : i32 to index
        %get3A_88 = memref.load %arg9[%get3A_87] : memref<512xi32, #tpu.memory_space<smem>>
        %shift_right_logical3A_89 = arith.constant 7 : i32
        %shift_right_logical3A_90 = arith.shrui %get3A_88, %shift_right_logical3A_89 : i32
        %ne3A_91 = arith.constant 7812 : i32
        %ne3A_92 = arith.cmpi ne, %shift_right_logical3A_90, %ne3A_91 : i32
        %convert_element_type3A_93 = arith.extui %ne3A_92 : i1 to i32
        %cond3A_94 = arith.constant 0 : i32
        %cond3A_95 = arith.cmpi ne, %convert_element_type3A_93, %cond3A_94 : i32
        scf.if %cond3A_95 {
          %rem3A_96 = arith.constant 6 : i32
          %rem3A_97 = arith.remsi %sub3A_84, %rem3A_96 : i32
          %mul3A_98 = arith.constant 128 : i32
          %mul3A_99 = arith.muli %shift_right_logical3A_90, %mul3A_98 : i32
          %mul3A_100 = arith.constant 64 : i32
          %mul3A_101 = arith.muli %rem3A_97, %mul3A_100 : i32
          %mul3A_102 = arith.constant 32 : i32
          %mul3A_103 = arith.muli %rem3A_97, %mul3A_102 : i32
          %dma_start3A = arith.constant 0 : i32
          %dma_start3A_104 = tpu.memref_slice %arg14[%mul3A_101, %dma_start3A] : memref<384x128xf32, #tpu.memory_space<vmem>> -> memref<64x128xf32, #tpu.memory_space<vmem>>
          %dma_start3A_105 = arith.constant 0 : i32
          %dma_start3A_106 = tpu.memref_slice %arg4[%dma_start3A_105, %mul3A_99] : memref<64x1000000xf32, #tpu.memory_space<hbm>> -> memref<64x128xf32, #tpu.memory_space<hbm>>
          %dma_start3A_107 = arith.constant 0 : i32
          %dma_start3A_108 = tpu.memref_slice %arg14[%mul3A_101, %dma_start3A_107] : memref<384x128xf32, #tpu.memory_space<vmem>> -> memref<64x128xf32, #tpu.memory_space<vmem>>
          %dma_start3A_109 = arith.constant 0 : i32
          %dma_start3A_110 = tpu.memref_slice %arg4[%dma_start3A_109, %mul3A_99] : memref<64x1000000xf32, #tpu.memory_space<hbm>> -> memref<64x128xf32, #tpu.memory_space<hbm>>
          tpu.enqueue_dma source(%dma_start3A_110 : memref<64x128xf32, #tpu.memory_space<hbm>>) target(%dma_start3A_108 : memref<64x128xf32, #tpu.memory_space<vmem>>) target_semaphore(%arg19 : memref<!tpu.dma_semaphore, #tpu.memory_space<semaphore_mem>>)
          %dma_start3A_111 = arith.constant 0 : i32
          %dma_start3A_112 = tpu.memref_slice %arg15[%mul3A_103, %dma_start3A_111] : memref<192x128xf32, #tpu.memory_space<vmem>> -> memref<32x128xf32, #tpu.memory_space<vmem>>
          %dma_start3A_113 = arith.constant 0 : i32
          %dma_start3A_114 = tpu.memref_slice %arg5[%dma_start3A_113, %mul3A_99] : memref<32x1000000xf32, #tpu.memory_space<hbm>> -> memref<32x128xf32, #tpu.memory_space<hbm>>
          %dma_start3A_115 = arith.constant 0 : i32
          %dma_start3A_116 = tpu.memref_slice %arg15[%mul3A_103, %dma_start3A_115] : memref<192x128xf32, #tpu.memory_space<vmem>> -> memref<32x128xf32, #tpu.memory_space<vmem>>
          %dma_start3A_117 = arith.constant 0 : i32
          %dma_start3A_118 = tpu.memref_slice %arg5[%dma_start3A_117, %mul3A_99] : memref<32x1000000xf32, #tpu.memory_space<hbm>> -> memref<32x128xf32, #tpu.memory_space<hbm>>
          tpu.enqueue_dma source(%dma_start3A_118 : memref<32x128xf32, #tpu.memory_space<hbm>>) target(%dma_start3A_116 : memref<32x128xf32, #tpu.memory_space<vmem>>) target_semaphore(%arg20 : memref<!tpu.dma_semaphore, #tpu.memory_space<semaphore_mem>>)
        } else {
        }
      } else {
      }
      %get3A_66 = arith.index_cast %while3A_50 : i32 to index
      %get3A_67 = memref.load %arg11[%get3A_66] : memref<514xi32, #tpu.memory_space<smem>>
      %add3A_68 = arith.constant 1 : i32
      %add3A_69 = arith.addi %while3A_50, %add3A_68 : i32
      %get3A_70 = arith.index_cast %add3A_69 : i32 to index
      %get3A_71 = memref.load %arg11[%get3A_70] : memref<514xi32, #tpu.memory_space<smem>>
      %while3A_72 = arith.constant 0 : i32
      %while3A_73 = arith.subi %get3A_71, %get3A_67 : i32
      %while3A_74 = arith.addi %get3A_67, %while3A_73 : i32
      %while3A_75 = arith.constant 1 : i32
      %while3A_76 = arith.divsi %while3A_73, %while3A_75 : i32
      %while3A_77 = arith.muli %while3A_76, %while3A_75 : i32
      %while3A_78 = arith.addi %get3A_67, %while3A_77 : i32
      %while3A_79 = arith.constant 1 : i32
      scf.for %while3A_81 = %get3A_67 to %while3A_78 step %while3A_79  : i32 {
        %get3A_82 = arith.index_cast %while3A_81 : i32 to index
        %get3A_83 = memref.load %arg9[%get3A_82] : memref<512xi32, #tpu.memory_space<smem>>
        %rem3A_84 = arith.constant 128 : i32
        %rem3A_85 = arith.remsi %get3A_83, %rem3A_84 : i32
        %broadcast_in_dim3A = vector.broadcast %rem3A_85 : i32 to vector<16xi32>
        %broadcast_in_dim3A_86 = vector.broadcast %rem3A_51 : i32 to vector<16xi32>
        %get3A_87 = arith.index_cast %while3A_81 : i32 to index
        %get3A_88 = memref.load %arg9[%get3A_87] : memref<512xi32, #tpu.memory_space<smem>>
        %shift_right_logical3A_89 = arith.constant 7 : i32
        %shift_right_logical3A_90 = arith.shrui %get3A_88, %shift_right_logical3A_89 : i32
        %ne3A_91 = arith.constant 7812 : i32
        %ne3A_92 = arith.cmpi ne, %shift_right_logical3A_90, %ne3A_91 : i32
        %convert_element_type3A_93 = arith.extui %ne3A_92 : i1 to i32
        %cond3A_94 = arith.constant 0 : i32
        %cond3A_95 = arith.cmpi ne, %convert_element_type3A_93, %cond3A_94 : i32
        scf.if %cond3A_95 {
          %add3A_100 = arith.constant 0 : i32
          %add3A_101 = vector.broadcast %add3A_100 : i32 to vector<16xi32>
          %add3A_102 = arith.addi %iota3A, %add3A_101 : vector<16xi32>
          %mul3A_103 = arith.constant 64 : i32
          %mul3A_104 = vector.broadcast %mul3A_103 : i32 to vector<16xi32>
          %mul3A_105 = arith.muli %broadcast_in_dim3A_86, %mul3A_104 : vector<16xi32>
          %add3A_106 = arith.addi %mul3A_105, %add3A_102 : vector<16xi32>
          %gather3A = tpu.vector_load_idx %arg14[%add3A_106, %broadcast_in_dim3A] : memref<384x128xf32, #tpu.memory_space<vmem>>[vector<16xi32>, vector<16xi32>], vector<16xf32>,
          %mul3A_107 = arith.constant 96 : i32
          %mul3A_108 = arith.muli %while3A_81, %mul3A_107 : i32
          %add3A_109 = arith.constant 0 : i32
          %add3A_110 = arith.addi %mul3A_108, %add3A_109 : i32
          %swap3A_111 = arith.index_cast %add3A_110 : i32 to index
          %swap3A_112 = tpu.vector_load %arg16[%swap3A_111] {strides = array<i32>} : memref<49152xf32, #tpu.memory_space<vmem>>, vector<16xf32>,
          tpu.vector_store %arg16[%swap3A_111], %gather3A {strides = array<i32>} : memref<49152xf32, #tpu.memory_space<vmem>>, vector<16xf32>,
          %add3A_113 = arith.constant 16 : i32
          %add3A_114 = vector.broadcast %add3A_113 : i32 to vector<16xi32>
          %add3A_115 = arith.addi %iota3A, %add3A_114 : vector<16xi32>
          %mul3A_116 = arith.constant 64 : i32
          %mul3A_117 = vector.broadcast %mul3A_116 : i32 to vector<16xi32>
          %mul3A_118 = arith.muli %broadcast_in_dim3A_86, %mul3A_117 : vector<16xi32>
          %add3A_119 = arith.addi %mul3A_118, %add3A_115 : vector<16xi32>
          %gather3A_120 = tpu.vector_load_idx %arg14[%add3A_119, %broadcast_in_dim3A] : memref<384x128xf32, #tpu.memory_space<vmem>>[vector<16xi32>, vector<16xi32>], vector<16xf32>,
          %mul3A_121 = arith.constant 96 : i32
          %mul3A_122 = arith.muli %while3A_81, %mul3A_121 : i32
          %add3A_123 = arith.constant 16 : i32
          %add3A_124 = arith.addi %mul3A_122, %add3A_123 : i32
          %swap3A_125 = arith.index_cast %add3A_124 : i32 to index
          %swap3A_126 = tpu.vector_load %arg16[%swap3A_125] {strides = array<i32>} : memref<49152xf32, #tpu.memory_space<vmem>>, vector<16xf32>,
          tpu.vector_store %arg16[%swap3A_125], %gather3A_120 {strides = array<i32>} : memref<49152xf32, #tpu.memory_space<vmem>>, vector<16xf32>,
          %add3A_127 = arith.constant 32 : i32
          %add3A_128 = vector.broadcast %add3A_127 : i32 to vector<16xi32>
          %add3A_129 = arith.addi %iota3A, %add3A_128 : vector<16xi32>
          %mul3A_130 = arith.constant 64 : i32
          %mul3A_131 = vector.broadcast %mul3A_130 : i32 to vector<16xi32>
          %mul3A_132 = arith.muli %broadcast_in_dim3A_86, %mul3A_131 : vector<16xi32>
          %add3A_133 = arith.addi %mul3A_132, %add3A_129 : vector<16xi32>
          %gather3A_134 = tpu.vector_load_idx %arg14[%add3A_133, %broadcast_in_dim3A] : memref<384x128xf32, #tpu.memory_space<vmem>>[vector<16xi32>, vector<16xi32>], vector<16xf32>,
          %mul3A_135 = arith.constant 96 : i32
          %mul3A_136 = arith.muli %while3A_81, %mul3A_135 : i32
          %add3A_137 = arith.constant 32 : i32
          %add3A_138 = arith.addi %mul3A_136, %add3A_137 : i32
          %swap3A_139 = arith.index_cast %add3A_138 : i32 to index
          %swap3A_140 = tpu.vector_load %arg16[%swap3A_139] {strides = array<i32>} : memref<49152xf32, #tpu.memory_space<vmem>>, vector<16xf32>,
          tpu.vector_store %arg16[%swap3A_139], %gather3A_134 {strides = array<i32>} : memref<49152xf32, #tpu.memory_space<vmem>>, vector<16xf32>,
          %add3A_141 = arith.constant 48 : i32
          %add3A_142 = vector.broadcast %add3A_141 : i32 to vector<16xi32>
          %add3A_143 = arith.addi %iota3A, %add3A_142 : vector<16xi32>
          %mul3A_144 = arith.constant 64 : i32
          %mul3A_145 = vector.broadcast %mul3A_144 : i32 to vector<16xi32>
          %mul3A_146 = arith.muli %broadcast_in_dim3A_86, %mul3A_145 : vector<16xi32>
          %add3A_147 = arith.addi %mul3A_146, %add3A_143 : vector<16xi32>
          %gather3A_148 = tpu.vector_load_idx %arg14[%add3A_147, %broadcast_in_dim3A] : memref<384x128xf32, #tpu.memory_space<vmem>>[vector<16xi32>, vector<16xi32>], vector<16xf32>,
          %mul3A_149 = arith.constant 96 : i32
          %mul3A_150 = arith.muli %while3A_81, %mul3A_149 : i32
          %add3A_151 = arith.constant 48 : i32
          %add3A_152 = arith.addi %mul3A_150, %add3A_151 : i32
          %swap3A_153 = arith.index_cast %add3A_152 : i32 to index
          %swap3A_154 = tpu.vector_load %arg16[%swap3A_153] {strides = array<i32>} : memref<49152xf32, #tpu.memory_space<vmem>>, vector<16xf32>,
          tpu.vector_store %arg16[%swap3A_153], %gather3A_148 {strides = array<i32>} : memref<49152xf32, #tpu.memory_space<vmem>>, vector<16xf32>,
          %add3A_155 = arith.constant 0 : i32
          %add3A_156 = vector.broadcast %add3A_155 : i32 to vector<16xi32>
          %add3A_157 = arith.addi %iota3A, %add3A_156 : vector<16xi32>
          %mul3A_158 = arith.constant 32 : i32
          %mul3A_159 = vector.broadcast %mul3A_158 : i32 to vector<16xi32>
          %mul3A_160 = arith.muli %broadcast_in_dim3A_86, %mul3A_159 : vector<16xi32>
          %add3A_161 = arith.addi %mul3A_160, %add3A_157 : vector<16xi32>
          %gather3A_162 = tpu.vector_load_idx %arg15[%add3A_161, %broadcast_in_dim3A] : memref<192x128xf32, #tpu.memory_space<vmem>>[vector<16xi32>, vector<16xi32>], vector<16xf32>,
          %mul3A_163 = arith.constant 96 : i32
          %mul3A_164 = arith.muli %while3A_81, %mul3A_163 : i32
          %add3A_165 = arith.constant 64 : i32
          %add3A_166 = arith.addi %mul3A_164, %add3A_165 : i32
          %add3A_167 = arith.constant 0 : i32
          %add3A_168 = arith.addi %add3A_166, %add3A_167 : i32
          %swap3A_169 = arith.index_cast %add3A_168 : i32 to index
          %swap3A_170 = tpu.vector_load %arg16[%swap3A_169] {strides = array<i32>} : memref<49152xf32, #tpu.memory_space<vmem>>, vector<16xf32>,
          tpu.vector_store %arg16[%swap3A_169], %gather3A_162 {strides = array<i32>} : memref<49152xf32, #tpu.memory_space<vmem>>, vector<16xf32>,
          %add3A_171 = arith.constant 16 : i32
          %add3A_172 = vector.broadcast %add3A_171 : i32 to vector<16xi32>
          %add3A_173 = arith.addi %iota3A, %add3A_172 : vector<16xi32>
          %mul3A_174 = arith.constant 32 : i32
          %mul3A_175 = vector.broadcast %mul3A_174 : i32 to vector<16xi32>
          %mul3A_176 = arith.muli %broadcast_in_dim3A_86, %mul3A_175 : vector<16xi32>
          %add3A_177 = arith.addi %mul3A_176, %add3A_173 : vector<16xi32>
          %gather3A_178 = tpu.vector_load_idx %arg15[%add3A_177, %broadcast_in_dim3A] : memref<192x128xf32, #tpu.memory_space<vmem>>[vector<16xi32>, vector<16xi32>], vector<16xf32>,
          %mul3A_179 = arith.constant 96 : i32
          %mul3A_180 = arith.muli %while3A_81, %mul3A_179 : i32
          %add3A_181 = arith.constant 64 : i32
          %add3A_182 = arith.addi %mul3A_180, %add3A_181 : i32
          %add3A_183 = arith.constant 16 : i32
          %add3A_184 = arith.addi %add3A_182, %add3A_183 : i32
          %swap3A_185 = arith.index_cast %add3A_184 : i32 to index
          %swap3A_186 = tpu.vector_load %arg16[%swap3A_185] {strides = array<i32>} : memref<49152xf32, #tpu.memory_space<vmem>>, vector<16xf32>,
          tpu.vector_store %arg16[%swap3A_185], %gather3A_178 {strides = array<i32>} : memref<49152xf32, #tpu.memory_space<vmem>>, vector<16xf32>,
        } else {
        }
        %eq3A = arith.constant 7812 : i32
        %eq3A_96 = arith.cmpi eq, %shift_right_logical3A_90, %eq3A : i32
        %convert_element_type3A_97 = arith.extui %eq3A_96 : i1 to i32
        %cond3A_98 = arith.constant 0 : i32
        %cond3A_99 = arith.cmpi ne, %convert_element_type3A_97, %cond3A_98 : i32
        scf.if %cond3A_99 {
          %add3A_100 = arith.constant 0 : i32
          %add3A_101 = vector.broadcast %add3A_100 : i32 to vector<16xi32>
          %add3A_102 = arith.addi %iota3A, %add3A_101 : vector<16xi32>
          %mul3A_103 = arith.constant 64 : i32
          %mul3A_104 = vector.broadcast %mul3A_103 : i32 to vector<16xi32>
          %mul3A_105 = arith.muli %broadcast_in_dim3A, %mul3A_104 : vector<16xi32>
          %add3A_106 = arith.addi %mul3A_105, %add3A_102 : vector<16xi32>
          %gather3A = tpu.vector_load_idx %arg17[%add3A_106] : memref<4096xf32, #tpu.memory_space<vmem>>[vector<16xi32>], vector<16xf32>,
          %mul3A_107 = arith.constant 96 : i32
          %mul3A_108 = arith.muli %while3A_81, %mul3A_107 : i32
          %add3A_109 = arith.constant 0 : i32
          %add3A_110 = arith.addi %mul3A_108, %add3A_109 : i32
          %swap3A_111 = arith.index_cast %add3A_110 : i32 to index
          %swap3A_112 = tpu.vector_load %arg16[%swap3A_111] {strides = array<i32>} : memref<49152xf32, #tpu.memory_space<vmem>>, vector<16xf32>,
          tpu.vector_store %arg16[%swap3A_111], %gather3A {strides = array<i32>} : memref<49152xf32, #tpu.memory_space<vmem>>, vector<16xf32>,
          %add3A_113 = arith.constant 16 : i32
          %add3A_114 = vector.broadcast %add3A_113 : i32 to vector<16xi32>
          %add3A_115 = arith.addi %iota3A, %add3A_114 : vector<16xi32>
          %mul3A_116 = arith.constant 64 : i32
          %mul3A_117 = vector.broadcast %mul3A_116 : i32 to vector<16xi32>
          %mul3A_118 = arith.muli %broadcast_in_dim3A, %mul3A_117 : vector<16xi32>
          %add3A_119 = arith.addi %mul3A_118, %add3A_115 : vector<16xi32>
          %gather3A_120 = tpu.vector_load_idx %arg17[%add3A_119] : memref<4096xf32, #tpu.memory_space<vmem>>[vector<16xi32>], vector<16xf32>,
          %mul3A_121 = arith.constant 96 : i32
          %mul3A_122 = arith.muli %while3A_81, %mul3A_121 : i32
          %add3A_123 = arith.constant 16 : i32
          %add3A_124 = arith.addi %mul3A_122, %add3A_123 : i32
          %swap3A_125 = arith.index_cast %add3A_124 : i32 to index
          %swap3A_126 = tpu.vector_load %arg16[%swap3A_125] {strides = array<i32>} : memref<49152xf32, #tpu.memory_space<vmem>>, vector<16xf32>,
          tpu.vector_store %arg16[%swap3A_125], %gather3A_120 {strides = array<i32>} : memref<49152xf32, #tpu.memory_space<vmem>>, vector<16xf32>,
          %add3A_127 = arith.constant 32 : i32
          %add3A_128 = vector.broadcast %add3A_127 : i32 to vector<16xi32>
          %add3A_129 = arith.addi %iota3A, %add3A_128 : vector<16xi32>
          %mul3A_130 = arith.constant 64 : i32
          %mul3A_131 = vector.broadcast %mul3A_130 : i32 to vector<16xi32>
          %mul3A_132 = arith.muli %broadcast_in_dim3A, %mul3A_131 : vector<16xi32>
          %add3A_133 = arith.addi %mul3A_132, %add3A_129 : vector<16xi32>
          %gather3A_134 = tpu.vector_load_idx %arg17[%add3A_133] : memref<4096xf32, #tpu.memory_space<vmem>>[vector<16xi32>], vector<16xf32>,
          %mul3A_135 = arith.constant 96 : i32
          %mul3A_136 = arith.muli %while3A_81, %mul3A_135 : i32
          %add3A_137 = arith.constant 32 : i32
          %add3A_138 = arith.addi %mul3A_136, %add3A_137 : i32
          %swap3A_139 = arith.index_cast %add3A_138 : i32 to index
          %swap3A_140 = tpu.vector_load %arg16[%swap3A_139] {strides = array<i32>} : memref<49152xf32, #tpu.memory_space<vmem>>, vector<16xf32>,
          tpu.vector_store %arg16[%swap3A_139], %gather3A_134 {strides = array<i32>} : memref<49152xf32, #tpu.memory_space<vmem>>, vector<16xf32>,
          %add3A_141 = arith.constant 48 : i32
          %add3A_142 = vector.broadcast %add3A_141 : i32 to vector<16xi32>
          %add3A_143 = arith.addi %iota3A, %add3A_142 : vector<16xi32>
          %mul3A_144 = arith.constant 64 : i32
          %mul3A_145 = vector.broadcast %mul3A_144 : i32 to vector<16xi32>
          %mul3A_146 = arith.muli %broadcast_in_dim3A, %mul3A_145 : vector<16xi32>
          %add3A_147 = arith.addi %mul3A_146, %add3A_143 : vector<16xi32>
          %gather3A_148 = tpu.vector_load_idx %arg17[%add3A_147] : memref<4096xf32, #tpu.memory_space<vmem>>[vector<16xi32>], vector<16xf32>,
          %mul3A_149 = arith.constant 96 : i32
          %mul3A_150 = arith.muli %while3A_81, %mul3A_149 : i32
          %add3A_151 = arith.constant 48 : i32
          %add3A_152 = arith.addi %mul3A_150, %add3A_151 : i32
          %swap3A_153 = arith.index_cast %add3A_152 : i32 to index
          %swap3A_154 = tpu.vector_load %arg16[%swap3A_153] {strides = array<i32>} : memref<49152xf32, #tpu.memory_space<vmem>>, vector<16xf32>,
          tpu.vector_store %arg16[%swap3A_153], %gather3A_148 {strides = array<i32>} : memref<49152xf32, #tpu.memory_space<vmem>>, vector<16xf32>,
          %add3A_155 = arith.constant 0 : i32
          %add3A_156 = vector.broadcast %add3A_155 : i32 to vector<16xi32>
          %add3A_157 = arith.addi %iota3A, %add3A_156 : vector<16xi32>
          %mul3A_158 = arith.constant 32 : i32
          %mul3A_159 = vector.broadcast %mul3A_158 : i32 to vector<16xi32>
          %mul3A_160 = arith.muli %broadcast_in_dim3A, %mul3A_159 : vector<16xi32>
          %add3A_161 = arith.addi %mul3A_160, %add3A_157 : vector<16xi32>
          %gather3A_162 = tpu.vector_load_idx %arg18[%add3A_161] : memref<2048xf32, #tpu.memory_space<vmem>>[vector<16xi32>], vector<16xf32>,
          %mul3A_163 = arith.constant 96 : i32
          %mul3A_164 = arith.muli %while3A_81, %mul3A_163 : i32
          %add3A_165 = arith.constant 64 : i32
          %add3A_166 = arith.addi %mul3A_164, %add3A_165 : i32
          %add3A_167 = arith.constant 0 : i32
          %add3A_168 = arith.addi %add3A_166, %add3A_167 : i32
          %swap3A_169 = arith.index_cast %add3A_168 : i32 to index
          %swap3A_170 = tpu.vector_load %arg16[%swap3A_169] {strides = array<i32>} : memref<49152xf32, #tpu.memory_space<vmem>>, vector<16xf32>,
          tpu.vector_store %arg16[%swap3A_169], %gather3A_162 {strides = array<i32>} : memref<49152xf32, #tpu.memory_space<vmem>>, vector<16xf32>,
          %add3A_171 = arith.constant 16 : i32
          %add3A_172 = vector.broadcast %add3A_171 : i32 to vector<16xi32>
          %add3A_173 = arith.addi %iota3A, %add3A_172 : vector<16xi32>
          %mul3A_174 = arith.constant 32 : i32
          %mul3A_175 = vector.broadcast %mul3A_174 : i32 to vector<16xi32>
          %mul3A_176 = arith.muli %broadcast_in_dim3A, %mul3A_175 : vector<16xi32>
          %add3A_177 = arith.addi %mul3A_176, %add3A_173 : vector<16xi32>
          %gather3A_178 = tpu.vector_load_idx %arg18[%add3A_177] : memref<2048xf32, #tpu.memory_space<vmem>>[vector<16xi32>], vector<16xf32>,
          %mul3A_179 = arith.constant 96 : i32
          %mul3A_180 = arith.muli %while3A_81, %mul3A_179 : i32
          %add3A_181 = arith.constant 64 : i32
          %add3A_182 = arith.addi %mul3A_180, %add3A_181 : i32
          %add3A_183 = arith.constant 16 : i32
          %add3A_184 = arith.addi %add3A_182, %add3A_183 : i32
          %swap3A_185 = arith.index_cast %add3A_184 : i32 to index
          %swap3A_186 = tpu.vector_load %arg16[%swap3A_185] {strides = array<i32>} : memref<49152xf32, #tpu.memory_space<vmem>>, vector<16xf32>,
          tpu.vector_store %arg16[%swap3A_185], %gather3A_178 {strides = array<i32>} : memref<49152xf32, #tpu.memory_space<vmem>>, vector<16xf32>,
        } else {
        }
      }
      %while3A_80 = arith.constant 1 : i32
      scf.for %while3A_81 = %while3A_78 to %while3A_74 step %while3A_80  : i32 {
        %get3A_82 = arith.index_cast %while3A_81 : i32 to index
        %get3A_83 = memref.load %arg9[%get3A_82] : memref<512xi32, #tpu.memory_space<smem>>
        %rem3A_84 = arith.constant 128 : i32
        %rem3A_85 = arith.remsi %get3A_83, %rem3A_84 : i32
        %broadcast_in_dim3A = vector.broadcast %rem3A_85 : i32 to vector<16xi32>
        %broadcast_in_dim3A_86 = vector.broadcast %rem3A_51 : i32 to vector<16xi32>
        %get3A_87 = arith.index_cast %while3A_81 : i32 to index
        %get3A_88 = memref.load %arg9[%get3A_87] : memref<512xi32, #tpu.memory_space<smem>>
        %shift_right_logical3A_89 = arith.constant 7 : i32
        %shift_right_logical3A_90 = arith.shrui %get3A_88, %shift_right_logical3A_89 : i32
        %ne3A_91 = arith.constant 7812 : i32
        %ne3A_92 = arith.cmpi ne, %shift_right_logical3A_90, %ne3A_91 : i32
        %convert_element_type3A_93 = arith.extui %ne3A_92 : i1 to i32
        %cond3A_94 = arith.constant 0 : i32
        %cond3A_95 = arith.cmpi ne, %convert_element_type3A_93, %cond3A_94 : i32
        scf.if %cond3A_95 {
          %add3A_100 = arith.constant 0 : i32
          %add3A_101 = vector.broadcast %add3A_100 : i32 to vector<16xi32>
          %add3A_102 = arith.addi %iota3A, %add3A_101 : vector<16xi32>
          %mul3A_103 = arith.constant 64 : i32
          %mul3A_104 = vector.broadcast %mul3A_103 : i32 to vector<16xi32>
          %mul3A_105 = arith.muli %broadcast_in_dim3A_86, %mul3A_104 : vector<16xi32>
          %add3A_106 = arith.addi %mul3A_105, %add3A_102 : vector<16xi32>
          %gather3A = tpu.vector_load_idx %arg14[%add3A_106, %broadcast_in_dim3A] : memref<384x128xf32, #tpu.memory_space<vmem>>[vector<16xi32>, vector<16xi32>], vector<16xf32>,
          %mul3A_107 = arith.constant 96 : i32
          %mul3A_108 = arith.muli %while3A_81, %mul3A_107 : i32
          %add3A_109 = arith.constant 0 : i32
          %add3A_110 = arith.addi %mul3A_108, %add3A_109 : i32
          %swap3A_111 = arith.index_cast %add3A_110 : i32 to index
          %swap3A_112 = tpu.vector_load %arg16[%swap3A_111] {strides = array<i32>} : memref<49152xf32, #tpu.memory_space<vmem>>, vector<16xf32>,
          tpu.vector_store %arg16[%swap3A_111], %gather3A {strides = array<i32>} : memref<49152xf32, #tpu.memory_space<vmem>>, vector<16xf32>,
          %add3A_113 = arith.constant 16 : i32
          %add3A_114 = vector.broadcast %add3A_113 : i32 to vector<16xi32>
          %add3A_115 = arith.addi %iota3A, %add3A_114 : vector<16xi32>
          %mul3A_116 = arith.constant 64 : i32
          %mul3A_117 = vector.broadcast %mul3A_116 : i32 to vector<16xi32>
          %mul3A_118 = arith.muli %broadcast_in_dim3A_86, %mul3A_117 : vector<16xi32>
          %add3A_119 = arith.addi %mul3A_118, %add3A_115 : vector<16xi32>
          %gather3A_120 = tpu.vector_load_idx %arg14[%add3A_119, %broadcast_in_dim3A] : memref<384x128xf32, #tpu.memory_space<vmem>>[vector<16xi32>, vector<16xi32>], vector<16xf32>,
          %mul3A_121 = arith.constant 96 : i32
          %mul3A_122 = arith.muli %while3A_81, %mul3A_121 : i32
          %add3A_123 = arith.constant 16 : i32
          %add3A_124 = arith.addi %mul3A_122, %add3A_123 : i32
          %swap3A_125 = arith.index_cast %add3A_124 : i32 to index
          %swap3A_126 = tpu.vector_load %arg16[%swap3A_125] {strides = array<i32>} : memref<49152xf32, #tpu.memory_space<vmem>>, vector<16xf32>,
          tpu.vector_store %arg16[%swap3A_125], %gather3A_120 {strides = array<i32>} : memref<49152xf32, #tpu.memory_space<vmem>>, vector<16xf32>,
          %add3A_127 = arith.constant 32 : i32
          %add3A_128 = vector.broadcast %add3A_127 : i32 to vector<16xi32>
          %add3A_129 = arith.addi %iota3A, %add3A_128 : vector<16xi32>
          %mul3A_130 = arith.constant 64 : i32
          %mul3A_131 = vector.broadcast %mul3A_130 : i32 to vector<16xi32>
          %mul3A_132 = arith.muli %broadcast_in_dim3A_86, %mul3A_131 : vector<16xi32>
          %add3A_133 = arith.addi %mul3A_132, %add3A_129 : vector<16xi32>
          %gather3A_134 = tpu.vector_load_idx %arg14[%add3A_133, %broadcast_in_dim3A] : memref<384x128xf32, #tpu.memory_space<vmem>>[vector<16xi32>, vector<16xi32>], vector<16xf32>,
          %mul3A_135 = arith.constant 96 : i32
          %mul3A_136 = arith.muli %while3A_81, %mul3A_135 : i32
          %add3A_137 = arith.constant 32 : i32
          %add3A_138 = arith.addi %mul3A_136, %add3A_137 : i32
          %swap3A_139 = arith.index_cast %add3A_138 : i32 to index
          %swap3A_140 = tpu.vector_load %arg16[%swap3A_139] {strides = array<i32>} : memref<49152xf32, #tpu.memory_space<vmem>>, vector<16xf32>,
          tpu.vector_store %arg16[%swap3A_139], %gather3A_134 {strides = array<i32>} : memref<49152xf32, #tpu.memory_space<vmem>>, vector<16xf32>,
          %add3A_141 = arith.constant 48 : i32
          %add3A_142 = vector.broadcast %add3A_141 : i32 to vector<16xi32>
          %add3A_143 = arith.addi %iota3A, %add3A_142 : vector<16xi32>
          %mul3A_144 = arith.constant 64 : i32
          %mul3A_145 = vector.broadcast %mul3A_144 : i32 to vector<16xi32>
          %mul3A_146 = arith.muli %broadcast_in_dim3A_86, %mul3A_145 : vector<16xi32>
          %add3A_147 = arith.addi %mul3A_146, %add3A_143 : vector<16xi32>
          %gather3A_148 = tpu.vector_load_idx %arg14[%add3A_147, %broadcast_in_dim3A] : memref<384x128xf32, #tpu.memory_space<vmem>>[vector<16xi32>, vector<16xi32>], vector<16xf32>,
          %mul3A_149 = arith.constant 96 : i32
          %mul3A_150 = arith.muli %while3A_81, %mul3A_149 : i32
          %add3A_151 = arith.constant 48 : i32
          %add3A_152 = arith.addi %mul3A_150, %add3A_151 : i32
          %swap3A_153 = arith.index_cast %add3A_152 : i32 to index
          %swap3A_154 = tpu.vector_load %arg16[%swap3A_153] {strides = array<i32>} : memref<49152xf32, #tpu.memory_space<vmem>>, vector<16xf32>,
          tpu.vector_store %arg16[%swap3A_153], %gather3A_148 {strides = array<i32>} : memref<49152xf32, #tpu.memory_space<vmem>>, vector<16xf32>,
          %add3A_155 = arith.constant 0 : i32
          %add3A_156 = vector.broadcast %add3A_155 : i32 to vector<16xi32>
          %add3A_157 = arith.addi %iota3A, %add3A_156 : vector<16xi32>
          %mul3A_158 = arith.constant 32 : i32
          %mul3A_159 = vector.broadcast %mul3A_158 : i32 to vector<16xi32>
          %mul3A_160 = arith.muli %broadcast_in_dim3A_86, %mul3A_159 : vector<16xi32>
          %add3A_161 = arith.addi %mul3A_160, %add3A_157 : vector<16xi32>
          %gather3A_162 = tpu.vector_load_idx %arg15[%add3A_161, %broadcast_in_dim3A] : memref<192x128xf32, #tpu.memory_space<vmem>>[vector<16xi32>, vector<16xi32>], vector<16xf32>,
          %mul3A_163 = arith.constant 96 : i32
          %mul3A_164 = arith.muli %while3A_81, %mul3A_163 : i32
          %add3A_165 = arith.constant 64 : i32
          %add3A_166 = arith.addi %mul3A_164, %add3A_165 : i32
          %add3A_167 = arith.constant 0 : i32
          %add3A_168 = arith.addi %add3A_166, %add3A_167 : i32
          %swap3A_169 = arith.index_cast %add3A_168 : i32 to index
          %swap3A_170 = tpu.vector_load %arg16[%swap3A_169] {strides = array<i32>} : memref<49152xf32, #tpu.memory_space<vmem>>, vector<16xf32>,
          tpu.vector_store %arg16[%swap3A_169], %gather3A_162 {strides = array<i32>} : memref<49152xf32, #tpu.memory_space<vmem>>, vector<16xf32>,
          %add3A_171 = arith.constant 16 : i32
          %add3A_172 = vector.broadcast %add3A_171 : i32 to vector<16xi32>
          %add3A_173 = arith.addi %iota3A, %add3A_172 : vector<16xi32>
          %mul3A_174 = arith.constant 32 : i32
          %mul3A_175 = vector.broadcast %mul3A_174 : i32 to vector<16xi32>
          %mul3A_176 = arith.muli %broadcast_in_dim3A_86, %mul3A_175 : vector<16xi32>
          %add3A_177 = arith.addi %mul3A_176, %add3A_173 : vector<16xi32>
          %gather3A_178 = tpu.vector_load_idx %arg15[%add3A_177, %broadcast_in_dim3A] : memref<192x128xf32, #tpu.memory_space<vmem>>[vector<16xi32>, vector<16xi32>], vector<16xf32>,
          %mul3A_179 = arith.constant 96 : i32
          %mul3A_180 = arith.muli %while3A_81, %mul3A_179 : i32
          %add3A_181 = arith.constant 64 : i32
          %add3A_182 = arith.addi %mul3A_180, %add3A_181 : i32
          %add3A_183 = arith.constant 16 : i32
          %add3A_184 = arith.addi %add3A_182, %add3A_183 : i32
          %swap3A_185 = arith.index_cast %add3A_184 : i32 to index
          %swap3A_186 = tpu.vector_load %arg16[%swap3A_185] {strides = array<i32>} : memref<49152xf32, #tpu.memory_space<vmem>>, vector<16xf32>,
          tpu.vector_store %arg16[%swap3A_185], %gather3A_178 {strides = array<i32>} : memref<49152xf32, #tpu.memory_space<vmem>>, vector<16xf32>,
        } else {
        }
        %eq3A = arith.constant 7812 : i32
        %eq3A_96 = arith.cmpi eq, %shift_right_logical3A_90, %eq3A : i32
        %convert_element_type3A_97 = arith.extui %eq3A_96 : i1 to i32
        %cond3A_98 = arith.constant 0 : i32
        %cond3A_99 = arith.cmpi ne, %convert_element_type3A_97, %cond3A_98 : i32
        scf.if %cond3A_99 {
          %add3A_100 = arith.constant 0 : i32
          %add3A_101 = vector.broadcast %add3A_100 : i32 to vector<16xi32>
          %add3A_102 = arith.addi %iota3A, %add3A_101 : vector<16xi32>
          %mul3A_103 = arith.constant 64 : i32
          %mul3A_104 = vector.broadcast %mul3A_103 : i32 to vector<16xi32>
          %mul3A_105 = arith.muli %broadcast_in_dim3A, %mul3A_104 : vector<16xi32>
          %add3A_106 = arith.addi %mul3A_105, %add3A_102 : vector<16xi32>
          %gather3A = tpu.vector_load_idx %arg17[%add3A_106] : memref<4096xf32, #tpu.memory_space<vmem>>[vector<16xi32>], vector<16xf32>,
          %mul3A_107 = arith.constant 96 : i32
          %mul3A_108 = arith.muli %while3A_81, %mul3A_107 : i32
          %add3A_109 = arith.constant 0 : i32
          %add3A_110 = arith.addi %mul3A_108, %add3A_109 : i32
          %swap3A_111 = arith.index_cast %add3A_110 : i32 to index
          %swap3A_112 = tpu.vector_load %arg16[%swap3A_111] {strides = array<i32>} : memref<49152xf32, #tpu.memory_space<vmem>>, vector<16xf32>,
          tpu.vector_store %arg16[%swap3A_111], %gather3A {strides = array<i32>} : memref<49152xf32, #tpu.memory_space<vmem>>, vector<16xf32>,
          %add3A_113 = arith.constant 16 : i32
          %add3A_114 = vector.broadcast %add3A_113 : i32 to vector<16xi32>
          %add3A_115 = arith.addi %iota3A, %add3A_114 : vector<16xi32>
          %mul3A_116 = arith.constant 64 : i32
          %mul3A_117 = vector.broadcast %mul3A_116 : i32 to vector<16xi32>
          %mul3A_118 = arith.muli %broadcast_in_dim3A, %mul3A_117 : vector<16xi32>
          %add3A_119 = arith.addi %mul3A_118, %add3A_115 : vector<16xi32>
          %gather3A_120 = tpu.vector_load_idx %arg17[%add3A_119] : memref<4096xf32, #tpu.memory_space<vmem>>[vector<16xi32>], vector<16xf32>,
          %mul3A_121 = arith.constant 96 : i32
          %mul3A_122 = arith.muli %while3A_81, %mul3A_121 : i32
          %add3A_123 = arith.constant 16 : i32
          %add3A_124 = arith.addi %mul3A_122, %add3A_123 : i32
          %swap3A_125 = arith.index_cast %add3A_124 : i32 to index
          %swap3A_126 = tpu.vector_load %arg16[%swap3A_125] {strides = array<i32>} : memref<49152xf32, #tpu.memory_space<vmem>>, vector<16xf32>,
          tpu.vector_store %arg16[%swap3A_125], %gather3A_120 {strides = array<i32>} : memref<49152xf32, #tpu.memory_space<vmem>>, vector<16xf32>,
          %add3A_127 = arith.constant 32 : i32
          %add3A_128 = vector.broadcast %add3A_127 : i32 to vector<16xi32>
          %add3A_129 = arith.addi %iota3A, %add3A_128 : vector<16xi32>
          %mul3A_130 = arith.constant 64 : i32
          %mul3A_131 = vector.broadcast %mul3A_130 : i32 to vector<16xi32>
          %mul3A_132 = arith.muli %broadcast_in_dim3A, %mul3A_131 : vector<16xi32>
          %add3A_133 = arith.addi %mul3A_132, %add3A_129 : vector<16xi32>
          %gather3A_134 = tpu.vector_load_idx %arg17[%add3A_133] : memref<4096xf32, #tpu.memory_space<vmem>>[vector<16xi32>], vector<16xf32>,
          %mul3A_135 = arith.constant 96 : i32
          %mul3A_136 = arith.muli %while3A_81, %mul3A_135 : i32
          %add3A_137 = arith.constant 32 : i32
          %add3A_138 = arith.addi %mul3A_136, %add3A_137 : i32
          %swap3A_139 = arith.index_cast %add3A_138 : i32 to index
          %swap3A_140 = tpu.vector_load %arg16[%swap3A_139] {strides = array<i32>} : memref<49152xf32, #tpu.memory_space<vmem>>, vector<16xf32>,
          tpu.vector_store %arg16[%swap3A_139], %gather3A_134 {strides = array<i32>} : memref<49152xf32, #tpu.memory_space<vmem>>, vector<16xf32>,
          %add3A_141 = arith.constant 48 : i32
          %add3A_142 = vector.broadcast %add3A_141 : i32 to vector<16xi32>
          %add3A_143 = arith.addi %iota3A, %add3A_142 : vector<16xi32>
          %mul3A_144 = arith.constant 64 : i32
          %mul3A_145 = vector.broadcast %mul3A_144 : i32 to vector<16xi32>
          %mul3A_146 = arith.muli %broadcast_in_dim3A, %mul3A_145 : vector<16xi32>
          %add3A_147 = arith.addi %mul3A_146, %add3A_143 : vector<16xi32>
          %gather3A_148 = tpu.vector_load_idx %arg17[%add3A_147] : memref<4096xf32, #tpu.memory_space<vmem>>[vector<16xi32>], vector<16xf32>,
          %mul3A_149 = arith.constant 96 : i32
          %mul3A_150 = arith.muli %while3A_81, %mul3A_149 : i32
          %add3A_151 = arith.constant 48 : i32
          %add3A_152 = arith.addi %mul3A_150, %add3A_151 : i32
          %swap3A_153 = arith.index_cast %add3A_152 : i32 to index
          %swap3A_154 = tpu.vector_load %arg16[%swap3A_153] {strides = array<i32>} : memref<49152xf32, #tpu.memory_space<vmem>>, vector<16xf32>,
          tpu.vector_store %arg16[%swap3A_153], %gather3A_148 {strides = array<i32>} : memref<49152xf32, #tpu.memory_space<vmem>>, vector<16xf32>,
          %add3A_155 = arith.constant 0 : i32
          %add3A_156 = vector.broadcast %add3A_155 : i32 to vector<16xi32>
          %add3A_157 = arith.addi %iota3A, %add3A_156 : vector<16xi32>
          %mul3A_158 = arith.constant 32 : i32
          %mul3A_159 = vector.broadcast %mul3A_158 : i32 to vector<16xi32>
          %mul3A_160 = arith.muli %broadcast_in_dim3A, %mul3A_159 : vector<16xi32>
          %add3A_161 = arith.addi %mul3A_160, %add3A_157 : vector<16xi32>
          %gather3A_162 = tpu.vector_load_idx %arg18[%add3A_161] : memref<2048xf32, #tpu.memory_space<vmem>>[vector<16xi32>], vector<16xf32>,
          %mul3A_163 = arith.constant 96 : i32
          %mul3A_164 = arith.muli %while3A_81, %mul3A_163 : i32
          %add3A_165 = arith.constant 64 : i32
          %add3A_166 = arith.addi %mul3A_164, %add3A_165 : i32
          %add3A_167 = arith.constant 0 : i32
          %add3A_168 = arith.addi %add3A_166, %add3A_167 : i32
          %swap3A_169 = arith.index_cast %add3A_168 : i32 to index
          %swap3A_170 = tpu.vector_load %arg16[%swap3A_169] {strides = array<i32>} : memref<49152xf32, #tpu.memory_space<vmem>>, vector<16xf32>,
          tpu.vector_store %arg16[%swap3A_169], %gather3A_162 {strides = array<i32>} : memref<49152xf32, #tpu.memory_space<vmem>>, vector<16xf32>,
          %add3A_171 = arith.constant 16 : i32
          %add3A_172 = vector.broadcast %add3A_171 : i32 to vector<16xi32>
          %add3A_173 = arith.addi %iota3A, %add3A_172 : vector<16xi32>
          %mul3A_174 = arith.constant 32 : i32
          %mul3A_175 = vector.broadcast %mul3A_174 : i32 to vector<16xi32>
          %mul3A_176 = arith.muli %broadcast_in_dim3A, %mul3A_175 : vector<16xi32>
          %add3A_177 = arith.addi %mul3A_176, %add3A_173 : vector<16xi32>
          %gather3A_178 = tpu.vector_load_idx %arg18[%add3A_177] : memref<2048xf32, #tpu.memory_space<vmem>>[vector<16xi32>], vector<16xf32>,
          %mul3A_179 = arith.constant 96 : i32
          %mul3A_180 = arith.muli %while3A_81, %mul3A_179 : i32
          %add3A_181 = arith.constant 64 : i32
          %add3A_182 = arith.addi %mul3A_180, %add3A_181 : i32
          %add3A_183 = arith.constant 16 : i32
          %add3A_184 = arith.addi %add3A_182, %add3A_183 : i32
          %swap3A_185 = arith.index_cast %add3A_184 : i32 to index
          %swap3A_186 = tpu.vector_load %arg16[%swap3A_185] {strides = array<i32>} : memref<49152xf32, #tpu.memory_space<vmem>>, vector<16xf32>,
          tpu.vector_store %arg16[%swap3A_185], %gather3A_178 {strides = array<i32>} : memref<49152xf32, #tpu.memory_space<vmem>>, vector<16xf32>,
        } else {
        }
      }
    }
    %while3A_43 = arith.constant 1 : i32
    scf.for %while3A_50 = %while3A_41 to %while3A_37 step %while3A_43  : i32 {
      %rem3A = arith.constant 6 : i32
      %rem3A_51 = arith.remsi %while3A_50, %rem3A : i32
      %get3A_52 = arith.index_cast %while3A_50 : i32 to index
      %get3A_53 = memref.load %arg11[%get3A_52] : memref<514xi32, #tpu.memory_space<smem>>
      %get3A_54 = arith.index_cast %get3A_53 : i32 to index
      %get3A_55 = memref.load %arg9[%get3A_54] : memref<512xi32, #tpu.memory_space<smem>>
      %shift_right_logical3A_56 = arith.constant 7 : i32
      %shift_right_logical3A_57 = arith.shrui %get3A_55, %shift_right_logical3A_56 : i32
      %ne3A = arith.constant 7812 : i32
      %ne3A_58 = arith.cmpi ne, %shift_right_logical3A_57, %ne3A : i32
      %convert_element_type3A = arith.extui %ne3A_58 : i1 to i32
      %cond3A = arith.constant 0 : i32
      %cond3A_59 = arith.cmpi ne, %convert_element_type3A, %cond3A : i32
      scf.if %cond3A_59 {
        %mul3A_81 = arith.constant 128 : i32
        %mul3A_82 = arith.muli %shift_right_logical3A_57, %mul3A_81 : i32
        %mul3A_83 = arith.constant 64 : i32
        %mul3A_84 = arith.muli %rem3A_51, %mul3A_83 : i32
        %mul3A_85 = arith.constant 32 : i32
        %mul3A_86 = arith.muli %rem3A_51, %mul3A_85 : i32
        %dma_wait3A = arith.constant 0 : i32
        %dma_wait3A_87 = tpu.memref_slice %arg14[%mul3A_84, %dma_wait3A] : memref<384x128xf32, #tpu.memory_space<vmem>> -> memref<64x128xf32, #tpu.memory_space<vmem>>
        %dma_wait3A_88 = arith.constant 0 : i32
        %dma_wait3A_89 = tpu.memref_slice %arg4[%dma_wait3A_88, %mul3A_82] : memref<64x1000000xf32, #tpu.memory_space<hbm>> -> memref<64x128xf32, #tpu.memory_space<hbm>>
        %dma_wait3A_90 = arith.constant 0 : i32
        %dma_wait3A_91 = tpu.memref_slice %arg14[%mul3A_84, %dma_wait3A_90] : memref<384x128xf32, #tpu.memory_space<vmem>> -> memref<64x128xf32, #tpu.memory_space<vmem>>
        %dma_wait3A_92 = arith.constant 0 : i32
        %dma_wait3A_93 = tpu.memref_slice %arg4[%dma_wait3A_92, %mul3A_82] : memref<64x1000000xf32, #tpu.memory_space<hbm>> -> memref<64x128xf32, #tpu.memory_space<hbm>>
        tpu.wait_dma2 semaphore(%arg19 : memref<!tpu.dma_semaphore, #tpu.memory_space<semaphore_mem>>) src(%dma_wait3A_93 : memref<64x128xf32, #tpu.memory_space<hbm>>) dst(%dma_wait3A_91 : memref<64x128xf32, #tpu.memory_space<vmem>>)
        %dma_wait3A_94 = arith.constant 0 : i32
        %dma_wait3A_95 = tpu.memref_slice %arg15[%mul3A_86, %dma_wait3A_94] : memref<192x128xf32, #tpu.memory_space<vmem>> -> memref<32x128xf32, #tpu.memory_space<vmem>>
        %dma_wait3A_96 = arith.constant 0 : i32
        %dma_wait3A_97 = tpu.memref_slice %arg5[%dma_wait3A_96, %mul3A_82] : memref<32x1000000xf32, #tpu.memory_space<hbm>> -> memref<32x128xf32, #tpu.memory_space<hbm>>
        %dma_wait3A_98 = arith.constant 0 : i32
        %dma_wait3A_99 = tpu.memref_slice %arg15[%mul3A_86, %dma_wait3A_98] : memref<192x128xf32, #tpu.memory_space<vmem>> -> memref<32x128xf32, #tpu.memory_space<vmem>>
        %dma_wait3A_100 = arith.constant 0 : i32
        %dma_wait3A_101 = tpu.memref_slice %arg5[%dma_wait3A_100, %mul3A_82] : memref<32x1000000xf32, #tpu.memory_space<hbm>> -> memref<32x128xf32, #tpu.memory_space<hbm>>
        tpu.wait_dma2 semaphore(%arg20 : memref<!tpu.dma_semaphore, #tpu.memory_space<semaphore_mem>>) src(%dma_wait3A_101 : memref<32x128xf32, #tpu.memory_space<hbm>>) dst(%dma_wait3A_99 : memref<32x128xf32, #tpu.memory_space<vmem>>)
      } else {
      }
      %add3A_60 = arith.constant 6 : i32
      %add3A_61 = arith.addi %while3A_50, %add3A_60 : i32
      %sub3A = arith.constant 1 : i32
      %sub3A_62 = arith.subi %add3A_61, %sub3A : i32
      %lt3A = arith.cmpi slt, %sub3A_62, %scan3A_19#0 : i32
      %convert_element_type3A_63 = arith.extui %lt3A : i1 to i32
      %cond3A_64 = arith.constant 0 : i32
      %cond3A_65 = arith.cmpi ne, %convert_element_type3A_63, %cond3A_64 : i32
      scf.if %cond3A_65 {
        %add3A_81 = arith.constant 6 : i32
        %add3A_82 = arith.addi %while3A_50, %add3A_81 : i32
        %sub3A_83 = arith.constant 1 : i32
        %sub3A_84 = arith.subi %add3A_82, %sub3A_83 : i32
        %get3A_85 = arith.index_cast %sub3A_84 : i32 to index
        %get3A_86 = memref.load %arg11[%get3A_85] : memref<514xi32, #tpu.memory_space<smem>>
        %get3A_87 = arith.index_cast %get3A_86 : i32 to index
        %get3A_88 = memref.load %arg9[%get3A_87] : memref<512xi32, #tpu.memory_space<smem>>
        %shift_right_logical3A_89 = arith.constant 7 : i32
        %shift_right_logical3A_90 = arith.shrui %get3A_88, %shift_right_logical3A_89 : i32
        %ne3A_91 = arith.constant 7812 : i32
        %ne3A_92 = arith.cmpi ne, %shift_right_logical3A_90, %ne3A_91 : i32
        %convert_element_type3A_93 = arith.extui %ne3A_92 : i1 to i32
        %cond3A_94 = arith.constant 0 : i32
        %cond3A_95 = arith.cmpi ne, %convert_element_type3A_93, %cond3A_94 : i32
        scf.if %cond3A_95 {
          %rem3A_96 = arith.constant 6 : i32
          %rem3A_97 = arith.remsi %sub3A_84, %rem3A_96 : i32
          %mul3A_98 = arith.constant 128 : i32
          %mul3A_99 = arith.muli %shift_right_logical3A_90, %mul3A_98 : i32
          %mul3A_100 = arith.constant 64 : i32
          %mul3A_101 = arith.muli %rem3A_97, %mul3A_100 : i32
          %mul3A_102 = arith.constant 32 : i32
          %mul3A_103 = arith.muli %rem3A_97, %mul3A_102 : i32
          %dma_start3A = arith.constant 0 : i32
          %dma_start3A_104 = tpu.memref_slice %arg14[%mul3A_101, %dma_start3A] : memref<384x128xf32, #tpu.memory_space<vmem>> -> memref<64x128xf32, #tpu.memory_space<vmem>>
          %dma_start3A_105 = arith.constant 0 : i32
          %dma_start3A_106 = tpu.memref_slice %arg4[%dma_start3A_105, %mul3A_99] : memref<64x1000000xf32, #tpu.memory_space<hbm>> -> memref<64x128xf32, #tpu.memory_space<hbm>>
          %dma_start3A_107 = arith.constant 0 : i32
          %dma_start3A_108 = tpu.memref_slice %arg14[%mul3A_101, %dma_start3A_107] : memref<384x128xf32, #tpu.memory_space<vmem>> -> memref<64x128xf32, #tpu.memory_space<vmem>>
          %dma_start3A_109 = arith.constant 0 : i32
          %dma_start3A_110 = tpu.memref_slice %arg4[%dma_start3A_109, %mul3A_99] : memref<64x1000000xf32, #tpu.memory_space<hbm>> -> memref<64x128xf32, #tpu.memory_space<hbm>>
          tpu.enqueue_dma source(%dma_start3A_110 : memref<64x128xf32, #tpu.memory_space<hbm>>) target(%dma_start3A_108 : memref<64x128xf32, #tpu.memory_space<vmem>>) target_semaphore(%arg19 : memref<!tpu.dma_semaphore, #tpu.memory_space<semaphore_mem>>)
          %dma_start3A_111 = arith.constant 0 : i32
          %dma_start3A_112 = tpu.memref_slice %arg15[%mul3A_103, %dma_start3A_111] : memref<192x128xf32, #tpu.memory_space<vmem>> -> memref<32x128xf32, #tpu.memory_space<vmem>>
          %dma_start3A_113 = arith.constant 0 : i32
          %dma_start3A_114 = tpu.memref_slice %arg5[%dma_start3A_113, %mul3A_99] : memref<32x1000000xf32, #tpu.memory_space<hbm>> -> memref<32x128xf32, #tpu.memory_space<hbm>>
          %dma_start3A_115 = arith.constant 0 : i32
          %dma_start3A_116 = tpu.memref_slice %arg15[%mul3A_103, %dma_start3A_115] : memref<192x128xf32, #tpu.memory_space<vmem>> -> memref<32x128xf32, #tpu.memory_space<vmem>>
          %dma_start3A_117 = arith.constant 0 : i32
          %dma_start3A_118 = tpu.memref_slice %arg5[%dma_start3A_117, %mul3A_99] : memref<32x1000000xf32, #tpu.memory_space<hbm>> -> memref<32x128xf32, #tpu.memory_space<hbm>>
          tpu.enqueue_dma source(%dma_start3A_118 : memref<32x128xf32, #tpu.memory_space<hbm>>) target(%dma_start3A_116 : memref<32x128xf32, #tpu.memory_space<vmem>>) target_semaphore(%arg20 : memref<!tpu.dma_semaphore, #tpu.memory_space<semaphore_mem>>)
        } else {
        }
      } else {
      }
      %get3A_66 = arith.index_cast %while3A_50 : i32 to index
      %get3A_67 = memref.load %arg11[%get3A_66] : memref<514xi32, #tpu.memory_space<smem>>
      %add3A_68 = arith.constant 1 : i32
      %add3A_69 = arith.addi %while3A_50, %add3A_68 : i32
      %get3A_70 = arith.index_cast %add3A_69 : i32 to index
      %get3A_71 = memref.load %arg11[%get3A_70] : memref<514xi32, #tpu.memory_space<smem>>
      %while3A_72 = arith.constant 0 : i32
      %while3A_73 = arith.subi %get3A_71, %get3A_67 : i32
      %while3A_74 = arith.addi %get3A_67, %while3A_73 : i32
      %while3A_75 = arith.constant 1 : i32
      %while3A_76 = arith.divsi %while3A_73, %while3A_75 : i32
      %while3A_77 = arith.muli %while3A_76, %while3A_75 : i32
      %while3A_78 = arith.addi %get3A_67, %while3A_77 : i32
      %while3A_79 = arith.constant 1 : i32
      scf.for %while3A_81 = %get3A_67 to %while3A_78 step %while3A_79  : i32 {
        %get3A_82 = arith.index_cast %while3A_81 : i32 to index
        %get3A_83 = memref.load %arg9[%get3A_82] : memref<512xi32, #tpu.memory_space<smem>>
        %rem3A_84 = arith.constant 128 : i32
        %rem3A_85 = arith.remsi %get3A_83, %rem3A_84 : i32
        %broadcast_in_dim3A = vector.broadcast %rem3A_85 : i32 to vector<16xi32>
        %broadcast_in_dim3A_86 = vector.broadcast %rem3A_51 : i32 to vector<16xi32>
        %get3A_87 = arith.index_cast %while3A_81 : i32 to index
        %get3A_88 = memref.load %arg9[%get3A_87] : memref<512xi32, #tpu.memory_space<smem>>
        %shift_right_logical3A_89 = arith.constant 7 : i32
        %shift_right_logical3A_90 = arith.shrui %get3A_88, %shift_right_logical3A_89 : i32
        %ne3A_91 = arith.constant 7812 : i32
        %ne3A_92 = arith.cmpi ne, %shift_right_logical3A_90, %ne3A_91 : i32
        %convert_element_type3A_93 = arith.extui %ne3A_92 : i1 to i32
        %cond3A_94 = arith.constant 0 : i32
        %cond3A_95 = arith.cmpi ne, %convert_element_type3A_93, %cond3A_94 : i32
        scf.if %cond3A_95 {
          %add3A_100 = arith.constant 0 : i32
          %add3A_101 = vector.broadcast %add3A_100 : i32 to vector<16xi32>
          %add3A_102 = arith.addi %iota3A, %add3A_101 : vector<16xi32>
          %mul3A_103 = arith.constant 64 : i32
          %mul3A_104 = vector.broadcast %mul3A_103 : i32 to vector<16xi32>
          %mul3A_105 = arith.muli %broadcast_in_dim3A_86, %mul3A_104 : vector<16xi32>
          %add3A_106 = arith.addi %mul3A_105, %add3A_102 : vector<16xi32>
          %gather3A = tpu.vector_load_idx %arg14[%add3A_106, %broadcast_in_dim3A] : memref<384x128xf32, #tpu.memory_space<vmem>>[vector<16xi32>, vector<16xi32>], vector<16xf32>,
          %mul3A_107 = arith.constant 96 : i32
          %mul3A_108 = arith.muli %while3A_81, %mul3A_107 : i32
          %add3A_109 = arith.constant 0 : i32
          %add3A_110 = arith.addi %mul3A_108, %add3A_109 : i32
          %swap3A_111 = arith.index_cast %add3A_110 : i32 to index
          %swap3A_112 = tpu.vector_load %arg16[%swap3A_111] {strides = array<i32>} : memref<49152xf32, #tpu.memory_space<vmem>>, vector<16xf32>,
          tpu.vector_store %arg16[%swap3A_111], %gather3A {strides = array<i32>} : memref<49152xf32, #tpu.memory_space<vmem>>, vector<16xf32>,
          %add3A_113 = arith.constant 16 : i32
          %add3A_114 = vector.broadcast %add3A_113 : i32 to vector<16xi32>
          %add3A_115 = arith.addi %iota3A, %add3A_114 : vector<16xi32>
          %mul3A_116 = arith.constant 64 : i32
          %mul3A_117 = vector.broadcast %mul3A_116 : i32 to vector<16xi32>
          %mul3A_118 = arith.muli %broadcast_in_dim3A_86, %mul3A_117 : vector<16xi32>
          %add3A_119 = arith.addi %mul3A_118, %add3A_115 : vector<16xi32>
          %gather3A_120 = tpu.vector_load_idx %arg14[%add3A_119, %broadcast_in_dim3A] : memref<384x128xf32, #tpu.memory_space<vmem>>[vector<16xi32>, vector<16xi32>], vector<16xf32>,
          %mul3A_121 = arith.constant 96 : i32
          %mul3A_122 = arith.muli %while3A_81, %mul3A_121 : i32
          %add3A_123 = arith.constant 16 : i32
          %add3A_124 = arith.addi %mul3A_122, %add3A_123 : i32
          %swap3A_125 = arith.index_cast %add3A_124 : i32 to index
          %swap3A_126 = tpu.vector_load %arg16[%swap3A_125] {strides = array<i32>} : memref<49152xf32, #tpu.memory_space<vmem>>, vector<16xf32>,
          tpu.vector_store %arg16[%swap3A_125], %gather3A_120 {strides = array<i32>} : memref<49152xf32, #tpu.memory_space<vmem>>, vector<16xf32>,
          %add3A_127 = arith.constant 32 : i32
          %add3A_128 = vector.broadcast %add3A_127 : i32 to vector<16xi32>
          %add3A_129 = arith.addi %iota3A, %add3A_128 : vector<16xi32>
          %mul3A_130 = arith.constant 64 : i32
          %mul3A_131 = vector.broadcast %mul3A_130 : i32 to vector<16xi32>
          %mul3A_132 = arith.muli %broadcast_in_dim3A_86, %mul3A_131 : vector<16xi32>
          %add3A_133 = arith.addi %mul3A_132, %add3A_129 : vector<16xi32>
          %gather3A_134 = tpu.vector_load_idx %arg14[%add3A_133, %broadcast_in_dim3A] : memref<384x128xf32, #tpu.memory_space<vmem>>[vector<16xi32>, vector<16xi32>], vector<16xf32>,
          %mul3A_135 = arith.constant 96 : i32
          %mul3A_136 = arith.muli %while3A_81, %mul3A_135 : i32
          %add3A_137 = arith.constant 32 : i32
          %add3A_138 = arith.addi %mul3A_136, %add3A_137 : i32
          %swap3A_139 = arith.index_cast %add3A_138 : i32 to index
          %swap3A_140 = tpu.vector_load %arg16[%swap3A_139] {strides = array<i32>} : memref<49152xf32, #tpu.memory_space<vmem>>, vector<16xf32>,
          tpu.vector_store %arg16[%swap3A_139], %gather3A_134 {strides = array<i32>} : memref<49152xf32, #tpu.memory_space<vmem>>, vector<16xf32>,
          %add3A_141 = arith.constant 48 : i32
          %add3A_142 = vector.broadcast %add3A_141 : i32 to vector<16xi32>
          %add3A_143 = arith.addi %iota3A, %add3A_142 : vector<16xi32>
          %mul3A_144 = arith.constant 64 : i32
          %mul3A_145 = vector.broadcast %mul3A_144 : i32 to vector<16xi32>
          %mul3A_146 = arith.muli %broadcast_in_dim3A_86, %mul3A_145 : vector<16xi32>
          %add3A_147 = arith.addi %mul3A_146, %add3A_143 : vector<16xi32>
          %gather3A_148 = tpu.vector_load_idx %arg14[%add3A_147, %broadcast_in_dim3A] : memref<384x128xf32, #tpu.memory_space<vmem>>[vector<16xi32>, vector<16xi32>], vector<16xf32>,
          %mul3A_149 = arith.constant 96 : i32
          %mul3A_150 = arith.muli %while3A_81, %mul3A_149 : i32
          %add3A_151 = arith.constant 48 : i32
          %add3A_152 = arith.addi %mul3A_150, %add3A_151 : i32
          %swap3A_153 = arith.index_cast %add3A_152 : i32 to index
          %swap3A_154 = tpu.vector_load %arg16[%swap3A_153] {strides = array<i32>} : memref<49152xf32, #tpu.memory_space<vmem>>, vector<16xf32>,
          tpu.vector_store %arg16[%swap3A_153], %gather3A_148 {strides = array<i32>} : memref<49152xf32, #tpu.memory_space<vmem>>, vector<16xf32>,
          %add3A_155 = arith.constant 0 : i32
          %add3A_156 = vector.broadcast %add3A_155 : i32 to vector<16xi32>
          %add3A_157 = arith.addi %iota3A, %add3A_156 : vector<16xi32>
          %mul3A_158 = arith.constant 32 : i32
          %mul3A_159 = vector.broadcast %mul3A_158 : i32 to vector<16xi32>
          %mul3A_160 = arith.muli %broadcast_in_dim3A_86, %mul3A_159 : vector<16xi32>
          %add3A_161 = arith.addi %mul3A_160, %add3A_157 : vector<16xi32>
          %gather3A_162 = tpu.vector_load_idx %arg15[%add3A_161, %broadcast_in_dim3A] : memref<192x128xf32, #tpu.memory_space<vmem>>[vector<16xi32>, vector<16xi32>], vector<16xf32>,
          %mul3A_163 = arith.constant 96 : i32
          %mul3A_164 = arith.muli %while3A_81, %mul3A_163 : i32
          %add3A_165 = arith.constant 64 : i32
          %add3A_166 = arith.addi %mul3A_164, %add3A_165 : i32
          %add3A_167 = arith.constant 0 : i32
          %add3A_168 = arith.addi %add3A_166, %add3A_167 : i32
          %swap3A_169 = arith.index_cast %add3A_168 : i32 to index
          %swap3A_170 = tpu.vector_load %arg16[%swap3A_169] {strides = array<i32>} : memref<49152xf32, #tpu.memory_space<vmem>>, vector<16xf32>,
          tpu.vector_store %arg16[%swap3A_169], %gather3A_162 {strides = array<i32>} : memref<49152xf32, #tpu.memory_space<vmem>>, vector<16xf32>,
          %add3A_171 = arith.constant 16 : i32
          %add3A_172 = vector.broadcast %add3A_171 : i32 to vector<16xi32>
          %add3A_173 = arith.addi %iota3A, %add3A_172 : vector<16xi32>
          %mul3A_174 = arith.constant 32 : i32
          %mul3A_175 = vector.broadcast %mul3A_174 : i32 to vector<16xi32>
          %mul3A_176 = arith.muli %broadcast_in_dim3A_86, %mul3A_175 : vector<16xi32>
          %add3A_177 = arith.addi %mul3A_176, %add3A_173 : vector<16xi32>
          %gather3A_178 = tpu.vector_load_idx %arg15[%add3A_177, %broadcast_in_dim3A] : memref<192x128xf32, #tpu.memory_space<vmem>>[vector<16xi32>, vector<16xi32>], vector<16xf32>,
          %mul3A_179 = arith.constant 96 : i32
          %mul3A_180 = arith.muli %while3A_81, %mul3A_179 : i32
          %add3A_181 = arith.constant 64 : i32
          %add3A_182 = arith.addi %mul3A_180, %add3A_181 : i32
          %add3A_183 = arith.constant 16 : i32
          %add3A_184 = arith.addi %add3A_182, %add3A_183 : i32
          %swap3A_185 = arith.index_cast %add3A_184 : i32 to index
          %swap3A_186 = tpu.vector_load %arg16[%swap3A_185] {strides = array<i32>} : memref<49152xf32, #tpu.memory_space<vmem>>, vector<16xf32>,
          tpu.vector_store %arg16[%swap3A_185], %gather3A_178 {strides = array<i32>} : memref<49152xf32, #tpu.memory_space<vmem>>, vector<16xf32>,
        } else {
        }
        %eq3A = arith.constant 7812 : i32
        %eq3A_96 = arith.cmpi eq, %shift_right_logical3A_90, %eq3A : i32
        %convert_element_type3A_97 = arith.extui %eq3A_96 : i1 to i32
        %cond3A_98 = arith.constant 0 : i32
        %cond3A_99 = arith.cmpi ne, %convert_element_type3A_97, %cond3A_98 : i32
        scf.if %cond3A_99 {
          %add3A_100 = arith.constant 0 : i32
          %add3A_101 = vector.broadcast %add3A_100 : i32 to vector<16xi32>
          %add3A_102 = arith.addi %iota3A, %add3A_101 : vector<16xi32>
          %mul3A_103 = arith.constant 64 : i32
          %mul3A_104 = vector.broadcast %mul3A_103 : i32 to vector<16xi32>
          %mul3A_105 = arith.muli %broadcast_in_dim3A, %mul3A_104 : vector<16xi32>
          %add3A_106 = arith.addi %mul3A_105, %add3A_102 : vector<16xi32>
          %gather3A = tpu.vector_load_idx %arg17[%add3A_106] : memref<4096xf32, #tpu.memory_space<vmem>>[vector<16xi32>], vector<16xf32>,
          %mul3A_107 = arith.constant 96 : i32
          %mul3A_108 = arith.muli %while3A_81, %mul3A_107 : i32
          %add3A_109 = arith.constant 0 : i32
          %add3A_110 = arith.addi %mul3A_108, %add3A_109 : i32
          %swap3A_111 = arith.index_cast %add3A_110 : i32 to index
          %swap3A_112 = tpu.vector_load %arg16[%swap3A_111] {strides = array<i32>} : memref<49152xf32, #tpu.memory_space<vmem>>, vector<16xf32>,
          tpu.vector_store %arg16[%swap3A_111], %gather3A {strides = array<i32>} : memref<49152xf32, #tpu.memory_space<vmem>>, vector<16xf32>,
          %add3A_113 = arith.constant 16 : i32
          %add3A_114 = vector.broadcast %add3A_113 : i32 to vector<16xi32>
          %add3A_115 = arith.addi %iota3A, %add3A_114 : vector<16xi32>
          %mul3A_116 = arith.constant 64 : i32
          %mul3A_117 = vector.broadcast %mul3A_116 : i32 to vector<16xi32>
          %mul3A_118 = arith.muli %broadcast_in_dim3A, %mul3A_117 : vector<16xi32>
          %add3A_119 = arith.addi %mul3A_118, %add3A_115 : vector<16xi32>
          %gather3A_120 = tpu.vector_load_idx %arg17[%add3A_119] : memref<4096xf32, #tpu.memory_space<vmem>>[vector<16xi32>], vector<16xf32>,
          %mul3A_121 = arith.constant 96 : i32
          %mul3A_122 = arith.muli %while3A_81, %mul3A_121 : i32
          %add3A_123 = arith.constant 16 : i32
          %add3A_124 = arith.addi %mul3A_122, %add3A_123 : i32
          %swap3A_125 = arith.index_cast %add3A_124 : i32 to index
          %swap3A_126 = tpu.vector_load %arg16[%swap3A_125] {strides = array<i32>} : memref<49152xf32, #tpu.memory_space<vmem>>, vector<16xf32>,
          tpu.vector_store %arg16[%swap3A_125], %gather3A_120 {strides = array<i32>} : memref<49152xf32, #tpu.memory_space<vmem>>, vector<16xf32>,
          %add3A_127 = arith.constant 32 : i32
          %add3A_128 = vector.broadcast %add3A_127 : i32 to vector<16xi32>
          %add3A_129 = arith.addi %iota3A, %add3A_128 : vector<16xi32>
          %mul3A_130 = arith.constant 64 : i32
          %mul3A_131 = vector.broadcast %mul3A_130 : i32 to vector<16xi32>
          %mul3A_132 = arith.muli %broadcast_in_dim3A, %mul3A_131 : vector<16xi32>
          %add3A_133 = arith.addi %mul3A_132, %add3A_129 : vector<16xi32>
          %gather3A_134 = tpu.vector_load_idx %arg17[%add3A_133] : memref<4096xf32, #tpu.memory_space<vmem>>[vector<16xi32>], vector<16xf32>,
          %mul3A_135 = arith.constant 96 : i32
          %mul3A_136 = arith.muli %while3A_81, %mul3A_135 : i32
          %add3A_137 = arith.constant 32 : i32
          %add3A_138 = arith.addi %mul3A_136, %add3A_137 : i32
          %swap3A_139 = arith.index_cast %add3A_138 : i32 to index
          %swap3A_140 = tpu.vector_load %arg16[%swap3A_139] {strides = array<i32>} : memref<49152xf32, #tpu.memory_space<vmem>>, vector<16xf32>,
          tpu.vector_store %arg16[%swap3A_139], %gather3A_134 {strides = array<i32>} : memref<49152xf32, #tpu.memory_space<vmem>>, vector<16xf32>,
          %add3A_141 = arith.constant 48 : i32
          %add3A_142 = vector.broadcast %add3A_141 : i32 to vector<16xi32>
          %add3A_143 = arith.addi %iota3A, %add3A_142 : vector<16xi32>
          %mul3A_144 = arith.constant 64 : i32
          %mul3A_145 = vector.broadcast %mul3A_144 : i32 to vector<16xi32>
          %mul3A_146 = arith.muli %broadcast_in_dim3A, %mul3A_145 : vector<16xi32>
          %add3A_147 = arith.addi %mul3A_146, %add3A_143 : vector<16xi32>
          %gather3A_148 = tpu.vector_load_idx %arg17[%add3A_147] : memref<4096xf32, #tpu.memory_space<vmem>>[vector<16xi32>], vector<16xf32>,
          %mul3A_149 = arith.constant 96 : i32
          %mul3A_150 = arith.muli %while3A_81, %mul3A_149 : i32
          %add3A_151 = arith.constant 48 : i32
          %add3A_152 = arith.addi %mul3A_150, %add3A_151 : i32
          %swap3A_153 = arith.index_cast %add3A_152 : i32 to index
          %swap3A_154 = tpu.vector_load %arg16[%swap3A_153] {strides = array<i32>} : memref<49152xf32, #tpu.memory_space<vmem>>, vector<16xf32>,
          tpu.vector_store %arg16[%swap3A_153], %gather3A_148 {strides = array<i32>} : memref<49152xf32, #tpu.memory_space<vmem>>, vector<16xf32>,
          %add3A_155 = arith.constant 0 : i32
          %add3A_156 = vector.broadcast %add3A_155 : i32 to vector<16xi32>
          %add3A_157 = arith.addi %iota3A, %add3A_156 : vector<16xi32>
          %mul3A_158 = arith.constant 32 : i32
          %mul3A_159 = vector.broadcast %mul3A_158 : i32 to vector<16xi32>
          %mul3A_160 = arith.muli %broadcast_in_dim3A, %mul3A_159 : vector<16xi32>
          %add3A_161 = arith.addi %mul3A_160, %add3A_157 : vector<16xi32>
          %gather3A_162 = tpu.vector_load_idx %arg18[%add3A_161] : memref<2048xf32, #tpu.memory_space<vmem>>[vector<16xi32>], vector<16xf32>,
          %mul3A_163 = arith.constant 96 : i32
          %mul3A_164 = arith.muli %while3A_81, %mul3A_163 : i32
          %add3A_165 = arith.constant 64 : i32
          %add3A_166 = arith.addi %mul3A_164, %add3A_165 : i32
          %add3A_167 = arith.constant 0 : i32
          %add3A_168 = arith.addi %add3A_166, %add3A_167 : i32
          %swap3A_169 = arith.index_cast %add3A_168 : i32 to index
          %swap3A_170 = tpu.vector_load %arg16[%swap3A_169] {strides = array<i32>} : memref<49152xf32, #tpu.memory_space<vmem>>, vector<16xf32>,
          tpu.vector_store %arg16[%swap3A_169], %gather3A_162 {strides = array<i32>} : memref<49152xf32, #tpu.memory_space<vmem>>, vector<16xf32>,
          %add3A_171 = arith.constant 16 : i32
          %add3A_172 = vector.broadcast %add3A_171 : i32 to vector<16xi32>
          %add3A_173 = arith.addi %iota3A, %add3A_172 : vector<16xi32>
          %mul3A_174 = arith.constant 32 : i32
          %mul3A_175 = vector.broadcast %mul3A_174 : i32 to vector<16xi32>
          %mul3A_176 = arith.muli %broadcast_in_dim3A, %mul3A_175 : vector<16xi32>
          %add3A_177 = arith.addi %mul3A_176, %add3A_173 : vector<16xi32>
          %gather3A_178 = tpu.vector_load_idx %arg18[%add3A_177] : memref<2048xf32, #tpu.memory_space<vmem>>[vector<16xi32>], vector<16xf32>,
          %mul3A_179 = arith.constant 96 : i32
          %mul3A_180 = arith.muli %while3A_81, %mul3A_179 : i32
          %add3A_181 = arith.constant 64 : i32
          %add3A_182 = arith.addi %mul3A_180, %add3A_181 : i32
          %add3A_183 = arith.constant 16 : i32
          %add3A_184 = arith.addi %add3A_182, %add3A_183 : i32
          %swap3A_185 = arith.index_cast %add3A_184 : i32 to index
          %swap3A_186 = tpu.vector_load %arg16[%swap3A_185] {strides = array<i32>} : memref<49152xf32, #tpu.memory_space<vmem>>, vector<16xf32>,
          tpu.vector_store %arg16[%swap3A_185], %gather3A_178 {strides = array<i32>} : memref<49152xf32, #tpu.memory_space<vmem>>, vector<16xf32>,
        } else {
        }
      }
      %while3A_80 = arith.constant 1 : i32
      scf.for %while3A_81 = %while3A_78 to %while3A_74 step %while3A_80  : i32 {
        %get3A_82 = arith.index_cast %while3A_81 : i32 to index
        %get3A_83 = memref.load %arg9[%get3A_82] : memref<512xi32, #tpu.memory_space<smem>>
        %rem3A_84 = arith.constant 128 : i32
        %rem3A_85 = arith.remsi %get3A_83, %rem3A_84 : i32
        %broadcast_in_dim3A = vector.broadcast %rem3A_85 : i32 to vector<16xi32>
        %broadcast_in_dim3A_86 = vector.broadcast %rem3A_51 : i32 to vector<16xi32>
        %get3A_87 = arith.index_cast %while3A_81 : i32 to index
        %get3A_88 = memref.load %arg9[%get3A_87] : memref<512xi32, #tpu.memory_space<smem>>
        %shift_right_logical3A_89 = arith.constant 7 : i32
        %shift_right_logical3A_90 = arith.shrui %get3A_88, %shift_right_logical3A_89 : i32
        %ne3A_91 = arith.constant 7812 : i32
        %ne3A_92 = arith.cmpi ne, %shift_right_logical3A_90, %ne3A_91 : i32
        %convert_element_type3A_93 = arith.extui %ne3A_92 : i1 to i32
        %cond3A_94 = arith.constant 0 : i32
        %cond3A_95 = arith.cmpi ne, %convert_element_type3A_93, %cond3A_94 : i32
        scf.if %cond3A_95 {
          %add3A_100 = arith.constant 0 : i32
          %add3A_101 = vector.broadcast %add3A_100 : i32 to vector<16xi32>
          %add3A_102 = arith.addi %iota3A, %add3A_101 : vector<16xi32>
          %mul3A_103 = arith.constant 64 : i32
          %mul3A_104 = vector.broadcast %mul3A_103 : i32 to vector<16xi32>
          %mul3A_105 = arith.muli %broadcast_in_dim3A_86, %mul3A_104 : vector<16xi32>
          %add3A_106 = arith.addi %mul3A_105, %add3A_102 : vector<16xi32>
          %gather3A = tpu.vector_load_idx %arg14[%add3A_106, %broadcast_in_dim3A] : memref<384x128xf32, #tpu.memory_space<vmem>>[vector<16xi32>, vector<16xi32>], vector<16xf32>,
          %mul3A_107 = arith.constant 96 : i32
          %mul3A_108 = arith.muli %while3A_81, %mul3A_107 : i32
          %add3A_109 = arith.constant 0 : i32
          %add3A_110 = arith.addi %mul3A_108, %add3A_109 : i32
          %swap3A_111 = arith.index_cast %add3A_110 : i32 to index
          %swap3A_112 = tpu.vector_load %arg16[%swap3A_111] {strides = array<i32>} : memref<49152xf32, #tpu.memory_space<vmem>>, vector<16xf32>,
          tpu.vector_store %arg16[%swap3A_111], %gather3A {strides = array<i32>} : memref<49152xf32, #tpu.memory_space<vmem>>, vector<16xf32>,
          %add3A_113 = arith.constant 16 : i32
          %add3A_114 = vector.broadcast %add3A_113 : i32 to vector<16xi32>
          %add3A_115 = arith.addi %iota3A, %add3A_114 : vector<16xi32>
          %mul3A_116 = arith.constant 64 : i32
          %mul3A_117 = vector.broadcast %mul3A_116 : i32 to vector<16xi32>
          %mul3A_118 = arith.muli %broadcast_in_dim3A_86, %mul3A_117 : vector<16xi32>
          %add3A_119 = arith.addi %mul3A_118, %add3A_115 : vector<16xi32>
          %gather3A_120 = tpu.vector_load_idx %arg14[%add3A_119, %broadcast_in_dim3A] : memref<384x128xf32, #tpu.memory_space<vmem>>[vector<16xi32>, vector<16xi32>], vector<16xf32>,
          %mul3A_121 = arith.constant 96 : i32
          %mul3A_122 = arith.muli %while3A_81, %mul3A_121 : i32
          %add3A_123 = arith.constant 16 : i32
          %add3A_124 = arith.addi %mul3A_122, %add3A_123 : i32
          %swap3A_125 = arith.index_cast %add3A_124 : i32 to index
          %swap3A_126 = tpu.vector_load %arg16[%swap3A_125] {strides = array<i32>} : memref<49152xf32, #tpu.memory_space<vmem>>, vector<16xf32>,
          tpu.vector_store %arg16[%swap3A_125], %gather3A_120 {strides = array<i32>} : memref<49152xf32, #tpu.memory_space<vmem>>, vector<16xf32>,
          %add3A_127 = arith.constant 32 : i32
          %add3A_128 = vector.broadcast %add3A_127 : i32 to vector<16xi32>
          %add3A_129 = arith.addi %iota3A, %add3A_128 : vector<16xi32>
          %mul3A_130 = arith.constant 64 : i32
          %mul3A_131 = vector.broadcast %mul3A_130 : i32 to vector<16xi32>
          %mul3A_132 = arith.muli %broadcast_in_dim3A_86, %mul3A_131 : vector<16xi32>
          %add3A_133 = arith.addi %mul3A_132, %add3A_129 : vector<16xi32>
          %gather3A_134 = tpu.vector_load_idx %arg14[%add3A_133, %broadcast_in_dim3A] : memref<384x128xf32, #tpu.memory_space<vmem>>[vector<16xi32>, vector<16xi32>], vector<16xf32>,
          %mul3A_135 = arith.constant 96 : i32
          %mul3A_136 = arith.muli %while3A_81, %mul3A_135 : i32
          %add3A_137 = arith.constant 32 : i32
          %add3A_138 = arith.addi %mul3A_136, %add3A_137 : i32
          %swap3A_139 = arith.index_cast %add3A_138 : i32 to index
          %swap3A_140 = tpu.vector_load %arg16[%swap3A_139] {strides = array<i32>} : memref<49152xf32, #tpu.memory_space<vmem>>, vector<16xf32>,
          tpu.vector_store %arg16[%swap3A_139], %gather3A_134 {strides = array<i32>} : memref<49152xf32, #tpu.memory_space<vmem>>, vector<16xf32>,
          %add3A_141 = arith.constant 48 : i32
          %add3A_142 = vector.broadcast %add3A_141 : i32 to vector<16xi32>
          %add3A_143 = arith.addi %iota3A, %add3A_142 : vector<16xi32>
          %mul3A_144 = arith.constant 64 : i32
          %mul3A_145 = vector.broadcast %mul3A_144 : i32 to vector<16xi32>
          %mul3A_146 = arith.muli %broadcast_in_dim3A_86, %mul3A_145 : vector<16xi32>
          %add3A_147 = arith.addi %mul3A_146, %add3A_143 : vector<16xi32>
          %gather3A_148 = tpu.vector_load_idx %arg14[%add3A_147, %broadcast_in_dim3A] : memref<384x128xf32, #tpu.memory_space<vmem>>[vector<16xi32>, vector<16xi32>], vector<16xf32>,
          %mul3A_149 = arith.constant 96 : i32
          %mul3A_150 = arith.muli %while3A_81, %mul3A_149 : i32
          %add3A_151 = arith.constant 48 : i32
          %add3A_152 = arith.addi %mul3A_150, %add3A_151 : i32
          %swap3A_153 = arith.index_cast %add3A_152 : i32 to index
          %swap3A_154 = tpu.vector_load %arg16[%swap3A_153] {strides = array<i32>} : memref<49152xf32, #tpu.memory_space<vmem>>, vector<16xf32>,
          tpu.vector_store %arg16[%swap3A_153], %gather3A_148 {strides = array<i32>} : memref<49152xf32, #tpu.memory_space<vmem>>, vector<16xf32>,
          %add3A_155 = arith.constant 0 : i32
          %add3A_156 = vector.broadcast %add3A_155 : i32 to vector<16xi32>
          %add3A_157 = arith.addi %iota3A, %add3A_156 : vector<16xi32>
          %mul3A_158 = arith.constant 32 : i32
          %mul3A_159 = vector.broadcast %mul3A_158 : i32 to vector<16xi32>
          %mul3A_160 = arith.muli %broadcast_in_dim3A_86, %mul3A_159 : vector<16xi32>
          %add3A_161 = arith.addi %mul3A_160, %add3A_157 : vector<16xi32>
          %gather3A_162 = tpu.vector_load_idx %arg15[%add3A_161, %broadcast_in_dim3A] : memref<192x128xf32, #tpu.memory_space<vmem>>[vector<16xi32>, vector<16xi32>], vector<16xf32>,
          %mul3A_163 = arith.constant 96 : i32
          %mul3A_164 = arith.muli %while3A_81, %mul3A_163 : i32
          %add3A_165 = arith.constant 64 : i32
          %add3A_166 = arith.addi %mul3A_164, %add3A_165 : i32
          %add3A_167 = arith.constant 0 : i32
          %add3A_168 = arith.addi %add3A_166, %add3A_167 : i32
          %swap3A_169 = arith.index_cast %add3A_168 : i32 to index
          %swap3A_170 = tpu.vector_load %arg16[%swap3A_169] {strides = array<i32>} : memref<49152xf32, #tpu.memory_space<vmem>>, vector<16xf32>,
          tpu.vector_store %arg16[%swap3A_169], %gather3A_162 {strides = array<i32>} : memref<49152xf32, #tpu.memory_space<vmem>>, vector<16xf32>,
          %add3A_171 = arith.constant 16 : i32
          %add3A_172 = vector.broadcast %add3A_171 : i32 to vector<16xi32>
          %add3A_173 = arith.addi %iota3A, %add3A_172 : vector<16xi32>
          %mul3A_174 = arith.constant 32 : i32
          %mul3A_175 = vector.broadcast %mul3A_174 : i32 to vector<16xi32>
          %mul3A_176 = arith.muli %broadcast_in_dim3A_86, %mul3A_175 : vector<16xi32>
          %add3A_177 = arith.addi %mul3A_176, %add3A_173 : vector<16xi32>
          %gather3A_178 = tpu.vector_load_idx %arg15[%add3A_177, %broadcast_in_dim3A] : memref<192x128xf32, #tpu.memory_space<vmem>>[vector<16xi32>, vector<16xi32>], vector<16xf32>,
          %mul3A_179 = arith.constant 96 : i32
          %mul3A_180 = arith.muli %while3A_81, %mul3A_179 : i32
          %add3A_181 = arith.constant 64 : i32
          %add3A_182 = arith.addi %mul3A_180, %add3A_181 : i32
          %add3A_183 = arith.constant 16 : i32
          %add3A_184 = arith.addi %add3A_182, %add3A_183 : i32
          %swap3A_185 = arith.index_cast %add3A_184 : i32 to index
          %swap3A_186 = tpu.vector_load %arg16[%swap3A_185] {strides = array<i32>} : memref<49152xf32, #tpu.memory_space<vmem>>, vector<16xf32>,
          tpu.vector_store %arg16[%swap3A_185], %gather3A_178 {strides = array<i32>} : memref<49152xf32, #tpu.memory_space<vmem>>, vector<16xf32>,
        } else {
        }
        %eq3A = arith.constant 7812 : i32
        %eq3A_96 = arith.cmpi eq, %shift_right_logical3A_90, %eq3A : i32
        %convert_element_type3A_97 = arith.extui %eq3A_96 : i1 to i32
        %cond3A_98 = arith.constant 0 : i32
        %cond3A_99 = arith.cmpi ne, %convert_element_type3A_97, %cond3A_98 : i32
        scf.if %cond3A_99 {
          %add3A_100 = arith.constant 0 : i32
          %add3A_101 = vector.broadcast %add3A_100 : i32 to vector<16xi32>
          %add3A_102 = arith.addi %iota3A, %add3A_101 : vector<16xi32>
          %mul3A_103 = arith.constant 64 : i32
          %mul3A_104 = vector.broadcast %mul3A_103 : i32 to vector<16xi32>
          %mul3A_105 = arith.muli %broadcast_in_dim3A, %mul3A_104 : vector<16xi32>
          %add3A_106 = arith.addi %mul3A_105, %add3A_102 : vector<16xi32>
          %gather3A = tpu.vector_load_idx %arg17[%add3A_106] : memref<4096xf32, #tpu.memory_space<vmem>>[vector<16xi32>], vector<16xf32>,
          %mul3A_107 = arith.constant 96 : i32
          %mul3A_108 = arith.muli %while3A_81, %mul3A_107 : i32
          %add3A_109 = arith.constant 0 : i32
          %add3A_110 = arith.addi %mul3A_108, %add3A_109 : i32
          %swap3A_111 = arith.index_cast %add3A_110 : i32 to index
          %swap3A_112 = tpu.vector_load %arg16[%swap3A_111] {strides = array<i32>} : memref<49152xf32, #tpu.memory_space<vmem>>, vector<16xf32>,
          tpu.vector_store %arg16[%swap3A_111], %gather3A {strides = array<i32>} : memref<49152xf32, #tpu.memory_space<vmem>>, vector<16xf32>,
          %add3A_113 = arith.constant 16 : i32
          %add3A_114 = vector.broadcast %add3A_113 : i32 to vector<16xi32>
          %add3A_115 = arith.addi %iota3A, %add3A_114 : vector<16xi32>
          %mul3A_116 = arith.constant 64 : i32
          %mul3A_117 = vector.broadcast %mul3A_116 : i32 to vector<16xi32>
          %mul3A_118 = arith.muli %broadcast_in_dim3A, %mul3A_117 : vector<16xi32>
          %add3A_119 = arith.addi %mul3A_118, %add3A_115 : vector<16xi32>
          %gather3A_120 = tpu.vector_load_idx %arg17[%add3A_119] : memref<4096xf32, #tpu.memory_space<vmem>>[vector<16xi32>], vector<16xf32>,
          %mul3A_121 = arith.constant 96 : i32
          %mul3A_122 = arith.muli %while3A_81, %mul3A_121 : i32
          %add3A_123 = arith.constant 16 : i32
          %add3A_124 = arith.addi %mul3A_122, %add3A_123 : i32
          %swap3A_125 = arith.index_cast %add3A_124 : i32 to index
          %swap3A_126 = tpu.vector_load %arg16[%swap3A_125] {strides = array<i32>} : memref<49152xf32, #tpu.memory_space<vmem>>, vector<16xf32>,
          tpu.vector_store %arg16[%swap3A_125], %gather3A_120 {strides = array<i32>} : memref<49152xf32, #tpu.memory_space<vmem>>, vector<16xf32>,
          %add3A_127 = arith.constant 32 : i32
          %add3A_128 = vector.broadcast %add3A_127 : i32 to vector<16xi32>
          %add3A_129 = arith.addi %iota3A, %add3A_128 : vector<16xi32>
          %mul3A_130 = arith.constant 64 : i32
          %mul3A_131 = vector.broadcast %mul3A_130 : i32 to vector<16xi32>
          %mul3A_132 = arith.muli %broadcast_in_dim3A, %mul3A_131 : vector<16xi32>
          %add3A_133 = arith.addi %mul3A_132, %add3A_129 : vector<16xi32>
          %gather3A_134 = tpu.vector_load_idx %arg17[%add3A_133] : memref<4096xf32, #tpu.memory_space<vmem>>[vector<16xi32>], vector<16xf32>,
          %mul3A_135 = arith.constant 96 : i32
          %mul3A_136 = arith.muli %while3A_81, %mul3A_135 : i32
          %add3A_137 = arith.constant 32 : i32
          %add3A_138 = arith.addi %mul3A_136, %add3A_137 : i32
          %swap3A_139 = arith.index_cast %add3A_138 : i32 to index
          %swap3A_140 = tpu.vector_load %arg16[%swap3A_139] {strides = array<i32>} : memref<49152xf32, #tpu.memory_space<vmem>>, vector<16xf32>,
          tpu.vector_store %arg16[%swap3A_139], %gather3A_134 {strides = array<i32>} : memref<49152xf32, #tpu.memory_space<vmem>>, vector<16xf32>,
          %add3A_141 = arith.constant 48 : i32
          %add3A_142 = vector.broadcast %add3A_141 : i32 to vector<16xi32>
          %add3A_143 = arith.addi %iota3A, %add3A_142 : vector<16xi32>
          %mul3A_144 = arith.constant 64 : i32
          %mul3A_145 = vector.broadcast %mul3A_144 : i32 to vector<16xi32>
          %mul3A_146 = arith.muli %broadcast_in_dim3A, %mul3A_145 : vector<16xi32>
          %add3A_147 = arith.addi %mul3A_146, %add3A_143 : vector<16xi32>
          %gather3A_148 = tpu.vector_load_idx %arg17[%add3A_147] : memref<4096xf32, #tpu.memory_space<vmem>>[vector<16xi32>], vector<16xf32>,
          %mul3A_149 = arith.constant 96 : i32
          %mul3A_150 = arith.muli %while3A_81, %mul3A_149 : i32
          %add3A_151 = arith.constant 48 : i32
          %add3A_152 = arith.addi %mul3A_150, %add3A_151 : i32
          %swap3A_153 = arith.index_cast %add3A_152 : i32 to index
          %swap3A_154 = tpu.vector_load %arg16[%swap3A_153] {strides = array<i32>} : memref<49152xf32, #tpu.memory_space<vmem>>, vector<16xf32>,
          tpu.vector_store %arg16[%swap3A_153], %gather3A_148 {strides = array<i32>} : memref<49152xf32, #tpu.memory_space<vmem>>, vector<16xf32>,
          %add3A_155 = arith.constant 0 : i32
          %add3A_156 = vector.broadcast %add3A_155 : i32 to vector<16xi32>
          %add3A_157 = arith.addi %iota3A, %add3A_156 : vector<16xi32>
          %mul3A_158 = arith.constant 32 : i32
          %mul3A_159 = vector.broadcast %mul3A_158 : i32 to vector<16xi32>
          %mul3A_160 = arith.muli %broadcast_in_dim3A, %mul3A_159 : vector<16xi32>
          %add3A_161 = arith.addi %mul3A_160, %add3A_157 : vector<16xi32>
          %gather3A_162 = tpu.vector_load_idx %arg18[%add3A_161] : memref<2048xf32, #tpu.memory_space<vmem>>[vector<16xi32>], vector<16xf32>,
          %mul3A_163 = arith.constant 96 : i32
          %mul3A_164 = arith.muli %while3A_81, %mul3A_163 : i32
          %add3A_165 = arith.constant 64 : i32
          %add3A_166 = arith.addi %mul3A_164, %add3A_165 : i32
          %add3A_167 = arith.constant 0 : i32
          %add3A_168 = arith.addi %add3A_166, %add3A_167 : i32
          %swap3A_169 = arith.index_cast %add3A_168 : i32 to index
          %swap3A_170 = tpu.vector_load %arg16[%swap3A_169] {strides = array<i32>} : memref<49152xf32, #tpu.memory_space<vmem>>, vector<16xf32>,
          tpu.vector_store %arg16[%swap3A_169], %gather3A_162 {strides = array<i32>} : memref<49152xf32, #tpu.memory_space<vmem>>, vector<16xf32>,
          %add3A_171 = arith.constant 16 : i32
          %add3A_172 = vector.broadcast %add3A_171 : i32 to vector<16xi32>
          %add3A_173 = arith.addi %iota3A, %add3A_172 : vector<16xi32>
          %mul3A_174 = arith.constant 32 : i32
          %mul3A_175 = vector.broadcast %mul3A_174 : i32 to vector<16xi32>
          %mul3A_176 = arith.muli %broadcast_in_dim3A, %mul3A_175 : vector<16xi32>
          %add3A_177 = arith.addi %mul3A_176, %add3A_173 : vector<16xi32>
          %gather3A_178 = tpu.vector_load_idx %arg18[%add3A_177] : memref<2048xf32, #tpu.memory_space<vmem>>[vector<16xi32>], vector<16xf32>,
          %mul3A_179 = arith.constant 96 : i32
          %mul3A_180 = arith.muli %while3A_81, %mul3A_179 : i32
          %add3A_181 = arith.constant 64 : i32
          %add3A_182 = arith.addi %mul3A_180, %add3A_181 : i32
          %add3A_183 = arith.constant 16 : i32
          %add3A_184 = arith.addi %add3A_182, %add3A_183 : i32
          %swap3A_185 = arith.index_cast %add3A_184 : i32 to index
          %swap3A_186 = tpu.vector_load %arg16[%swap3A_185] {strides = array<i32>} : memref<49152xf32, #tpu.memory_space<vmem>>, vector<16xf32>,
          tpu.vector_store %arg16[%swap3A_185], %gather3A_178 {strides = array<i32>} : memref<49152xf32, #tpu.memory_space<vmem>>, vector<16xf32>,
        } else {
        }
      }
    }
    %scan3A_44 = arith.constant 0 : i32
    %scan3A_45 = arith.constant 0 : i32
    %scan3A_46 = arith.constant 32 : i32
    %scan3A_47 = arith.addi %scan3A_45, %scan3A_46 : i32
    %scan3A_48 = arith.constant 1 : i32
    scf.for %scan3A_50 = %scan3A_45 to %scan3A_47 step %scan3A_48  : i32 {
      %mul3A_51 = arith.constant 16 : i32
      %mul3A_52 = arith.muli %scan3A_50, %mul3A_51 : i32
      %add3A_53 = arith.constant 0 : i32
      %add3A_54 = arith.addi %mul3A_52, %add3A_53 : i32
      %mul3A_55 = arith.constant 96 : i32
      %mul3A_56 = arith.muli %add3A_54, %mul3A_55 : i32
      %get3A_57 = arith.index_cast %add3A_54 : i32 to index
      %get3A_58 = memref.load %arg10[%get3A_57] : memref<512xi32, #tpu.memory_space<smem>>
      %mul3A_59 = arith.constant 128 : i32
      %mul3A_60 = arith.muli %get3A_58, %mul3A_59 : i32
      %dma_start3A = tpu.memref_slice %arg16[%mul3A_56] : memref<49152xf32, #tpu.memory_space<vmem>> -> memref<96xf32, #tpu.memory_space<vmem>>
      %dma_start3A_61 = tpu.memref_slice %arg8[%mul3A_60] : memref<2097152xf32, #tpu.memory_space<hbm>> -> memref<96xf32, #tpu.memory_space<hbm>>
      %dma_start3A_62 = tpu.memref_slice %arg8[%mul3A_60] : memref<2097152xf32, #tpu.memory_space<hbm>> -> memref<96xf32, #tpu.memory_space<hbm>>
      %dma_start3A_63 = tpu.memref_slice %arg16[%mul3A_56] : memref<49152xf32, #tpu.memory_space<vmem>> -> memref<96xf32, #tpu.memory_space<vmem>>
      tpu.enqueue_dma source(%dma_start3A_63 : memref<96xf32, #tpu.memory_space<vmem>>) target(%dma_start3A_62 : memref<96xf32, #tpu.memory_space<hbm>>) target_semaphore(%arg21 : memref<!tpu.dma_semaphore, #tpu.memory_space<semaphore_mem>>)
      %mul3A_64 = arith.constant 16 : i32
      %mul3A_65 = arith.muli %scan3A_50, %mul3A_64 : i32
      %add3A_66 = arith.constant 1 : i32
      %add3A_67 = arith.addi %mul3A_65, %add3A_66 : i32
      %mul3A_68 = arith.constant 96 : i32
      %mul3A_69 = arith.muli %add3A_67, %mul3A_68 : i32
      %get3A_70 = arith.index_cast %add3A_67 : i32 to index
      %get3A_71 = memref.load %arg10[%get3A_70] : memref<512xi32, #tpu.memory_space<smem>>
      %mul3A_72 = arith.constant 128 : i32
      %mul3A_73 = arith.muli %get3A_71, %mul3A_72 : i32
      %dma_start3A_74 = tpu.memref_slice %arg16[%mul3A_69] : memref<49152xf32, #tpu.memory_space<vmem>> -> memref<96xf32, #tpu.memory_space<vmem>>
      %dma_start3A_75 = tpu.memref_slice %arg8[%mul3A_73] : memref<2097152xf32, #tpu.memory_space<hbm>> -> memref<96xf32, #tpu.memory_space<hbm>>
      %dma_start3A_76 = tpu.memref_slice %arg8[%mul3A_73] : memref<2097152xf32, #tpu.memory_space<hbm>> -> memref<96xf32, #tpu.memory_space<hbm>>
      %dma_start3A_77 = tpu.memref_slice %arg16[%mul3A_69] : memref<49152xf32, #tpu.memory_space<vmem>> -> memref<96xf32, #tpu.memory_space<vmem>>
      tpu.enqueue_dma source(%dma_start3A_77 : memref<96xf32, #tpu.memory_space<vmem>>) target(%dma_start3A_76 : memref<96xf32, #tpu.memory_space<hbm>>) target_semaphore(%arg21 : memref<!tpu.dma_semaphore, #tpu.memory_space<semaphore_mem>>)
      %mul3A_78 = arith.constant 16 : i32
      %mul3A_79 = arith.muli %scan3A_50, %mul3A_78 : i32
      %add3A_80 = arith.constant 2 : i32
      %add3A_81 = arith.addi %mul3A_79, %add3A_80 : i32
      %mul3A_82 = arith.constant 96 : i32
      %mul3A_83 = arith.muli %add3A_81, %mul3A_82 : i32
      %get3A_84 = arith.index_cast %add3A_81 : i32 to index
      %get3A_85 = memref.load %arg10[%get3A_84] : memref<512xi32, #tpu.memory_space<smem>>
      %mul3A_86 = arith.constant 128 : i32
      %mul3A_87 = arith.muli %get3A_85, %mul3A_86 : i32
      %dma_start3A_88 = tpu.memref_slice %arg16[%mul3A_83] : memref<49152xf32, #tpu.memory_space<vmem>> -> memref<96xf32, #tpu.memory_space<vmem>>
      %dma_start3A_89 = tpu.memref_slice %arg8[%mul3A_87] : memref<2097152xf32, #tpu.memory_space<hbm>> -> memref<96xf32, #tpu.memory_space<hbm>>
      %dma_start3A_90 = tpu.memref_slice %arg8[%mul3A_87] : memref<2097152xf32, #tpu.memory_space<hbm>> -> memref<96xf32, #tpu.memory_space<hbm>>
      %dma_start3A_91 = tpu.memref_slice %arg16[%mul3A_83] : memref<49152xf32, #tpu.memory_space<vmem>> -> memref<96xf32, #tpu.memory_space<vmem>>
      tpu.enqueue_dma source(%dma_start3A_91 : memref<96xf32, #tpu.memory_space<vmem>>) target(%dma_start3A_90 : memref<96xf32, #tpu.memory_space<hbm>>) target_semaphore(%arg21 : memref<!tpu.dma_semaphore, #tpu.memory_space<semaphore_mem>>)
      %mul3A_92 = arith.constant 16 : i32
      %mul3A_93 = arith.muli %scan3A_50, %mul3A_92 : i32
      %add3A_94 = arith.constant 3 : i32
      %add3A_95 = arith.addi %mul3A_93, %add3A_94 : i32
      %mul3A_96 = arith.constant 96 : i32
      %mul3A_97 = arith.muli %add3A_95, %mul3A_96 : i32
      %get3A_98 = arith.index_cast %add3A_95 : i32 to index
      %get3A_99 = memref.load %arg10[%get3A_98] : memref<512xi32, #tpu.memory_space<smem>>
      %mul3A_100 = arith.constant 128 : i32
      %mul3A_101 = arith.muli %get3A_99, %mul3A_100 : i32
      %dma_start3A_102 = tpu.memref_slice %arg16[%mul3A_97] : memref<49152xf32, #tpu.memory_space<vmem>> -> memref<96xf32, #tpu.memory_space<vmem>>
      %dma_start3A_103 = tpu.memref_slice %arg8[%mul3A_101] : memref<2097152xf32, #tpu.memory_space<hbm>> -> memref<96xf32, #tpu.memory_space<hbm>>
      %dma_start3A_104 = tpu.memref_slice %arg8[%mul3A_101] : memref<2097152xf32, #tpu.memory_space<hbm>> -> memref<96xf32, #tpu.memory_space<hbm>>
      %dma_start3A_105 = tpu.memref_slice %arg16[%mul3A_97] : memref<49152xf32, #tpu.memory_space<vmem>> -> memref<96xf32, #tpu.memory_space<vmem>>
      tpu.enqueue_dma source(%dma_start3A_105 : memref<96xf32, #tpu.memory_space<vmem>>) target(%dma_start3A_104 : memref<96xf32, #tpu.memory_space<hbm>>) target_semaphore(%arg21 : memref<!tpu.dma_semaphore, #tpu.memory_space<semaphore_mem>>)
      %mul3A_106 = arith.constant 16 : i32
      %mul3A_107 = arith.muli %scan3A_50, %mul3A_106 : i32
      %add3A_108 = arith.constant 4 : i32
      %add3A_109 = arith.addi %mul3A_107, %add3A_108 : i32
      %mul3A_110 = arith.constant 96 : i32
      %mul3A_111 = arith.muli %add3A_109, %mul3A_110 : i32
      %get3A_112 = arith.index_cast %add3A_109 : i32 to index
      %get3A_113 = memref.load %arg10[%get3A_112] : memref<512xi32, #tpu.memory_space<smem>>
      %mul3A_114 = arith.constant 128 : i32
      %mul3A_115 = arith.muli %get3A_113, %mul3A_114 : i32
      %dma_start3A_116 = tpu.memref_slice %arg16[%mul3A_111] : memref<49152xf32, #tpu.memory_space<vmem>> -> memref<96xf32, #tpu.memory_space<vmem>>
      %dma_start3A_117 = tpu.memref_slice %arg8[%mul3A_115] : memref<2097152xf32, #tpu.memory_space<hbm>> -> memref<96xf32, #tpu.memory_space<hbm>>
      %dma_start3A_118 = tpu.memref_slice %arg8[%mul3A_115] : memref<2097152xf32, #tpu.memory_space<hbm>> -> memref<96xf32, #tpu.memory_space<hbm>>
      %dma_start3A_119 = tpu.memref_slice %arg16[%mul3A_111] : memref<49152xf32, #tpu.memory_space<vmem>> -> memref<96xf32, #tpu.memory_space<vmem>>
      tpu.enqueue_dma source(%dma_start3A_119 : memref<96xf32, #tpu.memory_space<vmem>>) target(%dma_start3A_118 : memref<96xf32, #tpu.memory_space<hbm>>) target_semaphore(%arg21 : memref<!tpu.dma_semaphore, #tpu.memory_space<semaphore_mem>>)
      %mul3A_120 = arith.constant 16 : i32
      %mul3A_121 = arith.muli %scan3A_50, %mul3A_120 : i32
      %add3A_122 = arith.constant 5 : i32
      %add3A_123 = arith.addi %mul3A_121, %add3A_122 : i32
      %mul3A_124 = arith.constant 96 : i32
      %mul3A_125 = arith.muli %add3A_123, %mul3A_124 : i32
      %get3A_126 = arith.index_cast %add3A_123 : i32 to index
      %get3A_127 = memref.load %arg10[%get3A_126] : memref<512xi32, #tpu.memory_space<smem>>
      %mul3A_128 = arith.constant 128 : i32
      %mul3A_129 = arith.muli %get3A_127, %mul3A_128 : i32
      %dma_start3A_130 = tpu.memref_slice %arg16[%mul3A_125] : memref<49152xf32, #tpu.memory_space<vmem>> -> memref<96xf32, #tpu.memory_space<vmem>>
      %dma_start3A_131 = tpu.memref_slice %arg8[%mul3A_129] : memref<2097152xf32, #tpu.memory_space<hbm>> -> memref<96xf32, #tpu.memory_space<hbm>>
      %dma_start3A_132 = tpu.memref_slice %arg8[%mul3A_129] : memref<2097152xf32, #tpu.memory_space<hbm>> -> memref<96xf32, #tpu.memory_space<hbm>>
      %dma_start3A_133 = tpu.memref_slice %arg16[%mul3A_125] : memref<49152xf32, #tpu.memory_space<vmem>> -> memref<96xf32, #tpu.memory_space<vmem>>
      tpu.enqueue_dma source(%dma_start3A_133 : memref<96xf32, #tpu.memory_space<vmem>>) target(%dma_start3A_132 : memref<96xf32, #tpu.memory_space<hbm>>) target_semaphore(%arg21 : memref<!tpu.dma_semaphore, #tpu.memory_space<semaphore_mem>>)
      %mul3A_134 = arith.constant 16 : i32
      %mul3A_135 = arith.muli %scan3A_50, %mul3A_134 : i32
      %add3A_136 = arith.constant 6 : i32
      %add3A_137 = arith.addi %mul3A_135, %add3A_136 : i32
      %mul3A_138 = arith.constant 96 : i32
      %mul3A_139 = arith.muli %add3A_137, %mul3A_138 : i32
      %get3A_140 = arith.index_cast %add3A_137 : i32 to index
      %get3A_141 = memref.load %arg10[%get3A_140] : memref<512xi32, #tpu.memory_space<smem>>
      %mul3A_142 = arith.constant 128 : i32
      %mul3A_143 = arith.muli %get3A_141, %mul3A_142 : i32
      %dma_start3A_144 = tpu.memref_slice %arg16[%mul3A_139] : memref<49152xf32, #tpu.memory_space<vmem>> -> memref<96xf32, #tpu.memory_space<vmem>>
      %dma_start3A_145 = tpu.memref_slice %arg8[%mul3A_143] : memref<2097152xf32, #tpu.memory_space<hbm>> -> memref<96xf32, #tpu.memory_space<hbm>>
      %dma_start3A_146 = tpu.memref_slice %arg8[%mul3A_143] : memref<2097152xf32, #tpu.memory_space<hbm>> -> memref<96xf32, #tpu.memory_space<hbm>>
      %dma_start3A_147 = tpu.memref_slice %arg16[%mul3A_139] : memref<49152xf32, #tpu.memory_space<vmem>> -> memref<96xf32, #tpu.memory_space<vmem>>
      tpu.enqueue_dma source(%dma_start3A_147 : memref<96xf32, #tpu.memory_space<vmem>>) target(%dma_start3A_146 : memref<96xf32, #tpu.memory_space<hbm>>) target_semaphore(%arg21 : memref<!tpu.dma_semaphore, #tpu.memory_space<semaphore_mem>>)
      %mul3A_148 = arith.constant 16 : i32
      %mul3A_149 = arith.muli %scan3A_50, %mul3A_148 : i32
      %add3A_150 = arith.constant 7 : i32
      %add3A_151 = arith.addi %mul3A_149, %add3A_150 : i32
      %mul3A_152 = arith.constant 96 : i32
      %mul3A_153 = arith.muli %add3A_151, %mul3A_152 : i32
      %get3A_154 = arith.index_cast %add3A_151 : i32 to index
      %get3A_155 = memref.load %arg10[%get3A_154] : memref<512xi32, #tpu.memory_space<smem>>
      %mul3A_156 = arith.constant 128 : i32
      %mul3A_157 = arith.muli %get3A_155, %mul3A_156 : i32
      %dma_start3A_158 = tpu.memref_slice %arg16[%mul3A_153] : memref<49152xf32, #tpu.memory_space<vmem>> -> memref<96xf32, #tpu.memory_space<vmem>>
      %dma_start3A_159 = tpu.memref_slice %arg8[%mul3A_157] : memref<2097152xf32, #tpu.memory_space<hbm>> -> memref<96xf32, #tpu.memory_space<hbm>>
      %dma_start3A_160 = tpu.memref_slice %arg8[%mul3A_157] : memref<2097152xf32, #tpu.memory_space<hbm>> -> memref<96xf32, #tpu.memory_space<hbm>>
      %dma_start3A_161 = tpu.memref_slice %arg16[%mul3A_153] : memref<49152xf32, #tpu.memory_space<vmem>> -> memref<96xf32, #tpu.memory_space<vmem>>
      tpu.enqueue_dma source(%dma_start3A_161 : memref<96xf32, #tpu.memory_space<vmem>>) target(%dma_start3A_160 : memref<96xf32, #tpu.memory_space<hbm>>) target_semaphore(%arg21 : memref<!tpu.dma_semaphore, #tpu.memory_space<semaphore_mem>>)
      %mul3A_162 = arith.constant 16 : i32
      %mul3A_163 = arith.muli %scan3A_50, %mul3A_162 : i32
      %add3A_164 = arith.constant 8 : i32
      %add3A_165 = arith.addi %mul3A_163, %add3A_164 : i32
      %mul3A_166 = arith.constant 96 : i32
      %mul3A_167 = arith.muli %add3A_165, %mul3A_166 : i32
      %get3A_168 = arith.index_cast %add3A_165 : i32 to index
      %get3A_169 = memref.load %arg10[%get3A_168] : memref<512xi32, #tpu.memory_space<smem>>
      %mul3A_170 = arith.constant 128 : i32
      %mul3A_171 = arith.muli %get3A_169, %mul3A_170 : i32
      %dma_start3A_172 = tpu.memref_slice %arg16[%mul3A_167] : memref<49152xf32, #tpu.memory_space<vmem>> -> memref<96xf32, #tpu.memory_space<vmem>>
      %dma_start3A_173 = tpu.memref_slice %arg8[%mul3A_171] : memref<2097152xf32, #tpu.memory_space<hbm>> -> memref<96xf32, #tpu.memory_space<hbm>>
      %dma_start3A_174 = tpu.memref_slice %arg8[%mul3A_171] : memref<2097152xf32, #tpu.memory_space<hbm>> -> memref<96xf32, #tpu.memory_space<hbm>>
      %dma_start3A_175 = tpu.memref_slice %arg16[%mul3A_167] : memref<49152xf32, #tpu.memory_space<vmem>> -> memref<96xf32, #tpu.memory_space<vmem>>
      tpu.enqueue_dma source(%dma_start3A_175 : memref<96xf32, #tpu.memory_space<vmem>>) target(%dma_start3A_174 : memref<96xf32, #tpu.memory_space<hbm>>) target_semaphore(%arg21 : memref<!tpu.dma_semaphore, #tpu.memory_space<semaphore_mem>>)
      %mul3A_176 = arith.constant 16 : i32
      %mul3A_177 = arith.muli %scan3A_50, %mul3A_176 : i32
      %add3A_178 = arith.constant 9 : i32
      %add3A_179 = arith.addi %mul3A_177, %add3A_178 : i32
      %mul3A_180 = arith.constant 96 : i32
      %mul3A_181 = arith.muli %add3A_179, %mul3A_180 : i32
      %get3A_182 = arith.index_cast %add3A_179 : i32 to index
      %get3A_183 = memref.load %arg10[%get3A_182] : memref<512xi32, #tpu.memory_space<smem>>
      %mul3A_184 = arith.constant 128 : i32
      %mul3A_185 = arith.muli %get3A_183, %mul3A_184 : i32
      %dma_start3A_186 = tpu.memref_slice %arg16[%mul3A_181] : memref<49152xf32, #tpu.memory_space<vmem>> -> memref<96xf32, #tpu.memory_space<vmem>>
      %dma_start3A_187 = tpu.memref_slice %arg8[%mul3A_185] : memref<2097152xf32, #tpu.memory_space<hbm>> -> memref<96xf32, #tpu.memory_space<hbm>>
      %dma_start3A_188 = tpu.memref_slice %arg8[%mul3A_185] : memref<2097152xf32, #tpu.memory_space<hbm>> -> memref<96xf32, #tpu.memory_space<hbm>>
      %dma_start3A_189 = tpu.memref_slice %arg16[%mul3A_181] : memref<49152xf32, #tpu.memory_space<vmem>> -> memref<96xf32, #tpu.memory_space<vmem>>
      tpu.enqueue_dma source(%dma_start3A_189 : memref<96xf32, #tpu.memory_space<vmem>>) target(%dma_start3A_188 : memref<96xf32, #tpu.memory_space<hbm>>) target_semaphore(%arg21 : memref<!tpu.dma_semaphore, #tpu.memory_space<semaphore_mem>>)
      %mul3A_190 = arith.constant 16 : i32
      %mul3A_191 = arith.muli %scan3A_50, %mul3A_190 : i32
      %add3A_192 = arith.constant 10 : i32
      %add3A_193 = arith.addi %mul3A_191, %add3A_192 : i32
      %mul3A_194 = arith.constant 96 : i32
      %mul3A_195 = arith.muli %add3A_193, %mul3A_194 : i32
      %get3A_196 = arith.index_cast %add3A_193 : i32 to index
      %get3A_197 = memref.load %arg10[%get3A_196] : memref<512xi32, #tpu.memory_space<smem>>
      %mul3A_198 = arith.constant 128 : i32
      %mul3A_199 = arith.muli %get3A_197, %mul3A_198 : i32
      %dma_start3A_200 = tpu.memref_slice %arg16[%mul3A_195] : memref<49152xf32, #tpu.memory_space<vmem>> -> memref<96xf32, #tpu.memory_space<vmem>>
      %dma_start3A_201 = tpu.memref_slice %arg8[%mul3A_199] : memref<2097152xf32, #tpu.memory_space<hbm>> -> memref<96xf32, #tpu.memory_space<hbm>>
      %dma_start3A_202 = tpu.memref_slice %arg8[%mul3A_199] : memref<2097152xf32, #tpu.memory_space<hbm>> -> memref<96xf32, #tpu.memory_space<hbm>>
      %dma_start3A_203 = tpu.memref_slice %arg16[%mul3A_195] : memref<49152xf32, #tpu.memory_space<vmem>> -> memref<96xf32, #tpu.memory_space<vmem>>
      tpu.enqueue_dma source(%dma_start3A_203 : memref<96xf32, #tpu.memory_space<vmem>>) target(%dma_start3A_202 : memref<96xf32, #tpu.memory_space<hbm>>) target_semaphore(%arg21 : memref<!tpu.dma_semaphore, #tpu.memory_space<semaphore_mem>>)
      %mul3A_204 = arith.constant 16 : i32
      %mul3A_205 = arith.muli %scan3A_50, %mul3A_204 : i32
      %add3A_206 = arith.constant 11 : i32
      %add3A_207 = arith.addi %mul3A_205, %add3A_206 : i32
      %mul3A_208 = arith.constant 96 : i32
      %mul3A_209 = arith.muli %add3A_207, %mul3A_208 : i32
      %get3A_210 = arith.index_cast %add3A_207 : i32 to index
      %get3A_211 = memref.load %arg10[%get3A_210] : memref<512xi32, #tpu.memory_space<smem>>
      %mul3A_212 = arith.constant 128 : i32
      %mul3A_213 = arith.muli %get3A_211, %mul3A_212 : i32
      %dma_start3A_214 = tpu.memref_slice %arg16[%mul3A_209] : memref<49152xf32, #tpu.memory_space<vmem>> -> memref<96xf32, #tpu.memory_space<vmem>>
      %dma_start3A_215 = tpu.memref_slice %arg8[%mul3A_213] : memref<2097152xf32, #tpu.memory_space<hbm>> -> memref<96xf32, #tpu.memory_space<hbm>>
      %dma_start3A_216 = tpu.memref_slice %arg8[%mul3A_213] : memref<2097152xf32, #tpu.memory_space<hbm>> -> memref<96xf32, #tpu.memory_space<hbm>>
      %dma_start3A_217 = tpu.memref_slice %arg16[%mul3A_209] : memref<49152xf32, #tpu.memory_space<vmem>> -> memref<96xf32, #tpu.memory_space<vmem>>
      tpu.enqueue_dma source(%dma_start3A_217 : memref<96xf32, #tpu.memory_space<vmem>>) target(%dma_start3A_216 : memref<96xf32, #tpu.memory_space<hbm>>) target_semaphore(%arg21 : memref<!tpu.dma_semaphore, #tpu.memory_space<semaphore_mem>>)
      %mul3A_218 = arith.constant 16 : i32
      %mul3A_219 = arith.muli %scan3A_50, %mul3A_218 : i32
      %add3A_220 = arith.constant 12 : i32
      %add3A_221 = arith.addi %mul3A_219, %add3A_220 : i32
      %mul3A_222 = arith.constant 96 : i32
      %mul3A_223 = arith.muli %add3A_221, %mul3A_222 : i32
      %get3A_224 = arith.index_cast %add3A_221 : i32 to index
      %get3A_225 = memref.load %arg10[%get3A_224] : memref<512xi32, #tpu.memory_space<smem>>
      %mul3A_226 = arith.constant 128 : i32
      %mul3A_227 = arith.muli %get3A_225, %mul3A_226 : i32
      %dma_start3A_228 = tpu.memref_slice %arg16[%mul3A_223] : memref<49152xf32, #tpu.memory_space<vmem>> -> memref<96xf32, #tpu.memory_space<vmem>>
      %dma_start3A_229 = tpu.memref_slice %arg8[%mul3A_227] : memref<2097152xf32, #tpu.memory_space<hbm>> -> memref<96xf32, #tpu.memory_space<hbm>>
      %dma_start3A_230 = tpu.memref_slice %arg8[%mul3A_227] : memref<2097152xf32, #tpu.memory_space<hbm>> -> memref<96xf32, #tpu.memory_space<hbm>>
      %dma_start3A_231 = tpu.memref_slice %arg16[%mul3A_223] : memref<49152xf32, #tpu.memory_space<vmem>> -> memref<96xf32, #tpu.memory_space<vmem>>
      tpu.enqueue_dma source(%dma_start3A_231 : memref<96xf32, #tpu.memory_space<vmem>>) target(%dma_start3A_230 : memref<96xf32, #tpu.memory_space<hbm>>) target_semaphore(%arg21 : memref<!tpu.dma_semaphore, #tpu.memory_space<semaphore_mem>>)
      %mul3A_232 = arith.constant 16 : i32
      %mul3A_233 = arith.muli %scan3A_50, %mul3A_232 : i32
      %add3A_234 = arith.constant 13 : i32
      %add3A_235 = arith.addi %mul3A_233, %add3A_234 : i32
      %mul3A_236 = arith.constant 96 : i32
      %mul3A_237 = arith.muli %add3A_235, %mul3A_236 : i32
      %get3A_238 = arith.index_cast %add3A_235 : i32 to index
      %get3A_239 = memref.load %arg10[%get3A_238] : memref<512xi32, #tpu.memory_space<smem>>
      %mul3A_240 = arith.constant 128 : i32
      %mul3A_241 = arith.muli %get3A_239, %mul3A_240 : i32
      %dma_start3A_242 = tpu.memref_slice %arg16[%mul3A_237] : memref<49152xf32, #tpu.memory_space<vmem>> -> memref<96xf32, #tpu.memory_space<vmem>>
      %dma_start3A_243 = tpu.memref_slice %arg8[%mul3A_241] : memref<2097152xf32, #tpu.memory_space<hbm>> -> memref<96xf32, #tpu.memory_space<hbm>>
      %dma_start3A_244 = tpu.memref_slice %arg8[%mul3A_241] : memref<2097152xf32, #tpu.memory_space<hbm>> -> memref<96xf32, #tpu.memory_space<hbm>>
      %dma_start3A_245 = tpu.memref_slice %arg16[%mul3A_237] : memref<49152xf32, #tpu.memory_space<vmem>> -> memref<96xf32, #tpu.memory_space<vmem>>
      tpu.enqueue_dma source(%dma_start3A_245 : memref<96xf32, #tpu.memory_space<vmem>>) target(%dma_start3A_244 : memref<96xf32, #tpu.memory_space<hbm>>) target_semaphore(%arg21 : memref<!tpu.dma_semaphore, #tpu.memory_space<semaphore_mem>>)
      %mul3A_246 = arith.constant 16 : i32
      %mul3A_247 = arith.muli %scan3A_50, %mul3A_246 : i32
      %add3A_248 = arith.constant 14 : i32
      %add3A_249 = arith.addi %mul3A_247, %add3A_248 : i32
      %mul3A_250 = arith.constant 96 : i32
      %mul3A_251 = arith.muli %add3A_249, %mul3A_250 : i32
      %get3A_252 = arith.index_cast %add3A_249 : i32 to index
      %get3A_253 = memref.load %arg10[%get3A_252] : memref<512xi32, #tpu.memory_space<smem>>
      %mul3A_254 = arith.constant 128 : i32
      %mul3A_255 = arith.muli %get3A_253, %mul3A_254 : i32
      %dma_start3A_256 = tpu.memref_slice %arg16[%mul3A_251] : memref<49152xf32, #tpu.memory_space<vmem>> -> memref<96xf32, #tpu.memory_space<vmem>>
      %dma_start3A_257 = tpu.memref_slice %arg8[%mul3A_255] : memref<2097152xf32, #tpu.memory_space<hbm>> -> memref<96xf32, #tpu.memory_space<hbm>>
      %dma_start3A_258 = tpu.memref_slice %arg8[%mul3A_255] : memref<2097152xf32, #tpu.memory_space<hbm>> -> memref<96xf32, #tpu.memory_space<hbm>>
      %dma_start3A_259 = tpu.memref_slice %arg16[%mul3A_251] : memref<49152xf32, #tpu.memory_space<vmem>> -> memref<96xf32, #tpu.memory_space<vmem>>
      tpu.enqueue_dma source(%dma_start3A_259 : memref<96xf32, #tpu.memory_space<vmem>>) target(%dma_start3A_258 : memref<96xf32, #tpu.memory_space<hbm>>) target_semaphore(%arg21 : memref<!tpu.dma_semaphore, #tpu.memory_space<semaphore_mem>>)
      %mul3A_260 = arith.constant 16 : i32
      %mul3A_261 = arith.muli %scan3A_50, %mul3A_260 : i32
      %add3A_262 = arith.constant 15 : i32
      %add3A_263 = arith.addi %mul3A_261, %add3A_262 : i32
      %mul3A_264 = arith.constant 96 : i32
      %mul3A_265 = arith.muli %add3A_263, %mul3A_264 : i32
      %get3A_266 = arith.index_cast %add3A_263 : i32 to index
      %get3A_267 = memref.load %arg10[%get3A_266] : memref<512xi32, #tpu.memory_space<smem>>
      %mul3A_268 = arith.constant 128 : i32
      %mul3A_269 = arith.muli %get3A_267, %mul3A_268 : i32
      %dma_start3A_270 = tpu.memref_slice %arg16[%mul3A_265] : memref<49152xf32, #tpu.memory_space<vmem>> -> memref<96xf32, #tpu.memory_space<vmem>>
      %dma_start3A_271 = tpu.memref_slice %arg8[%mul3A_269] : memref<2097152xf32, #tpu.memory_space<hbm>> -> memref<96xf32, #tpu.memory_space<hbm>>
      %dma_start3A_272 = tpu.memref_slice %arg8[%mul3A_269] : memref<2097152xf32, #tpu.memory_space<hbm>> -> memref<96xf32, #tpu.memory_space<hbm>>
      %dma_start3A_273 = tpu.memref_slice %arg16[%mul3A_265] : memref<49152xf32, #tpu.memory_space<vmem>> -> memref<96xf32, #tpu.memory_space<vmem>>
      tpu.enqueue_dma source(%dma_start3A_273 : memref<96xf32, #tpu.memory_space<vmem>>) target(%dma_start3A_272 : memref<96xf32, #tpu.memory_space<hbm>>) target_semaphore(%arg21 : memref<!tpu.dma_semaphore, #tpu.memory_space<semaphore_mem>>)
      %dma_wait3A = tpu.memref_slice %arg16[%mul3A_56] : memref<49152xf32, #tpu.memory_space<vmem>> -> memref<96xf32, #tpu.memory_space<vmem>>
      %dma_wait3A_274 = tpu.memref_slice %arg8[%mul3A_60] : memref<2097152xf32, #tpu.memory_space<hbm>> -> memref<96xf32, #tpu.memory_space<hbm>>
      %dma_wait3A_275 = tpu.memref_slice %arg8[%mul3A_60] : memref<2097152xf32, #tpu.memory_space<hbm>> -> memref<96xf32, #tpu.memory_space<hbm>>
      %dma_wait3A_276 = tpu.memref_slice %arg16[%mul3A_56] : memref<49152xf32, #tpu.memory_space<vmem>> -> memref<96xf32, #tpu.memory_space<vmem>>
      tpu.wait_dma2 semaphore(%arg21 : memref<!tpu.dma_semaphore, #tpu.memory_space<semaphore_mem>>) src(%dma_wait3A_276 : memref<96xf32, #tpu.memory_space<vmem>>) dst(%dma_wait3A_275 : memref<96xf32, #tpu.memory_space<hbm>>)
      %dma_wait3A_277 = tpu.memref_slice %arg16[%mul3A_69] : memref<49152xf32, #tpu.memory_space<vmem>> -> memref<96xf32, #tpu.memory_space<vmem>>
      %dma_wait3A_278 = tpu.memref_slice %arg8[%mul3A_73] : memref<2097152xf32, #tpu.memory_space<hbm>> -> memref<96xf32, #tpu.memory_space<hbm>>
      %dma_wait3A_279 = tpu.memref_slice %arg8[%mul3A_73] : memref<2097152xf32, #tpu.memory_space<hbm>> -> memref<96xf32, #tpu.memory_space<hbm>>
      %dma_wait3A_280 = tpu.memref_slice %arg16[%mul3A_69] : memref<49152xf32, #tpu.memory_space<vmem>> -> memref<96xf32, #tpu.memory_space<vmem>>
      tpu.wait_dma2 semaphore(%arg21 : memref<!tpu.dma_semaphore, #tpu.memory_space<semaphore_mem>>) src(%dma_wait3A_280 : memref<96xf32, #tpu.memory_space<vmem>>) dst(%dma_wait3A_279 : memref<96xf32, #tpu.memory_space<hbm>>)
      %dma_wait3A_281 = tpu.memref_slice %arg16[%mul3A_83] : memref<49152xf32, #tpu.memory_space<vmem>> -> memref<96xf32, #tpu.memory_space<vmem>>
      %dma_wait3A_282 = tpu.memref_slice %arg8[%mul3A_87] : memref<2097152xf32, #tpu.memory_space<hbm>> -> memref<96xf32, #tpu.memory_space<hbm>>
      %dma_wait3A_283 = tpu.memref_slice %arg8[%mul3A_87] : memref<2097152xf32, #tpu.memory_space<hbm>> -> memref<96xf32, #tpu.memory_space<hbm>>
      %dma_wait3A_284 = tpu.memref_slice %arg16[%mul3A_83] : memref<49152xf32, #tpu.memory_space<vmem>> -> memref<96xf32, #tpu.memory_space<vmem>>
      tpu.wait_dma2 semaphore(%arg21 : memref<!tpu.dma_semaphore, #tpu.memory_space<semaphore_mem>>) src(%dma_wait3A_284 : memref<96xf32, #tpu.memory_space<vmem>>) dst(%dma_wait3A_283 : memref<96xf32, #tpu.memory_space<hbm>>)
      %dma_wait3A_285 = tpu.memref_slice %arg16[%mul3A_97] : memref<49152xf32, #tpu.memory_space<vmem>> -> memref<96xf32, #tpu.memory_space<vmem>>
      %dma_wait3A_286 = tpu.memref_slice %arg8[%mul3A_101] : memref<2097152xf32, #tpu.memory_space<hbm>> -> memref<96xf32, #tpu.memory_space<hbm>>
      %dma_wait3A_287 = tpu.memref_slice %arg8[%mul3A_101] : memref<2097152xf32, #tpu.memory_space<hbm>> -> memref<96xf32, #tpu.memory_space<hbm>>
      %dma_wait3A_288 = tpu.memref_slice %arg16[%mul3A_97] : memref<49152xf32, #tpu.memory_space<vmem>> -> memref<96xf32, #tpu.memory_space<vmem>>
      tpu.wait_dma2 semaphore(%arg21 : memref<!tpu.dma_semaphore, #tpu.memory_space<semaphore_mem>>) src(%dma_wait3A_288 : memref<96xf32, #tpu.memory_space<vmem>>) dst(%dma_wait3A_287 : memref<96xf32, #tpu.memory_space<hbm>>)
      %dma_wait3A_289 = tpu.memref_slice %arg16[%mul3A_111] : memref<49152xf32, #tpu.memory_space<vmem>> -> memref<96xf32, #tpu.memory_space<vmem>>
      %dma_wait3A_290 = tpu.memref_slice %arg8[%mul3A_115] : memref<2097152xf32, #tpu.memory_space<hbm>> -> memref<96xf32, #tpu.memory_space<hbm>>
      %dma_wait3A_291 = tpu.memref_slice %arg8[%mul3A_115] : memref<2097152xf32, #tpu.memory_space<hbm>> -> memref<96xf32, #tpu.memory_space<hbm>>
      %dma_wait3A_292 = tpu.memref_slice %arg16[%mul3A_111] : memref<49152xf32, #tpu.memory_space<vmem>> -> memref<96xf32, #tpu.memory_space<vmem>>
      tpu.wait_dma2 semaphore(%arg21 : memref<!tpu.dma_semaphore, #tpu.memory_space<semaphore_mem>>) src(%dma_wait3A_292 : memref<96xf32, #tpu.memory_space<vmem>>) dst(%dma_wait3A_291 : memref<96xf32, #tpu.memory_space<hbm>>)
      %dma_wait3A_293 = tpu.memref_slice %arg16[%mul3A_125] : memref<49152xf32, #tpu.memory_space<vmem>> -> memref<96xf32, #tpu.memory_space<vmem>>
      %dma_wait3A_294 = tpu.memref_slice %arg8[%mul3A_129] : memref<2097152xf32, #tpu.memory_space<hbm>> -> memref<96xf32, #tpu.memory_space<hbm>>
      %dma_wait3A_295 = tpu.memref_slice %arg8[%mul3A_129] : memref<2097152xf32, #tpu.memory_space<hbm>> -> memref<96xf32, #tpu.memory_space<hbm>>
      %dma_wait3A_296 = tpu.memref_slice %arg16[%mul3A_125] : memref<49152xf32, #tpu.memory_space<vmem>> -> memref<96xf32, #tpu.memory_space<vmem>>
      tpu.wait_dma2 semaphore(%arg21 : memref<!tpu.dma_semaphore, #tpu.memory_space<semaphore_mem>>) src(%dma_wait3A_296 : memref<96xf32, #tpu.memory_space<vmem>>) dst(%dma_wait3A_295 : memref<96xf32, #tpu.memory_space<hbm>>)
      %dma_wait3A_297 = tpu.memref_slice %arg16[%mul3A_139] : memref<49152xf32, #tpu.memory_space<vmem>> -> memref<96xf32, #tpu.memory_space<vmem>>
      %dma_wait3A_298 = tpu.memref_slice %arg8[%mul3A_143] : memref<2097152xf32, #tpu.memory_space<hbm>> -> memref<96xf32, #tpu.memory_space<hbm>>
      %dma_wait3A_299 = tpu.memref_slice %arg8[%mul3A_143] : memref<2097152xf32, #tpu.memory_space<hbm>> -> memref<96xf32, #tpu.memory_space<hbm>>
      %dma_wait3A_300 = tpu.memref_slice %arg16[%mul3A_139] : memref<49152xf32, #tpu.memory_space<vmem>> -> memref<96xf32, #tpu.memory_space<vmem>>
      tpu.wait_dma2 semaphore(%arg21 : memref<!tpu.dma_semaphore, #tpu.memory_space<semaphore_mem>>) src(%dma_wait3A_300 : memref<96xf32, #tpu.memory_space<vmem>>) dst(%dma_wait3A_299 : memref<96xf32, #tpu.memory_space<hbm>>)
      %dma_wait3A_301 = tpu.memref_slice %arg16[%mul3A_153] : memref<49152xf32, #tpu.memory_space<vmem>> -> memref<96xf32, #tpu.memory_space<vmem>>
      %dma_wait3A_302 = tpu.memref_slice %arg8[%mul3A_157] : memref<2097152xf32, #tpu.memory_space<hbm>> -> memref<96xf32, #tpu.memory_space<hbm>>
      %dma_wait3A_303 = tpu.memref_slice %arg8[%mul3A_157] : memref<2097152xf32, #tpu.memory_space<hbm>> -> memref<96xf32, #tpu.memory_space<hbm>>
      %dma_wait3A_304 = tpu.memref_slice %arg16[%mul3A_153] : memref<49152xf32, #tpu.memory_space<vmem>> -> memref<96xf32, #tpu.memory_space<vmem>>
      tpu.wait_dma2 semaphore(%arg21 : memref<!tpu.dma_semaphore, #tpu.memory_space<semaphore_mem>>) src(%dma_wait3A_304 : memref<96xf32, #tpu.memory_space<vmem>>) dst(%dma_wait3A_303 : memref<96xf32, #tpu.memory_space<hbm>>)
      %dma_wait3A_305 = tpu.memref_slice %arg16[%mul3A_167] : memref<49152xf32, #tpu.memory_space<vmem>> -> memref<96xf32, #tpu.memory_space<vmem>>
      %dma_wait3A_306 = tpu.memref_slice %arg8[%mul3A_171] : memref<2097152xf32, #tpu.memory_space<hbm>> -> memref<96xf32, #tpu.memory_space<hbm>>
      %dma_wait3A_307 = tpu.memref_slice %arg8[%mul3A_171] : memref<2097152xf32, #tpu.memory_space<hbm>> -> memref<96xf32, #tpu.memory_space<hbm>>
      %dma_wait3A_308 = tpu.memref_slice %arg16[%mul3A_167] : memref<49152xf32, #tpu.memory_space<vmem>> -> memref<96xf32, #tpu.memory_space<vmem>>
      tpu.wait_dma2 semaphore(%arg21 : memref<!tpu.dma_semaphore, #tpu.memory_space<semaphore_mem>>) src(%dma_wait3A_308 : memref<96xf32, #tpu.memory_space<vmem>>) dst(%dma_wait3A_307 : memref<96xf32, #tpu.memory_space<hbm>>)
      %dma_wait3A_309 = tpu.memref_slice %arg16[%mul3A_181] : memref<49152xf32, #tpu.memory_space<vmem>> -> memref<96xf32, #tpu.memory_space<vmem>>
      %dma_wait3A_310 = tpu.memref_slice %arg8[%mul3A_185] : memref<2097152xf32, #tpu.memory_space<hbm>> -> memref<96xf32, #tpu.memory_space<hbm>>
      %dma_wait3A_311 = tpu.memref_slice %arg8[%mul3A_185] : memref<2097152xf32, #tpu.memory_space<hbm>> -> memref<96xf32, #tpu.memory_space<hbm>>
      %dma_wait3A_312 = tpu.memref_slice %arg16[%mul3A_181] : memref<49152xf32, #tpu.memory_space<vmem>> -> memref<96xf32, #tpu.memory_space<vmem>>
      tpu.wait_dma2 semaphore(%arg21 : memref<!tpu.dma_semaphore, #tpu.memory_space<semaphore_mem>>) src(%dma_wait3A_312 : memref<96xf32, #tpu.memory_space<vmem>>) dst(%dma_wait3A_311 : memref<96xf32, #tpu.memory_space<hbm>>)
      %dma_wait3A_313 = tpu.memref_slice %arg16[%mul3A_195] : memref<49152xf32, #tpu.memory_space<vmem>> -> memref<96xf32, #tpu.memory_space<vmem>>
      %dma_wait3A_314 = tpu.memref_slice %arg8[%mul3A_199] : memref<2097152xf32, #tpu.memory_space<hbm>> -> memref<96xf32, #tpu.memory_space<hbm>>
      %dma_wait3A_315 = tpu.memref_slice %arg8[%mul3A_199] : memref<2097152xf32, #tpu.memory_space<hbm>> -> memref<96xf32, #tpu.memory_space<hbm>>
      %dma_wait3A_316 = tpu.memref_slice %arg16[%mul3A_195] : memref<49152xf32, #tpu.memory_space<vmem>> -> memref<96xf32, #tpu.memory_space<vmem>>
      tpu.wait_dma2 semaphore(%arg21 : memref<!tpu.dma_semaphore, #tpu.memory_space<semaphore_mem>>) src(%dma_wait3A_316 : memref<96xf32, #tpu.memory_space<vmem>>) dst(%dma_wait3A_315 : memref<96xf32, #tpu.memory_space<hbm>>)
      %dma_wait3A_317 = tpu.memref_slice %arg16[%mul3A_209] : memref<49152xf32, #tpu.memory_space<vmem>> -> memref<96xf32, #tpu.memory_space<vmem>>
      %dma_wait3A_318 = tpu.memref_slice %arg8[%mul3A_213] : memref<2097152xf32, #tpu.memory_space<hbm>> -> memref<96xf32, #tpu.memory_space<hbm>>
      %dma_wait3A_319 = tpu.memref_slice %arg8[%mul3A_213] : memref<2097152xf32, #tpu.memory_space<hbm>> -> memref<96xf32, #tpu.memory_space<hbm>>
      %dma_wait3A_320 = tpu.memref_slice %arg16[%mul3A_209] : memref<49152xf32, #tpu.memory_space<vmem>> -> memref<96xf32, #tpu.memory_space<vmem>>
      tpu.wait_dma2 semaphore(%arg21 : memref<!tpu.dma_semaphore, #tpu.memory_space<semaphore_mem>>) src(%dma_wait3A_320 : memref<96xf32, #tpu.memory_space<vmem>>) dst(%dma_wait3A_319 : memref<96xf32, #tpu.memory_space<hbm>>)
      %dma_wait3A_321 = tpu.memref_slice %arg16[%mul3A_223] : memref<49152xf32, #tpu.memory_space<vmem>> -> memref<96xf32, #tpu.memory_space<vmem>>
      %dma_wait3A_322 = tpu.memref_slice %arg8[%mul3A_227] : memref<2097152xf32, #tpu.memory_space<hbm>> -> memref<96xf32, #tpu.memory_space<hbm>>
      %dma_wait3A_323 = tpu.memref_slice %arg8[%mul3A_227] : memref<2097152xf32, #tpu.memory_space<hbm>> -> memref<96xf32, #tpu.memory_space<hbm>>
      %dma_wait3A_324 = tpu.memref_slice %arg16[%mul3A_223] : memref<49152xf32, #tpu.memory_space<vmem>> -> memref<96xf32, #tpu.memory_space<vmem>>
      tpu.wait_dma2 semaphore(%arg21 : memref<!tpu.dma_semaphore, #tpu.memory_space<semaphore_mem>>) src(%dma_wait3A_324 : memref<96xf32, #tpu.memory_space<vmem>>) dst(%dma_wait3A_323 : memref<96xf32, #tpu.memory_space<hbm>>)
      %dma_wait3A_325 = tpu.memref_slice %arg16[%mul3A_237] : memref<49152xf32, #tpu.memory_space<vmem>> -> memref<96xf32, #tpu.memory_space<vmem>>
      %dma_wait3A_326 = tpu.memref_slice %arg8[%mul3A_241] : memref<2097152xf32, #tpu.memory_space<hbm>> -> memref<96xf32, #tpu.memory_space<hbm>>
      %dma_wait3A_327 = tpu.memref_slice %arg8[%mul3A_241] : memref<2097152xf32, #tpu.memory_space<hbm>> -> memref<96xf32, #tpu.memory_space<hbm>>
      %dma_wait3A_328 = tpu.memref_slice %arg16[%mul3A_237] : memref<49152xf32, #tpu.memory_space<vmem>> -> memref<96xf32, #tpu.memory_space<vmem>>
      tpu.wait_dma2 semaphore(%arg21 : memref<!tpu.dma_semaphore, #tpu.memory_space<semaphore_mem>>) src(%dma_wait3A_328 : memref<96xf32, #tpu.memory_space<vmem>>) dst(%dma_wait3A_327 : memref<96xf32, #tpu.memory_space<hbm>>)
      %dma_wait3A_329 = tpu.memref_slice %arg16[%mul3A_251] : memref<49152xf32, #tpu.memory_space<vmem>> -> memref<96xf32, #tpu.memory_space<vmem>>
      %dma_wait3A_330 = tpu.memref_slice %arg8[%mul3A_255] : memref<2097152xf32, #tpu.memory_space<hbm>> -> memref<96xf32, #tpu.memory_space<hbm>>
      %dma_wait3A_331 = tpu.memref_slice %arg8[%mul3A_255] : memref<2097152xf32, #tpu.memory_space<hbm>> -> memref<96xf32, #tpu.memory_space<hbm>>
      %dma_wait3A_332 = tpu.memref_slice %arg16[%mul3A_251] : memref<49152xf32, #tpu.memory_space<vmem>> -> memref<96xf32, #tpu.memory_space<vmem>>
      tpu.wait_dma2 semaphore(%arg21 : memref<!tpu.dma_semaphore, #tpu.memory_space<semaphore_mem>>) src(%dma_wait3A_332 : memref<96xf32, #tpu.memory_space<vmem>>) dst(%dma_wait3A_331 : memref<96xf32, #tpu.memory_space<hbm>>)
      %dma_wait3A_333 = tpu.memref_slice %arg16[%mul3A_265] : memref<49152xf32, #tpu.memory_space<vmem>> -> memref<96xf32, #tpu.memory_space<vmem>>
      %dma_wait3A_334 = tpu.memref_slice %arg8[%mul3A_269] : memref<2097152xf32, #tpu.memory_space<hbm>> -> memref<96xf32, #tpu.memory_space<hbm>>
      %dma_wait3A_335 = tpu.memref_slice %arg8[%mul3A_269] : memref<2097152xf32, #tpu.memory_space<hbm>> -> memref<96xf32, #tpu.memory_space<hbm>>
      %dma_wait3A_336 = tpu.memref_slice %arg16[%mul3A_265] : memref<49152xf32, #tpu.memory_space<vmem>> -> memref<96xf32, #tpu.memory_space<vmem>>
      tpu.wait_dma2 semaphore(%arg21 : memref<!tpu.dma_semaphore, #tpu.memory_space<semaphore_mem>>) src(%dma_wait3A_336 : memref<96xf32, #tpu.memory_space<vmem>>) dst(%dma_wait3A_335 : memref<96xf32, #tpu.memory_space<hbm>>)
    }
    %scan3A_49 = arith.constant 32 : i32
    return
  }
}

module attributes {stable_mosaic.version = 14 : i64} {
  func.func @_dense_body(%arg0: i32, %arg1: memref<2048x128xf32, #tpu.memory_space<vmem>>, %arg2: memref<2048x128xf32, #tpu.memory_space<vmem>>, %arg3: memref<64x64xf32, #tpu.memory_space<vmem>>, %arg4: memref<64x64xf32, #tpu.memory_space<vmem>>, %arg5: memref<1x64xf32, #tpu.memory_space<vmem>>, %arg6: memref<64x32xf32, #tpu.memory_space<vmem>>, %arg7: memref<1x32xf32, #tpu.memory_space<vmem>>, %arg8: memref<1x32xf32, #tpu.memory_space<vmem>>, %arg9: memref<1x32xf32, #tpu.memory_space<vmem>>, %arg10: memref<1x1xf32, #tpu.memory_space<vmem>>, %arg11: memref<2048xf32, #tpu.memory_space<vmem>>) attributes {dimension_semantics = [#tpu.dimension_semantics<arbitrary>], iteration_bounds = array<i64: 8>, scalar_prefetch = 0 : i64, scratch_operands = 0 : i64, tpu.core_type = #tpu.core_type<tc>, window_params = [{transform_indices = @transform_0, window_bounds = array<i64: 2048, 128>}, {transform_indices = @transform_1, window_bounds = array<i64: 2048, 128>}, {pipeline_mode = #tpu.pipeline_mode<synchronous>, transform_indices = @transform_2, window_bounds = array<i64: 64, 64>}, {pipeline_mode = #tpu.pipeline_mode<synchronous>, transform_indices = @transform_3, window_bounds = array<i64: 64, 64>}, {pipeline_mode = #tpu.pipeline_mode<synchronous>, transform_indices = @transform_4, window_bounds = array<i64: 1, 64>}, {pipeline_mode = #tpu.pipeline_mode<synchronous>, transform_indices = @transform_5, window_bounds = array<i64: 64, 32>}, {pipeline_mode = #tpu.pipeline_mode<synchronous>, transform_indices = @transform_6, window_bounds = array<i64: 1, 32>}, {pipeline_mode = #tpu.pipeline_mode<synchronous>, transform_indices = @transform_7, window_bounds = array<i64: 1, 32>}, {pipeline_mode = #tpu.pipeline_mode<synchronous>, transform_indices = @transform_8, window_bounds = array<i64: 1, 32>}, {pipeline_mode = #tpu.pipeline_mode<synchronous>, transform_indices = @transform_9, window_bounds = array<i64: 1, 1>}, {transform_indices = @transform_10, window_bounds = array<i64: 2048>}]} {
    %get3A = arith.constant 0 : index
    %get3A_0 = arith.constant 0 : index
    %get3A_1 = vector.load %arg1[%get3A, %get3A_0] : memref<2048x128xf32, #tpu.memory_space<vmem>>, vector<2048x128xf32>
    %get3A_2 = arith.constant 0 : index
    %get3A_3 = arith.constant 0 : index
    %get3A_4 = vector.load %arg2[%get3A_2, %get3A_3] : memref<2048x128xf32, #tpu.memory_space<vmem>>, vector<2048x128xf32>
    %slice3A = vector.extract_strided_slice %get3A_1 {offsets = [0, 0], sizes = [2048, 64], strides = [1, 1]} : vector<2048x128xf32> to vector<2048x64xf32>
    %slice3A_5 = vector.extract_strided_slice %get3A_1 {offsets = [0, 64], sizes = [2048, 32], strides = [1, 1]} : vector<2048x128xf32> to vector<2048x32xf32>
    %slice3A_6 = vector.extract_strided_slice %get3A_4 {offsets = [0, 0], sizes = [2048, 64], strides = [1, 1]} : vector<2048x128xf32> to vector<2048x64xf32>
    %slice3A_7 = vector.extract_strided_slice %get3A_4 {offsets = [0, 64], sizes = [2048, 32], strides = [1, 1]} : vector<2048x128xf32> to vector<2048x32xf32>
    %get3A_8 = arith.constant 0 : index
    %get3A_9 = arith.constant 0 : index
    %get3A_10 = vector.load %arg3[%get3A_8, %get3A_9] : memref<64x64xf32, #tpu.memory_space<vmem>>, vector<64x64xf32>
    %dot_general3A = arith.constant dense<0.000000e+00> : vector<2048x64xf32>
    %dot_general3A_11 = tpu.matmul %slice3A, %get3A_10, %dot_general3A {dimension_numbers = #tpu.dot_dimension_numbers<[1], [0], [0], [1], [0, 0, 1, 1], [], []>, transpose_lhs_hint = false} : vector<2048x64xf32>, vector<64x64xf32>, vector<2048x64xf32> -> vector<2048x64xf32>
    %get3A_12 = arith.constant 0 : index
    %get3A_13 = arith.constant 0 : index
    %get3A_14 = vector.load %arg4[%get3A_12, %get3A_13] : memref<64x64xf32, #tpu.memory_space<vmem>>, vector<64x64xf32>
    %dot_general3A_15 = arith.constant dense<0.000000e+00> : vector<2048x64xf32>
    %dot_general3A_16 = tpu.matmul %slice3A_6, %get3A_14, %dot_general3A_15 {dimension_numbers = #tpu.dot_dimension_numbers<[1], [0], [0], [1], [0, 0, 1, 1], [], []>, transpose_lhs_hint = false} : vector<2048x64xf32>, vector<64x64xf32>, vector<2048x64xf32> -> vector<2048x64xf32>
    %add3A = arith.addf %dot_general3A_11, %dot_general3A_16 : vector<2048x64xf32>
    %get3A_17 = arith.constant 0 : index
    %get3A_18 = arith.constant 0 : index
    %get3A_19 = vector.load %arg5[%get3A_17, %get3A_18] : memref<1x64xf32, #tpu.memory_space<vmem>>, vector<1x64xf32>
    %add3A_20 = vector.broadcast %get3A_19 : vector<1x64xf32> to vector<2048x64xf32>
    %add3A_21 = arith.addf %add3A, %add3A_20 : vector<2048x64xf32>
    %max3A = arith.constant 0.000000e+00 : f32
    %max3A_22 = vector.broadcast %max3A : f32 to vector<2048x64xf32>
    %max3A_23 = arith.maximumf %add3A_21, %max3A_22 : vector<2048x64xf32>
    %get3A_24 = arith.constant 0 : index
    %get3A_25 = arith.constant 0 : index
    %get3A_26 = vector.load %arg6[%get3A_24, %get3A_25] : memref<64x32xf32, #tpu.memory_space<vmem>>, vector<64x32xf32>
    %dot_general3A_27 = arith.constant dense<0.000000e+00> : vector<2048x32xf32>
    %dot_general3A_28 = tpu.matmul %max3A_23, %get3A_26, %dot_general3A_27 {dimension_numbers = #tpu.dot_dimension_numbers<[1], [0], [0], [1], [0, 0, 1, 1], [], []>, transpose_lhs_hint = false} : vector<2048x64xf32>, vector<64x32xf32>, vector<2048x32xf32> -> vector<2048x32xf32>
    %get3A_29 = arith.constant 0 : index
    %get3A_30 = arith.constant 0 : index
    %get3A_31 = vector.load %arg7[%get3A_29, %get3A_30] : memref<1x32xf32, #tpu.memory_space<vmem>>, vector<1x32xf32>
    %add3A_32 = vector.broadcast %get3A_31 : vector<1x32xf32> to vector<2048x32xf32>
    %add3A_33 = arith.addf %dot_general3A_28, %add3A_32 : vector<2048x32xf32>
    %max3A_34 = arith.constant 0.000000e+00 : f32
    %max3A_35 = vector.broadcast %max3A_34 : f32 to vector<2048x32xf32>
    %max3A_36 = arith.maximumf %add3A_33, %max3A_35 : vector<2048x32xf32>
    %mul3A = arith.mulf %slice3A_5, %slice3A_7 : vector<2048x32xf32>
    %get3A_37 = arith.constant 0 : index
    %get3A_38 = arith.constant 0 : index
    %get3A_39 = vector.load %arg9[%get3A_37, %get3A_38] : memref<1x32xf32, #tpu.memory_space<vmem>>, vector<1x32xf32>
    %mul3A_40 = vector.broadcast %get3A_39 : vector<1x32xf32> to vector<2048x32xf32>
    %mul3A_41 = arith.mulf %max3A_36, %mul3A_40 : vector<2048x32xf32>
    %reduce_sum3A = arith.constant dense<0.000000e+00> : vector<2048xf32>
    %reduce_sum3A_42 = vector.multi_reduction <add>, %mul3A_41, %reduce_sum3A [1] : vector<2048x32xf32> to vector<2048xf32>
    %get3A_43 = arith.constant 0 : index
    %get3A_44 = arith.constant 0 : index
    %get3A_45 = vector.load %arg8[%get3A_43, %get3A_44] : memref<1x32xf32, #tpu.memory_space<vmem>>, vector<1x32xf32>
    %mul3A_46 = vector.broadcast %get3A_45 : vector<1x32xf32> to vector<2048x32xf32>
    %mul3A_47 = arith.mulf %mul3A, %mul3A_46 : vector<2048x32xf32>
    %reduce_sum3A_48 = arith.constant dense<0.000000e+00> : vector<2048xf32>
    %reduce_sum3A_49 = vector.multi_reduction <add>, %mul3A_47, %reduce_sum3A_48 [1] : vector<2048x32xf32> to vector<2048xf32>
    %add3A_50 = arith.addf %reduce_sum3A_42, %reduce_sum3A_49 : vector<2048xf32>
    %get3A_51 = arith.constant 0 : index
    %get3A_52 = arith.constant 0 : index
    %get3A_53 = vector.load %arg10[%get3A_51, %get3A_52] : memref<1x1xf32, #tpu.memory_space<vmem>>, vector<1x1xf32>
    %squeeze3A = vector.extract %get3A_53[0, 0] : f32 from vector<1x1xf32>
    %add3A_54 = vector.broadcast %squeeze3A : f32 to vector<2048xf32>
    %add3A_55 = arith.addf %add3A_50, %add3A_54 : vector<2048xf32>
    %swap3A = arith.constant 0 : index
    %swap3A_56 = vector.load %arg11[%swap3A] : memref<2048xf32, #tpu.memory_space<vmem>>, vector<2048xf32>
    tpu.vector_store %arg11[%swap3A], %add3A_55 {strides = array<i32>} : memref<2048xf32, #tpu.memory_space<vmem>>, vector<2048xf32>,
    return
  }
  func.func @transform_0(%arg0: i32) -> (i32, i32) {
    %c0_i32 = arith.constant 0 : i32
    %c0_i32_0 = arith.constant 0 : i32
    return %arg0, %c0_i32 : i32, i32
  }
  func.func @transform_1(%arg0: i32) -> (i32, i32) {
    %c0_i32 = arith.constant 0 : i32
    %c0_i32_0 = arith.constant 0 : i32
    return %arg0, %c0_i32 : i32, i32
  }
  func.func @transform_2(%arg0: i32) -> (i32, i32) {
    %c0_i32 = arith.constant 0 : i32
    %c0_i32_0 = arith.constant 0 : i32
    %c0_i32_1 = arith.constant 0 : i32
    return %c0_i32, %c0_i32_0 : i32, i32
  }
  func.func @transform_3(%arg0: i32) -> (i32, i32) {
    %c0_i32 = arith.constant 0 : i32
    %c0_i32_0 = arith.constant 0 : i32
    %c0_i32_1 = arith.constant 0 : i32
    return %c0_i32, %c0_i32_0 : i32, i32
  }
  func.func @transform_4(%arg0: i32) -> (i32, i32) {
    %c0_i32 = arith.constant 0 : i32
    %c0_i32_0 = arith.constant 0 : i32
    %c0_i32_1 = arith.constant 0 : i32
    return %c0_i32, %c0_i32_0 : i32, i32
  }
  func.func @transform_5(%arg0: i32) -> (i32, i32) {
    %c0_i32 = arith.constant 0 : i32
    %c0_i32_0 = arith.constant 0 : i32
    %c0_i32_1 = arith.constant 0 : i32
    return %c0_i32, %c0_i32_0 : i32, i32
  }
  func.func @transform_6(%arg0: i32) -> (i32, i32) {
    %c0_i32 = arith.constant 0 : i32
    %c0_i32_0 = arith.constant 0 : i32
    %c0_i32_1 = arith.constant 0 : i32
    return %c0_i32, %c0_i32_0 : i32, i32
  }
  func.func @transform_7(%arg0: i32) -> (i32, i32) {
    %c0_i32 = arith.constant 0 : i32
    %c0_i32_0 = arith.constant 0 : i32
    %c0_i32_1 = arith.constant 0 : i32
    return %c0_i32, %c0_i32_0 : i32, i32
  }
  func.func @transform_8(%arg0: i32) -> (i32, i32) {
    %c0_i32 = arith.constant 0 : i32
    %c0_i32_0 = arith.constant 0 : i32
    %c0_i32_1 = arith.constant 0 : i32
    return %c0_i32, %c0_i32_0 : i32, i32
  }
  func.func @transform_9(%arg0: i32) -> (i32, i32) {
    %c0_i32 = arith.constant 0 : i32
    %c0_i32_0 = arith.constant 0 : i32
    %c0_i32_1 = arith.constant 0 : i32
    return %c0_i32, %c0_i32_0 : i32, i32
  }
  func.func @transform_10(%arg0: i32) -> i32 {
    %c0_i32 = arith.constant 0 : i32
    return %arg0 : i32
  }
}

</mosaic_0001>

<sc_bundles>
// kernel: kernel.5.cloned.1.call-start
scs
__scs_entry_jumppad:
0x0: {  	(pc) =	sbr.rel $0x88, $3  }
0x1: {  	(tag) =	ssettag $0x0;
	lr =	simm.s32 $0x1  }
0x2: {  	[smem:$0x3F95] =	sst lr;
	_ =	strace $0xD0000000  }
0x3: {  	_ = 	snop  }
0x4: {  	_ = 	snop  }
0x5: {  	_ = 	snop  }
0x6: {  	_ = 	snop  }
0x7: {  	_ = 	snop  }
__scs_overlays_trampoline_lowered:
0x8: {  	[smem:$0x3FA4] =	sst s0  }
0x9: {  	[smem:$0x3FA5] =	sst s1  }
0xa: {  	[smem:$0x3FA6] =	sst s2  }
0xb: {  	[smem:$0x3FA7] =	sst s3  }
0xc: {  	[smem:$0x3FA8] =	sst s4  }
0xd: {  	[smem:$0x3FA9] =	sst s5  }
0xe: {  	[smem:$0x3FAA] =	sst s6  }
0xf: {  	[smem:$0x3FAB] =	sst s7  }
0x10: {  	[smem:$0x3FAC] =	sst s8  }
0x11: {  	[smem:$0x3FAD] =	sst s9;
	s0 =	simm.s32 @!p0 $0x0  }
0x12: {  	s1 =	sld [smem:$0x3F93];
	s0 =	simm.s32 @p0 $0x1  }
0x13: {  	[smem:$0x3FAE] =	sst s0;
	s0 =	simm.s32 @!p1 $0x0  }
0x14: {  	s2 =	sld [smem:$0x3F92];
	s0 =	simm.s32 @p1 $0x1  }
0x15: {  	[smem:$0x3FAF] =	sst s0;
	s0 =	simm.s32 @!p2 $0x0  }
0x16: {  	s3 =	sld [smem:$0x3FDB];
	s0 =	simm.s32 @p2 $0x1  }
0x17: {  	s4 =	simm.s32 $0x1BF5;
	[smem:$0x3FB1] =	sst s0  }
0x18: {  	s0 =	sld [smem:$0x3F94];
	_ =	swait.ge [sflag:s4], $0x0  }
0x19: {  	s7 =	sld [smem:$0x3F95]  }
0x1a: {  	s8 =	sadd.s32 $0xFFFFE003, lr  }
0x1b: {  	s9 =	sadd.s32 $0xFFFFFEF7, lr;
	s5 =	simm.s32 $0xFFFFFFFF;
	p2 =	slt.u32 s8, $0xFFFFF086  }
0x1c: {  	p1 =	slt.u32 s9, $0xF7A;
	s5 =	simm.s32 @!p2 $0x0  }
0x1d: {  	s5 =	simm.s32 @p1 $0x1;
	p0 =	seq.s32 s7, s2  }
0x1e: {  	s7 =	smul.u32 @!p0 $0xF7A, s2;
	p2 =	seq.s32 @!p0 s5, $0x0  }
0x1f: {  	s9 =	smul.u32 $0xF7A, s1;
	s8 =	simm.s32 @!p0 $0x1BF5;
	p2 =	por !p2, p0  }
0x20: {  	[sflag:s8] =	ssyncset.s32 @!p0 $0xFFFFF086;
	s6 =	sadd.s32 @!p0 s3, s7;
	s7 =	simm.s32 @!p0 $0x108  }
0x21: {  	s3 =	sadd.s32 s3, s9;
	s6 =	sadd.s32 @!p0 $0x88, s6;
	s7 =	simm.s32 @p2 $0x1082  }
0x22: {  	[simem:s7], [sflag:s8] =	dma.local @!p0 [hbm:s6], $0xF7A  }
0x23: {  	s9 =	sor.u32 $0xD0000000, s2;
	s6 =	simm.s32 $0x108;
	_ =	swait.ge @!p0 [sflag:s8], $0x0  }
0x24: {  	s3 =	sadd.s32 $0x88, s3;
	s6 =	simm.s32 @!p1 $0x1082;
	[sflag:s4] =	ssyncset.s32 $0xFFFFF086  }
0x25: {  	[simem:s6], [sflag:s4] =	dma.local [hbm:s3], $0xF7A  }
0x26: {  	[smem:$0x3F95] =	sst s1;
	(tag) =	ssettag s2;
	_ =	strace s9  }
0x27: {  	s1 =	sld [smem:$0x3FA5]  }
0x28: {  	s2 =	sld [smem:$0x3FA6]  }
0x29: {  	s4 =	sld [smem:$0x3FA8]  }
0x2a: {  	p0 =	seq.s32 s5, $0x0;
	s5 =	sld [smem:$0x3FA9]  }
0x2b: {  	s6 =	sld [smem:$0x3FAA]  }
0x2c: {  	s7 =	sld [smem:$0x3FAB]  }
0x2d: {  	s3 =	simm.s32 $0x108;
	s8 =	sld [smem:$0x3FAC]  }
0x2e: {  	s3 =	simm.s32 @!p0 $0x1082;
	s9 =	sld [smem:$0x3FAD]  }
0x2f: {  	lr =	sadd.s32 s0, s3;
	s0 =	sld [smem:$0x3FA4]  }
0x30: {  	s3 =	sld [smem:$0x3FA7]  }
0x31: {  	[smem:$0x3FB0] =	sst s10  }
0x32: {  	s10 =	sld [smem:$0x3FAE];
	_ =	sdelay $0x3  }
0x33: {  	p0 =	seq.s32 s10, $0x1;
	s10 =	sld [smem:$0x3FB0];
	_ =	sdelay $0x3  }
0x34: {  	[smem:$0x3FB0] =	sst s10  }
0x35: {  	s10 =	sld [smem:$0x3FAF];
	_ =	sdelay $0x3  }
0x36: {  	p1 =	seq.s32 s10, $0x1;
	s10 =	sld [smem:$0x3FB0];
	_ =	sdelay $0x3  }
0x37: {  	[smem:$0x3FB0] =	sst s10  }
0x38: {  	s10 =	sld [smem:$0x3FB1]  }
0x39: {  	_ = 	snop;
	(pc) =	sbr.ind lr, $3  }
0x3a: {  	_ = 	snop  }
0x3b: {  	_ = 	snop  }
0x3c: {  	p2 =	seq.s32 s10, $0x1;
	s10 =	sld [smem:$0x3FB0]  }
0x3d: {  	_ =	shalt  }
0x3e: {  	_ =	shalt  }
0x3f: {  	_ =	shalt  }
0x40: {  	_ =	shalt  }
0x41: {  	_ =	shalt  }
0x42: {  	_ =	shalt  }
0x43: {  	_ =	shalt  }
0x44: {  	_ =	shalt  }
0x45: {  	_ =	shalt  }
0x46: {  	_ =	shalt  }
0x47: {  	_ =	shalt  }
0x48: {  	_ =	shalt  }
0x49: {  	_ =	shalt  }
0x4a: {  	_ =	shalt  }
0x4b: {  	_ =	shalt  }
0x4c: {  	_ =	shalt  }
0x4d: {  	_ =	shalt  }
0x4e: {  	_ =	shalt  }
0x4f: {  	_ =	shalt  }
0x50: {  	_ =	shalt  }
0x51: {  	_ =	shalt  }
0x52: {  	_ =	shalt  }
0x53: {  	_ =	shalt  }
0x54: {  	_ =	shalt  }
0x55: {  	_ =	shalt  }
0x56: {  	_ =	shalt  }
0x57: {  	_ =	shalt  }
0x58: {  	_ =	shalt  }
0x59: {  	_ =	shalt  }
0x5a: {  	_ =	shalt  }
0x5b: {  	_ =	shalt  }
0x5c: {  	_ =	shalt  }
0x5d: {  	_ =	shalt  }
0x5e: {  	_ =	shalt  }
0x5f: {  	_ =	shalt  }
0x60: {  	_ =	shalt  }
0x61: {  	_ =	shalt  }
0x62: {  	_ =	shalt  }
0x63: {  	_ =	shalt  }
0x64: {  	_ =	shalt  }
0x65: {  	_ =	shalt  }
0x66: {  	_ =	shalt  }
0x67: {  	_ =	shalt  }
0x68: {  	_ =	shalt  }
0x69: {  	_ =	shalt  }
0x6a: {  	_ =	shalt  }
0x6b: {  	_ =	shalt  }
0x6c: {  	_ =	shalt  }
0x6d: {  	_ =	shalt  }
0x6e: {  	_ =	shalt  }
0x6f: {  	_ =	shalt  }
0x70: {  	_ =	shalt  }
0x71: {  	_ =	shalt  }
0x72: {  	_ =	shalt  }
0x73: {  	_ =	shalt  }
0x74: {  	_ =	shalt  }
0x75: {  	_ =	shalt  }
0x76: {  	_ =	shalt  }
0x77: {  	_ =	shalt  }
0x78: {  	_ =	shalt  }
0x79: {  	_ =	shalt  }
0x7a: {  	_ =	shalt  }
0x7b: {  	_ =	shalt  }
0x7c: {  	_ =	shalt  }
0x7d: {  	_ =	shalt  }
0x7e: {  	_ =	shalt  }
0x7f: {  	_ =	shalt  }
0x80: {  	_ =	shalt  }
0x81: {  	_ =	shalt  }
0x82: {  	_ =	shalt  }
0x83: {  	_ =	shalt  }
0x84: {  	_ =	shalt  }
0x85: {  	_ =	shalt  }
0x86: {  	_ =	shalt  }
0x87: {  	_ =	shalt  }
.Lfunc_end0:
.L_simem_size_0:
called_computation_lowered:
.L_overlay_start_0:
0x88: {  	s2 =	sld [smem:$0x3FD9]  }
0x89: {  	s3 =	sld [smem:$0x3FFE];
	_ =	sdelay $0x1  }
0x8a: {  	s1 =	srdreg.scid  }
0x8b: {  	s0 =	sand.u32 $0x1, s1  }
0x8c: {  	s17 =	sshll.u32 s0, $0xA;
	s2 =	sadd.s32 s3, s2  }
0x8d: {  	s2 =	sadd.s32 s2, s17  }
0x8e: {  	[smem:$0x3FBC] =	sst s2  }
0x8f: {  	_ = 	snop  }
0x90: {  	s18 =	sld [smem:$0x3FC7]  }
0x91: {  	s4 =	sld [smem:$0x3FC5]  }
0x92: {  	s5 =	sld [smem:$0x3FD0];
	(tm) =	ssettm $0x1  }
0x93: {  	s19 =	sld [smem:$0x3FFB];
	_ =	sdelay $0x3  }
0x94: {  	_ =	strace s19  }
0x95: {  	s2 =	sld [smem:$0x3FFC];
	_ =	sdelay $0x3  }
0x96: {  	_ =	strace s2  }
0x97: {  	s2 =	sld [smem:$0x3FFD];
	_ =	sdelay $0x3  }
0x98: {  	_ =	strace s2  }
0x99: {  	_ =	strace $0x8FFFFFFF  }
0x9a: {  	s20 =	sld [smem:$0x3FDB];
	_ =	sdelay $0x1  }
0x9b: {  	s6 =	simm.s32 $_scs_section_size  }
0x9c: {  	s7 =	simm.s32 $_size__tile_overlayer_lowered;
	s8 =	simm.s32 $_tile_overlayer_lowered  }
0x9d: {  	s9 =	simm.s32 $0x1BFF;
	s21 =	sshll.u32 s8, $0x1;
	s6 =	sadd.s32 s6, s20  }
0x9e: {  	s22 =	simm.s32 $0x0;
	s7 =	sshll.u32 s7, $0x1;
	s8 =	sadd.s32 s21, s6  }
0x9f: {  	[timem:s22], [sflag:s9] =	dma.local [hbm:s8], s7  }
0xa0: {  	_ =	swait.ge [sflag:s9], s7  }
0xa1: {  	s7 =	ssub.s32 $0x0, s7;
	[sflag:s9] =	ssyncset.done $0x0  }
0xa2: {  	[sflag:s9] =	ssyncadd.s32 s7;
	_ =	sdelay $0x1  }
0xa3: {  	s23 =	simm.s32 $0x1B8B  }
0xa4: {  	_ =	swait.ge [sflag:s23], $0x1  }
0xa5: {  	[sflag:s23] =	ssyncset.done $0x0  }
0xa6: {  	[sflag:s23] =	ssyncadd.s32 $0xFFFFFFFF  }
0xa7: {  	s7 =	sld [smem:$0x0]  }
0xa8: {  	s8 =	sand.u32 $0xFFFFFFFE, s1  }
0xa9: {  	p0 =	sne.s32 s1, s8  }
0xaa: {  	s8 =	sshll.u32 @p0 s8, $0xE  }
0xab: {  	s8 =	sadd.s32 @p0 $0x11B8D, s8;
	s9 =	sshll.u32 @p0 s7, $0x11  }
0xac: {  	s8 =	sor.u32 @p0 s9, s8  }
0xad: {  	[sflag:s8] =	ssyncadd.remote.s32 @p0 $0x1;
	_ =	sdelay $0x1  }
0xae: {  	s8 =	simm.s32 @p0 $0x1B8D  }
0xaf: {  	_ =	swait.eq @p0 [sflag:s8], $0x1  }
0xb0: {  	[sflag:s8] =	ssyncadd.s32 @p0 $0xFFFFFFFF  }
0xb1: {  	s9 =	sshll.u32 @!p0 s1, $0xE  }
0xb2: {  	s9 =	sor.u32 @!p0 $0x4000, s9;
	s8 =	simm.s32 @!p0 $0x1B8D  }
0xb3: {  	s7 =	sshll.u32 @!p0 s7, $0x11;
	s9 =	sadd.s32 @!p0 $0x11B8D, s9;
	_ =	swait.eq @!p0 [sflag:s8], $0x1  }
0xb4: {  	s7 =	sor.u32 @!p0 s7, s9;
	[sflag:s8] =	ssyncadd.s32 @!p0 $0xFFFFFFFF  }
0xb5: {  	s25 =	simm.s32 $0x1B8E;
	s24 =	sld [smem:$0x3FFE];
	[sflag:s7] =	ssyncadd.remote.s32 @!p0 $0x1  }
0xb6: {  	s26 =	simm.s32 $execute0_lowered;
	[smem:$0x3FD2] =	sst s25  }
0xb7: {  	s8 =	sshll.u32 s26, $0x1;
	_ =	strace $0x80000049;
	[dreg:$0x1] =	wrdreg $0xFFFFFFFF  }
0xb8: {  	s28 =	simm.s32 $_size_execute0_lowered;
	s6 =	sadd.s32 s6, s8;
	[dreg:$0x0] =	wrdreg $0x0  }
0xb9: {  	s8 =	sshll.u32 s28, $0x1;
	[dreg:$0x2] =	wrdreg s6  }
0xba: {  	[dreg:$0x3] =	wrdreg s8  }
0xbb: {  	[dreg:$0x4] =	wrdreg $0xC0  }
0xbc: {  	_ =	task [dreg:s22], $0x5FFFF  }
0xbd: {  	[dreg:$0x1] =	wrdreg $0xFFFFFFFF  }
0xbe: {  	[dreg:$0x0] =	wrdreg $0x60  }
0xbf: {  	[dreg:$0x2] =	wrdreg s5  }
0xc0: {  	[dreg:$0x3] =	wrdreg s24  }
0xc1: {  	[dreg:$0x4] =	wrdreg s4  }
0xc2: {  	[dreg:$0x5] =	wrdreg s18  }
0xc3: {  	[dreg:$0x6] =	wrdreg $0x9  }
0xc4: {  	_ =	task.clear_ibuf [dreg:s22], $0x7FFFF;
	_ =	strace $0x90000049  }
0xc5: {  	s29 =	simm.s32 $0x9;
	_ =	strace $0x8000004B  }
0xc6: {  	_ =	swait.ge [sflag:s29], $0x1  }
0xc7: {  	[sflag:s29] =	ssyncadd.s32 $0xFFFFFFFF  }
0xc8: {  	_ =	strace $0x9000004B  }
0xc9: {  	_ =	sfence  }
0xca: {  	s30 =	sld [smem:$0x0];
	_ =	sdelay $0x2  }
0xcb: {  	s31 =	sshll.u32 s1, $0xD;
	s1 =	sshrl.u32 s1, $0x2  }
0xcc: {  	s4 =	sand.u32 $0x4000, s31;
	s1 =	sadd.s32 s1, s30  }
0xcd: {  	s0 =	sor.u32 s4, s0;
	s1 =	sshll.u32 s1, $0x11  }
0xce: {  	s0 =	sor.u32 s1, s0  }
0xcf: {  	s0 =	sadd.s32 $0x8F2B, s0  }
0xd0: {  	[sflag:s0] =	ssyncadd.remote.s32 $0x1  }
0xd1: {  	_ =	sfence.sel $0xFFFF  }
0xd2: {  	[dreg:$0x0] =	wrdreg $0xFFFFFFFF;
	(pc) =	sbr.abs _section_cstart, $3  }
0xd3: {  	[dreg:$0x1] =	wrdreg $0xFFFFFFFF  }
0xd4: {  	_ =	task.clear_ibuf [dreg:s22], $0x2FFFF;
	_ =	strace $0x9FFFFFFF  }
0xd5: {  	(tm) =	ssettm $0x7FFFFFFF  }
tec
execute0_lowered:
.L_overlay_start_1:
0x0: {  	(tag) =	ssettag $0x1  }
0x1: {  	s8 =	rddreg [dreg:$0x0]  }
0x2: {  	s7 =	rddreg [dreg:$0x1]  }
0x3: {  	s1 =	rddreg [dreg:$0x2]  }
0x4: {  	s3 =	rddreg [dreg:$0x3];
	s5 =	srdreg.scid  }
0x5: {  	s4 =	simm.s32 $0x0;
	s0 =	stileid.u32;
	s15 =	simm.s32 $0x3  }
0x6: {  	s16 =	simm.s32 $0x0;
	s5 =	sand.u32 $0x1, s5;
	[smem:$0x7FF] =	sst s4  }
0x7: {  	s6 =	sshll.u32 s0, $0x7;
	s26 =	sadd.s32 $0x42200, s7;
	s28 =	sadd.s32 $0x42400, s7  }
0x8: {  	s9 =	sshll.u32 s5, $0x6;
	_ =	strace $0x8000004A;
	[dreg:$0x5] =	wrdreg s26  }
0x9: {  	s10 =	ssub.s32 $0x2, s5;
	[dreg:$0x6] =	wrdreg s28;
	s9 =	sor.u32 s9, s6  }
0xa: {  	v0 =	vlaneseq.u32;
	s12 =	sshrl.u32 s10, $0x1;
	s11 =	sadd.s32 s9, s7;
	s29 =	sadd.s32 s8, s9  }
0xb: {  	v0 =	vmul.u32 $0x80, v0;
	s10 =	ssub.s32 s10, s12;
	[dreg:$0x7] =	wrdreg s29;
	s30 =	sadd.s32 $0x41A00, s11  }
0xc: {  	s5 =	simm.s32 $0x200;
	s31 =	smax.u32 s10, $0x1;
	[dreg:$0x8] =	wrdreg s30  }
0xd: {  	v1 =	vor.u32 $0x800, v0;
	v2 =	vor.u32 $0x1000, v0;
	v3 =	vor.u32 $0x1800, v0;
	s7 =	sadd.s32 $0x42600, s7;
	s12 =	simm.s32 $0x4;
	[dreg:$0x9] =	wrdreg s31  }
.LBB2_1:
0xe: {  	s0 =	rddreg [dreg:$0x5];
	s2 =	simm.s32 $0x1E400  }
0xf: {  	[tilespmem:s2], [sflag:$0x4] =	stream.linear.gather [hbm4b:s0+s4], $0x1000, $0x38;
	[tilespmem:$0x1FC00] =	vst v63  }
0x10: {  	_ =	swait.ge [sflag:s12], $0x1000  }
0x11: {  	[sflag:s12] =	ssyncset.done $0x0  }
0x12: {  	s28 =	simm.s32 $0x1F400;
	s26 =	rddreg [dreg:$0x6];
	[sflag:s12] =	ssyncadd.s32 $0xFFFFF000  }
0x13: {  	[tilespmem:s28], [sflag:$0x4] =	stream.linear.gather [hbm4b:s26+s4], $0x800, $0x38;
	[tilespmem:$0x1FC00] =	vst v63  }
0x14: {  	_ =	swait.ge [sflag:s12], $0x800  }
0x15: {  	[sflag:s12] =	ssyncset.done $0x0  }
0x16: {  	s29 =	rddreg [dreg:$0x7];
	[sflag:s12] =	ssyncadd.s32 $0xFFFFF800  }
0x17: {  	[tilespmem:s4], [sflag:$0x4] =	stream.linear.gather [hbm4b:s29+s4], $0x200, $0x38;
	[tilespmem:$0x1FC00] =	vst v63  }
0x18: {  	_ =	swait.ge [sflag:s12], $0x200  }
0x19: {  	[sflag:s12] =	ssyncset.done $0x0  }
0x1a: {  	s30 =	rddreg [dreg:$0x8];
	[sflag:s12] =	ssyncadd.s32 $0xFFFFFE00  }
0x1b: {  	[tilespmem:s5], [sflag:$0x4] =	stream.linear.gather [hbm4b:s30+s4], $0x200, $0x38;
	[tilespmem:$0x1FC00] =	vst v63  }
0x1c: {  	_ =	swait.ge [sflag:s12], $0x200  }
0x1d: {  	[sflag:s12] =	ssyncset.done $0x0  }
0x1e: {  	s17 =	simm.s32 $0x0;
	[sflag:s12] =	ssyncadd.s32 $0xFFFFFE00  }
0x1f: {  	v6 =	vld [tilespmem:s17+$0x0]  }
0x20: {  	v7 =	vld [tilespmem:s17+$0x200];
	_ =	sdelay $0x3  }
0x21: {  	(v2sf) =	vpush v6, $0x0  }
0x22: {  	(v2sf) =	vpush v7, $0x0;
	_ =	sdelay $0x1  }
0x23: {  	(v2sf) =	vpush v6, $0x1  }
0x24: {  	(v2sf) =	vpush v7, $0x1  }
0x25: {  	(v2sf) =	vpush v6, $0x2  }
0x26: {  	(v2sf) =	vpush v7, $0x2  }
0x27: {  	(v2sf) =	vpush v6, $0x3  }
0x28: {  	(v2sf) =	vpush v7, $0x3  }
0x29: {  	(v2sf) =	vpush v6, $0x4  }
0x2a: {  	(v2sf) =	vpush v7, $0x4  }
0x2b: {  	(v2sf) =	vpush v6, $0x5  }
0x2c: {  	(v2sf) =	vpush v7, $0x5  }
0x2d: {  	(v2sf) =	vpush v6, $0x6  }
0x2e: {  	(v2sf) =	vpush v7, $0x6  }
0x2f: {  	(v2sf) =	vpush v6, $0x7;
	s18 =	spop (v2sf)  }
0x30: {  	(v2sf) =	vpush v7, $0x7;
	[smem:s17] =	sst s18;
	s31 =	spop (v2sf)  }
0x31: {  	(v2sf) =	vpush v6, $0x8;
	[smem:$0x200] =	sst s31  }
0x32: {  	s18 =	spop (v2sf)  }
0x33: {  	(v2sf) =	vpush v7, $0x8;
	[smem:$0x1] =	sst s18  }
0x34: {  	s18 =	spop (v2sf)  }
0x35: {  	(v2sf) =	vpush v6, $0x9;
	[smem:$0x201] =	sst s18  }
0x36: {  	s18 =	spop (v2sf)  }
0x37: {  	(v2sf) =	vpush v7, $0x9;
	[smem:$0x2] =	sst s18  }
0x38: {  	s18 =	spop (v2sf)  }
0x39: {  	(v2sf) =	vpush v6, $0xA;
	[smem:$0x202] =	sst s18  }
0x3a: {  	s18 =	spop (v2sf)  }
0x3b: {  	(v2sf) =	vpush v7, $0xA;
	[smem:$0x3] =	sst s18  }
0x3c: {  	s18 =	spop (v2sf)  }
0x3d: {  	(v2sf) =	vpush v6, $0xB;
	[smem:$0x203] =	sst s18  }
0x3e: {  	s18 =	spop (v2sf)  }
0x3f: {  	(v2sf) =	vpush v7, $0xB;
	[smem:$0x4] =	sst s18  }
0x40: {  	s18 =	spop (v2sf)  }
0x41: {  	(v2sf) =	vpush v6, $0xC;
	[smem:$0x204] =	sst s18  }
0x42: {  	s18 =	spop (v2sf)  }
0x43: {  	(v2sf) =	vpush v7, $0xC;
	[smem:$0x5] =	sst s18  }
0x44: {  	s19 =	spop (v2sf)  }
0x45: {  	(v2sf) =	vpush v6, $0xD;
	[smem:$0x205] =	sst s19  }
0x46: {  	s18 =	simm.s32 $0x10;
	s19 =	spop (v2sf)  }
0x47: {  	(v2sf) =	vpush v7, $0xD;
	v4 =	vld [tilespmem:s18+$0x0];
	[smem:$0x6] =	sst s19  }
0x48: {  	s19 =	spop (v2sf)  }
0x49: {  	(v2sf) =	vpush v6, $0xE;
	v5 =	vld [tilespmem:s18+$0x200];
	[smem:$0x206] =	sst s19  }
0x4a: {  	s19 =	spop (v2sf)  }
0x4b: {  	(v2sf) =	vpush v7, $0xE;
	[smem:$0x7] =	sst s19  }
0x4c: {  	s19 =	spop (v2sf)  }
0x4d: {  	(v2sf) =	vpush v6, $0xF;
	[smem:$0x207] =	sst s19  }
0x4e: {  	s19 =	spop (v2sf)  }
0x4f: {  	(v2sf) =	vpush v7, $0xF;
	[smem:$0x8] =	sst s19  }
0x50: {  	s19 =	spop (v2sf)  }
0x51: {  	(v2sf) =	vpush v4, $0x0;
	[smem:$0x208] =	sst s19  }
0x52: {  	s19 =	spop (v2sf)  }
0x53: {  	(v2sf) =	vpush v5, $0x0;
	[smem:$0x9] =	sst s19  }
0x54: {  	s19 =	spop (v2sf)  }
0x55: {  	(v2sf) =	vpush v4, $0x1;
	[smem:$0x209] =	sst s19  }
0x56: {  	s19 =	spop (v2sf)  }
0x57: {  	(v2sf) =	vpush v5, $0x1;
	[smem:$0xA] =	sst s19  }
0x58: {  	s19 =	spop (v2sf)  }
0x59: {  	(v2sf) =	vpush v4, $0x2;
	[smem:$0x20A] =	sst s19  }
0x5a: {  	s19 =	spop (v2sf)  }
0x5b: {  	(v2sf) =	vpush v5, $0x2;
	[smem:$0xB] =	sst s19  }
0x5c: {  	s19 =	spop (v2sf)  }
0x5d: {  	(v2sf) =	vpush v4, $0x3;
	[smem:$0x20B] =	sst s19  }
0x5e: {  	s19 =	spop (v2sf)  }
0x5f: {  	(v2sf) =	vpush v5, $0x3;
	[smem:$0xC] =	sst s19  }
0x60: {  	s19 =	spop (v2sf)  }
0x61: {  	(v2sf) =	vpush v4, $0x4;
	[smem:$0x20C] =	sst s19  }
0x62: {  	s19 =	spop (v2sf)  }
0x63: {  	(v2sf) =	vpush v5, $0x4;
	[smem:$0xD] =	sst s19  }
0x64: {  	s19 =	spop (v2sf)  }
0x65: {  	(v2sf) =	vpush v4, $0x5;
	[smem:$0x20D] =	sst s19  }
0x66: {  	s19 =	spop (v2sf)  }
0x67: {  	(v2sf) =	vpush v5, $0x5;
	[smem:$0xE] =	sst s19  }
0x68: {  	s19 =	spop (v2sf)  }
0x69: {  	(v2sf) =	vpush v4, $0x6;
	[smem:$0x20E] =	sst s19  }
0x6a: {  	s19 =	spop (v2sf)  }
0x6b: {  	(v2sf) =	vpush v5, $0x6;
	[smem:$0xF] =	sst s19  }
0x6c: {  	s19 =	simm.s32 $0x80;
	s20 =	spop (v2sf)  }
.LBB2_2:
0x6d: {  	p0 =	sne.s32 s19, $0x7C0;
	[smem:s17+$0x20F] =	sst s20  }
0x6e: {  	(v2sf) =	vpush v4, $0x7;
	s20 =	smov.u32 s19;
	s19 =	sadd.s32 $0x40, s19;
	s17 =	smov.u32 s18  }
0x6f: {  	s18 =	spop (v2sf);
	(v2sf) =	vpush v5, $0x7  }
0x70: {  	[smem:s17] =	sst s18;
	s18 =	spop (v2sf);
	(v2sf) =	vpush v4, $0x8  }
0x71: {  	[smem:s17+$0x200] =	sst s18;
	s18 =	spop (v2sf);
	(v2sf) =	vpush v5, $0x8  }
0x72: {  	[smem:s17+$0x1] =	sst s18;
	s18 =	spop (v2sf);
	(v2sf) =	vpush v4, $0x9  }
0x73: {  	[smem:s17+$0x201] =	sst s18;
	s18 =	spop (v2sf);
	(v2sf) =	vpush v5, $0x9  }
0x74: {  	[smem:s17+$0x2] =	sst s18;
	s18 =	spop (v2sf);
	(v2sf) =	vpush v4, $0xA  }
0x75: {  	[smem:s17+$0x202] =	sst s18;
	s18 =	spop (v2sf);
	(v2sf) =	vpush v5, $0xA  }
0x76: {  	[smem:s17+$0x3] =	sst s18;
	s18 =	spop (v2sf);
	(v2sf) =	vpush v4, $0xB  }
0x77: {  	[smem:s17+$0x203] =	sst s18;
	s18 =	spop (v2sf);
	(v2sf) =	vpush v5, $0xB  }
0x78: {  	[smem:s17+$0x4] =	sst s18;
	s18 =	spop (v2sf);
	(v2sf) =	vpush v4, $0xC  }
0x79: {  	[smem:s17+$0x204] =	sst s18;
	s18 =	spop (v2sf);
	(v2sf) =	vpush v5, $0xC  }
0x7a: {  	[smem:s17+$0x5] =	sst s18;
	s21 =	spop (v2sf);
	(v2sf) =	vpush v4, $0xD  }
0x7b: {  	s18 =	sshra.s32 s20, $0x2;
	[smem:s17+$0x205] =	sst s21;
	s20 =	spop (v2sf);
	(v2sf) =	vpush v5, $0xD  }
0x7c: {  	v6 =	vld [tilespmem:s18+$0x0];
	[smem:s17+$0x6] =	sst s20;
	s20 =	spop (v2sf);
	(v2sf) =	vpush v4, $0xE  }
0x7d: {  	v7 =	vld [tilespmem:s18+$0x200];
	[smem:s17+$0x206] =	sst s20;
	s20 =	spop (v2sf);
	(v2sf) =	vpush v5, $0xE  }
0x7e: {  	[smem:s17+$0x7] =	sst s20;
	s20 =	spop (v2sf);
	(v2sf) =	vpush v4, $0xF  }
0x7f: {  	[smem:s17+$0x207] =	sst s20;
	s20 =	spop (v2sf);
	(v2sf) =	vpush v5, $0xF  }
0x80: {  	[smem:s17+$0x8] =	sst s20;
	s20 =	spop (v2sf)  }
0x81: {  	(v2sf) =	vpush v6, $0x0;
	[smem:s17+$0x208] =	sst s20;
	s20 =	spop (v2sf);
	v4 =	vmov v6  }
0x82: {  	(v2sf) =	vpush v7, $0x0;
	[smem:s17+$0x9] =	sst s20;
	s20 =	spop (v2sf);
	v5 =	vmov v7  }
0x83: {  	(v2sf) =	vpush v4, $0x1;
	[smem:s17+$0x209] =	sst s20;
	s20 =	spop (v2sf)  }
0x84: {  	(v2sf) =	vpush v5, $0x1;
	[smem:s17+$0xA] =	sst s20;
	s20 =	spop (v2sf)  }
0x85: {  	(v2sf) =	vpush v4, $0x2;
	[smem:s17+$0x20A] =	sst s20;
	s20 =	spop (v2sf)  }
0x86: {  	(v2sf) =	vpush v5, $0x2;
	[smem:s17+$0xB] =	sst s20;
	s20 =	spop (v2sf)  }
0x87: {  	(v2sf) =	vpush v4, $0x3;
	[smem:s17+$0x20B] =	sst s20;
	s20 =	spop (v2sf)  }
0x88: {  	(v2sf) =	vpush v5, $0x3;
	[smem:s17+$0xC] =	sst s20;
	s20 =	spop (v2sf)  }
0x89: {  	(v2sf) =	vpush v4, $0x4;
	[smem:s17+$0x20C] =	sst s20;
	s20 =	spop (v2sf)  }
0x8a: {  	[smem:s17+$0xD] =	sst s20  }
.Ltmp0:
0x8b: {  	(v2sf) =	vpush v5, $0x4;
	s20 =	spop (v2sf);
	(pc) =	sbr.rel @p0 .LBB2_2-.Ltmp0, $4  }
0x8c: {  	(v2sf) =	vpush v4, $0x5;
	[smem:s17+$0x20D] =	sst s20;
	s20 =	spop (v2sf)  }
0x8d: {  	(v2sf) =	vpush v5, $0x5;
	[smem:s17+$0xE] =	sst s20;
	s20 =	spop (v2sf)  }
0x8e: {  	(v2sf) =	vpush v4, $0x6;
	[smem:s17+$0x20E] =	sst s20;
	s20 =	spop (v2sf)  }
0x8f: {  	(v2sf) =	vpush v5, $0x6;
	[smem:s17+$0xF] =	sst s20;
	s20 =	spop (v2sf)  }
0x90: {  	(v2sf) =	vpush v4, $0x7  }
0x91: {  	[smem:s17+$0x20F] =	sst s20;
	s19 =	spop (v2sf);
	(v2sf) =	vpush v5, $0x7  }
0x92: {  	[smem:s18] =	sst s19;
	s20 =	spop (v2sf);
	(v2sf) =	vpush v4, $0x8  }
0x93: {  	[smem:s18+$0x200] =	sst s20;
	s21 =	spop (v2sf);
	(v2sf) =	vpush v5, $0x8  }
0x94: {  	[smem:s18+$0x1] =	sst s21;
	s22 =	spop (v2sf);
	(v2sf) =	vpush v4, $0x9  }
0x95: {  	[smem:s18+$0x201] =	sst s22;
	s23 =	spop (v2sf);
	(v2sf) =	vpush v5, $0x9  }
0x96: {  	[smem:s18+$0x2] =	sst s23;
	s24 =	spop (v2sf);
	(v2sf) =	vpush v4, $0xA  }
0x97: {  	[smem:s18+$0x202] =	sst s24;
	s25 =	spop (v2sf);
	(v2sf) =	vpush v5, $0xA  }
0x98: {  	[smem:s18+$0x3] =	sst s25;
	s26 =	spop (v2sf);
	(v2sf) =	vpush v4, $0xB  }
0x99: {  	[smem:s18+$0x203] =	sst s26;
	s28 =	spop (v2sf);
	(v2sf) =	vpush v5, $0xB  }
0x9a: {  	[smem:s18+$0x4] =	sst s28;
	s29 =	spop (v2sf);
	(v2sf) =	vpush v4, $0xC  }
0x9b: {  	[smem:s18+$0x204] =	sst s29;
	s30 =	spop (v2sf);
	(v2sf) =	vpush v5, $0xC  }
0x9c: {  	[smem:s18+$0x5] =	sst s30;
	s31 =	spop (v2sf);
	(v2sf) =	vpush v4, $0xD  }
0x9d: {  	[smem:s18+$0x205] =	sst s31;
	s0 =	spop (v2sf);
	(v2sf) =	vpush v5, $0xD  }
0x9e: {  	[smem:s18+$0x6] =	sst s0;
	s2 =	spop (v2sf);
	(v2sf) =	vpush v4, $0xE  }
0x9f: {  	[smem:s18+$0x206] =	sst s2;
	s6 =	spop (v2sf);
	(v2sf) =	vpush v5, $0xE  }
0xa0: {  	[smem:s18+$0x7] =	sst s6;
	s8 =	spop (v2sf);
	(v2sf) =	vpush v4, $0xF  }
0xa1: {  	[smem:s18+$0x207] =	sst s8;
	s9 =	spop (v2sf);
	(v2sf) =	vpush v5, $0xF  }
0xa2: {  	[smem:s18+$0x8] =	sst s9;
	s10 =	spop (v2sf)  }
0xa3: {  	[smem:s18+$0x208] =	sst s10;
	s11 =	spop (v2sf)  }
0xa4: {  	[smem:s18+$0x9] =	sst s11;
	s13 =	spop (v2sf)  }
0xa5: {  	[smem:s18+$0x209] =	sst s13;
	s14 =	spop (v2sf)  }
0xa6: {  	[smem:s18+$0xA] =	sst s14;
	s19 =	spop (v2sf)  }
0xa7: {  	[smem:s18+$0x20A] =	sst s19;
	s20 =	spop (v2sf)  }
0xa8: {  	[smem:s18+$0xB] =	sst s20;
	s21 =	spop (v2sf)  }
0xa9: {  	[smem:s18+$0x20B] =	sst s21;
	s22 =	spop (v2sf)  }
0xaa: {  	[smem:s18+$0xC] =	sst s22;
	s23 =	spop (v2sf)  }
0xab: {  	[smem:s18+$0x20C] =	sst s23;
	s24 =	spop (v2sf)  }
0xac: {  	[smem:s18+$0xD] =	sst s24;
	s25 =	spop (v2sf)  }
0xad: {  	[smem:s18+$0x20D] =	sst s25;
	s26 =	spop (v2sf)  }
0xae: {  	[smem:s18+$0xE] =	sst s26;
	s28 =	spop (v2sf)  }
0xaf: {  	[smem:s18+$0x20E] =	sst s28;
	s29 =	spop (v2sf)  }
0xb0: {  	[smem:s18+$0xF] =	sst s29;
	s30 =	spop (v2sf)  }
0xb1: {  	[smem:s18+$0x20F] =	sst s30  }
0xb2: {  	[smem:$0x400] =	sst s4  }
0xb3: {  	s17 =	sld [smem:$0x0]  }
0xb4: {  	s18 =	sld [smem:$0x1];
	_ =	sdelay $0x1  }
0xb5: {  	s19 =	simm.s32 $0x2;
	s20 =	simm.s32 $0x2  }
0xb6: {  	s22 =	simm.s32 $0x1;
	s31 =	sshrl.u32 s17, $0x7;
	s18 =	sshrl.u32 s18, $0x7  }
0xb7: {  	s17 =	simm.s32 $0x1;
	p0 =	seq.s32 s18, s31;
	p1 =	sne.s32 s18, s31  }
0xb8: {  	s21 =	simm.s32 $0x3;
	[smem:$0x401] =	sst @!p0 s17;
	s22 =	simm.s32 @!p1 $0x0  }
.LBB2_4:
0xb9: {  	s23 =	sld [smem:s19+$0x0];
	s17 =	sadd.s32 s22, s17  }
0xba: {  	s22 =	smov.u32 s20;
	s20 =	smov.u32 s21;
	s21 =	sadd.s32 $0x1, s21  }
0xbb: {  	p0 =	sne.s32 s21, $0x200  }
.Ltmp1:
0xbc: {  	(pc) =	sbr.rel @p0 .LBB2_4-.Ltmp1, $4  }
0xbd: {  	s23 =	sshrl.u32 s23, $0x7  }
0xbe: {  	p1 =	seq.s32 s23, s18;
	p2 =	sne.s32 s23, s18;
	s18 =	smov.u32 s23  }
0xbf: {  	[smem:s17+$0x400] =	sst @!p1 s22;
	s22 =	simm.s32 $0x1  }
0xc0: {  	s19 =	sadd.s32 $0x1, s19;
	s22 =	simm.s32 @!p2 $0x0  }
0xc1: {  	s19 =	sld [smem:s19+$0x0];
	_ =	sdelay $0x2  }
0xc2: {  	s19 =	sshrl.u32 s19, $0x7  }
0xc3: {  	s21 =	simm.s32 $0x1;
	p0 =	sne.s32 s19, s18  }
0xc4: {  	s22 =	sadd.s32 s22, s17;
	s21 =	simm.s32 @!p0 $0x0  }
0xc5: {  	p0 =	seq.s32 s19, s18;
	s17 =	sadd.s32 s21, s22  }
0xc6: {  	[smem:s22+$0x400] =	sst @!p0 s20;
	p0 =	sgt.s32 s17, $0x0  }
.Ltmp2:
0xc7: {  	_ = 	snop;
	(pc) =	sbr.rel @!p0 .LBB2_6-.Ltmp2, $2  }
0xc8: {  	_ =	sdelay $0x2  }
0xc9: {  	[smem:s17+$0x400] =	sst s5  }
0xca: {  	s18 =	smin.u32 s17, $0x5  }
0xcb: {  	s20 =	sadd.s32 $0xFFFFFFFF, s18  }
0xcc: {  	p2 =	seq.s32 s20, $0x0  }
.Ltmp3:
0xcd: {  	_ = 	snop;
	(pc) =	sbr.rel @p2 .LBB2_11-.Ltmp3, $3  }
0xce: {  	s21 =	sld [smem:$0x400];
	_ =	sdelay $0x1  }
0xcf: {  	s19 =	simm.s32 $0x400;
	p0 =	por $0x0, $0x0  }
0xd0: {  	p1 =	por $0x0, $0x0;
	s18 =	simm.s32 $0xC400;
	s26 =	sld [smem:s21+$0x0]  }
0xd1: {  	s24 =	sadd.s32 $0xFFFFFFFF, s20  }
0xd2: {  	p3 =	seq.s32 s24, $0x0  }
.Ltmp4:
0xd3: {  	s25 =	sld [smem:$0x401];
	s21 =	sand.u32 $0xFFFFFF80, s26;
	(pc) =	sbr.rel @p3 .LBB2_13-.Ltmp4, $4  }
0xd4: {  	p2 =	seq.s32 s21, $0xF4200  }
0xd5: {  	p0 =	por $0x1, $0x1;
	s21 =	sand.u32 @!p2 $0xFFFFF80, s26;
	s22 =	simm.s32 @!p2 $0x400  }
0xd6: {  	s23 =	simm.s32 @!p2 $0x7A1400;
	s26 =	sld [smem:s25+$0x0];
	s20 =	sadd.s32 @!p2 s1, s21  }
0xd7: {  	[tilespmem:s19], [sflag:$0x1] =	stream.strided.gather @!p2 [hbm4b:s20+s22], $0x2000, s23, s22, $0x38;
	[tilespmem:$0x1FC00] =	vst v63  }
0xd8: {  	s29 =	sld [smem:$0x402];
	s20 =	sadd.s32 @!p2 s3, s21;
	s25 =	sadd.s32 $0xFFFFFFFF, s24  }
0xd9: {  	[tilespmem:s18], [sflag:$0x2] =	stream.strided.gather @!p2 [hbm4b:s20+s22], $0x1000, s23, s22, $0x38;
	[tilespmem:$0x1FC00] =	vst v63  }
0xda: {  	s31 =	sand.u32 $0xFFFFFF80, s26;
	p3 =	seq.s32 s25, $0x0  }
.Ltmp5:
0xdb: {  	p2 =	seq.s32 s31, $0xF4200;
	(pc) =	sbr.rel @p3 .LBB2_15-.Ltmp5, $4  }
0xdc: {  	s28 =	simm.s32 $0x403;
	s20 =	simm.s32 $0x2400;
	s21 =	sand.u32 @!p2 $0xFFFFF80, s26  }
0xdd: {  	s22 =	simm.s32 @!p2 $0x400;
	s23 =	simm.s32 @!p2 $0x7A1400;
	s24 =	sadd.s32 @!p2 s1, s21  }
0xde: {  	[tilespmem:s20], [sflag:$0x1] =	stream.strided.gather @!p2 [hbm4b:s24+s22], $0x2000, s23, s22, $0x38;
	[tilespmem:$0x1FC00] =	vst v63  }
0xdf: {  	p1 =	por $0x1, $0x1;
	s26 =	sld [smem:s29+$0x0];
	s24 =	simm.s32 $0xC400  }
.LBB2_16:
0xe0: {  	s29 =	sld [smem:s28+$0x0]  }
0xe1: {  	s21 =	sadd.s32 @!p2 s3, s21;
	s24 =	sadd.s32 $0x1000, s24;
	s25 =	sadd.s32 $0xFFFFFFFF, s25  }
0xe2: {  	[tilespmem:s24], [sflag:$0x2] =	stream.strided.gather @!p2 [hbm4b:s21+s22], $0x1000, s23, s22, $0x38;
	[tilespmem:$0x1FC00] =	vst v63  }
0xe3: {  	p3 =	seq.s32 s25, $0x0  }
.Ltmp6:
0xe4: {  	s20 =	sadd.s32 $0x2000, s20;
	s21 =	sand.u32 $0xFFFFFF80, s26;
	(pc) =	sbr.rel @!p3 .LBB2_16-.Ltmp6, $4  }
0xe5: {  	s28 =	sadd.s32 $0x1, s28;
	p2 =	seq.s32 s21, $0xF4200  }
0xe6: {  	s21 =	sand.u32 @!p2 $0xFFFFF80, s26;
	s26 =	sld [smem:s29+$0x0]  }
0xe7: {  	s22 =	simm.s32 @!p2 $0x400;
	s23 =	simm.s32 @!p2 $0x7A1400;
	s29 =	sadd.s32 @!p2 s1, s21  }
0xe8: {  	[tilespmem:s20], [sflag:$0x1] =	stream.strided.gather @!p2 [hbm4b:s29+s22], $0x2000, s23, s22, $0x38;
	[tilespmem:$0x1FC00] =	vst v63  }
.LBB2_17:
0xe9: {  	p2 =	por p2, !p0;
	s24 =	sadd.s32 @p1 $0x1000, s24  }
0xea: {  	s25 =	simm.s32 $0xC400;
	s31 =	sand.u32 $0xFFFFFF80, s26;
	s20 =	sadd.s32 @p0 $0x2000, s20  }
0xeb: {  	s21 =	sadd.s32 @!p2 s3, s21;
	s25 =	smov.u32 @p1 s24;
	p1 =	seq.s32 s31, $0xF4200  }
0xec: {  	[tilespmem:s25], [sflag:$0x2] =	stream.strided.gather @!p2 [hbm4b:s21+s22], $0x1000, s23, s22, $0x38;
	[tilespmem:$0x1FC00] =	vst v63  }
0xed: {  	s19 =	smov.u32 @p0 s20;
	s21 =	sand.u32 @!p1 $0xFFFFF80, s26  }
0xee: {  	s23 =	simm.s32 @!p1 $0x400;
	s24 =	simm.s32 @!p1 $0x7A1400;
	s22 =	sadd.s32 @!p1 s1, s21  }
0xef: {  	[tilespmem:s19], [sflag:$0x1] =	stream.strided.gather @!p1 [hbm4b:s22+s23], $0x2000, s24, s23, $0x38;
	[tilespmem:$0x1FC00] =	vst v63  }
.Ltmp7:
0xf0: {  	_ = 	snop;
	(pc) =	sbr.rel .LBB2_19-.Ltmp7, $4  }
0xf1: {  	s19 =	sadd.s32 @p0 $0x1000, s25  }
0xf2: {  	s20 =	sadd.s32 @!p1 s3, s21;
	s18 =	smov.u32 @p0 s19  }
0xf3: {  	[tilespmem:s18], [sflag:$0x2] =	stream.strided.gather @!p1 [hbm4b:s20+s23], $0x1000, s24, s23, $0x38;
	[tilespmem:$0x1FC00] =	vst v63  }
0xf4: {  	s18 =	simm.s32 $0x0  }
.LBB2_22:
0xf5: {  	_ =	sdelay $0x3  }
0xf6: {  	v4 =	vld.idx.msk @!p0 [tilespmem:v13+s23+$0x0], $0xffff;
	v5 =	vadd.s32 @!p0 v10, v9  }
0xf7: {  	v5 =	vor.u32 @!p0 v11, v5;
	_ =	sdelay $0x3  }
0xf8: {  	[tilespmem:s19+$0x10] =	vst @!p0 v4  }
0xf9: {  	v4 =	vld.idx.msk @!p0 [tilespmem:v5+s23+$0x0], $0xffff;
	_ =	sdelay $0x4  }
0xfa: {  	v4 =	vpsel p0, v12, v4  }
0xfb: {  	[tilespmem:s19+$0x20] =	vst v4  }
.LBB2_18:
0xfc: {  	s18 =	sadd.s32 $0x1, s18  }
0xfd: {  	p0 =	seq.s32 s18, s17  }
.Ltmp8:
0xfe: {  	_ = 	snop;
	(pc) =	sbr.rel @p0 .LBB2_6-.Ltmp8, $1  }
0xff: {  	_ =	sdelay $0x3  }
.LBB2_19:
0x100: {  	s20 =	sld [smem:s18+$0x400];
	_ =	sdelay $0x2  }
0x101: {  	s19 =	sld [smem:s20+$0x0];
	_ =	sdelay $0x2  }
0x102: {  	s19 =	sand.u32 $0xFFFFFF80, s19  }
0x103: {  	p0 =	seq.s32 s19, $0xF4200  }
0x104: {  	s19 =	simm.s32 @!p0 $0x1  }
0x105: {  	_ =	swait.ge @!p0 [sflag:s19], $0x2000  }
0x106: {  	[sflag:s19] =	ssyncset.done @!p0 $0x0  }
0x107: {  	[sflag:s19] =	ssyncadd.s32 @!p0 $0xFFFFE000;
	s19 =	simm.s32 @!p0 $0x2  }
0x108: {  	_ =	swait.ge @!p0 [sflag:s19], $0x1000  }
0x109: {  	s21 =	sadd.s32 $0x5, s18;
	[sflag:s19] =	ssyncset.done @!p0 $0x0  }
0x10a: {  	[sflag:s19] =	ssyncadd.s32 @!p0 $0xFFFFF000;
	p0 =	sge.s32 s21, s17  }
0x10b: {  	s19 =	sld @!p0 [smem:s21+$0x400];
	_ =	sdelay $0x2  }
0x10c: {  	s19 =	sld @!p0 [smem:s19+$0x0];
	_ =	sdelay $0x2  }
0x10d: {  	s22 =	sand.u32 @!p0 $0xFFFFFF80, s19  }
0x10e: {  	p1 =	seq.s32 @!p0 s22, $0xF4200  }
0x10f: {  	p0 =	por p1, p0  }
0x110: {  	s22 =	smulhi.u32 @!p0 $0x2AAAAAAB, s21;
	s23 =	sshra.s32 @!p0 s21, $0x1F  }
0x111: {  	s23 =	smul.u32 @!p0 $0x2AAAAAAB, s23;
	_ =	sdelay $0x1  }
0x112: {  	s22 =	sadd.s32 @!p0 s23, s22  }
0x113: {  	s23 =	sshrl.u32 @!p0 s22, $0x1F  }
0x114: {  	s22 =	sadd.s32 @!p0 s23, s22  }
0x115: {  	s22 =	smul.u32 @!p0 $0x6, s22;
	_ =	sdelay $0x1  }
0x116: {  	s21 =	ssub.s32 @!p0 s21, s22  }
0x117: {  	s19 =	sand.u32 @!p0 $0xFFFFF80, s19;
	s22 =	sshll.u32 @!p0 s21, $0xF  }
0x118: {  	s24 =	simm.s32 @!p0 $0x400;
	s25 =	simm.s32 @!p0 $0x7A1400;
	s22 =	sshra.s32 @!p0 s22, $0x2  }
0x119: {  	s23 =	sadd.s32 @!p0 s1, s19;
	s21 =	sshll.u32 @!p0 s21, $0xE;
	s22 =	sor.u32 @!p0 $0x400, s22  }
0x11a: {  	[tilespmem:s22], [sflag:$0x1] =	stream.strided.gather @!p0 [hbm4b:s23+s24], $0x2000, s25, s24, $0x38;
	[tilespmem:$0x1FC00] =	vst v63  }
0x11b: {  	s22 =	sshra.s32 @!p0 s21, $0x2;
	s21 =	sld [smem:s18+$0x401]  }
0x11c: {  	s19 =	sadd.s32 @!p0 s3, s19;
	s22 =	sadd.s32 @!p0 $0xC400, s22  }
0x11d: {  	[tilespmem:s22], [sflag:$0x2] =	stream.strided.gather @!p0 [hbm4b:s19+s24], $0x1000, s25, s24, $0x38;
	[tilespmem:$0x1FC00] =	vst v63  }
0x11e: {  	p0 =	sle.s32 s21, s20  }
.Ltmp9:
0x11f: {  	_ = 	snop;
	(pc) =	sbr.rel @p0 .LBB2_18-.Ltmp9, $1  }
0x120: {  	_ =	sdelay $0x3  }
0x121: {  	s19 =	sshll.u32 s20, $0x2  }
0x122: {  	s22 =	sshra.s32 s19, $0x2  }
0x123: {  	s19 =	sld [smem:s22+$0x0];
	_ =	sdelay $0x2  }
0x124: {  	s23 =	sshra.s32 s19, $0x1F  }
0x125: {  	s23 =	sshrl.u32 s23, $0x19  }
0x126: {  	s23 =	sadd.s32 s23, s19  }
0x127: {  	s23 =	sand.u32 $0xFFFFFF80, s23  }
0x128: {  	s23 =	ssub.s32 s19, s23;
	s19 =	sand.u32 $0xFFFFFF80, s19  }
0x129: {  	v5 =	vmov s23;
	p0 =	seq.s32 s19, $0xF4200  }
0x12a: {  	v4 =	vshll.u32 @p0 v5, $0x6;
	v6 =	vlaneseq.u32 @p0  }
0x12b: {  	v7 =	vor.u32 @p0 v6, v4;
	_ =	sdelay $0x2  }
0x12c: {  	p0 =	por p0, p0  }
0x12d: {  	s23 =	simm.s32 @p0 $0x1E400  }
0x12e: {  	v8 =	vor.u32 @p0 $0x10, v6;
	v7 =	vld.idx.msk @p0 [tilespmem:v7+s23+$0x0], $0xffff  }
0x12f: {  	s29 =	smul.u32 $0x180, s20;
	v9 =	vor.u32 @p0 v8, v4;
	_ =	sdelay $0x1  }
0x130: {  	s19 =	sshra.s32 s29, $0x2  }
0x131: {  	s19 =	sadd.s32 $0x12430, s19  }
0x132: {  	[tilespmem:s19+$0xFFFFFFD0] =	vst @p0 v7  }
0x133: {  	v7 =	vld.idx.msk @p0 [tilespmem:v9+s23+$0x0], $0xffff;
	v9 =	vor.u32 @p0 $0x20, v6  }
0x134: {  	v9 =	vor.u32 @p0 v9, v4;
	_ =	sdelay $0x3  }
0x135: {  	[tilespmem:s19+$0xFFFFFFE0] =	vst @p0 v7  }
0x136: {  	v7 =	vld.idx.msk @p0 [tilespmem:v9+s23+$0x0], $0xffff;
	v9 =	vor.u32 @p0 $0x30, v6  }
0x137: {  	v4 =	vor.u32 @p0 v9, v4;
	_ =	sdelay $0x1  }
0x138: {  	s24 =	smulhi.u32 $0xAAAAAAAB, s18;
	_ =	sdelay $0x1  }
0x139: {  	s24 =	sshrl.u32 s24, $0x2;
	[tilespmem:s19+$0xFFFFFFF0] =	vst @p0 v7  }
0x13a: {  	s24 =	smul.u32 $0x6, s24;
	v9 =	vshll.u32 @p0 v5, $0x5;
	v7 =	vld.idx.msk @p0 [tilespmem:v4+s23+$0x0], $0xffff  }
0x13b: {  	v6 =	vor.u32 @p0 v6, v9  }
0x13c: {  	s30 =	ssub.s32 s18, s24  }
0x13d: {  	v13 =	vmov s30  }
0x13e: {  	v14 =	vshll.u32 v13, $0xD  }
0x13f: {  	v10 =	vand.u32 @!p0 $0xFFFFFF80, v5;
	v4 =	vor.u32 v0, v14;
	s23 =	simm.s32 @p0 $0x1F400;
	[tilespmem:s19+$0x0] =	vst @p0 v7  }
0x140: {  	v11 =	vand.u32 @!p0 $0x7F, v5;
	v5 =	vadd.s32 @!p0 v10, v4;
	v6 =	vld.idx.msk @p0 [tilespmem:v6+s23+$0x0], $0xffff  }
0x141: {  	v7 =	vor.u32 @!p0 v11, v5;
	_ =	sdelay $0x3  }
0x142: {  	s24 =	simm.s32 @!p0 $0x400;
	v5 =	vor.u32 v1, v14;
	[tilespmem:s19+$0x10] =	vst @p0 v6  }
0x143: {  	v6 =	vor.u32 @p0 v8, v9;
	v8 =	vadd.s32 @!p0 v10, v5;
	v7 =	vld.idx.msk @!p0 [tilespmem:v7+s24+$0x0], $0xffff  }
0x144: {  	v8 =	vor.u32 @!p0 v11, v8;
	_ =	sdelay $0x3  }
0x145: {  	v12 =	vld.idx.msk @p0 [tilespmem:v6+s23+$0x0], $0xffff;
	v6 =	vor.u32 v2, v14;
	[tilespmem:s19+$0xFFFFFFD0] =	vst @!p0 v7  }
0x146: {  	v7 =	vadd.s32 @!p0 v10, v6;
	v8 =	vld.idx.msk @!p0 [tilespmem:v8+s24+$0x0], $0xffff  }
0x147: {  	v9 =	vor.u32 @!p0 v11, v7;
	_ =	sdelay $0x3  }
0x148: {  	v7 =	vor.u32 v3, v14;
	[tilespmem:s19+$0xFFFFFFE0] =	vst @!p0 v8  }
0x149: {  	v8 =	vld.idx.msk @!p0 [tilespmem:v9+s24+$0x0], $0xffff;
	v9 =	vadd.s32 @!p0 v10, v7  }
0x14a: {  	v9 =	vor.u32 @!p0 v11, v9;
	_ =	sdelay $0x3  }
0x14b: {  	[tilespmem:s19+$0xFFFFFFF0] =	vst @!p0 v8  }
0x14c: {  	s31 =	ssub.s32 s21, s20;
	v14 =	vld.idx.msk @!p0 [tilespmem:v9+s24+$0x0], $0xffff;
	v9 =	vshll.u32 v13, $0xC  }
0x14d: {  	s20 =	sadd.s32 $0xFFFFFFFF, s31;
	v8 =	vor.u32 v0, v9  }
0x14e: {  	p1 =	seq.s32 s20, $0x0;
	v13 =	vadd.s32 @!p0 v10, v8  }
.Ltmp10:
0x14f: {  	v13 =	vor.u32 @!p0 v11, v13;
	(pc) =	sbr.rel @p1 .LBB2_22-.Ltmp10, $2  }
0x150: {  	_ =	sdelay $0x2  }
0x151: {  	s21 =	sadd.s32 $0x1, s22;
	s23 =	simm.s32 @!p0 $0xC400;
	v9 =	vor.u32 v1, v9;
	[tilespmem:s19+$0x0] =	vst @!p0 v14  }
.LBB2_21:
0x152: {  	s22 =	sld [smem:s21+$0x0];
	s20 =	sadd.s32 $0xFFFFFFFF, s20;
	v13 =	vld.idx.msk @!p0 [tilespmem:v13+s23+$0x0], $0xffff  }
0x153: {  	v10 =	vadd.s32 @!p0 v10, v9;
	p1 =	seq.s32 s20, $0x0  }
0x154: {  	v10 =	vor.u32 @!p0 v11, v10  }
0x155: {  	s24 =	sshra.s32 s22, $0x1F  }
0x156: {  	s24 =	sshrl.u32 s24, $0x19  }
0x157: {  	s24 =	sadd.s32 s24, s22  }
0x158: {  	s24 =	sand.u32 $0xFFFFFF80, s24;
	[tilespmem:s19+$0x10] =	vst @!p0 v13  }
0x159: {  	s24 =	ssub.s32 s22, s24;
	s22 =	sand.u32 $0xFFFFFF80, s22;
	v10 =	vld.idx.msk @!p0 [tilespmem:v10+s23+$0x0], $0xffff  }
0x15a: {  	v11 =	vmov s24;
	p2 =	seq.s32 s22, $0xF4200  }
0x15b: {  	v13 =	vshll.u32 @p2 v11, $0x6;
	v14 =	vlaneseq.u32 @p2  }
0x15c: {  	v15 =	vor.u32 @p2 v14, v13;
	_ =	sdelay $0x2  }
0x15d: {  	v10 =	vpsel p0, v12, v10;
	p0 =	por p2, p2  }
0x15e: {  	s22 =	simm.s32 @p0 $0x1E400;
	[tilespmem:s19+$0x20] =	vst v10  }
0x15f: {  	v10 =	vld.idx.msk @p0 [tilespmem:v15+s22+$0x0], $0xffff  }
0x160: {  	v12 =	vor.u32 @p0 $0x10, v14  }
0x161: {  	v15 =	vor.u32 @p0 v12, v13;
	_ =	sdelay $0x2  }
0x162: {  	s19 =	sadd.s32 $0x60, s19  }
0x163: {  	[tilespmem:s19+$0xFFFFFFD0] =	vst @p0 v10  }
0x164: {  	v10 =	vld.idx.msk @p0 [tilespmem:v15+s22+$0x0], $0xffff  }
0x165: {  	v15 =	vor.u32 @p0 $0x20, v14  }
0x166: {  	v15 =	vor.u32 @p0 v15, v13;
	_ =	sdelay $0x3  }
0x167: {  	[tilespmem:s19+$0xFFFFFFE0] =	vst @p0 v10  }
0x168: {  	v10 =	vld.idx.msk @p0 [tilespmem:v15+s22+$0x0], $0xffff  }
0x169: {  	v15 =	vor.u32 @p0 $0x30, v14  }
0x16a: {  	v13 =	vor.u32 @p0 v15, v13;
	_ =	sdelay $0x3  }
0x16b: {  	[tilespmem:s19+$0xFFFFFFF0] =	vst @p0 v10  }
0x16c: {  	v10 =	vld.idx.msk @p0 [tilespmem:v13+s22+$0x0], $0xffff  }
0x16d: {  	v13 =	vshll.u32 @p0 v11, $0x5  }
0x16e: {  	v14 =	vor.u32 @p0 v14, v13;
	_ =	sdelay $0x3  }
0x16f: {  	s22 =	simm.s32 @p0 $0x1F400;
	[tilespmem:s19+$0x0] =	vst @p0 v10  }
0x170: {  	v10 =	vand.u32 @!p0 $0xFFFFFF80, v11;
	v14 =	vld.idx.msk @p0 [tilespmem:v14+s22+$0x0], $0xffff  }
0x171: {  	v11 =	vand.u32 @!p0 $0x7F, v11;
	v15 =	vadd.s32 @!p0 v10, v4  }
0x172: {  	v15 =	vor.u32 @!p0 v11, v15;
	_ =	sdelay $0x3  }
0x173: {  	s23 =	simm.s32 @!p0 $0x400;
	[tilespmem:s19+$0x10] =	vst @p0 v14  }
0x174: {  	v14 =	vld.idx.msk @!p0 [tilespmem:v15+s23+$0x0], $0xffff  }
0x175: {  	v12 =	vor.u32 @p0 v12, v13;
	v13 =	vadd.s32 @!p0 v10, v5  }
0x176: {  	v13 =	vor.u32 @!p0 v11, v13;
	_ =	sdelay $0x3  }
0x177: {  	v12 =	vld.idx.msk @p0 [tilespmem:v12+s22+$0x0], $0xffff;
	[tilespmem:s19+$0xFFFFFFD0] =	vst @!p0 v14  }
0x178: {  	v13 =	vld.idx.msk @!p0 [tilespmem:v13+s23+$0x0], $0xffff  }
0x179: {  	v14 =	vadd.s32 @!p0 v10, v6  }
0x17a: {  	v14 =	vor.u32 @!p0 v11, v14;
	_ =	sdelay $0x3  }
0x17b: {  	[tilespmem:s19+$0xFFFFFFE0] =	vst @!p0 v13  }
0x17c: {  	v13 =	vld.idx.msk @!p0 [tilespmem:v14+s23+$0x0], $0xffff  }
0x17d: {  	v14 =	vadd.s32 @!p0 v10, v7  }
0x17e: {  	v14 =	vor.u32 @!p0 v11, v14;
	_ =	sdelay $0x3  }
0x17f: {  	[tilespmem:s19+$0xFFFFFFF0] =	vst @!p0 v13  }
0x180: {  	v14 =	vld.idx.msk @!p0 [tilespmem:v14+s23+$0x0], $0xffff  }
0x181: {  	v13 =	vadd.s32 @!p0 v10, v8  }
.Ltmp11:
0x182: {  	v13 =	vor.u32 @!p0 v11, v13;
	(pc) =	sbr.rel @!p1 .LBB2_21-.Ltmp11, $2  }
0x183: {  	_ =	sdelay $0x2  }
0x184: {  	s21 =	sadd.s32 $0x1, s21;
	s23 =	simm.s32 @!p0 $0xC400;
	[tilespmem:s19+$0x0] =	vst @!p0 v14  }
.Ltmp12:
0x185: {  	_ = 	snop;
	(pc) =	sbr.rel .LBB2_22-.Ltmp12, $1  }
0x186: {  	_ =	sdelay $0x3  }
.LBB2_6:
0x187: {  	s22 =	simm.s32 $0x12460;
	s23 =	simm.s32 $0x12400;
	s24 =	simm.s32 $0x124C0  }
0x188: {  	s25 =	simm.s32 $0x12580;
	s26 =	sld [smem:$0x207];
	s18 =	simm.s32 $0x128E0  }
0x189: {  	s20 =	simm.s32 $0x12820;
	s19 =	simm.s32 $0x12880;
	s28 =	sld [smem:$0x201]  }
0x18a: {  	s30 =	simm.s32 $0x12520;
	s21 =	simm.s32 $0x127C0;
	s29 =	sld [smem:$0x200]  }
0x18b: {  	s14 =	simm.s32 $0x126A0;
	s8 =	simm.s32 $0x12640;
	s2 =	sld [smem:$0x202]  }
0x18c: {  	s26 =	sshll.u32 s26, $0x4;
	s28 =	sshll.u32 s28, $0x4;
	s11 =	sld [smem:$0x203]  }
0x18d: {  	s29 =	sshll.u32 s29, $0x4;
	s28 =	sand.u32 $0x1FFFFFF0, s28;
	s13 =	sld [smem:$0x204]  }
0x18e: {  	s29 =	sand.u32 $0x1FFFFFF0, s29;
	s2 =	sshll.u32 s2, $0x4;
	s5 =	sld [smem:$0x205]  }
0x18f: {  	s28 =	sadd.s32 s7, s28;
	s29 =	sadd.s32 s7, s29;
	s6 =	sld [smem:$0x206]  }
0x190: {  	[hbm4b:s29+s4] =	stream.linear.scatter [tilespmem:s23], [sflag:$0x3], $0x60, $0x38;
	[tilespmem:$0x1FC00] =	vst v63  }
0x191: {  	s11 =	sshll.u32 s11, $0x4;
	s2 =	sand.u32 $0x1FFFFFF0, s2;
	s13 =	sshll.u32 s13, $0x4  }
0x192: {  	s2 =	sadd.s32 s7, s2;
	s11 =	sand.u32 $0x1FFFFFF0, s11;
	s23 =	sld [smem:$0x20F]  }
0x193: {  	[hbm4b:s28+s4] =	stream.linear.scatter [tilespmem:s22], [sflag:$0x3], $0x60, $0x38;
	[tilespmem:$0x1FC00] =	vst v63  }
0x194: {  	s5 =	sshll.u32 s5, $0x4;
	s22 =	simm.s32 $0x125E0;
	s28 =	sadd.s32 s7, s11  }
0x195: {  	[hbm4b:s2+s4] =	stream.linear.scatter [tilespmem:s24], [sflag:$0x3], $0x60, $0x38;
	[tilespmem:$0x1FC00] =	vst v63  }
0x196: {  	s29 =	sand.u32 $0x1FFFFFF0, s13;
	s6 =	sshll.u32 s6, $0x4;
	s13 =	sld [smem:$0x20E]  }
0x197: {  	[hbm4b:s28+s4] =	stream.linear.scatter [tilespmem:s30], [sflag:$0x3], $0x60, $0x38;
	[tilespmem:$0x1FC00] =	vst v63  }
0x198: {  	s5 =	sand.u32 $0x1FFFFFF0, s5;
	s30 =	sadd.s32 s7, s29;
	s9 =	sld [smem:$0x208]  }
0x199: {  	[hbm4b:s30+s4] =	stream.linear.scatter [tilespmem:s25], [sflag:$0x3], $0x60, $0x38;
	[tilespmem:$0x1FC00] =	vst v63  }
0x19a: {  	s10 =	sand.u32 $0x1FFFFFF0, s6;
	s5 =	sadd.s32 s7, s5;
	s6 =	sld [smem:$0x20D]  }
0x19b: {  	[hbm4b:s5+s4] =	stream.linear.scatter [tilespmem:s22], [sflag:$0x3], $0x60, $0x38;
	[tilespmem:$0x1FC00] =	vst v63  }
0x19c: {  	s26 =	sand.u32 $0x1FFFFFF0, s26;
	s2 =	sadd.s32 s7, s10;
	s25 =	sld [smem:$0x209]  }
0x19d: {  	[hbm4b:s2+s4] =	stream.linear.scatter [tilespmem:s8], [sflag:$0x3], $0x60, $0x38;
	[tilespmem:$0x1FC00] =	vst v63  }
0x19e: {  	s26 =	sadd.s32 s7, s26;
	s24 =	sshll.u32 s9, $0x4;
	s8 =	sld [smem:$0x20A]  }
0x19f: {  	[hbm4b:s26+s4] =	stream.linear.scatter [tilespmem:s14], [sflag:$0x3], $0x60, $0x38;
	[tilespmem:$0x1FC00] =	vst v63  }
0x1a0: {  	s31 =	simm.s32 $0x12700;
	s0 =	simm.s32 $0x12760;
	s5 =	sand.u32 $0x1FFFFFF0, s24  }
0x1a1: {  	s30 =	sld [smem:$0x20B];
	s28 =	sadd.s32 s7, s5;
	s29 =	sshll.u32 s25, $0x4  }
0x1a2: {  	[hbm4b:s28+s4] =	stream.linear.scatter [tilespmem:s31], [sflag:$0x3], $0x60, $0x38;
	[tilespmem:$0x1FC00] =	vst v63  }
0x1a3: {  	s5 =	sand.u32 $0x1FFFFFF0, s29;
	s8 =	sshll.u32 s8, $0x4;
	s9 =	sld [smem:$0x20C]  }
0x1a4: {  	s2 =	sadd.s32 s7, s5;
	s5 =	sand.u32 $0x1FFFFFF0, s8;
	s11 =	sshll.u32 s30, $0x4  }
0x1a5: {  	[hbm4b:s2+s4] =	stream.linear.scatter [tilespmem:s0], [sflag:$0x3], $0x60, $0x38;
	[tilespmem:$0x1FC00] =	vst v63  }
0x1a6: {  	s10 =	sadd.s32 s7, s5;
	s14 =	sand.u32 $0x1FFFFFF0, s11;
	s22 =	sshll.u32 s9, $0x4  }
0x1a7: {  	[hbm4b:s10+s4] =	stream.linear.scatter [tilespmem:s21], [sflag:$0x3], $0x60, $0x38;
	[tilespmem:$0x1FC00] =	vst v63  }
0x1a8: {  	s24 =	sshll.u32 s6, $0x4;
	s2 =	sadd.s32 s7, s14;
	s5 =	sand.u32 $0x1FFFFFF0, s22  }
0x1a9: {  	[hbm4b:s2+s4] =	stream.linear.scatter [tilespmem:s20], [sflag:$0x3], $0x60, $0x38;
	[tilespmem:$0x1FC00] =	vst v63  }
0x1aa: {  	s25 =	sshll.u32 s13, $0x4;
	s0 =	sand.u32 $0x1FFFFFF0, s24;
	s5 =	sadd.s32 s7, s5  }
0x1ab: {  	[hbm4b:s5+s4] =	stream.linear.scatter [tilespmem:s19], [sflag:$0x3], $0x60, $0x38;
	[tilespmem:$0x1FC00] =	vst v63  }
0x1ac: {  	s26 =	sshll.u32 s23, $0x4;
	s0 =	sadd.s32 s7, s0;
	s2 =	sand.u32 $0x1FFFFFF0, s25  }
0x1ad: {  	[hbm4b:s0+s4] =	stream.linear.scatter [tilespmem:s18], [sflag:$0x3], $0x60, $0x38;
	[tilespmem:$0x1FC00] =	vst v63  }
0x1ae: {  	s29 =	simm.s32 $0x12940;
	s28 =	sadd.s32 s7, s2;
	s5 =	sand.u32 $0x1FFFFFF0, s26  }
0x1af: {  	[hbm4b:s28+s4] =	stream.linear.scatter [tilespmem:s29], [sflag:$0x3], $0x60, $0x38;
	[tilespmem:$0x1FC00] =	vst v63  }
0x1b0: {  	s31 =	simm.s32 $0x129A0;
	s30 =	sadd.s32 s7, s5  }
0x1b1: {  	[hbm4b:s30+s4] =	stream.linear.scatter [tilespmem:s31], [sflag:$0x3], $0x60, $0x38;
	[tilespmem:$0x1FC00] =	vst v63  }
0x1b2: {  	_ =	swait.ge [sflag:s15], $0x60  }
0x1b3: {  	[sflag:s15] =	ssyncset.done $0x0  }
0x1b4: {  	[sflag:s15] =	ssyncadd.s32 $0xFFFFFFA0  }
0x1b5: {  	_ =	swait.ge [sflag:s15], $0x60  }
0x1b6: {  	[sflag:s15] =	ssyncset.done $0x0  }
0x1b7: {  	[sflag:s15] =	ssyncadd.s32 $0xFFFFFFA0  }
0x1b8: {  	_ =	swait.ge [sflag:s15], $0x60  }
0x1b9: {  	[sflag:s15] =	ssyncset.done $0x0  }
0x1ba: {  	[sflag:s15] =	ssyncadd.s32 $0xFFFFFFA0  }
0x1bb: {  	_ =	swait.ge [sflag:s15], $0x60  }
0x1bc: {  	[sflag:s15] =	ssyncset.done $0x0  }
0x1bd: {  	[sflag:s15] =	ssyncadd.s32 $0xFFFFFFA0  }
0x1be: {  	_ =	swait.ge [sflag:s15], $0x60  }
0x1bf: {  	[sflag:s15] =	ssyncset.done $0x0  }
0x1c0: {  	[sflag:s15] =	ssyncadd.s32 $0xFFFFFFA0  }
0x1c1: {  	_ =	swait.ge [sflag:s15], $0x60  }
0x1c2: {  	[sflag:s15] =	ssyncset.done $0x0  }
0x1c3: {  	[sflag:s15] =	ssyncadd.s32 $0xFFFFFFA0  }
0x1c4: {  	s17 =	simm.s32 $0x208;
	s18 =	simm.s32 $0x1800;
	_ =	swait.ge [sflag:s15], $0x60  }
.LBB2_7:
0x1c5: {  	p0 =	sne.s32 s18, $0x2E800;
	[sflag:s15] =	ssyncset.done $0x0;
	s17 =	sadd.s32 $0x10, s17  }
0x1c6: {  	s0 =	smov.u32 s18;
	s18 =	sadd.s32 $0x1800, s18;
	[sflag:s15] =	ssyncadd.s32 $0xFFFFFFA0  }
0x1c7: {  	_ =	swait.ge [sflag:s15], $0x60  }
0x1c8: {  	[sflag:s15] =	ssyncset.done $0x0  }
0x1c9: {  	[sflag:s15] =	ssyncadd.s32 $0xFFFFFFA0  }
0x1ca: {  	_ =	swait.ge [sflag:s15], $0x60  }
0x1cb: {  	[sflag:s15] =	ssyncset.done $0x0  }
0x1cc: {  	[sflag:s15] =	ssyncadd.s32 $0xFFFFFFA0  }
0x1cd: {  	_ =	swait.ge [sflag:s15], $0x60  }
0x1ce: {  	[sflag:s15] =	ssyncset.done $0x0  }
0x1cf: {  	[sflag:s15] =	ssyncadd.s32 $0xFFFFFFA0  }
0x1d0: {  	s19 =	sshra.s32 s0, $0x2;
	_ =	swait.ge [sflag:s15], $0x60  }
0x1d1: {  	s25 =	sadd.s32 $0x12460, s19;
	[sflag:s15] =	ssyncset.done $0x0  }
0x1d2: {  	s30 =	sadd.s32 $0x12400, s19;
	[sflag:s15] =	ssyncadd.s32 $0xFFFFFFA0  }
0x1d3: {  	_ =	swait.ge [sflag:s15], $0x60  }
0x1d4: {  	[sflag:s15] =	ssyncset.done $0x0  }
0x1d5: {  	s28 =	sadd.s32 $0x124C0, s19;
	[sflag:s15] =	ssyncadd.s32 $0xFFFFFFA0  }
0x1d6: {  	_ =	swait.ge [sflag:s15], $0x60  }
0x1d7: {  	[sflag:s15] =	ssyncset.done $0x0  }
0x1d8: {  	[sflag:s15] =	ssyncadd.s32 $0xFFFFFFA0  }
0x1d9: {  	_ =	swait.ge [sflag:s15], $0x60  }
0x1da: {  	s26 =	sadd.s32 $0x12580, s19;
	[sflag:s15] =	ssyncset.done $0x0  }
0x1db: {  	[sflag:s15] =	ssyncadd.s32 $0xFFFFFFA0  }
0x1dc: {  	_ =	swait.ge [sflag:s15], $0x60  }
0x1dd: {  	[sflag:s15] =	ssyncset.done $0x0  }
0x1de: {  	[sflag:s15] =	ssyncadd.s32 $0xFFFFFFA0  }
0x1df: {  	_ =	swait.ge [sflag:s15], $0x60  }
0x1e0: {  	[sflag:s15] =	ssyncset.done $0x0  }
0x1e1: {  	[sflag:s15] =	ssyncadd.s32 $0xFFFFFFA0  }
0x1e2: {  	s20 =	sadd.s32 $0x128E0, s19;
	s0 =	sld [smem:s17+$0xFFFFFFFF]  }
0x1e3: {  	s22 =	sadd.s32 $0x12820, s19;
	s21 =	sadd.s32 $0x12880, s19;
	s2 =	sld [smem:s17+$0xFFFFFFF9]  }
0x1e4: {  	s6 =	sadd.s32 $0x12520, s19;
	s23 =	sadd.s32 $0x127C0, s19;
	s5 =	sld [smem:s17+$0xFFFFFFF8]  }
0x1e5: {  	s29 =	sadd.s32 $0x12700, s19;
	s24 =	sadd.s32 $0x12760, s19;
	s0 =	sshll.u32 s0, $0x4  }
0x1e6: {  	s2 =	sshll.u32 s2, $0x4;
	s8 =	sld [smem:s17+$0xFFFFFFFA];
	s0 =	sand.u32 $0x1FFFFFF0, s0  }
0x1e7: {  	s5 =	sshll.u32 s5, $0x4;
	s2 =	sand.u32 $0x1FFFFFF0, s2;
	s11 =	sld [smem:s17+$0xFFFFFFFB]  }
0x1e8: {  	s14 =	sadd.s32 $0x126A0, s19;
	s5 =	sand.u32 $0x1FFFFFF0, s5;
	s13 =	sld [smem:s17+$0xFFFFFFFC]  }
0x1e9: {  	s5 =	sadd.s32 s7, s5;
	s8 =	sshll.u32 s8, $0x4;
	s31 =	sld [smem:s17+$0xFFFFFFFD]  }
0x1ea: {  	s10 =	sadd.s32 $0x12640, s19;
	s11 =	sshll.u32 s11, $0x4;
	s9 =	sld [smem:s17+$0xFFFFFFFE]  }
0x1eb: {  	[hbm4b:s5+s4] =	stream.linear.scatter [tilespmem:s30], [sflag:$0x3], $0x60, $0x38;
	[tilespmem:$0x1FC00] =	vst v63  }
0x1ec: {  	s5 =	sand.u32 $0x1FFFFFF0, s8;
	s8 =	sshll.u32 s13, $0x4;
	s13 =	sshll.u32 s31, $0x4  }
0x1ed: {  	s30 =	sadd.s32 $0x125E0, s19;
	s5 =	sadd.s32 s7, s5;
	s31 =	sld [smem:s17+$0x7]  }
0x1ee: {  	s2 =	sadd.s32 s7, s2;
	s11 =	sand.u32 $0x1FFFFFF0, s11;
	s9 =	sshll.u32 s9, $0x4  }
0x1ef: {  	[hbm4b:s2+s4] =	stream.linear.scatter [tilespmem:s25], [sflag:$0x3], $0x60, $0x38;
	[tilespmem:$0x1FC00] =	vst v63  }
0x1f0: {  	s8 =	sand.u32 $0x1FFFFFF0, s8;
	s9 =	sand.u32 $0x1FFFFFF0, s9;
	s2 =	sadd.s32 s7, s11  }
0x1f1: {  	[hbm4b:s5+s4] =	stream.linear.scatter [tilespmem:s28], [sflag:$0x3], $0x60, $0x38;
	[tilespmem:$0x1FC00] =	vst v63  }
0x1f2: {  	s5 =	sadd.s32 s7, s8;
	s8 =	sand.u32 $0x1FFFFFF0, s13;
	s11 =	sld [smem:s17+$0x6]  }
0x1f3: {  	[hbm4b:s2+s4] =	stream.linear.scatter [tilespmem:s6], [sflag:$0x3], $0x60, $0x38;
	[tilespmem:$0x1FC00] =	vst v63  }
0x1f4: {  	s2 =	sadd.s32 s7, s8;
	s8 =	sshll.u32 s31, $0x4;
	s6 =	sld [smem:s17+$0x0]  }
0x1f5: {  	[hbm4b:s5+s4] =	stream.linear.scatter [tilespmem:s26], [sflag:$0x3], $0x60, $0x38;
	[tilespmem:$0x1FC00] =	vst v63  }
0x1f6: {  	s5 =	sadd.s32 s7, s9;
	s11 =	sshll.u32 s11, $0x4;
	s9 =	sld [smem:s17+$0x5]  }
0x1f7: {  	[hbm4b:s2+s4] =	stream.linear.scatter [tilespmem:s30], [sflag:$0x3], $0x60, $0x38;
	[tilespmem:$0x1FC00] =	vst v63  }
0x1f8: {  	s0 =	sadd.s32 s7, s0;
	s2 =	sshll.u32 s6, $0x4;
	s6 =	sld [smem:s17+$0x1]  }
0x1f9: {  	[hbm4b:s5+s4] =	stream.linear.scatter [tilespmem:s10], [sflag:$0x3], $0x60, $0x38;
	[tilespmem:$0x1FC00] =	vst v63  }
0x1fa: {  	s2 =	sand.u32 $0x1FFFFFF0, s2;
	s9 =	sshll.u32 s9, $0x4;
	s5 =	sld [smem:s17+$0x2]  }
0x1fb: {  	[hbm4b:s0+s4] =	stream.linear.scatter [tilespmem:s14], [sflag:$0x3], $0x60, $0x38;
	[tilespmem:$0x1FC00] =	vst v63  }
0x1fc: {  	s0 =	sadd.s32 s7, s2;
	s2 =	sshll.u32 s6, $0x4;
	s6 =	sld [smem:s17+$0x3]  }
0x1fd: {  	[hbm4b:s0+s4] =	stream.linear.scatter [tilespmem:s29], [sflag:$0x3], $0x60, $0x38;
	[tilespmem:$0x1FC00] =	vst v63  }
0x1fe: {  	s0 =	sand.u32 $0x1FFFFFF0, s2;
	s2 =	sshll.u32 s5, $0x4;
	s5 =	sld [smem:s17+$0x4]  }
0x1ff: {  	s0 =	sadd.s32 s7, s0;
	s2 =	sand.u32 $0x1FFFFFF0, s2;
	s6 =	sshll.u32 s6, $0x4  }
0x200: {  	[hbm4b:s0+s4] =	stream.linear.scatter [tilespmem:s24], [sflag:$0x3], $0x60, $0x38;
	[tilespmem:$0x1FC00] =	vst v63  }
0x201: {  	s0 =	sadd.s32 s7, s2;
	s2 =	sand.u32 $0x1FFFFFF0, s6;
	s5 =	sshll.u32 s5, $0x4  }
0x202: {  	[hbm4b:s0+s4] =	stream.linear.scatter [tilespmem:s23], [sflag:$0x3], $0x60, $0x38;
	[tilespmem:$0x1FC00] =	vst v63  }
0x203: {  	s0 =	sadd.s32 s7, s2;
	s2 =	sand.u32 $0x1FFFFFF0, s5;
	s5 =	sand.u32 $0x1FFFFFF0, s9  }
0x204: {  	[hbm4b:s0+s4] =	stream.linear.scatter [tilespmem:s22], [sflag:$0x3], $0x60, $0x38;
	[tilespmem:$0x1FC00] =	vst v63  }
0x205: {  	s0 =	sadd.s32 s7, s2;
	s2 =	sadd.s32 s7, s5;
	s5 =	sand.u32 $0x1FFFFFF0, s11  }
0x206: {  	[hbm4b:s0+s4] =	stream.linear.scatter [tilespmem:s21], [sflag:$0x3], $0x60, $0x38;
	[tilespmem:$0x1FC00] =	vst v63  }
0x207: {  	s6 =	sand.u32 $0x1FFFFFF0, s8;
	s0 =	sadd.s32 s7, s5;
	s5 =	sadd.s32 $0x12940, s19  }
0x208: {  	[hbm4b:s2+s4] =	stream.linear.scatter [tilespmem:s20], [sflag:$0x3], $0x60, $0x38;
	[tilespmem:$0x1FC00] =	vst v63  }
0x209: {  	s2 =	sadd.s32 s7, s6;
	s6 =	sadd.s32 $0x129A0, s19  }
0x20a: {  	[hbm4b:s0+s4] =	stream.linear.scatter [tilespmem:s5], [sflag:$0x3], $0x60, $0x38;
	[tilespmem:$0x1FC00] =	vst v63  }
0x20b: {  	_ = 	snop  }
0x20c: {  	[hbm4b:s2+s4] =	stream.linear.scatter [tilespmem:s6], [sflag:$0x3], $0x60, $0x38;
	[tilespmem:$0x1FC00] =	vst v63  }
0x20d: {  	_ =	swait.ge [sflag:s15], $0x60  }
0x20e: {  	[sflag:s15] =	ssyncset.done $0x0  }
0x20f: {  	[sflag:s15] =	ssyncadd.s32 $0xFFFFFFA0  }
0x210: {  	_ =	swait.ge [sflag:s15], $0x60  }
0x211: {  	[sflag:s15] =	ssyncset.done $0x0  }
0x212: {  	[sflag:s15] =	ssyncadd.s32 $0xFFFFFFA0  }
0x213: {  	_ =	swait.ge [sflag:s15], $0x60  }
0x214: {  	[sflag:s15] =	ssyncset.done $0x0  }
0x215: {  	[sflag:s15] =	ssyncadd.s32 $0xFFFFFFA0  }
0x216: {  	_ =	swait.ge [sflag:s15], $0x60  }
0x217: {  	[sflag:s15] =	ssyncset.done $0x0  }
0x218: {  	[sflag:s15] =	ssyncadd.s32 $0xFFFFFFA0  }
0x219: {  	_ =	swait.ge [sflag:s15], $0x60  }
0x21a: {  	[sflag:s15] =	ssyncset.done $0x0  }
.Ltmp13:
0x21b: {  	[sflag:s15] =	ssyncadd.s32 $0xFFFFFFA0;
	(pc) =	sbr.rel @p0 .LBB2_7-.Ltmp13, $4  }
0x21c: {  	_ =	swait.ge [sflag:s15], $0x60  }
0x21d: {  	[sflag:s15] =	ssyncset.done $0x0  }
0x21e: {  	[sflag:s15] =	ssyncadd.s32 $0xFFFFFFA0  }
0x21f: {  	_ =	swait.ge [sflag:s15], $0x60  }
0x220: {  	[sflag:s15] =	ssyncset.done $0x0  }
0x221: {  	[sflag:s15] =	ssyncadd.s32 $0xFFFFFFA0  }
0x222: {  	_ =	swait.ge [sflag:s15], $0x60  }
0x223: {  	[sflag:s15] =	ssyncset.done $0x0  }
0x224: {  	[sflag:s15] =	ssyncadd.s32 $0xFFFFFFA0  }
0x225: {  	_ =	swait.ge [sflag:s15], $0x60  }
0x226: {  	[sflag:s15] =	ssyncset.done $0x0  }
0x227: {  	[sflag:s15] =	ssyncadd.s32 $0xFFFFFFA0  }
0x228: {  	_ =	swait.ge [sflag:s15], $0x60  }
0x229: {  	[sflag:s15] =	ssyncset.done $0x0  }
0x22a: {  	[sflag:s15] =	ssyncadd.s32 $0xFFFFFFA0  }
0x22b: {  	_ =	swait.ge [sflag:s15], $0x60  }
0x22c: {  	[sflag:s15] =	ssyncset.done $0x0  }
0x22d: {  	[sflag:s15] =	ssyncadd.s32 $0xFFFFFFA0  }
0x22e: {  	_ =	swait.ge [sflag:s15], $0x60  }
0x22f: {  	[sflag:s15] =	ssyncset.done $0x0  }
0x230: {  	[sflag:s15] =	ssyncadd.s32 $0xFFFFFFA0  }
0x231: {  	_ =	swait.ge [sflag:s15], $0x60  }
0x232: {  	[sflag:s15] =	ssyncset.done $0x0  }
0x233: {  	[sflag:s15] =	ssyncadd.s32 $0xFFFFFFA0  }
0x234: {  	_ =	swait.ge [sflag:s15], $0x60  }
0x235: {  	[sflag:s15] =	ssyncset.done $0x0  }
0x236: {  	[sflag:s15] =	ssyncadd.s32 $0xFFFFFFA0  }
0x237: {  	_ =	swait.ge [sflag:s15], $0x60  }
0x238: {  	[sflag:s15] =	ssyncset.done $0x0  }
0x239: {  	[sflag:s15] =	ssyncadd.s32 $0xFFFFFFA0  }
0x23a: {  	_ =	swait.ge [sflag:s15], $0x60  }
0x23b: {  	s16 =	sadd.s32 $0x1, s16;
	s0 =	rddreg [dreg:$0x9]  }
0x23c: {  	p0 =	sne.s32 s16, s0  }
.Ltmp14:
0x23d: {  	_ = 	snop;
	(pc) =	sbr.rel @p0 .LBB2_1-.Ltmp14, $4  }
.Ltmp15:
0x23e: {  	_ = 	snop;
	(pc) =	sbr.rel @!p0 .LBB2_9-.Ltmp15, $4  }
0x23f: {  	_ = 	snop  }
0x240: {  	[sflag:s15] =	ssyncset.done $0x0  }
0x241: {  	s5 =	simm.s32 $0x200;
	[sflag:s15] =	ssyncadd.s32 $0xFFFFFFA0  }
0x242: {  	_ = 	snop  }
.LBB2_11:
.Ltmp16:
0x243: {  	(pc) =	sbr.rel .LBB2_17-.Ltmp16, $2  }
0x244: {  	_ =	sdelay $0x2  }
0x245: {  	s24 =	simm.s32 $0xC400;
	s20 =	simm.s32 $0x400  }
.LBB2_13:
.Ltmp17:
0x246: {  	(pc) =	sbr.rel .LBB2_17-.Ltmp17, $2  }
0x247: {  	_ =	sdelay $0x2  }
0x248: {  	s24 =	simm.s32 $0xC400;
	s20 =	simm.s32 $0x400  }
.LBB2_15:
.Ltmp18:
0x249: {  	(pc) =	sbr.rel .LBB2_17-.Ltmp18, $2  }
0x24a: {  	_ =	sdelay $0x2  }
0x24b: {  	s24 =	simm.s32 $0xC400  }
.LBB2_9:
0x24c: {  	_ =	sfence.sel $0x180000  }
0x24d: {  	[bflag:$0x0] =	sbarrier.arrive $0xFFFF  }
0x24e: {  	_ =	strace $0x9000004A  }
0x24f: {  	s0 =	stileid.u32;
	[bflag:$0x2] =	sbarrier.arrive $0xFFFF  }
0x250: {  	p0 =	sne.s32 s0, $0x0;
	s0 =	rddreg [dreg:$0x4]  }
0x251: {  	s0 =	sadd.s32 @!p0 $0x100000, s0  }
0x252: {  	[sflag:s0] =	ssyncadd.tile.s32 @!p0 $0x1;
	_ =	shalt  }
.Lfunc_end2:
_tile_overlayer_lowered:
.L_overlay_start_2:
0x253: {  	(tag) =	ssettag $0x2  }
0x254: {  	s0 =	rddreg [dreg:$0x0];
	s2 =	stileid.u32  }
0x255: {  	s1 =	rddreg [dreg:$0x1];
	p0 =	sne.s32 s2, $0x0  }
0x256: {  	s3 =	rddreg [dreg:$0x2];
	[bflag:$0x3] =	sbarrier.arrive $0xFFFF;
	s2 =	simm.s32 @!p0 $0x1C04  }
0x257: {  	[timem:s3], [sflag:s2] =	dma.local @!p0 [hbm:s0], s1  }
0x258: {  	s0 =	simm.s32 @!p0 $0x4  }
0x259: {  	_ =	swait.ge @!p0 [sflag:s0], s1  }
0x25a: {  	s1 =	ssub.s32 @!p0 $0x0, s1;
	[sflag:s0] =	ssyncset.done @!p0 $0x0  }
0x25b: {  	[sflag:s0] =	ssyncadd.s32 @!p0 s1  }
0x25c: {  	[bflag:$0x3] =	sbarrier.arrive $0xFFFF  }
0x25d: {  	_ =	shalt  }

// kernel: kernel.8.cloned.1.call-start
scs
__scs_entry_jumppad:
0x0: {  	(pc) =	sbr.rel $0x88, $3  }
0x1: {  	(tag) =	ssettag $0x0;
	lr =	simm.s32 $0x1  }
0x2: {  	[smem:$0x3F95] =	sst lr;
	_ =	strace $0xD0000000  }
0x3: {  	_ = 	snop  }
0x4: {  	_ = 	snop  }
0x5: {  	_ = 	snop  }
0x6: {  	_ = 	snop  }
0x7: {  	_ = 	snop  }
__scs_overlays_trampoline_lowered:
0x8: {  	[smem:$0x3FA4] =	sst s0  }
0x9: {  	[smem:$0x3FA5] =	sst s1  }
0xa: {  	[smem:$0x3FA6] =	sst s2  }
0xb: {  	[smem:$0x3FA7] =	sst s3  }
0xc: {  	[smem:$0x3FA8] =	sst s4  }
0xd: {  	[smem:$0x3FA9] =	sst s5  }
0xe: {  	[smem:$0x3FAA] =	sst s6  }
0xf: {  	[smem:$0x3FAB] =	sst s7  }
0x10: {  	[smem:$0x3FAC] =	sst s8  }
0x11: {  	[smem:$0x3FAD] =	sst s9;
	s0 =	simm.s32 @!p0 $0x0  }
0x12: {  	s1 =	sld [smem:$0x3F93];
	s0 =	simm.s32 @p0 $0x1  }
0x13: {  	[smem:$0x3FAE] =	sst s0;
	s0 =	simm.s32 @!p1 $0x0  }
0x14: {  	s2 =	sld [smem:$0x3F92];
	s0 =	simm.s32 @p1 $0x1  }
0x15: {  	[smem:$0x3FAF] =	sst s0;
	s0 =	simm.s32 @!p2 $0x0  }
0x16: {  	s3 =	sld [smem:$0x3FDB];
	s0 =	simm.s32 @p2 $0x1  }
0x17: {  	s4 =	simm.s32 $0x1BF5;
	[smem:$0x3FB1] =	sst s0  }
0x18: {  	s0 =	sld [smem:$0x3F94];
	_ =	swait.ge [sflag:s4], $0x0  }
0x19: {  	s7 =	sld [smem:$0x3F95]  }
0x1a: {  	s8 =	sadd.s32 $0xFFFFE003, lr  }
0x1b: {  	s9 =	sadd.s32 $0xFFFFFEF7, lr;
	s5 =	simm.s32 $0xFFFFFFFF;
	p2 =	slt.u32 s8, $0xFFFFF086  }
0x1c: {  	p1 =	slt.u32 s9, $0xF7A;
	s5 =	simm.s32 @!p2 $0x0  }
0x1d: {  	s5 =	simm.s32 @p1 $0x1;
	p0 =	seq.s32 s7, s2  }
0x1e: {  	s7 =	smul.u32 @!p0 $0xF7A, s2;
	p2 =	seq.s32 @!p0 s5, $0x0  }
0x1f: {  	s9 =	smul.u32 $0xF7A, s1;
	s8 =	simm.s32 @!p0 $0x1BF5;
	p2 =	por !p2, p0  }
0x20: {  	[sflag:s8] =	ssyncset.s32 @!p0 $0xFFFFF086;
	s6 =	sadd.s32 @!p0 s3, s7;
	s7 =	simm.s32 @!p0 $0x108  }
0x21: {  	s3 =	sadd.s32 s3, s9;
	s6 =	sadd.s32 @!p0 $0x88, s6;
	s7 =	simm.s32 @p2 $0x1082  }
0x22: {  	[simem:s7], [sflag:s8] =	dma.local @!p0 [hbm:s6], $0xF7A  }
0x23: {  	s9 =	sor.u32 $0xD0000000, s2;
	s6 =	simm.s32 $0x108;
	_ =	swait.ge @!p0 [sflag:s8], $0x0  }
0x24: {  	s3 =	sadd.s32 $0x88, s3;
	s6 =	simm.s32 @!p1 $0x1082;
	[sflag:s4] =	ssyncset.s32 $0xFFFFF086  }
0x25: {  	[simem:s6], [sflag:s4] =	dma.local [hbm:s3], $0xF7A  }
0x26: {  	[smem:$0x3F95] =	sst s1;
	(tag) =	ssettag s2;
	_ =	strace s9  }
0x27: {  	s1 =	sld [smem:$0x3FA5]  }
0x28: {  	s2 =	sld [smem:$0x3FA6]  }
0x29: {  	s4 =	sld [smem:$0x3FA8]  }
0x2a: {  	p0 =	seq.s32 s5, $0x0;
	s5 =	sld [smem:$0x3FA9]  }
0x2b: {  	s6 =	sld [smem:$0x3FAA]  }
0x2c: {  	s7 =	sld [smem:$0x3FAB]  }
0x2d: {  	s3 =	simm.s32 $0x108;
	s8 =	sld [smem:$0x3FAC]  }
0x2e: {  	s3 =	simm.s32 @!p0 $0x1082;
	s9 =	sld [smem:$0x3FAD]  }
0x2f: {  	lr =	sadd.s32 s0, s3;
	s0 =	sld [smem:$0x3FA4]  }
0x30: {  	s3 =	sld [smem:$0x3FA7]  }
0x31: {  	[smem:$0x3FB0] =	sst s10  }
0x32: {  	s10 =	sld [smem:$0x3FAE];
	_ =	sdelay $0x3  }
0x33: {  	p0 =	seq.s32 s10, $0x1;
	s10 =	sld [smem:$0x3FB0];
	_ =	sdelay $0x3  }
0x34: {  	[smem:$0x3FB0] =	sst s10  }
0x35: {  	s10 =	sld [smem:$0x3FAF];
	_ =	sdelay $0x3  }
0x36: {  	p1 =	seq.s32 s10, $0x1;
	s10 =	sld [smem:$0x3FB0];
	_ =	sdelay $0x3  }
0x37: {  	[smem:$0x3FB0] =	sst s10  }
0x38: {  	s10 =	sld [smem:$0x3FB1]  }
0x39: {  	_ = 	snop;
	(pc) =	sbr.ind lr, $3  }
0x3a: {  	_ = 	snop  }
0x3b: {  	_ = 	snop  }
0x3c: {  	p2 =	seq.s32 s10, $0x1;
	s10 =	sld [smem:$0x3FB0]  }
0x3d: {  	_ =	shalt  }
0x3e: {  	_ =	shalt  }
0x3f: {  	_ =	shalt  }
0x40: {  	_ =	shalt  }
0x41: {  	_ =	shalt  }
0x42: {  	_ =	shalt  }
0x43: {  	_ =	shalt  }
0x44: {  	_ =	shalt  }
0x45: {  	_ =	shalt  }
0x46: {  	_ =	shalt  }
0x47: {  	_ =	shalt  }
0x48: {  	_ =	shalt  }
0x49: {  	_ =	shalt  }
0x4a: {  	_ =	shalt  }
0x4b: {  	_ =	shalt  }
0x4c: {  	_ =	shalt  }
0x4d: {  	_ =	shalt  }
0x4e: {  	_ =	shalt  }
0x4f: {  	_ =	shalt  }
0x50: {  	_ =	shalt  }
0x51: {  	_ =	shalt  }
0x52: {  	_ =	shalt  }
0x53: {  	_ =	shalt  }
0x54: {  	_ =	shalt  }
0x55: {  	_ =	shalt  }
0x56: {  	_ =	shalt  }
0x57: {  	_ =	shalt  }
0x58: {  	_ =	shalt  }
0x59: {  	_ =	shalt  }
0x5a: {  	_ =	shalt  }
0x5b: {  	_ =	shalt  }
0x5c: {  	_ =	shalt  }
0x5d: {  	_ =	shalt  }
0x5e: {  	_ =	shalt  }
0x5f: {  	_ =	shalt  }
0x60: {  	_ =	shalt  }
0x61: {  	_ =	shalt  }
0x62: {  	_ =	shalt  }
0x63: {  	_ =	shalt  }
0x64: {  	_ =	shalt  }
0x65: {  	_ =	shalt  }
0x66: {  	_ =	shalt  }
0x67: {  	_ =	shalt  }
0x68: {  	_ =	shalt  }
0x69: {  	_ =	shalt  }
0x6a: {  	_ =	shalt  }
0x6b: {  	_ =	shalt  }
0x6c: {  	_ =	shalt  }
0x6d: {  	_ =	shalt  }
0x6e: {  	_ =	shalt  }
0x6f: {  	_ =	shalt  }
0x70: {  	_ =	shalt  }
0x71: {  	_ =	shalt  }
0x72: {  	_ =	shalt  }
0x73: {  	_ =	shalt  }
0x74: {  	_ =	shalt  }
0x75: {  	_ =	shalt  }
0x76: {  	_ =	shalt  }
0x77: {  	_ =	shalt  }
0x78: {  	_ =	shalt  }
0x79: {  	_ =	shalt  }
0x7a: {  	_ =	shalt  }
0x7b: {  	_ =	shalt  }
0x7c: {  	_ =	shalt  }
0x7d: {  	_ =	shalt  }
0x7e: {  	_ =	shalt  }
0x7f: {  	_ =	shalt  }
0x80: {  	_ =	shalt  }
0x81: {  	_ =	shalt  }
0x82: {  	_ =	shalt  }
0x83: {  	_ =	shalt  }
0x84: {  	_ =	shalt  }
0x85: {  	_ =	shalt  }
0x86: {  	_ =	shalt  }
0x87: {  	_ =	shalt  }
.Lfunc_end0:
.L_simem_size_0:
called_computation.1_lowered:
.L_overlay_start_0:
0x88: {  	s2 =	sld [smem:$0x3FD9]  }
0x89: {  	s3 =	sld [smem:$0x3FFE];
	_ =	sdelay $0x1  }
0x8a: {  	s1 =	srdreg.scid  }
0x8b: {  	s0 =	sand.u32 $0x1, s1  }
0x8c: {  	s17 =	sshll.u32 s0, $0xA;
	s2 =	sadd.s32 s3, s2  }
0x8d: {  	s2 =	sadd.s32 s2, s17  }
0x8e: {  	[smem:$0x3FBC] =	sst s2  }
0x8f: {  	_ = 	snop  }
0x90: {  	s2 =	sld [smem:$0x3FC6]  }
0x91: {  	s18 =	sld [smem:$0x3FC4];
	(tm) =	ssettm $0x1  }
0x92: {  	s4 =	sld [smem:$0x3FFB];
	_ =	sdelay $0x3  }
0x93: {  	_ =	strace s4  }
0x94: {  	s4 =	sld [smem:$0x3FFC];
	_ =	sdelay $0x3  }
0x95: {  	_ =	strace s4  }
0x96: {  	s4 =	sld [smem:$0x3FFD];
	_ =	sdelay $0x3  }
0x97: {  	_ =	strace s4  }
0x98: {  	_ =	strace $0x8FFFFFFF  }
0x99: {  	s19 =	sld [smem:$0x3FDB];
	_ =	sdelay $0x1  }
0x9a: {  	s5 =	simm.s32 $_scs_section_size  }
0x9b: {  	s6 =	simm.s32 $_size__tile_overlayer_lowered;
	s7 =	simm.s32 $_tile_overlayer_lowered  }
0x9c: {  	s22 =	simm.s32 $0x1BFF;
	s21 =	sshll.u32 s7, $0x1;
	s4 =	sadd.s32 s5, s19  }
0x9d: {  	s8 =	simm.s32 $0x0;
	s20 =	sshll.u32 s6, $0x1;
	s6 =	sadd.s32 s21, s4  }
0x9e: {  	[timem:s8], [sflag:s22] =	dma.local [hbm:s6], s20  }
0x9f: {  	_ =	swait.ge [sflag:s22], s20  }
0xa0: {  	s5 =	ssub.s32 $0x0, s20;
	[sflag:s22] =	ssyncset.done $0x0  }
0xa1: {  	[sflag:s22] =	ssyncadd.s32 s5;
	_ =	sdelay $0x1  }
0xa2: {  	s23 =	simm.s32 $0x1B8B  }
0xa3: {  	_ =	swait.ge [sflag:s23], $0x1  }
0xa4: {  	[sflag:s23] =	ssyncset.done $0x0  }
0xa5: {  	s25 =	simm.s32 $0x1B8E;
	s24 =	sld [smem:$0x3FFE];
	[sflag:s23] =	ssyncadd.s32 $0xFFFFFFFF  }
0xa6: {  	s26 =	simm.s32 $execute0_lowered;
	[smem:$0x3FD2] =	sst s25  }
0xa7: {  	s6 =	sshll.u32 s26, $0x1;
	_ =	strace $0x80000046;
	[dreg:$0x1] =	wrdreg $0xFFFFFFFF  }
0xa8: {  	s28 =	simm.s32 $_size_execute0_lowered;
	s4 =	sadd.s32 s4, s6;
	[dreg:$0x0] =	wrdreg $0x0  }
0xa9: {  	s6 =	sshll.u32 s28, $0x1;
	[dreg:$0x2] =	wrdreg s4  }
0xaa: {  	[dreg:$0x3] =	wrdreg s6  }
0xab: {  	[dreg:$0x4] =	wrdreg $0xC0  }
0xac: {  	_ =	task [dreg:s8], $0x5FFFF  }
0xad: {  	[dreg:$0x1] =	wrdreg $0xFFFFFFFF  }
0xae: {  	[dreg:$0x0] =	wrdreg $0x60  }
0xaf: {  	[dreg:$0x2] =	wrdreg s24  }
0xb0: {  	[dreg:$0x3] =	wrdreg s18  }
0xb1: {  	[dreg:$0x4] =	wrdreg s2  }
0xb2: {  	[dreg:$0x5] =	wrdreg $0xA  }
0xb3: {  	_ =	task.clear_ibuf [dreg:s8], $0x6FFFF;
	_ =	strace $0x90000046  }
0xb4: {  	s29 =	simm.s32 $0xA;
	_ =	strace $0x80000048  }
0xb5: {  	_ =	swait.ge [sflag:s29], $0x1  }
0xb6: {  	[sflag:s29] =	ssyncadd.s32 $0xFFFFFFFF  }
0xb7: {  	_ =	strace $0x90000048  }
0xb8: {  	_ =	sfence  }
0xb9: {  	s30 =	sld [smem:$0x0];
	_ =	sdelay $0x2  }
0xba: {  	s31 =	sshll.u32 s1, $0xD;
	s1 =	sshrl.u32 s1, $0x2  }
0xbb: {  	s3 =	sand.u32 $0x4000, s31;
	s1 =	sadd.s32 s1, s30  }
0xbc: {  	s0 =	sor.u32 s3, s0;
	s1 =	sshll.u32 s1, $0x11  }
0xbd: {  	s0 =	sor.u32 s1, s0  }
0xbe: {  	s0 =	sadd.s32 $0x8F2B, s0  }
0xbf: {  	[sflag:s0] =	ssyncadd.remote.s32 $0x1  }
0xc0: {  	_ =	sfence.sel $0xFFFF  }
0xc1: {  	[dreg:$0x0] =	wrdreg $0xFFFFFFFF;
	(pc) =	sbr.abs _section_cstart, $3  }
0xc2: {  	[dreg:$0x1] =	wrdreg $0xFFFFFFFF  }
0xc3: {  	_ =	task.clear_ibuf [dreg:s8], $0x2FFFF;
	_ =	strace $0x9FFFFFFF  }
0xc4: {  	(tm) =	ssettm $0x7FFFFFFF  }
0xc5: {  	_ =	shalt  }
tec
execute0_lowered:
.L_overlay_start_1:
0x0: {  	(tag) =	ssettag $0x1  }
0x1: {  	s7 =	rddreg [dreg:$0x0]  }
0x2: {  	s1 =	rddreg [dreg:$0x1]  }
0x3: {  	s3 =	rddreg [dreg:$0x2];
	s5 =	srdreg.scid  }
0x4: {  	s4 =	simm.s32 $0x0;
	s0 =	stileid.u32;
	s12 =	simm.s32 $0x4  }
0x5: {  	s15 =	simm.s32 $0x3;
	s5 =	sand.u32 $0x1, s5;
	[smem:$0x7FF] =	sst s4  }
0x6: {  	s6 =	sshll.u32 s0, $0x7;
	s26 =	sadd.s32 $0x600, s7;
	s8 =	sshll.u32 s5, $0x6  }
0x7: {  	s28 =	sadd.s32 $0x800, s7;
	_ =	strace $0x80000047;
	s6 =	sor.u32 s8, s6  }
0x8: {  	s25 =	ssub.s32 $0x2, s5;
	[dreg:$0x4] =	wrdreg s26;
	s9 =	sadd.s32 s6, s7  }
0x9: {  	v0 =	vlaneseq.u32;
	[dreg:$0x5] =	wrdreg s28;
	s10 =	sshrl.u32 s25, $0x1;
	s29 =	sadd.s32 $0xA00, s9  }
0xa: {  	v0 =	vmul.u32 $0x80, v0;
	s10 =	ssub.s32 s25, s10;
	s30 =	sadd.s32 $0x1200, s9;
	[dreg:$0x6] =	wrdreg s29  }
0xb: {  	s16 =	simm.s32 $0x0;
	s31 =	smax.u32 s10, $0x1;
	[dreg:$0x7] =	wrdreg s30  }
0xc: {  	s5 =	simm.s32 $0x200;
	v1 =	vor.u32 $0x800, v0;
	v2 =	vor.u32 $0x1000, v0;
	v3 =	vor.u32 $0x1800, v0;
	s7 =	sadd.s32 $0x1A00, s7;
	[dreg:$0x8] =	wrdreg s31  }
.LBB2_1:
0xd: {  	s0 =	rddreg [dreg:$0x4];
	s2 =	simm.s32 $0x1E400  }
0xe: {  	[tilespmem:s2], [sflag:$0x4] =	stream.linear.gather [hbm4b:s0+s4], $0x800, $0x38;
	[tilespmem:$0x1FC00] =	vst v63  }
0xf: {  	_ =	swait.ge [sflag:s12], $0x800  }
0x10: {  	[sflag:s12] =	ssyncset.done $0x0  }
0x11: {  	s28 =	simm.s32 $0x1F400;
	s26 =	rddreg [dreg:$0x5];
	[sflag:s12] =	ssyncadd.s32 $0xFFFFF800  }
0x12: {  	[tilespmem:s28], [sflag:$0x4] =	stream.linear.gather [hbm4b:s26+s4], $0x400, $0x38;
	[tilespmem:$0x1FC00] =	vst v63  }
0x13: {  	_ =	swait.ge [sflag:s12], $0x400  }
0x14: {  	[sflag:s12] =	ssyncset.done $0x0  }
0x15: {  	s29 =	rddreg [dreg:$0x6];
	[sflag:s12] =	ssyncadd.s32 $0xFFFFFC00  }
0x16: {  	[tilespmem:s4], [sflag:$0x4] =	stream.linear.gather [hbm4b:s29+s4], $0x200, $0x38;
	[tilespmem:$0x1FC00] =	vst v63  }
0x17: {  	_ =	swait.ge [sflag:s12], $0x200  }
0x18: {  	[sflag:s12] =	ssyncset.done $0x0  }
0x19: {  	s30 =	rddreg [dreg:$0x7];
	[sflag:s12] =	ssyncadd.s32 $0xFFFFFE00  }
0x1a: {  	[tilespmem:s5], [sflag:$0x4] =	stream.linear.gather [hbm4b:s30+s4], $0x200, $0x38;
	[tilespmem:$0x1FC00] =	vst v63  }
0x1b: {  	_ =	swait.ge [sflag:s12], $0x200  }
0x1c: {  	[sflag:s12] =	ssyncset.done $0x0  }
0x1d: {  	s17 =	simm.s32 $0x0;
	[sflag:s12] =	ssyncadd.s32 $0xFFFFFE00  }
0x1e: {  	v6 =	vld [tilespmem:s17+$0x0]  }
0x1f: {  	v7 =	vld [tilespmem:s17+$0x200];
	_ =	sdelay $0x3  }
0x20: {  	(v2sf) =	vpush v6, $0x0  }
0x21: {  	(v2sf) =	vpush v7, $0x0;
	_ =	sdelay $0x1  }
0x22: {  	(v2sf) =	vpush v6, $0x1  }
0x23: {  	(v2sf) =	vpush v7, $0x1  }
0x24: {  	(v2sf) =	vpush v6, $0x2  }
0x25: {  	(v2sf) =	vpush v7, $0x2  }
0x26: {  	(v2sf) =	vpush v6, $0x3  }
0x27: {  	(v2sf) =	vpush v7, $0x3  }
0x28: {  	(v2sf) =	vpush v6, $0x4  }
0x29: {  	(v2sf) =	vpush v7, $0x4  }
0x2a: {  	(v2sf) =	vpush v6, $0x5  }
0x2b: {  	(v2sf) =	vpush v7, $0x5  }
0x2c: {  	(v2sf) =	vpush v6, $0x6  }
0x2d: {  	(v2sf) =	vpush v7, $0x6  }
0x2e: {  	(v2sf) =	vpush v6, $0x7;
	s18 =	spop (v2sf)  }
0x2f: {  	(v2sf) =	vpush v7, $0x7;
	[smem:s17] =	sst s18;
	s31 =	spop (v2sf)  }
0x30: {  	(v2sf) =	vpush v6, $0x8;
	[smem:$0x200] =	sst s31  }
0x31: {  	s18 =	spop (v2sf)  }
0x32: {  	(v2sf) =	vpush v7, $0x8;
	[smem:$0x1] =	sst s18  }
0x33: {  	s18 =	spop (v2sf)  }
0x34: {  	(v2sf) =	vpush v6, $0x9;
	[smem:$0x201] =	sst s18  }
0x35: {  	s18 =	spop (v2sf)  }
0x36: {  	(v2sf) =	vpush v7, $0x9;
	[smem:$0x2] =	sst s18  }
0x37: {  	s18 =	spop (v2sf)  }
0x38: {  	(v2sf) =	vpush v6, $0xA;
	[smem:$0x202] =	sst s18  }
0x39: {  	s18 =	spop (v2sf)  }
0x3a: {  	(v2sf) =	vpush v7, $0xA;
	[smem:$0x3] =	sst s18  }
0x3b: {  	s18 =	spop (v2sf)  }
0x3c: {  	(v2sf) =	vpush v6, $0xB;
	[smem:$0x203] =	sst s18  }
0x3d: {  	s18 =	spop (v2sf)  }
0x3e: {  	(v2sf) =	vpush v7, $0xB;
	[smem:$0x4] =	sst s18  }
0x3f: {  	s18 =	spop (v2sf)  }
0x40: {  	(v2sf) =	vpush v6, $0xC;
	[smem:$0x204] =	sst s18  }
0x41: {  	s18 =	spop (v2sf)  }
0x42: {  	(v2sf) =	vpush v7, $0xC;
	[smem:$0x5] =	sst s18  }
0x43: {  	s19 =	spop (v2sf)  }
0x44: {  	(v2sf) =	vpush v6, $0xD;
	[smem:$0x205] =	sst s19  }
0x45: {  	s18 =	simm.s32 $0x10;
	s19 =	spop (v2sf)  }
0x46: {  	(v2sf) =	vpush v7, $0xD;
	v4 =	vld [tilespmem:s18+$0x0];
	[smem:$0x6] =	sst s19  }
0x47: {  	s19 =	spop (v2sf)  }
0x48: {  	(v2sf) =	vpush v6, $0xE;
	v5 =	vld [tilespmem:s18+$0x200];
	[smem:$0x206] =	sst s19  }
0x49: {  	s19 =	spop (v2sf)  }
0x4a: {  	(v2sf) =	vpush v7, $0xE;
	[smem:$0x7] =	sst s19  }
0x4b: {  	s19 =	spop (v2sf)  }
0x4c: {  	(v2sf) =	vpush v6, $0xF;
	[smem:$0x207] =	sst s19  }
0x4d: {  	s19 =	spop (v2sf)  }
0x4e: {  	(v2sf) =	vpush v7, $0xF;
	[smem:$0x8] =	sst s19  }
0x4f: {  	s19 =	spop (v2sf)  }
0x50: {  	(v2sf) =	vpush v4, $0x0;
	[smem:$0x208] =	sst s19  }
0x51: {  	s19 =	spop (v2sf)  }
0x52: {  	(v2sf) =	vpush v5, $0x0;
	[smem:$0x9] =	sst s19  }
0x53: {  	s19 =	spop (v2sf)  }
0x54: {  	(v2sf) =	vpush v4, $0x1;
	[smem:$0x209] =	sst s19  }
0x55: {  	s19 =	spop (v2sf)  }
0x56: {  	(v2sf) =	vpush v5, $0x1;
	[smem:$0xA] =	sst s19  }
0x57: {  	s19 =	spop (v2sf)  }
0x58: {  	(v2sf) =	vpush v4, $0x2;
	[smem:$0x20A] =	sst s19  }
0x59: {  	s19 =	spop (v2sf)  }
0x5a: {  	(v2sf) =	vpush v5, $0x2;
	[smem:$0xB] =	sst s19  }
0x5b: {  	s19 =	spop (v2sf)  }
0x5c: {  	(v2sf) =	vpush v4, $0x3;
	[smem:$0x20B] =	sst s19  }
0x5d: {  	s19 =	spop (v2sf)  }
0x5e: {  	(v2sf) =	vpush v5, $0x3;
	[smem:$0xC] =	sst s19  }
0x5f: {  	s19 =	spop (v2sf)  }
0x60: {  	(v2sf) =	vpush v4, $0x4;
	[smem:$0x20C] =	sst s19  }
0x61: {  	s19 =	spop (v2sf)  }
0x62: {  	(v2sf) =	vpush v5, $0x4;
	[smem:$0xD] =	sst s19  }
0x63: {  	s19 =	spop (v2sf)  }
0x64: {  	(v2sf) =	vpush v4, $0x5;
	[smem:$0x20D] =	sst s19  }
0x65: {  	s19 =	spop (v2sf)  }
0x66: {  	(v2sf) =	vpush v5, $0x5;
	[smem:$0xE] =	sst s19  }
0x67: {  	s19 =	spop (v2sf)  }
0x68: {  	(v2sf) =	vpush v4, $0x6;
	[smem:$0x20E] =	sst s19  }
0x69: {  	s19 =	spop (v2sf)  }
0x6a: {  	(v2sf) =	vpush v5, $0x6;
	[smem:$0xF] =	sst s19  }
0x6b: {  	s19 =	simm.s32 $0x80;
	s20 =	spop (v2sf)  }
.LBB2_2:
0x6c: {  	p0 =	sne.s32 s19, $0x7C0;
	[smem:s17+$0x20F] =	sst s20  }
0x6d: {  	(v2sf) =	vpush v4, $0x7;
	s20 =	smov.u32 s19;
	s19 =	sadd.s32 $0x40, s19;
	s17 =	smov.u32 s18  }
0x6e: {  	s18 =	spop (v2sf);
	(v2sf) =	vpush v5, $0x7  }
0x6f: {  	[smem:s17] =	sst s18;
	s18 =	spop (v2sf);
	(v2sf) =	vpush v4, $0x8  }
0x70: {  	[smem:s17+$0x200] =	sst s18;
	s18 =	spop (v2sf);
	(v2sf) =	vpush v5, $0x8  }
0x71: {  	[smem:s17+$0x1] =	sst s18;
	s18 =	spop (v2sf);
	(v2sf) =	vpush v4, $0x9  }
0x72: {  	[smem:s17+$0x201] =	sst s18;
	s18 =	spop (v2sf);
	(v2sf) =	vpush v5, $0x9  }
0x73: {  	[smem:s17+$0x2] =	sst s18;
	s18 =	spop (v2sf);
	(v2sf) =	vpush v4, $0xA  }
0x74: {  	[smem:s17+$0x202] =	sst s18;
	s18 =	spop (v2sf);
	(v2sf) =	vpush v5, $0xA  }
0x75: {  	[smem:s17+$0x3] =	sst s18;
	s18 =	spop (v2sf);
	(v2sf) =	vpush v4, $0xB  }
0x76: {  	[smem:s17+$0x203] =	sst s18;
	s18 =	spop (v2sf);
	(v2sf) =	vpush v5, $0xB  }
0x77: {  	[smem:s17+$0x4] =	sst s18;
	s18 =	spop (v2sf);
	(v2sf) =	vpush v4, $0xC  }
0x78: {  	[smem:s17+$0x204] =	sst s18;
	s18 =	spop (v2sf);
	(v2sf) =	vpush v5, $0xC  }
0x79: {  	[smem:s17+$0x5] =	sst s18;
	s21 =	spop (v2sf);
	(v2sf) =	vpush v4, $0xD  }
0x7a: {  	s18 =	sshra.s32 s20, $0x2;
	[smem:s17+$0x205] =	sst s21;
	s20 =	spop (v2sf);
	(v2sf) =	vpush v5, $0xD  }
0x7b: {  	v6 =	vld [tilespmem:s18+$0x0];
	[smem:s17+$0x6] =	sst s20;
	s20 =	spop (v2sf);
	(v2sf) =	vpush v4, $0xE  }
0x7c: {  	v7 =	vld [tilespmem:s18+$0x200];
	[smem:s17+$0x206] =	sst s20;
	s20 =	spop (v2sf);
	(v2sf) =	vpush v5, $0xE  }
0x7d: {  	[smem:s17+$0x7] =	sst s20;
	s20 =	spop (v2sf);
	(v2sf) =	vpush v4, $0xF  }
0x7e: {  	[smem:s17+$0x207] =	sst s20;
	s20 =	spop (v2sf);
	(v2sf) =	vpush v5, $0xF  }
0x7f: {  	[smem:s17+$0x8] =	sst s20;
	s20 =	spop (v2sf)  }
0x80: {  	(v2sf) =	vpush v6, $0x0;
	[smem:s17+$0x208] =	sst s20;
	s20 =	spop (v2sf);
	v4 =	vmov v6  }
0x81: {  	(v2sf) =	vpush v7, $0x0;
	[smem:s17+$0x9] =	sst s20;
	s20 =	spop (v2sf);
	v5 =	vmov v7  }
0x82: {  	(v2sf) =	vpush v4, $0x1;
	[smem:s17+$0x209] =	sst s20;
	s20 =	spop (v2sf)  }
0x83: {  	(v2sf) =	vpush v5, $0x1;
	[smem:s17+$0xA] =	sst s20;
	s20 =	spop (v2sf)  }
0x84: {  	(v2sf) =	vpush v4, $0x2;
	[smem:s17+$0x20A] =	sst s20;
	s20 =	spop (v2sf)  }
0x85: {  	(v2sf) =	vpush v5, $0x2;
	[smem:s17+$0xB] =	sst s20;
	s20 =	spop (v2sf)  }
0x86: {  	(v2sf) =	vpush v4, $0x3;
	[smem:s17+$0x20B] =	sst s20;
	s20 =	spop (v2sf)  }
0x87: {  	(v2sf) =	vpush v5, $0x3;
	[smem:s17+$0xC] =	sst s20;
	s20 =	spop (v2sf)  }
0x88: {  	(v2sf) =	vpush v4, $0x4;
	[smem:s17+$0x20C] =	sst s20;
	s20 =	spop (v2sf)  }
0x89: {  	[smem:s17+$0xD] =	sst s20  }
.Ltmp0:
0x8a: {  	(v2sf) =	vpush v5, $0x4;
	s20 =	spop (v2sf);
	(pc) =	sbr.rel @p0 .LBB2_2-.Ltmp0, $4  }
0x8b: {  	(v2sf) =	vpush v4, $0x5;
	[smem:s17+$0x20D] =	sst s20;
	s20 =	spop (v2sf)  }
0x8c: {  	(v2sf) =	vpush v5, $0x5;
	[smem:s17+$0xE] =	sst s20;
	s20 =	spop (v2sf)  }
0x8d: {  	(v2sf) =	vpush v4, $0x6;
	[smem:s17+$0x20E] =	sst s20;
	s20 =	spop (v2sf)  }
0x8e: {  	(v2sf) =	vpush v5, $0x6;
	[smem:s17+$0xF] =	sst s20;
	s20 =	spop (v2sf)  }
0x8f: {  	(v2sf) =	vpush v4, $0x7  }
0x90: {  	[smem:s17+$0x20F] =	sst s20;
	s19 =	spop (v2sf);
	(v2sf) =	vpush v5, $0x7  }
0x91: {  	[smem:s18] =	sst s19;
	s20 =	spop (v2sf);
	(v2sf) =	vpush v4, $0x8  }
0x92: {  	[smem:s18+$0x200] =	sst s20;
	s21 =	spop (v2sf);
	(v2sf) =	vpush v5, $0x8  }
0x93: {  	[smem:s18+$0x1] =	sst s21;
	s22 =	spop (v2sf);
	(v2sf) =	vpush v4, $0x9  }
0x94: {  	[smem:s18+$0x201] =	sst s22;
	s23 =	spop (v2sf);
	(v2sf) =	vpush v5, $0x9  }
0x95: {  	[smem:s18+$0x2] =	sst s23;
	s24 =	spop (v2sf);
	(v2sf) =	vpush v4, $0xA  }
0x96: {  	[smem:s18+$0x202] =	sst s24;
	s25 =	spop (v2sf);
	(v2sf) =	vpush v5, $0xA  }
0x97: {  	[smem:s18+$0x3] =	sst s25;
	s26 =	spop (v2sf);
	(v2sf) =	vpush v4, $0xB  }
0x98: {  	[smem:s18+$0x203] =	sst s26;
	s28 =	spop (v2sf);
	(v2sf) =	vpush v5, $0xB  }
0x99: {  	[smem:s18+$0x4] =	sst s28;
	s29 =	spop (v2sf);
	(v2sf) =	vpush v4, $0xC  }
0x9a: {  	[smem:s18+$0x204] =	sst s29;
	s30 =	spop (v2sf);
	(v2sf) =	vpush v5, $0xC  }
0x9b: {  	[smem:s18+$0x5] =	sst s30;
	s31 =	spop (v2sf);
	(v2sf) =	vpush v4, $0xD  }
0x9c: {  	[smem:s18+$0x205] =	sst s31;
	s0 =	spop (v2sf);
	(v2sf) =	vpush v5, $0xD  }
0x9d: {  	[smem:s18+$0x6] =	sst s0;
	s2 =	spop (v2sf);
	(v2sf) =	vpush v4, $0xE  }
0x9e: {  	[smem:s18+$0x206] =	sst s2;
	s6 =	spop (v2sf);
	(v2sf) =	vpush v5, $0xE  }
0x9f: {  	[smem:s18+$0x7] =	sst s6;
	s8 =	spop (v2sf);
	(v2sf) =	vpush v4, $0xF  }
0xa0: {  	[smem:s18+$0x207] =	sst s8;
	s9 =	spop (v2sf);
	(v2sf) =	vpush v5, $0xF  }
0xa1: {  	[smem:s18+$0x8] =	sst s9;
	s10 =	spop (v2sf)  }
0xa2: {  	[smem:s18+$0x208] =	sst s10;
	s11 =	spop (v2sf)  }
0xa3: {  	[smem:s18+$0x9] =	sst s11;
	s13 =	spop (v2sf)  }
0xa4: {  	[smem:s18+$0x209] =	sst s13;
	s14 =	spop (v2sf)  }
0xa5: {  	[smem:s18+$0xA] =	sst s14;
	s19 =	spop (v2sf)  }
0xa6: {  	[smem:s18+$0x20A] =	sst s19;
	s20 =	spop (v2sf)  }
0xa7: {  	[smem:s18+$0xB] =	sst s20;
	s21 =	spop (v2sf)  }
0xa8: {  	[smem:s18+$0x20B] =	sst s21;
	s22 =	spop (v2sf)  }
0xa9: {  	[smem:s18+$0xC] =	sst s22;
	s23 =	spop (v2sf)  }
0xaa: {  	[smem:s18+$0x20C] =	sst s23;
	s24 =	spop (v2sf)  }
0xab: {  	[smem:s18+$0xD] =	sst s24;
	s25 =	spop (v2sf)  }
0xac: {  	[smem:s18+$0x20D] =	sst s25;
	s26 =	spop (v2sf)  }
0xad: {  	[smem:s18+$0xE] =	sst s26;
	s28 =	spop (v2sf)  }
0xae: {  	[smem:s18+$0x20E] =	sst s28;
	s29 =	spop (v2sf)  }
0xaf: {  	[smem:s18+$0xF] =	sst s29;
	s30 =	spop (v2sf)  }
0xb0: {  	[smem:s18+$0x20F] =	sst s30  }
0xb1: {  	[smem:$0x400] =	sst s4  }
0xb2: {  	s17 =	sld [smem:$0x0]  }
0xb3: {  	s18 =	sld [smem:$0x1];
	_ =	sdelay $0x1  }
0xb4: {  	s19 =	simm.s32 $0x2;
	s20 =	simm.s32 $0x2  }
0xb5: {  	s22 =	simm.s32 $0x1;
	s31 =	sshrl.u32 s17, $0x7;
	s18 =	sshrl.u32 s18, $0x7  }
0xb6: {  	s17 =	simm.s32 $0x1;
	p0 =	seq.s32 s18, s31;
	p1 =	sne.s32 s18, s31  }
0xb7: {  	s21 =	simm.s32 $0x3;
	[smem:$0x401] =	sst @!p0 s17;
	s22 =	simm.s32 @!p1 $0x0  }
.LBB2_4:
0xb8: {  	s23 =	sld [smem:s19+$0x0];
	s17 =	sadd.s32 s22, s17  }
0xb9: {  	s22 =	smov.u32 s20;
	s20 =	smov.u32 s21;
	s21 =	sadd.s32 $0x1, s21  }
0xba: {  	p0 =	sne.s32 s21, $0x200  }
.Ltmp1:
0xbb: {  	(pc) =	sbr.rel @p0 .LBB2_4-.Ltmp1, $4  }
0xbc: {  	s23 =	sshrl.u32 s23, $0x7  }
0xbd: {  	p1 =	seq.s32 s23, s18;
	p2 =	sne.s32 s23, s18;
	s18 =	smov.u32 s23  }
0xbe: {  	[smem:s17+$0x400] =	sst @!p1 s22;
	s22 =	simm.s32 $0x1  }
0xbf: {  	s19 =	sadd.s32 $0x1, s19;
	s22 =	simm.s32 @!p2 $0x0  }
0xc0: {  	s19 =	sld [smem:s19+$0x0];
	_ =	sdelay $0x2  }
0xc1: {  	s19 =	sshrl.u32 s19, $0x7  }
0xc2: {  	s21 =	simm.s32 $0x1;
	p0 =	sne.s32 s19, s18  }
0xc3: {  	s22 =	sadd.s32 s22, s17;
	s21 =	simm.s32 @!p0 $0x0  }
0xc4: {  	p0 =	seq.s32 s19, s18;
	s17 =	sadd.s32 s21, s22  }
0xc5: {  	[smem:s22+$0x400] =	sst @!p0 s20;
	p0 =	sgt.s32 s17, $0x0  }
.Ltmp2:
0xc6: {  	_ = 	snop;
	(pc) =	sbr.rel @!p0 .LBB2_6-.Ltmp2, $2  }
0xc7: {  	_ =	sdelay $0x2  }
0xc8: {  	[smem:s17+$0x400] =	sst s5  }
0xc9: {  	s18 =	smin.u32 s17, $0x5  }
0xca: {  	s20 =	sadd.s32 $0xFFFFFFFF, s18  }
0xcb: {  	p2 =	seq.s32 s20, $0x0  }
.Ltmp3:
0xcc: {  	_ = 	snop;
	(pc) =	sbr.rel @p2 .LBB2_11-.Ltmp3, $3  }
0xcd: {  	s21 =	sld [smem:$0x400];
	_ =	sdelay $0x1  }
0xce: {  	s19 =	simm.s32 $0x400;
	p0 =	por $0x0, $0x0  }
0xcf: {  	p1 =	por $0x0, $0x0;
	s18 =	simm.s32 $0xC400;
	s26 =	sld [smem:s21+$0x0]  }
0xd0: {  	s24 =	sadd.s32 $0xFFFFFFFF, s20  }
0xd1: {  	p3 =	seq.s32 s24, $0x0  }
.Ltmp4:
0xd2: {  	s25 =	sld [smem:$0x401];
	s21 =	sand.u32 $0xFFFFFF80, s26;
	(pc) =	sbr.rel @p3 .LBB2_13-.Ltmp4, $4  }
0xd3: {  	p2 =	seq.s32 s21, $0x18680  }
0xd4: {  	p0 =	por $0x1, $0x1;
	s21 =	sand.u32 @!p2 $0xFFFFF80, s26;
	s22 =	simm.s32 @!p2 $0x400  }
0xd5: {  	s23 =	simm.s32 @!p2 $0xC3800;
	s26 =	sld [smem:s25+$0x0];
	s20 =	sadd.s32 @!p2 s1, s21  }
0xd6: {  	[tilespmem:s19], [sflag:$0x1] =	stream.strided.gather @!p2 [hbm4b:s20+s22], $0x2000, s23, s22, $0x38;
	[tilespmem:$0x1FC00] =	vst v63  }
0xd7: {  	s29 =	sld [smem:$0x402];
	s20 =	sadd.s32 @!p2 s3, s21;
	s25 =	sadd.s32 $0xFFFFFFFF, s24  }
0xd8: {  	[tilespmem:s18], [sflag:$0x2] =	stream.strided.gather @!p2 [hbm4b:s20+s22], $0x1000, s23, s22, $0x38;
	[tilespmem:$0x1FC00] =	vst v63  }
0xd9: {  	s31 =	sand.u32 $0xFFFFFF80, s26;
	p3 =	seq.s32 s25, $0x0  }
.Ltmp5:
0xda: {  	p2 =	seq.s32 s31, $0x18680;
	(pc) =	sbr.rel @p3 .LBB2_15-.Ltmp5, $4  }
0xdb: {  	s28 =	simm.s32 $0x403;
	s20 =	simm.s32 $0x2400;
	s21 =	sand.u32 @!p2 $0xFFFFF80, s26  }
0xdc: {  	s22 =	simm.s32 @!p2 $0x400;
	s23 =	simm.s32 @!p2 $0xC3800;
	s24 =	sadd.s32 @!p2 s1, s21  }
0xdd: {  	[tilespmem:s20], [sflag:$0x1] =	stream.strided.gather @!p2 [hbm4b:s24+s22], $0x2000, s23, s22, $0x38;
	[tilespmem:$0x1FC00] =	vst v63  }
0xde: {  	p1 =	por $0x1, $0x1;
	s26 =	sld [smem:s29+$0x0];
	s24 =	simm.s32 $0xC400  }
.LBB2_16:
0xdf: {  	s29 =	sld [smem:s28+$0x0]  }
0xe0: {  	s21 =	sadd.s32 @!p2 s3, s21;
	s24 =	sadd.s32 $0x1000, s24;
	s25 =	sadd.s32 $0xFFFFFFFF, s25  }
0xe1: {  	[tilespmem:s24], [sflag:$0x2] =	stream.strided.gather @!p2 [hbm4b:s21+s22], $0x1000, s23, s22, $0x38;
	[tilespmem:$0x1FC00] =	vst v63  }
0xe2: {  	p3 =	seq.s32 s25, $0x0  }
.Ltmp6:
0xe3: {  	s20 =	sadd.s32 $0x2000, s20;
	s21 =	sand.u32 $0xFFFFFF80, s26;
	(pc) =	sbr.rel @!p3 .LBB2_16-.Ltmp6, $4  }
0xe4: {  	s28 =	sadd.s32 $0x1, s28;
	p2 =	seq.s32 s21, $0x18680  }
0xe5: {  	s21 =	sand.u32 @!p2 $0xFFFFF80, s26;
	s26 =	sld [smem:s29+$0x0]  }
0xe6: {  	s22 =	simm.s32 @!p2 $0x400;
	s23 =	simm.s32 @!p2 $0xC3800;
	s29 =	sadd.s32 @!p2 s1, s21  }
0xe7: {  	[tilespmem:s20], [sflag:$0x1] =	stream.strided.gather @!p2 [hbm4b:s29+s22], $0x2000, s23, s22, $0x38;
	[tilespmem:$0x1FC00] =	vst v63  }
.LBB2_17:
0xe8: {  	p2 =	por p2, !p0;
	s24 =	sadd.s32 @p1 $0x1000, s24  }
0xe9: {  	s25 =	simm.s32 $0xC400;
	s31 =	sand.u32 $0xFFFFFF80, s26;
	s20 =	sadd.s32 @p0 $0x2000, s20  }
0xea: {  	s21 =	sadd.s32 @!p2 s3, s21;
	s25 =	smov.u32 @p1 s24;
	p1 =	seq.s32 s31, $0x18680  }
0xeb: {  	[tilespmem:s25], [sflag:$0x2] =	stream.strided.gather @!p2 [hbm4b:s21+s22], $0x1000, s23, s22, $0x38;
	[tilespmem:$0x1FC00] =	vst v63  }
0xec: {  	s19 =	smov.u32 @p0 s20;
	s21 =	sand.u32 @!p1 $0xFFFFF80, s26  }
0xed: {  	s23 =	simm.s32 @!p1 $0x400;
	s24 =	simm.s32 @!p1 $0xC3800;
	s22 =	sadd.s32 @!p1 s1, s21  }
0xee: {  	[tilespmem:s19], [sflag:$0x1] =	stream.strided.gather @!p1 [hbm4b:s22+s23], $0x2000, s24, s23, $0x38;
	[tilespmem:$0x1FC00] =	vst v63  }
.Ltmp7:
0xef: {  	_ = 	snop;
	(pc) =	sbr.rel .LBB2_19-.Ltmp7, $4  }
0xf0: {  	s19 =	sadd.s32 @p0 $0x1000, s25  }
0xf1: {  	s20 =	sadd.s32 @!p1 s3, s21;
	s18 =	smov.u32 @p0 s19  }
0xf2: {  	[tilespmem:s18], [sflag:$0x2] =	stream.strided.gather @!p1 [hbm4b:s20+s23], $0x1000, s24, s23, $0x38;
	[tilespmem:$0x1FC00] =	vst v63  }
0xf3: {  	s18 =	simm.s32 $0x0  }
.LBB2_22:
0xf4: {  	_ =	sdelay $0x3  }
0xf5: {  	v4 =	vld.idx.msk @!p0 [tilespmem:v13+s23+$0x0], $0xffff;
	v5 =	vadd.s32 @!p0 v10, v9  }
0xf6: {  	v5 =	vor.u32 @!p0 v11, v5;
	_ =	sdelay $0x3  }
0xf7: {  	[tilespmem:s19+$0x10] =	vst @!p0 v4  }
0xf8: {  	v4 =	vld.idx.msk @!p0 [tilespmem:v5+s23+$0x0], $0xffff;
	_ =	sdelay $0x4  }
0xf9: {  	v4 =	vpsel p0, v12, v4  }
0xfa: {  	[tilespmem:s19+$0x20] =	vst v4  }
.LBB2_18:
0xfb: {  	s18 =	sadd.s32 $0x1, s18  }
0xfc: {  	p0 =	seq.s32 s18, s17  }
.Ltmp8:
0xfd: {  	_ = 	snop;
	(pc) =	sbr.rel @p0 .LBB2_6-.Ltmp8, $1  }
0xfe: {  	_ =	sdelay $0x3  }
.LBB2_19:
0xff: {  	s20 =	sld [smem:s18+$0x400];
	_ =	sdelay $0x2  }
0x100: {  	s19 =	sld [smem:s20+$0x0];
	_ =	sdelay $0x2  }
0x101: {  	s19 =	sand.u32 $0xFFFFFF80, s19  }
0x102: {  	p0 =	seq.s32 s19, $0x18680  }
0x103: {  	s19 =	simm.s32 @!p0 $0x1  }
0x104: {  	_ =	swait.ge @!p0 [sflag:s19], $0x2000  }
0x105: {  	[sflag:s19] =	ssyncset.done @!p0 $0x0  }
0x106: {  	[sflag:s19] =	ssyncadd.s32 @!p0 $0xFFFFE000;
	s19 =	simm.s32 @!p0 $0x2  }
0x107: {  	_ =	swait.ge @!p0 [sflag:s19], $0x1000  }
0x108: {  	s21 =	sadd.s32 $0x5, s18;
	[sflag:s19] =	ssyncset.done @!p0 $0x0  }
0x109: {  	[sflag:s19] =	ssyncadd.s32 @!p0 $0xFFFFF000;
	p0 =	sge.s32 s21, s17  }
0x10a: {  	s19 =	sld @!p0 [smem:s21+$0x400];
	_ =	sdelay $0x2  }
0x10b: {  	s19 =	sld @!p0 [smem:s19+$0x0];
	_ =	sdelay $0x2  }
0x10c: {  	s22 =	sand.u32 @!p0 $0xFFFFFF80, s19  }
0x10d: {  	p1 =	seq.s32 @!p0 s22, $0x18680  }
0x10e: {  	p0 =	por p1, p0  }
0x10f: {  	s22 =	smulhi.u32 @!p0 $0x2AAAAAAB, s21;
	s23 =	sshra.s32 @!p0 s21, $0x1F  }
0x110: {  	s23 =	smul.u32 @!p0 $0x2AAAAAAB, s23;
	_ =	sdelay $0x1  }
0x111: {  	s22 =	sadd.s32 @!p0 s23, s22  }
0x112: {  	s23 =	sshrl.u32 @!p0 s22, $0x1F  }
0x113: {  	s22 =	sadd.s32 @!p0 s23, s22  }
0x114: {  	s22 =	smul.u32 @!p0 $0x6, s22;
	_ =	sdelay $0x1  }
0x115: {  	s21 =	ssub.s32 @!p0 s21, s22  }
0x116: {  	s19 =	sand.u32 @!p0 $0xFFFFF80, s19;
	s22 =	sshll.u32 @!p0 s21, $0xF  }
0x117: {  	s24 =	simm.s32 @!p0 $0x400;
	s25 =	simm.s32 @!p0 $0xC3800;
	s22 =	sshra.s32 @!p0 s22, $0x2  }
0x118: {  	s23 =	sadd.s32 @!p0 s1, s19;
	s21 =	sshll.u32 @!p0 s21, $0xE;
	s22 =	sor.u32 @!p0 $0x400, s22  }
0x119: {  	[tilespmem:s22], [sflag:$0x1] =	stream.strided.gather @!p0 [hbm4b:s23+s24], $0x2000, s25, s24, $0x38;
	[tilespmem:$0x1FC00] =	vst v63  }
0x11a: {  	s22 =	sshra.s32 @!p0 s21, $0x2;
	s21 =	sld [smem:s18+$0x401]  }
0x11b: {  	s19 =	sadd.s32 @!p0 s3, s19;
	s22 =	sadd.s32 @!p0 $0xC400, s22  }
0x11c: {  	[tilespmem:s22], [sflag:$0x2] =	stream.strided.gather @!p0 [hbm4b:s19+s24], $0x1000, s25, s24, $0x38;
	[tilespmem:$0x1FC00] =	vst v63  }
0x11d: {  	p0 =	sle.s32 s21, s20  }
.Ltmp9:
0x11e: {  	_ = 	snop;
	(pc) =	sbr.rel @p0 .LBB2_18-.Ltmp9, $1  }
0x11f: {  	_ =	sdelay $0x3  }
0x120: {  	s19 =	sshll.u32 s20, $0x2  }
0x121: {  	s22 =	sshra.s32 s19, $0x2  }
0x122: {  	s19 =	sld [smem:s22+$0x0];
	_ =	sdelay $0x2  }
0x123: {  	s23 =	sshra.s32 s19, $0x1F  }
0x124: {  	s23 =	sshrl.u32 s23, $0x19  }
0x125: {  	s23 =	sadd.s32 s23, s19  }
0x126: {  	s23 =	sand.u32 $0xFFFFFF80, s23  }
0x127: {  	s23 =	ssub.s32 s19, s23;
	s19 =	sand.u32 $0xFFFFFF80, s19  }
0x128: {  	v5 =	vmov s23;
	p0 =	seq.s32 s19, $0x18680  }
0x129: {  	v4 =	vshll.u32 @p0 v5, $0x6;
	v6 =	vlaneseq.u32 @p0  }
0x12a: {  	v7 =	vor.u32 @p0 v6, v4;
	_ =	sdelay $0x2  }
0x12b: {  	p0 =	por p0, p0  }
0x12c: {  	s23 =	simm.s32 @p0 $0x1E400  }
0x12d: {  	v8 =	vor.u32 @p0 $0x10, v6;
	v7 =	vld.idx.msk @p0 [tilespmem:v7+s23+$0x0], $0xffff  }
0x12e: {  	s29 =	smul.u32 $0x180, s20;
	v9 =	vor.u32 @p0 v8, v4;
	_ =	sdelay $0x1  }
0x12f: {  	s19 =	sshra.s32 s29, $0x2  }
0x130: {  	s19 =	sadd.s32 $0x12430, s19  }
0x131: {  	[tilespmem:s19+$0xFFFFFFD0] =	vst @p0 v7  }
0x132: {  	v7 =	vld.idx.msk @p0 [tilespmem:v9+s23+$0x0], $0xffff;
	v9 =	vor.u32 @p0 $0x20, v6  }
0x133: {  	v9 =	vor.u32 @p0 v9, v4;
	_ =	sdelay $0x3  }
0x134: {  	[tilespmem:s19+$0xFFFFFFE0] =	vst @p0 v7  }
0x135: {  	v7 =	vld.idx.msk @p0 [tilespmem:v9+s23+$0x0], $0xffff;
	v9 =	vor.u32 @p0 $0x30, v6  }
0x136: {  	v4 =	vor.u32 @p0 v9, v4;
	_ =	sdelay $0x1  }
0x137: {  	s24 =	smulhi.u32 $0xAAAAAAAB, s18;
	_ =	sdelay $0x1  }
0x138: {  	s24 =	sshrl.u32 s24, $0x2;
	[tilespmem:s19+$0xFFFFFFF0] =	vst @p0 v7  }
0x139: {  	s24 =	smul.u32 $0x6, s24;
	v9 =	vshll.u32 @p0 v5, $0x5;
	v7 =	vld.idx.msk @p0 [tilespmem:v4+s23+$0x0], $0xffff  }
0x13a: {  	v6 =	vor.u32 @p0 v6, v9  }
0x13b: {  	s30 =	ssub.s32 s18, s24  }
0x13c: {  	v13 =	vmov s30  }
0x13d: {  	v14 =	vshll.u32 v13, $0xD  }
0x13e: {  	v10 =	vand.u32 @!p0 $0xFFFFFF80, v5;
	v4 =	vor.u32 v0, v14;
	s23 =	simm.s32 @p0 $0x1F400;
	[tilespmem:s19+$0x0] =	vst @p0 v7  }
0x13f: {  	v11 =	vand.u32 @!p0 $0x7F, v5;
	v5 =	vadd.s32 @!p0 v10, v4;
	v6 =	vld.idx.msk @p0 [tilespmem:v6+s23+$0x0], $0xffff  }
0x140: {  	v7 =	vor.u32 @!p0 v11, v5;
	_ =	sdelay $0x3  }
0x141: {  	s24 =	simm.s32 @!p0 $0x400;
	v5 =	vor.u32 v1, v14;
	[tilespmem:s19+$0x10] =	vst @p0 v6  }
0x142: {  	v6 =	vor.u32 @p0 v8, v9;
	v8 =	vadd.s32 @!p0 v10, v5;
	v7 =	vld.idx.msk @!p0 [tilespmem:v7+s24+$0x0], $0xffff  }
0x143: {  	v8 =	vor.u32 @!p0 v11, v8;
	_ =	sdelay $0x3  }
0x144: {  	v12 =	vld.idx.msk @p0 [tilespmem:v6+s23+$0x0], $0xffff;
	v6 =	vor.u32 v2, v14;
	[tilespmem:s19+$0xFFFFFFD0] =	vst @!p0 v7  }
0x145: {  	v7 =	vadd.s32 @!p0 v10, v6;
	v8 =	vld.idx.msk @!p0 [tilespmem:v8+s24+$0x0], $0xffff  }
0x146: {  	v9 =	vor.u32 @!p0 v11, v7;
	_ =	sdelay $0x3  }
0x147: {  	v7 =	vor.u32 v3, v14;
	[tilespmem:s19+$0xFFFFFFE0] =	vst @!p0 v8  }
0x148: {  	v8 =	vld.idx.msk @!p0 [tilespmem:v9+s24+$0x0], $0xffff;
	v9 =	vadd.s32 @!p0 v10, v7  }
0x149: {  	v9 =	vor.u32 @!p0 v11, v9;
	_ =	sdelay $0x3  }
0x14a: {  	[tilespmem:s19+$0xFFFFFFF0] =	vst @!p0 v8  }
0x14b: {  	s31 =	ssub.s32 s21, s20;
	v14 =	vld.idx.msk @!p0 [tilespmem:v9+s24+$0x0], $0xffff;
	v9 =	vshll.u32 v13, $0xC  }
0x14c: {  	s20 =	sadd.s32 $0xFFFFFFFF, s31;
	v8 =	vor.u32 v0, v9  }
0x14d: {  	p1 =	seq.s32 s20, $0x0;
	v13 =	vadd.s32 @!p0 v10, v8  }
.Ltmp10:
0x14e: {  	v13 =	vor.u32 @!p0 v11, v13;
	(pc) =	sbr.rel @p1 .LBB2_22-.Ltmp10, $2  }
0x14f: {  	_ =	sdelay $0x2  }
0x150: {  	s21 =	sadd.s32 $0x1, s22;
	s23 =	simm.s32 @!p0 $0xC400;
	v9 =	vor.u32 v1, v9;
	[tilespmem:s19+$0x0] =	vst @!p0 v14  }
.LBB2_21:
0x151: {  	s22 =	sld [smem:s21+$0x0];
	s20 =	sadd.s32 $0xFFFFFFFF, s20;
	v13 =	vld.idx.msk @!p0 [tilespmem:v13+s23+$0x0], $0xffff  }
0x152: {  	v10 =	vadd.s32 @!p0 v10, v9;
	p1 =	seq.s32 s20, $0x0  }
0x153: {  	v10 =	vor.u32 @!p0 v11, v10  }
0x154: {  	s24 =	sshra.s32 s22, $0x1F  }
0x155: {  	s24 =	sshrl.u32 s24, $0x19  }
0x156: {  	s24 =	sadd.s32 s24, s22  }
0x157: {  	s24 =	sand.u32 $0xFFFFFF80, s24;
	[tilespmem:s19+$0x10] =	vst @!p0 v13  }
0x158: {  	s24 =	ssub.s32 s22, s24;
	s22 =	sand.u32 $0xFFFFFF80, s22;
	v10 =	vld.idx.msk @!p0 [tilespmem:v10+s23+$0x0], $0xffff  }
0x159: {  	v11 =	vmov s24;
	p2 =	seq.s32 s22, $0x18680  }
0x15a: {  	v13 =	vshll.u32 @p2 v11, $0x6;
	v14 =	vlaneseq.u32 @p2  }
0x15b: {  	v15 =	vor.u32 @p2 v14, v13;
	_ =	sdelay $0x2  }
0x15c: {  	v10 =	vpsel p0, v12, v10;
	p0 =	por p2, p2  }
0x15d: {  	s22 =	simm.s32 @p0 $0x1E400;
	[tilespmem:s19+$0x20] =	vst v10  }
0x15e: {  	v10 =	vld.idx.msk @p0 [tilespmem:v15+s22+$0x0], $0xffff  }
0x15f: {  	v12 =	vor.u32 @p0 $0x10, v14  }
0x160: {  	v15 =	vor.u32 @p0 v12, v13;
	_ =	sdelay $0x2  }
0x161: {  	s19 =	sadd.s32 $0x60, s19  }
0x162: {  	[tilespmem:s19+$0xFFFFFFD0] =	vst @p0 v10  }
0x163: {  	v10 =	vld.idx.msk @p0 [tilespmem:v15+s22+$0x0], $0xffff  }
0x164: {  	v15 =	vor.u32 @p0 $0x20, v14  }
0x165: {  	v15 =	vor.u32 @p0 v15, v13;
	_ =	sdelay $0x3  }
0x166: {  	[tilespmem:s19+$0xFFFFFFE0] =	vst @p0 v10  }
0x167: {  	v10 =	vld.idx.msk @p0 [tilespmem:v15+s22+$0x0], $0xffff  }
0x168: {  	v15 =	vor.u32 @p0 $0x30, v14  }
0x169: {  	v13 =	vor.u32 @p0 v15, v13;
	_ =	sdelay $0x3  }
0x16a: {  	[tilespmem:s19+$0xFFFFFFF0] =	vst @p0 v10  }
0x16b: {  	v10 =	vld.idx.msk @p0 [tilespmem:v13+s22+$0x0], $0xffff  }
0x16c: {  	v13 =	vshll.u32 @p0 v11, $0x5  }
0x16d: {  	v14 =	vor.u32 @p0 v14, v13;
	_ =	sdelay $0x3  }
0x16e: {  	s22 =	simm.s32 @p0 $0x1F400;
	[tilespmem:s19+$0x0] =	vst @p0 v10  }
0x16f: {  	v10 =	vand.u32 @!p0 $0xFFFFFF80, v11;
	v14 =	vld.idx.msk @p0 [tilespmem:v14+s22+$0x0], $0xffff  }
0x170: {  	v11 =	vand.u32 @!p0 $0x7F, v11;
	v15 =	vadd.s32 @!p0 v10, v4  }
0x171: {  	v15 =	vor.u32 @!p0 v11, v15;
	_ =	sdelay $0x3  }
0x172: {  	s23 =	simm.s32 @!p0 $0x400;
	[tilespmem:s19+$0x10] =	vst @p0 v14  }
0x173: {  	v14 =	vld.idx.msk @!p0 [tilespmem:v15+s23+$0x0], $0xffff  }
0x174: {  	v12 =	vor.u32 @p0 v12, v13;
	v13 =	vadd.s32 @!p0 v10, v5  }
0x175: {  	v13 =	vor.u32 @!p0 v11, v13;
	_ =	sdelay $0x3  }
0x176: {  	v12 =	vld.idx.msk @p0 [tilespmem:v12+s22+$0x0], $0xffff;
	[tilespmem:s19+$0xFFFFFFD0] =	vst @!p0 v14  }
0x177: {  	v13 =	vld.idx.msk @!p0 [tilespmem:v13+s23+$0x0], $0xffff  }
0x178: {  	v14 =	vadd.s32 @!p0 v10, v6  }
0x179: {  	v14 =	vor.u32 @!p0 v11, v14;
	_ =	sdelay $0x3  }
0x17a: {  	[tilespmem:s19+$0xFFFFFFE0] =	vst @!p0 v13  }
0x17b: {  	v13 =	vld.idx.msk @!p0 [tilespmem:v14+s23+$0x0], $0xffff  }
0x17c: {  	v14 =	vadd.s32 @!p0 v10, v7  }
0x17d: {  	v14 =	vor.u32 @!p0 v11, v14;
	_ =	sdelay $0x3  }
0x17e: {  	[tilespmem:s19+$0xFFFFFFF0] =	vst @!p0 v13  }
0x17f: {  	v14 =	vld.idx.msk @!p0 [tilespmem:v14+s23+$0x0], $0xffff  }
0x180: {  	v13 =	vadd.s32 @!p0 v10, v8  }
.Ltmp11:
0x181: {  	v13 =	vor.u32 @!p0 v11, v13;
	(pc) =	sbr.rel @!p1 .LBB2_21-.Ltmp11, $2  }
0x182: {  	_ =	sdelay $0x2  }
0x183: {  	s21 =	sadd.s32 $0x1, s21;
	s23 =	simm.s32 @!p0 $0xC400;
	[tilespmem:s19+$0x0] =	vst @!p0 v14  }
.Ltmp12:
0x184: {  	_ = 	snop;
	(pc) =	sbr.rel .LBB2_22-.Ltmp12, $1  }
0x185: {  	_ =	sdelay $0x3  }
.LBB2_6:
0x186: {  	s22 =	simm.s32 $0x12460;
	s23 =	simm.s32 $0x12400;
	s24 =	simm.s32 $0x124C0  }
0x187: {  	s25 =	simm.s32 $0x12580;
	s26 =	sld [smem:$0x207];
	s18 =	simm.s32 $0x128E0  }
0x188: {  	s20 =	simm.s32 $0x12820;
	s19 =	simm.s32 $0x12880;
	s28 =	sld [smem:$0x201]  }
0x189: {  	s30 =	simm.s32 $0x12520;
	s21 =	simm.s32 $0x127C0;
	s29 =	sld [smem:$0x200]  }
0x18a: {  	s14 =	simm.s32 $0x126A0;
	s8 =	simm.s32 $0x12640;
	s2 =	sld [smem:$0x202]  }
0x18b: {  	s26 =	sshll.u32 s26, $0x4;
	s28 =	sshll.u32 s28, $0x4;
	s11 =	sld [smem:$0x203]  }
0x18c: {  	s29 =	sshll.u32 s29, $0x4;
	s28 =	sand.u32 $0x1FFFFFF0, s28;
	s13 =	sld [smem:$0x204]  }
0x18d: {  	s29 =	sand.u32 $0x1FFFFFF0, s29;
	s2 =	sshll.u32 s2, $0x4;
	s5 =	sld [smem:$0x205]  }
0x18e: {  	s28 =	sadd.s32 s7, s28;
	s29 =	sadd.s32 s7, s29;
	s6 =	sld [smem:$0x206]  }
0x18f: {  	[hbm4b:s29+s4] =	stream.linear.scatter [tilespmem:s23], [sflag:$0x3], $0x60, $0x38;
	[tilespmem:$0x1FC00] =	vst v63  }
0x190: {  	s11 =	sshll.u32 s11, $0x4;
	s2 =	sand.u32 $0x1FFFFFF0, s2;
	s13 =	sshll.u32 s13, $0x4  }
0x191: {  	s2 =	sadd.s32 s7, s2;
	s11 =	sand.u32 $0x1FFFFFF0, s11;
	s23 =	sld [smem:$0x20F]  }
0x192: {  	[hbm4b:s28+s4] =	stream.linear.scatter [tilespmem:s22], [sflag:$0x3], $0x60, $0x38;
	[tilespmem:$0x1FC00] =	vst v63  }
0x193: {  	s5 =	sshll.u32 s5, $0x4;
	s22 =	simm.s32 $0x125E0;
	s28 =	sadd.s32 s7, s11  }
0x194: {  	[hbm4b:s2+s4] =	stream.linear.scatter [tilespmem:s24], [sflag:$0x3], $0x60, $0x38;
	[tilespmem:$0x1FC00] =	vst v63  }
0x195: {  	s29 =	sand.u32 $0x1FFFFFF0, s13;
	s6 =	sshll.u32 s6, $0x4;
	s13 =	sld [smem:$0x20E]  }
0x196: {  	[hbm4b:s28+s4] =	stream.linear.scatter [tilespmem:s30], [sflag:$0x3], $0x60, $0x38;
	[tilespmem:$0x1FC00] =	vst v63  }
0x197: {  	s5 =	sand.u32 $0x1FFFFFF0, s5;
	s30 =	sadd.s32 s7, s29;
	s9 =	sld [smem:$0x208]  }
0x198: {  	[hbm4b:s30+s4] =	stream.linear.scatter [tilespmem:s25], [sflag:$0x3], $0x60, $0x38;
	[tilespmem:$0x1FC00] =	vst v63  }
0x199: {  	s10 =	sand.u32 $0x1FFFFFF0, s6;
	s5 =	sadd.s32 s7, s5;
	s6 =	sld [smem:$0x20D]  }
0x19a: {  	[hbm4b:s5+s4] =	stream.linear.scatter [tilespmem:s22], [sflag:$0x3], $0x60, $0x38;
	[tilespmem:$0x1FC00] =	vst v63  }
0x19b: {  	s26 =	sand.u32 $0x1FFFFFF0, s26;
	s2 =	sadd.s32 s7, s10;
	s25 =	sld [smem:$0x209]  }
0x19c: {  	[hbm4b:s2+s4] =	stream.linear.scatter [tilespmem:s8], [sflag:$0x3], $0x60, $0x38;
	[tilespmem:$0x1FC00] =	vst v63  }
0x19d: {  	s26 =	sadd.s32 s7, s26;
	s24 =	sshll.u32 s9, $0x4;
	s8 =	sld [smem:$0x20A]  }
0x19e: {  	[hbm4b:s26+s4] =	stream.linear.scatter [tilespmem:s14], [sflag:$0x3], $0x60, $0x38;
	[tilespmem:$0x1FC00] =	vst v63  }
0x19f: {  	s31 =	simm.s32 $0x12700;
	s0 =	simm.s32 $0x12760;
	s5 =	sand.u32 $0x1FFFFFF0, s24  }
0x1a0: {  	s30 =	sld [smem:$0x20B];
	s28 =	sadd.s32 s7, s5;
	s29 =	sshll.u32 s25, $0x4  }
0x1a1: {  	[hbm4b:s28+s4] =	stream.linear.scatter [tilespmem:s31], [sflag:$0x3], $0x60, $0x38;
	[tilespmem:$0x1FC00] =	vst v63  }
0x1a2: {  	s5 =	sand.u32 $0x1FFFFFF0, s29;
	s8 =	sshll.u32 s8, $0x4;
	s9 =	sld [smem:$0x20C]  }
0x1a3: {  	s2 =	sadd.s32 s7, s5;
	s5 =	sand.u32 $0x1FFFFFF0, s8;
	s11 =	sshll.u32 s30, $0x4  }
0x1a4: {  	[hbm4b:s2+s4] =	stream.linear.scatter [tilespmem:s0], [sflag:$0x3], $0x60, $0x38;
	[tilespmem:$0x1FC00] =	vst v63  }
0x1a5: {  	s10 =	sadd.s32 s7, s5;
	s14 =	sand.u32 $0x1FFFFFF0, s11;
	s22 =	sshll.u32 s9, $0x4  }
0x1a6: {  	[hbm4b:s10+s4] =	stream.linear.scatter [tilespmem:s21], [sflag:$0x3], $0x60, $0x38;
	[tilespmem:$0x1FC00] =	vst v63  }
0x1a7: {  	s24 =	sshll.u32 s6, $0x4;
	s2 =	sadd.s32 s7, s14;
	s5 =	sand.u32 $0x1FFFFFF0, s22  }
0x1a8: {  	[hbm4b:s2+s4] =	stream.linear.scatter [tilespmem:s20], [sflag:$0x3], $0x60, $0x38;
	[tilespmem:$0x1FC00] =	vst v63  }
0x1a9: {  	s25 =	sshll.u32 s13, $0x4;
	s0 =	sand.u32 $0x1FFFFFF0, s24;
	s5 =	sadd.s32 s7, s5  }
0x1aa: {  	[hbm4b:s5+s4] =	stream.linear.scatter [tilespmem:s19], [sflag:$0x3], $0x60, $0x38;
	[tilespmem:$0x1FC00] =	vst v63  }
0x1ab: {  	s26 =	sshll.u32 s23, $0x4;
	s0 =	sadd.s32 s7, s0;
	s2 =	sand.u32 $0x1FFFFFF0, s25  }
0x1ac: {  	[hbm4b:s0+s4] =	stream.linear.scatter [tilespmem:s18], [sflag:$0x3], $0x60, $0x38;
	[tilespmem:$0x1FC00] =	vst v63  }
0x1ad: {  	s29 =	simm.s32 $0x12940;
	s28 =	sadd.s32 s7, s2;
	s5 =	sand.u32 $0x1FFFFFF0, s26  }
0x1ae: {  	[hbm4b:s28+s4] =	stream.linear.scatter [tilespmem:s29], [sflag:$0x3], $0x60, $0x38;
	[tilespmem:$0x1FC00] =	vst v63  }
0x1af: {  	s31 =	simm.s32 $0x129A0;
	s30 =	sadd.s32 s7, s5  }
0x1b0: {  	[hbm4b:s30+s4] =	stream.linear.scatter [tilespmem:s31], [sflag:$0x3], $0x60, $0x38;
	[tilespmem:$0x1FC00] =	vst v63  }
0x1b1: {  	_ =	swait.ge [sflag:s15], $0x60  }
0x1b2: {  	[sflag:s15] =	ssyncset.done $0x0  }
0x1b3: {  	[sflag:s15] =	ssyncadd.s32 $0xFFFFFFA0  }
0x1b4: {  	_ =	swait.ge [sflag:s15], $0x60  }
0x1b5: {  	[sflag:s15] =	ssyncset.done $0x0  }
0x1b6: {  	[sflag:s15] =	ssyncadd.s32 $0xFFFFFFA0  }
0x1b7: {  	_ =	swait.ge [sflag:s15], $0x60  }
0x1b8: {  	[sflag:s15] =	ssyncset.done $0x0  }
0x1b9: {  	[sflag:s15] =	ssyncadd.s32 $0xFFFFFFA0  }
0x1ba: {  	_ =	swait.ge [sflag:s15], $0x60  }
0x1bb: {  	[sflag:s15] =	ssyncset.done $0x0  }
0x1bc: {  	[sflag:s15] =	ssyncadd.s32 $0xFFFFFFA0  }
0x1bd: {  	_ =	swait.ge [sflag:s15], $0x60  }
0x1be: {  	[sflag:s15] =	ssyncset.done $0x0  }
0x1bf: {  	[sflag:s15] =	ssyncadd.s32 $0xFFFFFFA0  }
0x1c0: {  	_ =	swait.ge [sflag:s15], $0x60  }
0x1c1: {  	[sflag:s15] =	ssyncset.done $0x0  }
0x1c2: {  	[sflag:s15] =	ssyncadd.s32 $0xFFFFFFA0  }
0x1c3: {  	s17 =	simm.s32 $0x208;
	s18 =	simm.s32 $0x1800;
	_ =	swait.ge [sflag:s15], $0x60  }
.LBB2_7:
0x1c4: {  	p0 =	sne.s32 s18, $0x2E800;
	[sflag:s15] =	ssyncset.done $0x0;
	s17 =	sadd.s32 $0x10, s17  }
0x1c5: {  	s0 =	smov.u32 s18;
	s18 =	sadd.s32 $0x1800, s18;
	[sflag:s15] =	ssyncadd.s32 $0xFFFFFFA0  }
0x1c6: {  	_ =	swait.ge [sflag:s15], $0x60  }
0x1c7: {  	[sflag:s15] =	ssyncset.done $0x0  }
0x1c8: {  	[sflag:s15] =	ssyncadd.s32 $0xFFFFFFA0  }
0x1c9: {  	_ =	swait.ge [sflag:s15], $0x60  }
0x1ca: {  	[sflag:s15] =	ssyncset.done $0x0  }
0x1cb: {  	[sflag:s15] =	ssyncadd.s32 $0xFFFFFFA0  }
0x1cc: {  	_ =	swait.ge [sflag:s15], $0x60  }
0x1cd: {  	[sflag:s15] =	ssyncset.done $0x0  }
0x1ce: {  	[sflag:s15] =	ssyncadd.s32 $0xFFFFFFA0  }
0x1cf: {  	s19 =	sshra.s32 s0, $0x2;
	_ =	swait.ge [sflag:s15], $0x60  }
0x1d0: {  	s25 =	sadd.s32 $0x12460, s19;
	[sflag:s15] =	ssyncset.done $0x0  }
0x1d1: {  	s30 =	sadd.s32 $0x12400, s19;
	[sflag:s15] =	ssyncadd.s32 $0xFFFFFFA0  }
0x1d2: {  	_ =	swait.ge [sflag:s15], $0x60  }
0x1d3: {  	[sflag:s15] =	ssyncset.done $0x0  }
0x1d4: {  	s28 =	sadd.s32 $0x124C0, s19;
	[sflag:s15] =	ssyncadd.s32 $0xFFFFFFA0  }
0x1d5: {  	_ =	swait.ge [sflag:s15], $0x60  }
0x1d6: {  	[sflag:s15] =	ssyncset.done $0x0  }
0x1d7: {  	[sflag:s15] =	ssyncadd.s32 $0xFFFFFFA0  }
0x1d8: {  	_ =	swait.ge [sflag:s15], $0x60  }
0x1d9: {  	s26 =	sadd.s32 $0x12580, s19;
	[sflag:s15] =	ssyncset.done $0x0  }
0x1da: {  	[sflag:s15] =	ssyncadd.s32 $0xFFFFFFA0  }
0x1db: {  	_ =	swait.ge [sflag:s15], $0x60  }
0x1dc: {  	[sflag:s15] =	ssyncset.done $0x0  }
0x1dd: {  	[sflag:s15] =	ssyncadd.s32 $0xFFFFFFA0  }
0x1de: {  	_ =	swait.ge [sflag:s15], $0x60  }
0x1df: {  	[sflag:s15] =	ssyncset.done $0x0  }
0x1e0: {  	[sflag:s15] =	ssyncadd.s32 $0xFFFFFFA0  }
0x1e1: {  	s20 =	sadd.s32 $0x128E0, s19;
	s0 =	sld [smem:s17+$0xFFFFFFFF]  }
0x1e2: {  	s22 =	sadd.s32 $0x12820, s19;
	s21 =	sadd.s32 $0x12880, s19;
	s2 =	sld [smem:s17+$0xFFFFFFF9]  }
0x1e3: {  	s6 =	sadd.s32 $0x12520, s19;
	s23 =	sadd.s32 $0x127C0, s19;
	s5 =	sld [smem:s17+$0xFFFFFFF8]  }
0x1e4: {  	s29 =	sadd.s32 $0x12700, s19;
	s24 =	sadd.s32 $0x12760, s19;
	s0 =	sshll.u32 s0, $0x4  }
0x1e5: {  	s2 =	sshll.u32 s2, $0x4;
	s8 =	sld [smem:s17+$0xFFFFFFFA];
	s0 =	sand.u32 $0x1FFFFFF0, s0  }
0x1e6: {  	s5 =	sshll.u32 s5, $0x4;
	s2 =	sand.u32 $0x1FFFFFF0, s2;
	s11 =	sld [smem:s17+$0xFFFFFFFB]  }
0x1e7: {  	s14 =	sadd.s32 $0x126A0, s19;
	s5 =	sand.u32 $0x1FFFFFF0, s5;
	s13 =	sld [smem:s17+$0xFFFFFFFC]  }
0x1e8: {  	s5 =	sadd.s32 s7, s5;
	s8 =	sshll.u32 s8, $0x4;
	s31 =	sld [smem:s17+$0xFFFFFFFD]  }
0x1e9: {  	s10 =	sadd.s32 $0x12640, s19;
	s11 =	sshll.u32 s11, $0x4;
	s9 =	sld [smem:s17+$0xFFFFFFFE]  }
0x1ea: {  	[hbm4b:s5+s4] =	stream.linear.scatter [tilespmem:s30], [sflag:$0x3], $0x60, $0x38;
	[tilespmem:$0x1FC00] =	vst v63  }
0x1eb: {  	s5 =	sand.u32 $0x1FFFFFF0, s8;
	s8 =	sshll.u32 s13, $0x4;
	s13 =	sshll.u32 s31, $0x4  }
0x1ec: {  	s30 =	sadd.s32 $0x125E0, s19;
	s5 =	sadd.s32 s7, s5;
	s31 =	sld [smem:s17+$0x7]  }
0x1ed: {  	s2 =	sadd.s32 s7, s2;
	s11 =	sand.u32 $0x1FFFFFF0, s11;
	s9 =	sshll.u32 s9, $0x4  }
0x1ee: {  	[hbm4b:s2+s4] =	stream.linear.scatter [tilespmem:s25], [sflag:$0x3], $0x60, $0x38;
	[tilespmem:$0x1FC00] =	vst v63  }
0x1ef: {  	s8 =	sand.u32 $0x1FFFFFF0, s8;
	s9 =	sand.u32 $0x1FFFFFF0, s9;
	s2 =	sadd.s32 s7, s11  }
0x1f0: {  	[hbm4b:s5+s4] =	stream.linear.scatter [tilespmem:s28], [sflag:$0x3], $0x60, $0x38;
	[tilespmem:$0x1FC00] =	vst v63  }
0x1f1: {  	s5 =	sadd.s32 s7, s8;
	s8 =	sand.u32 $0x1FFFFFF0, s13;
	s11 =	sld [smem:s17+$0x6]  }
0x1f2: {  	[hbm4b:s2+s4] =	stream.linear.scatter [tilespmem:s6], [sflag:$0x3], $0x60, $0x38;
	[tilespmem:$0x1FC00] =	vst v63  }
0x1f3: {  	s2 =	sadd.s32 s7, s8;
	s8 =	sshll.u32 s31, $0x4;
	s6 =	sld [smem:s17+$0x0]  }
0x1f4: {  	[hbm4b:s5+s4] =	stream.linear.scatter [tilespmem:s26], [sflag:$0x3], $0x60, $0x38;
	[tilespmem:$0x1FC00] =	vst v63  }
0x1f5: {  	s5 =	sadd.s32 s7, s9;
	s11 =	sshll.u32 s11, $0x4;
	s9 =	sld [smem:s17+$0x5]  }
0x1f6: {  	[hbm4b:s2+s4] =	stream.linear.scatter [tilespmem:s30], [sflag:$0x3], $0x60, $0x38;
	[tilespmem:$0x1FC00] =	vst v63  }
0x1f7: {  	s0 =	sadd.s32 s7, s0;
	s2 =	sshll.u32 s6, $0x4;
	s6 =	sld [smem:s17+$0x1]  }
0x1f8: {  	[hbm4b:s5+s4] =	stream.linear.scatter [tilespmem:s10], [sflag:$0x3], $0x60, $0x38;
	[tilespmem:$0x1FC00] =	vst v63  }
0x1f9: {  	s2 =	sand.u32 $0x1FFFFFF0, s2;
	s9 =	sshll.u32 s9, $0x4;
	s5 =	sld [smem:s17+$0x2]  }
0x1fa: {  	[hbm4b:s0+s4] =	stream.linear.scatter [tilespmem:s14], [sflag:$0x3], $0x60, $0x38;
	[tilespmem:$0x1FC00] =	vst v63  }
0x1fb: {  	s0 =	sadd.s32 s7, s2;
	s2 =	sshll.u32 s6, $0x4;
	s6 =	sld [smem:s17+$0x3]  }
0x1fc: {  	[hbm4b:s0+s4] =	stream.linear.scatter [tilespmem:s29], [sflag:$0x3], $0x60, $0x38;
	[tilespmem:$0x1FC00] =	vst v63  }
0x1fd: {  	s0 =	sand.u32 $0x1FFFFFF0, s2;
	s2 =	sshll.u32 s5, $0x4;
	s5 =	sld [smem:s17+$0x4]  }
0x1fe: {  	s0 =	sadd.s32 s7, s0;
	s2 =	sand.u32 $0x1FFFFFF0, s2;
	s6 =	sshll.u32 s6, $0x4  }
0x1ff: {  	[hbm4b:s0+s4] =	stream.linear.scatter [tilespmem:s24], [sflag:$0x3], $0x60, $0x38;
	[tilespmem:$0x1FC00] =	vst v63  }
0x200: {  	s0 =	sadd.s32 s7, s2;
	s2 =	sand.u32 $0x1FFFFFF0, s6;
	s5 =	sshll.u32 s5, $0x4  }
0x201: {  	[hbm4b:s0+s4] =	stream.linear.scatter [tilespmem:s23], [sflag:$0x3], $0x60, $0x38;
	[tilespmem:$0x1FC00] =	vst v63  }
0x202: {  	s0 =	sadd.s32 s7, s2;
	s2 =	sand.u32 $0x1FFFFFF0, s5;
	s5 =	sand.u32 $0x1FFFFFF0, s9  }
0x203: {  	[hbm4b:s0+s4] =	stream.linear.scatter [tilespmem:s22], [sflag:$0x3], $0x60, $0x38;
	[tilespmem:$0x1FC00] =	vst v63  }
0x204: {  	s0 =	sadd.s32 s7, s2;
	s2 =	sadd.s32 s7, s5;
	s5 =	sand.u32 $0x1FFFFFF0, s11  }
0x205: {  	[hbm4b:s0+s4] =	stream.linear.scatter [tilespmem:s21], [sflag:$0x3], $0x60, $0x38;
	[tilespmem:$0x1FC00] =	vst v63  }
0x206: {  	s6 =	sand.u32 $0x1FFFFFF0, s8;
	s0 =	sadd.s32 s7, s5;
	s5 =	sadd.s32 $0x12940, s19  }
0x207: {  	[hbm4b:s2+s4] =	stream.linear.scatter [tilespmem:s20], [sflag:$0x3], $0x60, $0x38;
	[tilespmem:$0x1FC00] =	vst v63  }
0x208: {  	s2 =	sadd.s32 s7, s6;
	s6 =	sadd.s32 $0x129A0, s19  }
0x209: {  	[hbm4b:s0+s4] =	stream.linear.scatter [tilespmem:s5], [sflag:$0x3], $0x60, $0x38;
	[tilespmem:$0x1FC00] =	vst v63  }
0x20a: {  	_ = 	snop  }
0x20b: {  	[hbm4b:s2+s4] =	stream.linear.scatter [tilespmem:s6], [sflag:$0x3], $0x60, $0x38;
	[tilespmem:$0x1FC00] =	vst v63  }
0x20c: {  	_ =	swait.ge [sflag:s15], $0x60  }
0x20d: {  	[sflag:s15] =	ssyncset.done $0x0  }
0x20e: {  	[sflag:s15] =	ssyncadd.s32 $0xFFFFFFA0  }
0x20f: {  	_ =	swait.ge [sflag:s15], $0x60  }
0x210: {  	[sflag:s15] =	ssyncset.done $0x0  }
0x211: {  	[sflag:s15] =	ssyncadd.s32 $0xFFFFFFA0  }
0x212: {  	_ =	swait.ge [sflag:s15], $0x60  }
0x213: {  	[sflag:s15] =	ssyncset.done $0x0  }
0x214: {  	[sflag:s15] =	ssyncadd.s32 $0xFFFFFFA0  }
0x215: {  	_ =	swait.ge [sflag:s15], $0x60  }
0x216: {  	[sflag:s15] =	ssyncset.done $0x0  }
0x217: {  	[sflag:s15] =	ssyncadd.s32 $0xFFFFFFA0  }
0x218: {  	_ =	swait.ge [sflag:s15], $0x60  }
0x219: {  	[sflag:s15] =	ssyncset.done $0x0  }
.Ltmp13:
0x21a: {  	[sflag:s15] =	ssyncadd.s32 $0xFFFFFFA0;
	(pc) =	sbr.rel @p0 .LBB2_7-.Ltmp13, $4  }
0x21b: {  	_ =	swait.ge [sflag:s15], $0x60  }
0x21c: {  	[sflag:s15] =	ssyncset.done $0x0  }
0x21d: {  	[sflag:s15] =	ssyncadd.s32 $0xFFFFFFA0  }
0x21e: {  	_ =	swait.ge [sflag:s15], $0x60  }
0x21f: {  	[sflag:s15] =	ssyncset.done $0x0  }
0x220: {  	[sflag:s15] =	ssyncadd.s32 $0xFFFFFFA0  }
0x221: {  	_ =	swait.ge [sflag:s15], $0x60  }
0x222: {  	[sflag:s15] =	ssyncset.done $0x0  }
0x223: {  	[sflag:s15] =	ssyncadd.s32 $0xFFFFFFA0  }
0x224: {  	_ =	swait.ge [sflag:s15], $0x60  }
0x225: {  	[sflag:s15] =	ssyncset.done $0x0  }
0x226: {  	[sflag:s15] =	ssyncadd.s32 $0xFFFFFFA0  }
0x227: {  	_ =	swait.ge [sflag:s15], $0x60  }
0x228: {  	[sflag:s15] =	ssyncset.done $0x0  }
0x229: {  	[sflag:s15] =	ssyncadd.s32 $0xFFFFFFA0  }
0x22a: {  	_ =	swait.ge [sflag:s15], $0x60  }
0x22b: {  	[sflag:s15] =	ssyncset.done $0x0  }
0x22c: {  	[sflag:s15] =	ssyncadd.s32 $0xFFFFFFA0  }
0x22d: {  	_ =	swait.ge [sflag:s15], $0x60  }
0x22e: {  	[sflag:s15] =	ssyncset.done $0x0  }
0x22f: {  	[sflag:s15] =	ssyncadd.s32 $0xFFFFFFA0  }
0x230: {  	_ =	swait.ge [sflag:s15], $0x60  }
0x231: {  	[sflag:s15] =	ssyncset.done $0x0  }
0x232: {  	[sflag:s15] =	ssyncadd.s32 $0xFFFFFFA0  }
0x233: {  	_ =	swait.ge [sflag:s15], $0x60  }
0x234: {  	[sflag:s15] =	ssyncset.done $0x0  }
0x235: {  	[sflag:s15] =	ssyncadd.s32 $0xFFFFFFA0  }
0x236: {  	_ =	swait.ge [sflag:s15], $0x60  }
0x237: {  	[sflag:s15] =	ssyncset.done $0x0  }
0x238: {  	[sflag:s15] =	ssyncadd.s32 $0xFFFFFFA0  }
0x239: {  	_ =	swait.ge [sflag:s15], $0x60  }
0x23a: {  	s16 =	sadd.s32 $0x1, s16;
	s0 =	rddreg [dreg:$0x8]  }
0x23b: {  	p0 =	sne.s32 s16, s0  }
.Ltmp14:
0x23c: {  	_ = 	snop;
	(pc) =	sbr.rel @p0 .LBB2_1-.Ltmp14, $4  }
.Ltmp15:
0x23d: {  	_ = 	snop;
	(pc) =	sbr.rel @!p0 .LBB2_9-.Ltmp15, $4  }
0x23e: {  	_ = 	snop  }
0x23f: {  	[sflag:s15] =	ssyncset.done $0x0  }
0x240: {  	s5 =	simm.s32 $0x200;
	[sflag:s15] =	ssyncadd.s32 $0xFFFFFFA0  }
0x241: {  	_ = 	snop  }
.LBB2_11:
.Ltmp16:
0x242: {  	(pc) =	sbr.rel .LBB2_17-.Ltmp16, $2  }
0x243: {  	_ =	sdelay $0x2  }
0x244: {  	s24 =	simm.s32 $0xC400;
	s20 =	simm.s32 $0x400  }
.LBB2_13:
.Ltmp17:
0x245: {  	(pc) =	sbr.rel .LBB2_17-.Ltmp17, $2  }
0x246: {  	_ =	sdelay $0x2  }
0x247: {  	s24 =	simm.s32 $0xC400;
	s20 =	simm.s32 $0x400  }
.LBB2_15:
.Ltmp18:
0x248: {  	(pc) =	sbr.rel .LBB2_17-.Ltmp18, $2  }
0x249: {  	_ =	sdelay $0x2  }
0x24a: {  	s24 =	simm.s32 $0xC400  }
.LBB2_9:
0x24b: {  	_ =	sfence.sel $0x180000  }
0x24c: {  	[bflag:$0x0] =	sbarrier.arrive $0xFFFF  }
0x24d: {  	_ =	strace $0x90000047  }
0x24e: {  	s0 =	stileid.u32;
	[bflag:$0x2] =	sbarrier.arrive $0xFFFF  }
0x24f: {  	p0 =	sne.s32 s0, $0x0;
	s0 =	rddreg [dreg:$0x3]  }
0x250: {  	s0 =	sadd.s32 @!p0 $0x100000, s0  }
0x251: {  	[sflag:s0] =	ssyncadd.tile.s32 @!p0 $0x1;
	_ =	shalt  }
.Lfunc_end2:
_tile_overlayer_lowered:
.L_overlay_start_2:
0x252: {  	(tag) =	ssettag $0x2  }
0x253: {  	s0 =	rddreg [dreg:$0x0];
	s2 =	stileid.u32  }
0x254: {  	s1 =	rddreg [dreg:$0x1];
	p0 =	sne.s32 s2, $0x0  }
0x255: {  	s3 =	rddreg [dreg:$0x2];
	[bflag:$0x3] =	sbarrier.arrive $0xFFFF;
	s2 =	simm.s32 @!p0 $0x1C04  }
0x256: {  	[timem:s3], [sflag:s2] =	dma.local @!p0 [hbm:s0], s1  }
0x257: {  	s0 =	simm.s32 @!p0 $0x4  }
0x258: {  	_ =	swait.ge @!p0 [sflag:s0], s1  }
0x259: {  	s1 =	ssub.s32 @!p0 $0x0, s1;
	[sflag:s0] =	ssyncset.done @!p0 $0x0  }
0x25a: {  	[sflag:s0] =	ssyncadd.s32 @!p0 s1  }
0x25b: {  	[bflag:$0x3] =	sbarrier.arrive $0xFFFF  }
0x25c: {  	_ =	shalt  }

</sc_bundles>
